<compile_context>
chip_gen: v7x
topology: tpu7x:2x2x1
jax: 0.10.2.dev20260603
libtpu: 0.0.44.dev20260713+nightly
codegen_flags: <defaults>
</compile_context>

<pallas_src>
import functools

import jax
import jax.numpy as jnp
from jax import lax
from jax.experimental import pallas as pl
from jax.experimental.pallas import tpu as pltpu
from jax.experimental.pallas import tpu_sc as plsc

_BMS = 10
_EOS = 2
_NEG_INF = -1e30
_MINF = float("-inf")

_RNS = 640
_VOCAB = 100000
_BS = 64
_NW = 32
_ROWS_PER_W = _RNS // _NW
_GRP = 10
_NGRP = _VOCAB // (16 * _GRP)
_L1 = 16
_NL1 = 39
_VPAD = _VOCAB


def _sc_topk_build():
    mesh = plsc.VectorSubcoreMesh(core_axis_name="c", subcore_axis_name="s")

    @functools.partial(
        pl.kernel,
        mesh=mesh,
        out_type=[
            jax.ShapeDtypeStruct((_RNS, 16), jnp.float32),
            jax.ShapeDtypeStruct((_RNS, 16), jnp.int32),
        ],
        scratch_types=[
            pltpu.VMEM((_VOCAB,), jnp.float32),
            pltpu.VMEM((_NL1 * _L1 * 16,), jnp.float32),
            pltpu.VMEM((_NL1 * 16,), jnp.float32),
            pltpu.VMEM((16,), jnp.float32),
            pltpu.VMEM((16,), jnp.int32),
            pltpu.VMEM((16,), jnp.float32),
        ],
    )
    def sc_topk(logp_hbm, vals_hbm, idxs_hbm, row_buf, gmax_ref, l1_ref,
                bv_ref, bi_ref, tv_ref):
        wid = lax.axis_index("s") * 2 + lax.axis_index("c")
        lane = lax.iota(jnp.int32, 16)
        nine = jnp.full((16,), _BMS - 1, jnp.int32)

        def gat(x, perm):
            return x.at[perm].get(mode="promise_in_bounds")

        def bmax(x):
            for d in (8, 4, 2, 1):
                x = jnp.maximum(x, gat(x, lane ^ d))
            return x

        def cmp_exchange(x, xi, j, take_max_i):
            perm = lane ^ j
            px = gat(x, perm)
            pi = gat(xi, perm)
            gt = jnp.where(x > px, 1, 0)
            eq = jnp.where(x == px, 1, 0)
            lt = jnp.where(xi < pi, 1, 0)
            pref = gt | (eq & lt)
            keep = (1 - (take_max_i ^ pref)) == 1
            return jnp.where(keep, x, px), jnp.where(keep, xi, pi)

        def sort16_desc(x, xi):
            for kshift in (1, 2, 3, 4):
                k = 1 << kshift
                j = k // 2
                while j >= 1:
                    bk = (lane >> kshift) & 1
                    bj = jnp.where((lane & j) == 0, 1, 0)
                    x, xi = cmp_exchange(x, xi, j, bj ^ bk)
                    j //= 2
            return x, xi

        def clean_desc(x, xi):
            for j in (8, 4, 2, 1):
                bj = jnp.where((lane & j) == 0, 1, 0)
                x, xi = cmp_exchange(x, xi, j, bj)
            return x, xi

        def merge_vec(v, vbase):
            tv_in = tv_ref[...]
            vm = jnp.where(v > tv_in, v, _MINF)
            vidx = vbase + lane
            sv, si = sort16_desc(vm, vidx)
            bv = bv_ref[...]
            bi = bi_ref[...]
            rbv = lax.rev(bv, (0,))
            rbi = lax.rev(bi, (0,))
            take = sv > rbv
            mv = jnp.where(take, sv, rbv)
            mi = jnp.where(take, si, rbi)
            nbv, nbi = clean_desc(mv, mi)
            bv_ref[...] = nbv
            bi_ref[...] = nbi
            tv_ref[...] = gat(nbv, nine)

        def row_body(i, _):
            r = wid * _ROWS_PER_W + i
            pltpu.sync_copy(logp_hbm.at[r], row_buf)

            bv_ref[...] = jnp.full((16,), _MINF, jnp.float32)
            bi_ref[...] = jnp.zeros((16,), jnp.int32)
            tv_ref[...] = jnp.full((16,), _MINF, jnp.float32)

            def _treemax(xs):
                while len(xs) > 1:
                    nxt = [jnp.maximum(xs[t], xs[t + 1])
                           for t in range(0, len(xs) - 1, 2)]
                    if len(xs) % 2:
                        nxt.append(xs[-1])
                    xs = nxt
                return xs[0]

            def build_body(g, _c):
                gms = []
                for sg in range(_L1):
                    base = (g * _L1 + sg) * (16 * _GRP)
                    vs = [row_buf[pl.ds(base + 16 * j, 16)]
                          for j in range(_GRP)]
                    gm = _treemax(vs)
                    gmax_ref[pl.ds((g * _L1 + sg) * 16, 16)] = gm
                    gms.append(gm)
                l1_ref[pl.ds(g * 16, 16)] = _treemax(gms)
                return 0

            lax.fori_loop(0, _NL1, build_body, 0)

            def scan_body(g, _c):
                l1 = l1_ref[pl.ds(g * 16, 16)]
                am = bmax(l1)
                tvv = tv_ref[...]

                @pl.when(am[0] > tvv[0])
                def _():
                    def sub_body(sg, _c2):
                        gidx = g * _L1 + sg
                        gm = gmax_ref[pl.ds(gidx * 16, 16)]
                        gb = bmax(gm)
                        t2 = tv_ref[...]

                        @pl.when(gb[0] > t2[0])
                        def _():
                            def vec_body(j, _c3):
                                vbase = gidx * (16 * _GRP) + 16 * j
                                v = row_buf[pl.ds(vbase, 16)]
                                vb = bmax(v)
                                t3 = tv_ref[...]

                                @pl.when(vb[0] > t3[0])
                                def _():
                                    merge_vec(v, vbase)

                                return 0

                            lax.fori_loop(0, _GRP, vec_body, 0)

                        return 0

                    lax.fori_loop(0, _L1, sub_body, 0)

                return 0

            lax.fori_loop(0, _NL1, scan_body, 0)

            lbase = _NL1 * _L1 * (16 * _GRP)
            lgm = row_buf[pl.ds(lbase, 16)]
            for j in range(1, _GRP):
                lgm = jnp.maximum(lgm, row_buf[pl.ds(lbase + 16 * j, 16)])
            lb = bmax(lgm)
            lt = tv_ref[...]

            @pl.when(lb[0] > lt[0])
            def _():
                def lvec_body(j, _c3):
                    vbase = lbase + 16 * j
                    v = row_buf[pl.ds(vbase, 16)]
                    vb = bmax(v)
                    t3 = tv_ref[...]

                    @pl.when(vb[0] > t3[0])
                    def _():
                        merge_vec(v, vbase)

                    return 0

                lax.fori_loop(0, _GRP, lvec_body, 0)

            pltpu.sync_copy(bv_ref, vals_hbm.at[r])
            pltpu.sync_copy(bi_ref, idxs_hbm.at[r])
            return 0

        lax.fori_loop(0, _ROWS_PER_W, row_body, 0)

    return sc_topk


_sc_topk_cache = []


def _sc_topk(logp):
    if not _sc_topk_cache:
        _sc_topk_cache.append(_sc_topk_build())
    return _sc_topk_cache[0](logp)


def _stage2_body(tv_ref, ti_ref, sc_ref, ef_ref, ns_ref, pred_ref, bh_ref):
    tv = tv_ref[...]
    ti = ti_ref[...]
    sc = sc_ref[...]
    fin = ef_ref[...] != 0
    li = lax.broadcasted_iota(jnp.int32, (_BS, 160), 1)
    col = li % 16
    row_b = lax.broadcasted_iota(jnp.int32, (_BS, 16), 0)

    tl = jnp.where(fin & (col >= 1), _NEG_INF, tv)
    tl = jnp.where(fin & (col == 0), 0.0, tl)
    tl = jnp.where(col >= _BMS, _NEG_INF, tl)
    cand = sc + tl
    pid = jnp.where(fin, _EOS, ti).astype(jnp.float32)

    for k in range(_BMS):
        m = jnp.max(cand, axis=1, keepdims=True)
        jsel = jnp.min(jnp.where(cand == m, li, 10_000), axis=1, keepdims=True)
        first = li == jsel
        p = jnp.sum(jnp.where(first, pid, 0.0), axis=1,
                    keepdims=True)
        ns_ref[:, k:k + 1] = m
        pred_ref[:, k:k + 1] = p
        bh_ref[:, k:k + 1] = row_b[:, :1] * _BMS + jsel // 16
        cand = jnp.where(first, _MINF, cand)


_stage2 = pl.pallas_call(
    _stage2_body,
    out_shape=[
        jax.ShapeDtypeStruct((_BS, 16), jnp.float32),
        jax.ShapeDtypeStruct((_BS, 16), jnp.float32),
        jax.ShapeDtypeStruct((_BS, 16), jnp.int32),
    ],
)


def _gather_body(bh_ref, hyps_ref, pred_ref, hyp_out_ref, end_ref):
    bh = bh_ref[...]
    src = lax.broadcasted_iota(jnp.int32, (_RNS, _RNS), 1)
    g = (bh == src).astype(jnp.float32)
    hyp_out_ref[...] = jnp.dot(g, hyps_ref[...],
                               preferred_element_type=jnp.float32)
    end_ref[...] = (pred_ref[...] == _EOS).astype(jnp.int32)


def _gather_call(cur_len):
    return pl.pallas_call(
        _gather_body,
        out_shape=[
            jax.ShapeDtypeStruct((_RNS, cur_len), jnp.float32),
            jax.ShapeDtypeStruct((_RNS, 1), jnp.int32),
        ],
    )


def kernel(logp, scores, end_flag, hyps):
    cur_len = hyps.shape[1]
    vals16, idxs16 = _sc_topk(logp)

    tv2 = vals16.reshape(_BS, 160)
    ti2 = idxs16.reshape(_BS, 160)
    sc2 = jnp.repeat(scores.reshape(_BS, _BMS), 16, axis=1)
    ef2 = jnp.repeat(end_flag.reshape(_BS, _BMS).astype(jnp.int32), 16, axis=1)

    ns64, pred64, bh64 = _stage2(tv2, ti2, sc2, ef2)

    new_scores = ns64[:, :_BMS].reshape(_RNS, 1)
    pred = pred64[:, :_BMS].reshape(_RNS, 1).astype(hyps.dtype)
    bh = bh64[:, :_BMS].reshape(_RNS, 1)

    hyp_g_f, end_i = _gather_call(cur_len)(bh, hyps.astype(jnp.float32),
                                           pred.astype(jnp.int32))
    new_hyps = jnp.concatenate([hyp_g_f.astype(hyps.dtype), pred], axis=1)
    new_end_flag = end_i.astype(bool)
    return new_scores, new_hyps, new_end_flag

# --- scband reference (transcript-rebuilt; emitter-appended) ---
"""Pipeline reference for scband-beam-search-21973052686923 (READ-ONLY COPY).

The authoritative reference and input builder live on the scoring server;
editing this copy changes nothing except your own understanding.
"""

import jax, jax.numpy as jnp
import numpy as np

BMS = 10
EOS = 2
NEG_INF = -1e30


def setup_inputs(seed: int = 0) -> dict:
    key = jax.random.key(seed)
    k1, k2, k3, k4 = jax.random.split(key, 4)
    bs, bms, vocab, cur_len = 64, BMS, 100000, 16
    rns = bs * bms
    logits = jax.random.normal(k1, (rns, vocab), dtype=jnp.float32)
    logp = jax.nn.log_softmax(logits, axis=-1)
    scores = -jnp.abs(jax.random.normal(k2, (rns, 1), dtype=jnp.float32))
    end_flag = jax.random.randint(k3, (rns, 1), 0, 2).astype(bool)
    hyps = jax.random.randint(k4, (rns, cur_len), 0, vocab).astype(jnp.int64)
    return {"logp": logp, "scores": scores, "end_flag": end_flag, "hyps": hyps}


def reference(logp, scores, end_flag, hyps):
    # One step of the batched beam-search decode loop (the top-k masking kernel
    # of BeamSearch.decode), faithful to mask_finished_scores / mask_finished_preds
    # and the two-stage top-k + beam reorder.
    rns = logp.shape[0]
    bms = BMS
    bs = rns // bms
    # per-beam top-k over vocab
    topk_logp, topk_idxs = jax.lax.top_k(logp, bms)
    # mask_finished_scores
    zero_mask = jnp.zeros_like(end_flag)
    mask_to_inf = jnp.concatenate([zero_mask, jnp.repeat(end_flag, bms - 1, axis=1)], axis=1)
    mask_to_zero = jnp.concatenate([end_flag, jnp.repeat(zero_mask, bms - 1, axis=1)], axis=1)
    topk_logp = jnp.where(mask_to_inf, NEG_INF, topk_logp)
    topk_logp = jnp.where(mask_to_zero, 0.0, topk_logp)
    # mask_finished_preds
    finished = jnp.repeat(end_flag, bms, axis=1)
    topk_idxs = jnp.where(finished, EOS, topk_idxs)
    # accumulate scores and select best bms out of bms*bms candidates per sample
    new_scores = scores + topk_logp
    new_scores = new_scores.reshape(bs, bms * bms)
    new_scores, offset_k_idxs = jax.lax.top_k(new_scores, bms)
    new_scores = new_scores.reshape(-1, 1)
    base_k_idxs = (jnp.arange(bs) * bms * bms)[:, None]
    best_k_idxs = (base_k_idxs + offset_k_idxs).reshape(-1)
    best_k_pred = jnp.take(topk_idxs.reshape(-1), best_k_idxs)
    best_hyp_idxs = best_k_idxs // bms
    last_best_k_hyps = jnp.take(hyps, best_hyp_idxs, axis=0)
    new_hyps = jnp.concatenate([last_best_k_hyps, best_k_pred[:, None]], axis=1)
    new_end_flag = (new_hyps[:, -1] == EOS)[:, None]
    return new_scores, new_hyps, new_end_flag

if __name__ == "__main__":
    import jax
    _d = setup_inputs()
    print(jax.jit(kernel)(*tuple(_d.values())))

</pallas_src>

<mosaic_0001>
#map = affine_map<(d0, d1) -> (0, 0)>
module attributes {stable_mosaic.version = 14 : i64} {
  func.func @sc_topk(%arg0: i32, %arg1: i32, %arg2: memref<640x100000xf32, #tpu.memory_space<hbm>>, %arg3: memref<640x16xf32, #tpu.memory_space<hbm>>, %arg4: memref<640x16xi32, #tpu.memory_space<hbm>>, %arg5: memref<100000xf32, #tpu.memory_space<vmem>>, %arg6: memref<9984xf32, #tpu.memory_space<vmem>>, %arg7: memref<624xf32, #tpu.memory_space<vmem>>, %arg8: memref<16xf32, #tpu.memory_space<vmem>>, %arg9: memref<16xi32, #tpu.memory_space<vmem>>, %arg10: memref<16xf32, #tpu.memory_space<vmem>>) attributes {dimension_semantics = [#tpu.dimension_semantics<core_parallel>, #tpu.dimension_semantics<subcore_parallel>], iteration_bounds = array<i64: 2, 16>, scalar_prefetch = 0 : i64, scratch_operands = 6 : i64, tpu.core_type = #tpu.core_type<sc_vector_subcore>, window_params = [{transform_indices = #map}, {transform_indices = #map}, {transform_indices = #map}]} {
    %mul3A = arith.constant 2 : i32
    %mul3A_0 = arith.muli %arg1, %mul3A : i32
    %add3A = arith.addi %mul3A_0, %arg0 : i32
    %iota3A = tpu.iota {dimensions = array<i32: 0>} : vector<16xi32>
    %broadcast_in_dim3A = arith.constant 9 : i32
    %broadcast_in_dim3A_1 = vector.broadcast %broadcast_in_dim3A : i32 to vector<16xi32>
    %scan3A = arith.constant 0 : i32
    %scan3A_2 = arith.constant 0 : i32
    %scan3A_3 = arith.constant 20 : i32
    %scan3A_4 = arith.addi %scan3A_2, %scan3A_3 : i32
    %scan3A_5 = arith.constant 1 : i32
    %scan3A_6 = scf.for %scan3A_8 = %scan3A_2 to %scan3A_4 step %scan3A_5 iter_args(%scan3A_9 = %scan3A) -> (i32)  : i32 {
      %mul3A_10 = arith.constant 20 : i32
      %mul3A_11 = arith.muli %add3A, %mul3A_10 : i32
      %add3A_12 = arith.addi %mul3A_11, %scan3A_8 : i32
      "tpu.region"() ({
        %run_scoped3A = tpu.sem_alloc : memref<!tpu.dma_semaphore, #tpu.memory_space<semaphore_mem>>
        %dma_start3A = arith.constant 0 : i32
        %dma_start3A_140 = tpu.memref_slice %arg2[%add3A_12, %dma_start3A] : memref<640x100000xf32, #tpu.memory_space<hbm>> -> memref<1x100000xf32, #tpu.memory_space<hbm>>
        %dma_start3A_141 = tpu.memref_squeeze %dma_start3A_140 : memref<1x100000xf32, #tpu.memory_space<hbm>> -> memref<100000xf32, #tpu.memory_space<hbm>>
        %dma_start3A_142 = arith.constant 0 : i32
        %dma_start3A_143 = tpu.memref_slice %arg2[%add3A_12, %dma_start3A_142] : memref<640x100000xf32, #tpu.memory_space<hbm>> -> memref<1x100000xf32, #tpu.memory_space<hbm>>
        %dma_start3A_144 = tpu.memref_squeeze %dma_start3A_143 : memref<1x100000xf32, #tpu.memory_space<hbm>> -> memref<100000xf32, #tpu.memory_space<hbm>>
        tpu.enqueue_dma source(%dma_start3A_144 : memref<100000xf32, #tpu.memory_space<hbm>>) target(%arg5 : memref<100000xf32, #tpu.memory_space<vmem>>) target_semaphore(%run_scoped3A : memref<!tpu.dma_semaphore, #tpu.memory_space<semaphore_mem>>)
        %dma_wait3A = arith.constant 0 : i32
        %dma_wait3A_145 = tpu.memref_slice %arg2[%add3A_12, %dma_wait3A] : memref<640x100000xf32, #tpu.memory_space<hbm>> -> memref<1x100000xf32, #tpu.memory_space<hbm>>
        %dma_wait3A_146 = tpu.memref_squeeze %dma_wait3A_145 : memref<1x100000xf32, #tpu.memory_space<hbm>> -> memref<100000xf32, #tpu.memory_space<hbm>>
        %dma_wait3A_147 = arith.constant 0 : i32
        %dma_wait3A_148 = tpu.memref_slice %arg2[%add3A_12, %dma_wait3A_147] : memref<640x100000xf32, #tpu.memory_space<hbm>> -> memref<1x100000xf32, #tpu.memory_space<hbm>>
        %dma_wait3A_149 = tpu.memref_squeeze %dma_wait3A_148 : memref<1x100000xf32, #tpu.memory_space<hbm>> -> memref<100000xf32, #tpu.memory_space<hbm>>
        tpu.wait_dma2 semaphore(%run_scoped3A : memref<!tpu.dma_semaphore, #tpu.memory_space<semaphore_mem>>) src(%dma_wait3A_149 : memref<100000xf32, #tpu.memory_space<hbm>>) dst(%arg5 : memref<100000xf32, #tpu.memory_space<vmem>>)
        tpu.yield
      }) : () -> ()
      %broadcast_in_dim3A_13 = arith.constant 0xFF800000 : f32
      %broadcast_in_dim3A_14 = vector.broadcast %broadcast_in_dim3A_13 : f32 to vector<16xf32>
      %swap3A = arith.constant 0 : index
      %swap3A_15 = tpu.vector_load %arg8[%swap3A] {strides = array<i32>} : memref<16xf32, #tpu.memory_space<vmem>>, vector<16xf32>,
      %swap3A_16 = vector.shape_cast %swap3A_15 : vector<16xf32> to vector<16xf32>
      %swap3A_17 = vector.shape_cast %broadcast_in_dim3A_14 : vector<16xf32> to vector<16xf32>
      tpu.vector_store %arg8[%swap3A], %swap3A_17 {strides = array<i32>} : memref<16xf32, #tpu.memory_space<vmem>>, vector<16xf32>,
      %broadcast_in_dim3A_18 = arith.constant 0 : i32
      %broadcast_in_dim3A_19 = vector.broadcast %broadcast_in_dim3A_18 : i32 to vector<16xi32>
      %swap3A_20 = arith.constant 0 : index
      %swap3A_21 = tpu.vector_load %arg9[%swap3A_20] {strides = array<i32>} : memref<16xi32, #tpu.memory_space<vmem>>, vector<16xi32>,
      %swap3A_22 = vector.shape_cast %swap3A_21 : vector<16xi32> to vector<16xi32>
      %swap3A_23 = vector.shape_cast %broadcast_in_dim3A_19 : vector<16xi32> to vector<16xi32>
      tpu.vector_store %arg9[%swap3A_20], %swap3A_23 {strides = array<i32>} : memref<16xi32, #tpu.memory_space<vmem>>, vector<16xi32>,
      %broadcast_in_dim3A_24 = arith.constant 0xFF800000 : f32
      %broadcast_in_dim3A_25 = vector.broadcast %broadcast_in_dim3A_24 : f32 to vector<16xf32>
      %swap3A_26 = arith.constant 0 : index
      %swap3A_27 = tpu.vector_load %arg10[%swap3A_26] {strides = array<i32>} : memref<16xf32, #tpu.memory_space<vmem>>, vector<16xf32>,
      %swap3A_28 = vector.shape_cast %swap3A_27 : vector<16xf32> to vector<16xf32>
      %swap3A_29 = vector.shape_cast %broadcast_in_dim3A_25 : vector<16xf32> to vector<16xf32>
      tpu.vector_store %arg10[%swap3A_26], %swap3A_29 {strides = array<i32>} : memref<16xf32, #tpu.memory_space<vmem>>, vector<16xf32>,
      %scan3A_30 = arith.constant 0 : i32
      %scan3A_31 = arith.constant 0 : i32
      %scan3A_32 = arith.constant 39 : i32
      %scan3A_33 = arith.addi %scan3A_31, %scan3A_32 : i32
      %scan3A_34 = arith.constant 1 : i32
      %scan3A_35 = scf.for %scan3A_140 = %scan3A_31 to %scan3A_33 step %scan3A_34 iter_args(%scan3A_141 = %scan3A_30) -> (i32)  : i32 {
        %mul3A_142 = arith.constant 16 : i32
        %mul3A_143 = arith.muli %scan3A_140, %mul3A_142 : i32
        %add3A_144 = arith.constant 0 : i32
        %add3A_145 = arith.addi %mul3A_143, %add3A_144 : i32
        %mul3A_146 = arith.constant 160 : i32
        %mul3A_147 = arith.muli %add3A_145, %mul3A_146 : i32
        %add3A_148 = arith.constant 0 : i32
        %add3A_149 = arith.addi %mul3A_147, %add3A_148 : i32
        %get3A_150 = arith.index_cast %add3A_149 : i32 to index
        %get3A_151 = tpu.vector_load %arg5[%get3A_150] {strides = array<i32>} : memref<100000xf32, #tpu.memory_space<vmem>>, vector<16xf32>,
        %get3A_152 = vector.shape_cast %get3A_151 : vector<16xf32> to vector<16xf32>
        %add3A_153 = arith.constant 16 : i32
        %add3A_154 = arith.addi %mul3A_147, %add3A_153 : i32
        %get3A_155 = arith.index_cast %add3A_154 : i32 to index
        %get3A_156 = tpu.vector_load %arg5[%get3A_155] {strides = array<i32>} : memref<100000xf32, #tpu.memory_space<vmem>>, vector<16xf32>,
        %get3A_157 = vector.shape_cast %get3A_156 : vector<16xf32> to vector<16xf32>
        %add3A_158 = arith.constant 32 : i32
        %add3A_159 = arith.addi %mul3A_147, %add3A_158 : i32
        %get3A_160 = arith.index_cast %add3A_159 : i32 to index
        %get3A_161 = tpu.vector_load %arg5[%get3A_160] {strides = array<i32>} : memref<100000xf32, #tpu.memory_space<vmem>>, vector<16xf32>,
        %get3A_162 = vector.shape_cast %get3A_161 : vector<16xf32> to vector<16xf32>
        %add3A_163 = arith.constant 48 : i32
        %add3A_164 = arith.addi %mul3A_147, %add3A_163 : i32
        %get3A_165 = arith.index_cast %add3A_164 : i32 to index
        %get3A_166 = tpu.vector_load %arg5[%get3A_165] {strides = array<i32>} : memref<100000xf32, #tpu.memory_space<vmem>>, vector<16xf32>,
        %get3A_167 = vector.shape_cast %get3A_166 : vector<16xf32> to vector<16xf32>
        %add3A_168 = arith.constant 64 : i32
        %add3A_169 = arith.addi %mul3A_147, %add3A_168 : i32
        %get3A_170 = arith.index_cast %add3A_169 : i32 to index
        %get3A_171 = tpu.vector_load %arg5[%get3A_170] {strides = array<i32>} : memref<100000xf32, #tpu.memory_space<vmem>>, vector<16xf32>,
        %get3A_172 = vector.shape_cast %get3A_171 : vector<16xf32> to vector<16xf32>
        %add3A_173 = arith.constant 80 : i32
        %add3A_174 = arith.addi %mul3A_147, %add3A_173 : i32
        %get3A_175 = arith.index_cast %add3A_174 : i32 to index
        %get3A_176 = tpu.vector_load %arg5[%get3A_175] {strides = array<i32>} : memref<100000xf32, #tpu.memory_space<vmem>>, vector<16xf32>,
        %get3A_177 = vector.shape_cast %get3A_176 : vector<16xf32> to vector<16xf32>
        %add3A_178 = arith.constant 96 : i32
        %add3A_179 = arith.addi %mul3A_147, %add3A_178 : i32
        %get3A_180 = arith.index_cast %add3A_179 : i32 to index
        %get3A_181 = tpu.vector_load %arg5[%get3A_180] {strides = array<i32>} : memref<100000xf32, #tpu.memory_space<vmem>>, vector<16xf32>,
        %get3A_182 = vector.shape_cast %get3A_181 : vector<16xf32> to vector<16xf32>
        %add3A_183 = arith.constant 112 : i32
        %add3A_184 = arith.addi %mul3A_147, %add3A_183 : i32
        %get3A_185 = arith.index_cast %add3A_184 : i32 to index
        %get3A_186 = tpu.vector_load %arg5[%get3A_185] {strides = array<i32>} : memref<100000xf32, #tpu.memory_space<vmem>>, vector<16xf32>,
        %get3A_187 = vector.shape_cast %get3A_186 : vector<16xf32> to vector<16xf32>
        %add3A_188 = arith.constant 128 : i32
        %add3A_189 = arith.addi %mul3A_147, %add3A_188 : i32
        %get3A_190 = arith.index_cast %add3A_189 : i32 to index
        %get3A_191 = tpu.vector_load %arg5[%get3A_190] {strides = array<i32>} : memref<100000xf32, #tpu.memory_space<vmem>>, vector<16xf32>,
        %get3A_192 = vector.shape_cast %get3A_191 : vector<16xf32> to vector<16xf32>
        %add3A_193 = arith.constant 144 : i32
        %add3A_194 = arith.addi %mul3A_147, %add3A_193 : i32
        %get3A_195 = arith.index_cast %add3A_194 : i32 to index
        %get3A_196 = tpu.vector_load %arg5[%get3A_195] {strides = array<i32>} : memref<100000xf32, #tpu.memory_space<vmem>>, vector<16xf32>,
        %get3A_197 = vector.shape_cast %get3A_196 : vector<16xf32> to vector<16xf32>
        %max3A_198 = arith.maximumf %get3A_152, %get3A_157 : vector<16xf32>
        %max3A_199 = arith.maximumf %get3A_162, %get3A_167 : vector<16xf32>
        %max3A_200 = arith.maximumf %get3A_172, %get3A_177 : vector<16xf32>
        %max3A_201 = arith.maximumf %get3A_182, %get3A_187 : vector<16xf32>
        %max3A_202 = arith.maximumf %get3A_192, %get3A_197 : vector<16xf32>
        %max3A_203 = arith.maximumf %max3A_198, %max3A_199 : vector<16xf32>
        %max3A_204 = arith.maximumf %max3A_200, %max3A_201 : vector<16xf32>
        %max3A_205 = arith.maximumf %max3A_203, %max3A_204 : vector<16xf32>
        %max3A_206 = arith.maximumf %max3A_205, %max3A_202 : vector<16xf32>
        %mul3A_207 = arith.constant 16 : i32
        %mul3A_208 = arith.muli %scan3A_140, %mul3A_207 : i32
        %add3A_209 = arith.constant 0 : i32
        %add3A_210 = arith.addi %mul3A_208, %add3A_209 : i32
        %mul3A_211 = arith.constant 16 : i32
        %mul3A_212 = arith.muli %add3A_210, %mul3A_211 : i32
        %swap3A_213 = arith.index_cast %mul3A_212 : i32 to index
        %swap3A_214 = tpu.vector_load %arg6[%swap3A_213] {strides = array<i32>} : memref<9984xf32, #tpu.memory_space<vmem>>, vector<16xf32>,
        %swap3A_215 = vector.shape_cast %swap3A_214 : vector<16xf32> to vector<16xf32>
        %swap3A_216 = vector.shape_cast %max3A_206 : vector<16xf32> to vector<16xf32>
        tpu.vector_store %arg6[%swap3A_213], %swap3A_216 {strides = array<i32>} : memref<9984xf32, #tpu.memory_space<vmem>>, vector<16xf32>,
        %mul3A_217 = arith.constant 16 : i32
        %mul3A_218 = arith.muli %scan3A_140, %mul3A_217 : i32
        %add3A_219 = arith.constant 1 : i32
        %add3A_220 = arith.addi %mul3A_218, %add3A_219 : i32
        %mul3A_221 = arith.constant 160 : i32
        %mul3A_222 = arith.muli %add3A_220, %mul3A_221 : i32
        %add3A_223 = arith.constant 0 : i32
        %add3A_224 = arith.addi %mul3A_222, %add3A_223 : i32
        %get3A_225 = arith.index_cast %add3A_224 : i32 to index
        %get3A_226 = tpu.vector_load %arg5[%get3A_225] {strides = array<i32>} : memref<100000xf32, #tpu.memory_space<vmem>>, vector<16xf32>,
        %get3A_227 = vector.shape_cast %get3A_226 : vector<16xf32> to vector<16xf32>
        %add3A_228 = arith.constant 16 : i32
        %add3A_229 = arith.addi %mul3A_222, %add3A_228 : i32
        %get3A_230 = arith.index_cast %add3A_229 : i32 to index
        %get3A_231 = tpu.vector_load %arg5[%get3A_230] {strides = array<i32>} : memref<100000xf32, #tpu.memory_space<vmem>>, vector<16xf32>,
        %get3A_232 = vector.shape_cast %get3A_231 : vector<16xf32> to vector<16xf32>
        %add3A_233 = arith.constant 32 : i32
        %add3A_234 = arith.addi %mul3A_222, %add3A_233 : i32
        %get3A_235 = arith.index_cast %add3A_234 : i32 to index
        %get3A_236 = tpu.vector_load %arg5[%get3A_235] {strides = array<i32>} : memref<100000xf32, #tpu.memory_space<vmem>>, vector<16xf32>,
        %get3A_237 = vector.shape_cast %get3A_236 : vector<16xf32> to vector<16xf32>
        %add3A_238 = arith.constant 48 : i32
        %add3A_239 = arith.addi %mul3A_222, %add3A_238 : i32
        %get3A_240 = arith.index_cast %add3A_239 : i32 to index
        %get3A_241 = tpu.vector_load %arg5[%get3A_240] {strides = array<i32>} : memref<100000xf32, #tpu.memory_space<vmem>>, vector<16xf32>,
        %get3A_242 = vector.shape_cast %get3A_241 : vector<16xf32> to vector<16xf32>
        %add3A_243 = arith.constant 64 : i32
        %add3A_244 = arith.addi %mul3A_222, %add3A_243 : i32
        %get3A_245 = arith.index_cast %add3A_244 : i32 to index
        %get3A_246 = tpu.vector_load %arg5[%get3A_245] {strides = array<i32>} : memref<100000xf32, #tpu.memory_space<vmem>>, vector<16xf32>,
        %get3A_247 = vector.shape_cast %get3A_246 : vector<16xf32> to vector<16xf32>
        %add3A_248 = arith.constant 80 : i32
        %add3A_249 = arith.addi %mul3A_222, %add3A_248 : i32
        %get3A_250 = arith.index_cast %add3A_249 : i32 to index
        %get3A_251 = tpu.vector_load %arg5[%get3A_250] {strides = array<i32>} : memref<100000xf32, #tpu.memory_space<vmem>>, vector<16xf32>,
        %get3A_252 = vector.shape_cast %get3A_251 : vector<16xf32> to vector<16xf32>
        %add3A_253 = arith.constant 96 : i32
        %add3A_254 = arith.addi %mul3A_222, %add3A_253 : i32
        %get3A_255 = arith.index_cast %add3A_254 : i32 to index
        %get3A_256 = tpu.vector_load %arg5[%get3A_255] {strides = array<i32>} : memref<100000xf32, #tpu.memory_space<vmem>>, vector<16xf32>,
        %get3A_257 = vector.shape_cast %get3A_256 : vector<16xf32> to vector<16xf32>
        %add3A_258 = arith.constant 112 : i32
        %add3A_259 = arith.addi %mul3A_222, %add3A_258 : i32
        %get3A_260 = arith.index_cast %add3A_259 : i32 to index
        %get3A_261 = tpu.vector_load %arg5[%get3A_260] {strides = array<i32>} : memref<100000xf32, #tpu.memory_space<vmem>>, vector<16xf32>,
        %get3A_262 = vector.shape_cast %get3A_261 : vector<16xf32> to vector<16xf32>
        %add3A_263 = arith.constant 128 : i32
        %add3A_264 = arith.addi %mul3A_222, %add3A_263 : i32
        %get3A_265 = arith.index_cast %add3A_264 : i32 to index
        %get3A_266 = tpu.vector_load %arg5[%get3A_265] {strides = array<i32>} : memref<100000xf32, #tpu.memory_space<vmem>>, vector<16xf32>,
        %get3A_267 = vector.shape_cast %get3A_266 : vector<16xf32> to vector<16xf32>
        %add3A_268 = arith.constant 144 : i32
        %add3A_269 = arith.addi %mul3A_222, %add3A_268 : i32
        %get3A_270 = arith.index_cast %add3A_269 : i32 to index
        %get3A_271 = tpu.vector_load %arg5[%get3A_270] {strides = array<i32>} : memref<100000xf32, #tpu.memory_space<vmem>>, vector<16xf32>,
        %get3A_272 = vector.shape_cast %get3A_271 : vector<16xf32> to vector<16xf32>
        %max3A_273 = arith.maximumf %get3A_227, %get3A_232 : vector<16xf32>
        %max3A_274 = arith.maximumf %get3A_237, %get3A_242 : vector<16xf32>
        %max3A_275 = arith.maximumf %get3A_247, %get3A_252 : vector<16xf32>
        %max3A_276 = arith.maximumf %get3A_257, %get3A_262 : vector<16xf32>
        %max3A_277 = arith.maximumf %get3A_267, %get3A_272 : vector<16xf32>
        %max3A_278 = arith.maximumf %max3A_273, %max3A_274 : vector<16xf32>
        %max3A_279 = arith.maximumf %max3A_275, %max3A_276 : vector<16xf32>
        %max3A_280 = arith.maximumf %max3A_278, %max3A_279 : vector<16xf32>
        %max3A_281 = arith.maximumf %max3A_280, %max3A_277 : vector<16xf32>
        %mul3A_282 = arith.constant 16 : i32
        %mul3A_283 = arith.muli %scan3A_140, %mul3A_282 : i32
        %add3A_284 = arith.constant 1 : i32
        %add3A_285 = arith.addi %mul3A_283, %add3A_284 : i32
        %mul3A_286 = arith.constant 16 : i32
        %mul3A_287 = arith.muli %add3A_285, %mul3A_286 : i32
        %swap3A_288 = arith.index_cast %mul3A_287 : i32 to index
        %swap3A_289 = tpu.vector_load %arg6[%swap3A_288] {strides = array<i32>} : memref<9984xf32, #tpu.memory_space<vmem>>, vector<16xf32>,
        %swap3A_290 = vector.shape_cast %swap3A_289 : vector<16xf32> to vector<16xf32>
        %swap3A_291 = vector.shape_cast %max3A_281 : vector<16xf32> to vector<16xf32>
        tpu.vector_store %arg6[%swap3A_288], %swap3A_291 {strides = array<i32>} : memref<9984xf32, #tpu.memory_space<vmem>>, vector<16xf32>,
        %mul3A_292 = arith.constant 16 : i32
        %mul3A_293 = arith.muli %scan3A_140, %mul3A_292 : i32
        %add3A_294 = arith.constant 2 : i32
        %add3A_295 = arith.addi %mul3A_293, %add3A_294 : i32
        %mul3A_296 = arith.constant 160 : i32
        %mul3A_297 = arith.muli %add3A_295, %mul3A_296 : i32
        %add3A_298 = arith.constant 0 : i32
        %add3A_299 = arith.addi %mul3A_297, %add3A_298 : i32
        %get3A_300 = arith.index_cast %add3A_299 : i32 to index
        %get3A_301 = tpu.vector_load %arg5[%get3A_300] {strides = array<i32>} : memref<100000xf32, #tpu.memory_space<vmem>>, vector<16xf32>,
        %get3A_302 = vector.shape_cast %get3A_301 : vector<16xf32> to vector<16xf32>
        %add3A_303 = arith.constant 16 : i32
        %add3A_304 = arith.addi %mul3A_297, %add3A_303 : i32
        %get3A_305 = arith.index_cast %add3A_304 : i32 to index
        %get3A_306 = tpu.vector_load %arg5[%get3A_305] {strides = array<i32>} : memref<100000xf32, #tpu.memory_space<vmem>>, vector<16xf32>,
        %get3A_307 = vector.shape_cast %get3A_306 : vector<16xf32> to vector<16xf32>
        %add3A_308 = arith.constant 32 : i32
        %add3A_309 = arith.addi %mul3A_297, %add3A_308 : i32
        %get3A_310 = arith.index_cast %add3A_309 : i32 to index
        %get3A_311 = tpu.vector_load %arg5[%get3A_310] {strides = array<i32>} : memref<100000xf32, #tpu.memory_space<vmem>>, vector<16xf32>,
        %get3A_312 = vector.shape_cast %get3A_311 : vector<16xf32> to vector<16xf32>
        %add3A_313 = arith.constant 48 : i32
        %add3A_314 = arith.addi %mul3A_297, %add3A_313 : i32
        %get3A_315 = arith.index_cast %add3A_314 : i32 to index
        %get3A_316 = tpu.vector_load %arg5[%get3A_315] {strides = array<i32>} : memref<100000xf32, #tpu.memory_space<vmem>>, vector<16xf32>,
        %get3A_317 = vector.shape_cast %get3A_316 : vector<16xf32> to vector<16xf32>
        %add3A_318 = arith.constant 64 : i32
        %add3A_319 = arith.addi %mul3A_297, %add3A_318 : i32
        %get3A_320 = arith.index_cast %add3A_319 : i32 to index
        %get3A_321 = tpu.vector_load %arg5[%get3A_320] {strides = array<i32>} : memref<100000xf32, #tpu.memory_space<vmem>>, vector<16xf32>,
        %get3A_322 = vector.shape_cast %get3A_321 : vector<16xf32> to vector<16xf32>
        %add3A_323 = arith.constant 80 : i32
        %add3A_324 = arith.addi %mul3A_297, %add3A_323 : i32
        %get3A_325 = arith.index_cast %add3A_324 : i32 to index
        %get3A_326 = tpu.vector_load %arg5[%get3A_325] {strides = array<i32>} : memref<100000xf32, #tpu.memory_space<vmem>>, vector<16xf32>,
        %get3A_327 = vector.shape_cast %get3A_326 : vector<16xf32> to vector<16xf32>
        %add3A_328 = arith.constant 96 : i32
        %add3A_329 = arith.addi %mul3A_297, %add3A_328 : i32
        %get3A_330 = arith.index_cast %add3A_329 : i32 to index
        %get3A_331 = tpu.vector_load %arg5[%get3A_330] {strides = array<i32>} : memref<100000xf32, #tpu.memory_space<vmem>>, vector<16xf32>,
        %get3A_332 = vector.shape_cast %get3A_331 : vector<16xf32> to vector<16xf32>
        %add3A_333 = arith.constant 112 : i32
        %add3A_334 = arith.addi %mul3A_297, %add3A_333 : i32
        %get3A_335 = arith.index_cast %add3A_334 : i32 to index
        %get3A_336 = tpu.vector_load %arg5[%get3A_335] {strides = array<i32>} : memref<100000xf32, #tpu.memory_space<vmem>>, vector<16xf32>,
        %get3A_337 = vector.shape_cast %get3A_336 : vector<16xf32> to vector<16xf32>
        %add3A_338 = arith.constant 128 : i32
        %add3A_339 = arith.addi %mul3A_297, %add3A_338 : i32
        %get3A_340 = arith.index_cast %add3A_339 : i32 to index
        %get3A_341 = tpu.vector_load %arg5[%get3A_340] {strides = array<i32>} : memref<100000xf32, #tpu.memory_space<vmem>>, vector<16xf32>,
        %get3A_342 = vector.shape_cast %get3A_341 : vector<16xf32> to vector<16xf32>
        %add3A_343 = arith.constant 144 : i32
        %add3A_344 = arith.addi %mul3A_297, %add3A_343 : i32
        %get3A_345 = arith.index_cast %add3A_344 : i32 to index
        %get3A_346 = tpu.vector_load %arg5[%get3A_345] {strides = array<i32>} : memref<100000xf32, #tpu.memory_space<vmem>>, vector<16xf32>,
        %get3A_347 = vector.shape_cast %get3A_346 : vector<16xf32> to vector<16xf32>
        %max3A_348 = arith.maximumf %get3A_302, %get3A_307 : vector<16xf32>
        %max3A_349 = arith.maximumf %get3A_312, %get3A_317 : vector<16xf32>
        %max3A_350 = arith.maximumf %get3A_322, %get3A_327 : vector<16xf32>
        %max3A_351 = arith.maximumf %get3A_332, %get3A_337 : vector<16xf32>
        %max3A_352 = arith.maximumf %get3A_342, %get3A_347 : vector<16xf32>
        %max3A_353 = arith.maximumf %max3A_348, %max3A_349 : vector<16xf32>
        %max3A_354 = arith.maximumf %max3A_350, %max3A_351 : vector<16xf32>
        %max3A_355 = arith.maximumf %max3A_353, %max3A_354 : vector<16xf32>
        %max3A_356 = arith.maximumf %max3A_355, %max3A_352 : vector<16xf32>
        %mul3A_357 = arith.constant 16 : i32
        %mul3A_358 = arith.muli %scan3A_140, %mul3A_357 : i32
        %add3A_359 = arith.constant 2 : i32
        %add3A_360 = arith.addi %mul3A_358, %add3A_359 : i32
        %mul3A_361 = arith.constant 16 : i32
        %mul3A_362 = arith.muli %add3A_360, %mul3A_361 : i32
        %swap3A_363 = arith.index_cast %mul3A_362 : i32 to index
        %swap3A_364 = tpu.vector_load %arg6[%swap3A_363] {strides = array<i32>} : memref<9984xf32, #tpu.memory_space<vmem>>, vector<16xf32>,
        %swap3A_365 = vector.shape_cast %swap3A_364 : vector<16xf32> to vector<16xf32>
        %swap3A_366 = vector.shape_cast %max3A_356 : vector<16xf32> to vector<16xf32>
        tpu.vector_store %arg6[%swap3A_363], %swap3A_366 {strides = array<i32>} : memref<9984xf32, #tpu.memory_space<vmem>>, vector<16xf32>,
        %mul3A_367 = arith.constant 16 : i32
        %mul3A_368 = arith.muli %scan3A_140, %mul3A_367 : i32
        %add3A_369 = arith.constant 3 : i32
        %add3A_370 = arith.addi %mul3A_368, %add3A_369 : i32
        %mul3A_371 = arith.constant 160 : i32
        %mul3A_372 = arith.muli %add3A_370, %mul3A_371 : i32
        %add3A_373 = arith.constant 0 : i32
        %add3A_374 = arith.addi %mul3A_372, %add3A_373 : i32
        %get3A_375 = arith.index_cast %add3A_374 : i32 to index
        %get3A_376 = tpu.vector_load %arg5[%get3A_375] {strides = array<i32>} : memref<100000xf32, #tpu.memory_space<vmem>>, vector<16xf32>,
        %get3A_377 = vector.shape_cast %get3A_376 : vector<16xf32> to vector<16xf32>
        %add3A_378 = arith.constant 16 : i32
        %add3A_379 = arith.addi %mul3A_372, %add3A_378 : i32
        %get3A_380 = arith.index_cast %add3A_379 : i32 to index
        %get3A_381 = tpu.vector_load %arg5[%get3A_380] {strides = array<i32>} : memref<100000xf32, #tpu.memory_space<vmem>>, vector<16xf32>,
        %get3A_382 = vector.shape_cast %get3A_381 : vector<16xf32> to vector<16xf32>
        %add3A_383 = arith.constant 32 : i32
        %add3A_384 = arith.addi %mul3A_372, %add3A_383 : i32
        %get3A_385 = arith.index_cast %add3A_384 : i32 to index
        %get3A_386 = tpu.vector_load %arg5[%get3A_385] {strides = array<i32>} : memref<100000xf32, #tpu.memory_space<vmem>>, vector<16xf32>,
        %get3A_387 = vector.shape_cast %get3A_386 : vector<16xf32> to vector<16xf32>
        %add3A_388 = arith.constant 48 : i32
        %add3A_389 = arith.addi %mul3A_372, %add3A_388 : i32
        %get3A_390 = arith.index_cast %add3A_389 : i32 to index
        %get3A_391 = tpu.vector_load %arg5[%get3A_390] {strides = array<i32>} : memref<100000xf32, #tpu.memory_space<vmem>>, vector<16xf32>,
        %get3A_392 = vector.shape_cast %get3A_391 : vector<16xf32> to vector<16xf32>
        %add3A_393 = arith.constant 64 : i32
        %add3A_394 = arith.addi %mul3A_372, %add3A_393 : i32
        %get3A_395 = arith.index_cast %add3A_394 : i32 to index
        %get3A_396 = tpu.vector_load %arg5[%get3A_395] {strides = array<i32>} : memref<100000xf32, #tpu.memory_space<vmem>>, vector<16xf32>,
        %get3A_397 = vector.shape_cast %get3A_396 : vector<16xf32> to vector<16xf32>
        %add3A_398 = arith.constant 80 : i32
        %add3A_399 = arith.addi %mul3A_372, %add3A_398 : i32
        %get3A_400 = arith.index_cast %add3A_399 : i32 to index
        %get3A_401 = tpu.vector_load %arg5[%get3A_400] {strides = array<i32>} : memref<100000xf32, #tpu.memory_space<vmem>>, vector<16xf32>,
        %get3A_402 = vector.shape_cast %get3A_401 : vector<16xf32> to vector<16xf32>
        %add3A_403 = arith.constant 96 : i32
        %add3A_404 = arith.addi %mul3A_372, %add3A_403 : i32
        %get3A_405 = arith.index_cast %add3A_404 : i32 to index
        %get3A_406 = tpu.vector_load %arg5[%get3A_405] {strides = array<i32>} : memref<100000xf32, #tpu.memory_space<vmem>>, vector<16xf32>,
        %get3A_407 = vector.shape_cast %get3A_406 : vector<16xf32> to vector<16xf32>
        %add3A_408 = arith.constant 112 : i32
        %add3A_409 = arith.addi %mul3A_372, %add3A_408 : i32
        %get3A_410 = arith.index_cast %add3A_409 : i32 to index
        %get3A_411 = tpu.vector_load %arg5[%get3A_410] {strides = array<i32>} : memref<100000xf32, #tpu.memory_space<vmem>>, vector<16xf32>,
        %get3A_412 = vector.shape_cast %get3A_411 : vector<16xf32> to vector<16xf32>
        %add3A_413 = arith.constant 128 : i32
        %add3A_414 = arith.addi %mul3A_372, %add3A_413 : i32
        %get3A_415 = arith.index_cast %add3A_414 : i32 to index
        %get3A_416 = tpu.vector_load %arg5[%get3A_415] {strides = array<i32>} : memref<100000xf32, #tpu.memory_space<vmem>>, vector<16xf32>,
        %get3A_417 = vector.shape_cast %get3A_416 : vector<16xf32> to vector<16xf32>
        %add3A_418 = arith.constant 144 : i32
        %add3A_419 = arith.addi %mul3A_372, %add3A_418 : i32
        %get3A_420 = arith.index_cast %add3A_419 : i32 to index
        %get3A_421 = tpu.vector_load %arg5[%get3A_420] {strides = array<i32>} : memref<100000xf32, #tpu.memory_space<vmem>>, vector<16xf32>,
        %get3A_422 = vector.shape_cast %get3A_421 : vector<16xf32> to vector<16xf32>
        %max3A_423 = arith.maximumf %get3A_377, %get3A_382 : vector<16xf32>
        %max3A_424 = arith.maximumf %get3A_387, %get3A_392 : vector<16xf32>
        %max3A_425 = arith.maximumf %get3A_397, %get3A_402 : vector<16xf32>
        %max3A_426 = arith.maximumf %get3A_407, %get3A_412 : vector<16xf32>
        %max3A_427 = arith.maximumf %get3A_417, %get3A_422 : vector<16xf32>
        %max3A_428 = arith.maximumf %max3A_423, %max3A_424 : vector<16xf32>
        %max3A_429 = arith.maximumf %max3A_425, %max3A_426 : vector<16xf32>
        %max3A_430 = arith.maximumf %max3A_428, %max3A_429 : vector<16xf32>
        %max3A_431 = arith.maximumf %max3A_430, %max3A_427 : vector<16xf32>
        %mul3A_432 = arith.constant 16 : i32
        %mul3A_433 = arith.muli %scan3A_140, %mul3A_432 : i32
        %add3A_434 = arith.constant 3 : i32
        %add3A_435 = arith.addi %mul3A_433, %add3A_434 : i32
        %mul3A_436 = arith.constant 16 : i32
        %mul3A_437 = arith.muli %add3A_435, %mul3A_436 : i32
        %swap3A_438 = arith.index_cast %mul3A_437 : i32 to index
        %swap3A_439 = tpu.vector_load %arg6[%swap3A_438] {strides = array<i32>} : memref<9984xf32, #tpu.memory_space<vmem>>, vector<16xf32>,
        %swap3A_440 = vector.shape_cast %swap3A_439 : vector<16xf32> to vector<16xf32>
        %swap3A_441 = vector.shape_cast %max3A_431 : vector<16xf32> to vector<16xf32>
        tpu.vector_store %arg6[%swap3A_438], %swap3A_441 {strides = array<i32>} : memref<9984xf32, #tpu.memory_space<vmem>>, vector<16xf32>,
        %mul3A_442 = arith.constant 16 : i32
        %mul3A_443 = arith.muli %scan3A_140, %mul3A_442 : i32
        %add3A_444 = arith.constant 4 : i32
        %add3A_445 = arith.addi %mul3A_443, %add3A_444 : i32
        %mul3A_446 = arith.constant 160 : i32
        %mul3A_447 = arith.muli %add3A_445, %mul3A_446 : i32
        %add3A_448 = arith.constant 0 : i32
        %add3A_449 = arith.addi %mul3A_447, %add3A_448 : i32
        %get3A_450 = arith.index_cast %add3A_449 : i32 to index
        %get3A_451 = tpu.vector_load %arg5[%get3A_450] {strides = array<i32>} : memref<100000xf32, #tpu.memory_space<vmem>>, vector<16xf32>,
        %get3A_452 = vector.shape_cast %get3A_451 : vector<16xf32> to vector<16xf32>
        %add3A_453 = arith.constant 16 : i32
        %add3A_454 = arith.addi %mul3A_447, %add3A_453 : i32
        %get3A_455 = arith.index_cast %add3A_454 : i32 to index
        %get3A_456 = tpu.vector_load %arg5[%get3A_455] {strides = array<i32>} : memref<100000xf32, #tpu.memory_space<vmem>>, vector<16xf32>,
        %get3A_457 = vector.shape_cast %get3A_456 : vector<16xf32> to vector<16xf32>
        %add3A_458 = arith.constant 32 : i32
        %add3A_459 = arith.addi %mul3A_447, %add3A_458 : i32
        %get3A_460 = arith.index_cast %add3A_459 : i32 to index
        %get3A_461 = tpu.vector_load %arg5[%get3A_460] {strides = array<i32>} : memref<100000xf32, #tpu.memory_space<vmem>>, vector<16xf32>,
        %get3A_462 = vector.shape_cast %get3A_461 : vector<16xf32> to vector<16xf32>
        %add3A_463 = arith.constant 48 : i32
        %add3A_464 = arith.addi %mul3A_447, %add3A_463 : i32
        %get3A_465 = arith.index_cast %add3A_464 : i32 to index
        %get3A_466 = tpu.vector_load %arg5[%get3A_465] {strides = array<i32>} : memref<100000xf32, #tpu.memory_space<vmem>>, vector<16xf32>,
        %get3A_467 = vector.shape_cast %get3A_466 : vector<16xf32> to vector<16xf32>
        %add3A_468 = arith.constant 64 : i32
        %add3A_469 = arith.addi %mul3A_447, %add3A_468 : i32
        %get3A_470 = arith.index_cast %add3A_469 : i32 to index
        %get3A_471 = tpu.vector_load %arg5[%get3A_470] {strides = array<i32>} : memref<100000xf32, #tpu.memory_space<vmem>>, vector<16xf32>,
        %get3A_472 = vector.shape_cast %get3A_471 : vector<16xf32> to vector<16xf32>
        %add3A_473 = arith.constant 80 : i32
        %add3A_474 = arith.addi %mul3A_447, %add3A_473 : i32
        %get3A_475 = arith.index_cast %add3A_474 : i32 to index
        %get3A_476 = tpu.vector_load %arg5[%get3A_475] {strides = array<i32>} : memref<100000xf32, #tpu.memory_space<vmem>>, vector<16xf32>,
        %get3A_477 = vector.shape_cast %get3A_476 : vector<16xf32> to vector<16xf32>
        %add3A_478 = arith.constant 96 : i32
        %add3A_479 = arith.addi %mul3A_447, %add3A_478 : i32
        %get3A_480 = arith.index_cast %add3A_479 : i32 to index
        %get3A_481 = tpu.vector_load %arg5[%get3A_480] {strides = array<i32>} : memref<100000xf32, #tpu.memory_space<vmem>>, vector<16xf32>,
        %get3A_482 = vector.shape_cast %get3A_481 : vector<16xf32> to vector<16xf32>
        %add3A_483 = arith.constant 112 : i32
        %add3A_484 = arith.addi %mul3A_447, %add3A_483 : i32
        %get3A_485 = arith.index_cast %add3A_484 : i32 to index
        %get3A_486 = tpu.vector_load %arg5[%get3A_485] {strides = array<i32>} : memref<100000xf32, #tpu.memory_space<vmem>>, vector<16xf32>,
        %get3A_487 = vector.shape_cast %get3A_486 : vector<16xf32> to vector<16xf32>
        %add3A_488 = arith.constant 128 : i32
        %add3A_489 = arith.addi %mul3A_447, %add3A_488 : i32
        %get3A_490 = arith.index_cast %add3A_489 : i32 to index
        %get3A_491 = tpu.vector_load %arg5[%get3A_490] {strides = array<i32>} : memref<100000xf32, #tpu.memory_space<vmem>>, vector<16xf32>,
        %get3A_492 = vector.shape_cast %get3A_491 : vector<16xf32> to vector<16xf32>
        %add3A_493 = arith.constant 144 : i32
        %add3A_494 = arith.addi %mul3A_447, %add3A_493 : i32
        %get3A_495 = arith.index_cast %add3A_494 : i32 to index
        %get3A_496 = tpu.vector_load %arg5[%get3A_495] {strides = array<i32>} : memref<100000xf32, #tpu.memory_space<vmem>>, vector<16xf32>,
        %get3A_497 = vector.shape_cast %get3A_496 : vector<16xf32> to vector<16xf32>
        %max3A_498 = arith.maximumf %get3A_452, %get3A_457 : vector<16xf32>
        %max3A_499 = arith.maximumf %get3A_462, %get3A_467 : vector<16xf32>
        %max3A_500 = arith.maximumf %get3A_472, %get3A_477 : vector<16xf32>
        %max3A_501 = arith.maximumf %get3A_482, %get3A_487 : vector<16xf32>
        %max3A_502 = arith.maximumf %get3A_492, %get3A_497 : vector<16xf32>
        %max3A_503 = arith.maximumf %max3A_498, %max3A_499 : vector<16xf32>
        %max3A_504 = arith.maximumf %max3A_500, %max3A_501 : vector<16xf32>
        %max3A_505 = arith.maximumf %max3A_503, %max3A_504 : vector<16xf32>
        %max3A_506 = arith.maximumf %max3A_505, %max3A_502 : vector<16xf32>
        %mul3A_507 = arith.constant 16 : i32
        %mul3A_508 = arith.muli %scan3A_140, %mul3A_507 : i32
        %add3A_509 = arith.constant 4 : i32
        %add3A_510 = arith.addi %mul3A_508, %add3A_509 : i32
        %mul3A_511 = arith.constant 16 : i32
        %mul3A_512 = arith.muli %add3A_510, %mul3A_511 : i32
        %swap3A_513 = arith.index_cast %mul3A_512 : i32 to index
        %swap3A_514 = tpu.vector_load %arg6[%swap3A_513] {strides = array<i32>} : memref<9984xf32, #tpu.memory_space<vmem>>, vector<16xf32>,
        %swap3A_515 = vector.shape_cast %swap3A_514 : vector<16xf32> to vector<16xf32>
        %swap3A_516 = vector.shape_cast %max3A_506 : vector<16xf32> to vector<16xf32>
        tpu.vector_store %arg6[%swap3A_513], %swap3A_516 {strides = array<i32>} : memref<9984xf32, #tpu.memory_space<vmem>>, vector<16xf32>,
        %mul3A_517 = arith.constant 16 : i32
        %mul3A_518 = arith.muli %scan3A_140, %mul3A_517 : i32
        %add3A_519 = arith.constant 5 : i32
        %add3A_520 = arith.addi %mul3A_518, %add3A_519 : i32
        %mul3A_521 = arith.constant 160 : i32
        %mul3A_522 = arith.muli %add3A_520, %mul3A_521 : i32
        %add3A_523 = arith.constant 0 : i32
        %add3A_524 = arith.addi %mul3A_522, %add3A_523 : i32
        %get3A_525 = arith.index_cast %add3A_524 : i32 to index
        %get3A_526 = tpu.vector_load %arg5[%get3A_525] {strides = array<i32>} : memref<100000xf32, #tpu.memory_space<vmem>>, vector<16xf32>,
        %get3A_527 = vector.shape_cast %get3A_526 : vector<16xf32> to vector<16xf32>
        %add3A_528 = arith.constant 16 : i32
        %add3A_529 = arith.addi %mul3A_522, %add3A_528 : i32
        %get3A_530 = arith.index_cast %add3A_529 : i32 to index
        %get3A_531 = tpu.vector_load %arg5[%get3A_530] {strides = array<i32>} : memref<100000xf32, #tpu.memory_space<vmem>>, vector<16xf32>,
        %get3A_532 = vector.shape_cast %get3A_531 : vector<16xf32> to vector<16xf32>
        %add3A_533 = arith.constant 32 : i32
        %add3A_534 = arith.addi %mul3A_522, %add3A_533 : i32
        %get3A_535 = arith.index_cast %add3A_534 : i32 to index
        %get3A_536 = tpu.vector_load %arg5[%get3A_535] {strides = array<i32>} : memref<100000xf32, #tpu.memory_space<vmem>>, vector<16xf32>,
        %get3A_537 = vector.shape_cast %get3A_536 : vector<16xf32> to vector<16xf32>
        %add3A_538 = arith.constant 48 : i32
        %add3A_539 = arith.addi %mul3A_522, %add3A_538 : i32
        %get3A_540 = arith.index_cast %add3A_539 : i32 to index
        %get3A_541 = tpu.vector_load %arg5[%get3A_540] {strides = array<i32>} : memref<100000xf32, #tpu.memory_space<vmem>>, vector<16xf32>,
        %get3A_542 = vector.shape_cast %get3A_541 : vector<16xf32> to vector<16xf32>
        %add3A_543 = arith.constant 64 : i32
        %add3A_544 = arith.addi %mul3A_522, %add3A_543 : i32
        %get3A_545 = arith.index_cast %add3A_544 : i32 to index
        %get3A_546 = tpu.vector_load %arg5[%get3A_545] {strides = array<i32>} : memref<100000xf32, #tpu.memory_space<vmem>>, vector<16xf32>,
        %get3A_547 = vector.shape_cast %get3A_546 : vector<16xf32> to vector<16xf32>
        %add3A_548 = arith.constant 80 : i32
        %add3A_549 = arith.addi %mul3A_522, %add3A_548 : i32
        %get3A_550 = arith.index_cast %add3A_549 : i32 to index
        %get3A_551 = tpu.vector_load %arg5[%get3A_550] {strides = array<i32>} : memref<100000xf32, #tpu.memory_space<vmem>>, vector<16xf32>,
        %get3A_552 = vector.shape_cast %get3A_551 : vector<16xf32> to vector<16xf32>
        %add3A_553 = arith.constant 96 : i32
        %add3A_554 = arith.addi %mul3A_522, %add3A_553 : i32
        %get3A_555 = arith.index_cast %add3A_554 : i32 to index
        %get3A_556 = tpu.vector_load %arg5[%get3A_555] {strides = array<i32>} : memref<100000xf32, #tpu.memory_space<vmem>>, vector<16xf32>,
        %get3A_557 = vector.shape_cast %get3A_556 : vector<16xf32> to vector<16xf32>
        %add3A_558 = arith.constant 112 : i32
        %add3A_559 = arith.addi %mul3A_522, %add3A_558 : i32
        %get3A_560 = arith.index_cast %add3A_559 : i32 to index
        %get3A_561 = tpu.vector_load %arg5[%get3A_560] {strides = array<i32>} : memref<100000xf32, #tpu.memory_space<vmem>>, vector<16xf32>,
        %get3A_562 = vector.shape_cast %get3A_561 : vector<16xf32> to vector<16xf32>
        %add3A_563 = arith.constant 128 : i32
        %add3A_564 = arith.addi %mul3A_522, %add3A_563 : i32
        %get3A_565 = arith.index_cast %add3A_564 : i32 to index
        %get3A_566 = tpu.vector_load %arg5[%get3A_565] {strides = array<i32>} : memref<100000xf32, #tpu.memory_space<vmem>>, vector<16xf32>,
        %get3A_567 = vector.shape_cast %get3A_566 : vector<16xf32> to vector<16xf32>
        %add3A_568 = arith.constant 144 : i32
        %add3A_569 = arith.addi %mul3A_522, %add3A_568 : i32
        %get3A_570 = arith.index_cast %add3A_569 : i32 to index
        %get3A_571 = tpu.vector_load %arg5[%get3A_570] {strides = array<i32>} : memref<100000xf32, #tpu.memory_space<vmem>>, vector<16xf32>,
        %get3A_572 = vector.shape_cast %get3A_571 : vector<16xf32> to vector<16xf32>
        %max3A_573 = arith.maximumf %get3A_527, %get3A_532 : vector<16xf32>
        %max3A_574 = arith.maximumf %get3A_537, %get3A_542 : vector<16xf32>
        %max3A_575 = arith.maximumf %get3A_547, %get3A_552 : vector<16xf32>
        %max3A_576 = arith.maximumf %get3A_557, %get3A_562 : vector<16xf32>
        %max3A_577 = arith.maximumf %get3A_567, %get3A_572 : vector<16xf32>
        %max3A_578 = arith.maximumf %max3A_573, %max3A_574 : vector<16xf32>
        %max3A_579 = arith.maximumf %max3A_575, %max3A_576 : vector<16xf32>
        %max3A_580 = arith.maximumf %max3A_578, %max3A_579 : vector<16xf32>
        %max3A_581 = arith.maximumf %max3A_580, %max3A_577 : vector<16xf32>
        %mul3A_582 = arith.constant 16 : i32
        %mul3A_583 = arith.muli %scan3A_140, %mul3A_582 : i32
        %add3A_584 = arith.constant 5 : i32
        %add3A_585 = arith.addi %mul3A_583, %add3A_584 : i32
        %mul3A_586 = arith.constant 16 : i32
        %mul3A_587 = arith.muli %add3A_585, %mul3A_586 : i32
        %swap3A_588 = arith.index_cast %mul3A_587 : i32 to index
        %swap3A_589 = tpu.vector_load %arg6[%swap3A_588] {strides = array<i32>} : memref<9984xf32, #tpu.memory_space<vmem>>, vector<16xf32>,
        %swap3A_590 = vector.shape_cast %swap3A_589 : vector<16xf32> to vector<16xf32>
        %swap3A_591 = vector.shape_cast %max3A_581 : vector<16xf32> to vector<16xf32>
        tpu.vector_store %arg6[%swap3A_588], %swap3A_591 {strides = array<i32>} : memref<9984xf32, #tpu.memory_space<vmem>>, vector<16xf32>,
        %mul3A_592 = arith.constant 16 : i32
        %mul3A_593 = arith.muli %scan3A_140, %mul3A_592 : i32
        %add3A_594 = arith.constant 6 : i32
        %add3A_595 = arith.addi %mul3A_593, %add3A_594 : i32
        %mul3A_596 = arith.constant 160 : i32
        %mul3A_597 = arith.muli %add3A_595, %mul3A_596 : i32
        %add3A_598 = arith.constant 0 : i32
        %add3A_599 = arith.addi %mul3A_597, %add3A_598 : i32
        %get3A_600 = arith.index_cast %add3A_599 : i32 to index
        %get3A_601 = tpu.vector_load %arg5[%get3A_600] {strides = array<i32>} : memref<100000xf32, #tpu.memory_space<vmem>>, vector<16xf32>,
        %get3A_602 = vector.shape_cast %get3A_601 : vector<16xf32> to vector<16xf32>
        %add3A_603 = arith.constant 16 : i32
        %add3A_604 = arith.addi %mul3A_597, %add3A_603 : i32
        %get3A_605 = arith.index_cast %add3A_604 : i32 to index
        %get3A_606 = tpu.vector_load %arg5[%get3A_605] {strides = array<i32>} : memref<100000xf32, #tpu.memory_space<vmem>>, vector<16xf32>,
        %get3A_607 = vector.shape_cast %get3A_606 : vector<16xf32> to vector<16xf32>
        %add3A_608 = arith.constant 32 : i32
        %add3A_609 = arith.addi %mul3A_597, %add3A_608 : i32
        %get3A_610 = arith.index_cast %add3A_609 : i32 to index
        %get3A_611 = tpu.vector_load %arg5[%get3A_610] {strides = array<i32>} : memref<100000xf32, #tpu.memory_space<vmem>>, vector<16xf32>,
        %get3A_612 = vector.shape_cast %get3A_611 : vector<16xf32> to vector<16xf32>
        %add3A_613 = arith.constant 48 : i32
        %add3A_614 = arith.addi %mul3A_597, %add3A_613 : i32
        %get3A_615 = arith.index_cast %add3A_614 : i32 to index
        %get3A_616 = tpu.vector_load %arg5[%get3A_615] {strides = array<i32>} : memref<100000xf32, #tpu.memory_space<vmem>>, vector<16xf32>,
        %get3A_617 = vector.shape_cast %get3A_616 : vector<16xf32> to vector<16xf32>
        %add3A_618 = arith.constant 64 : i32
        %add3A_619 = arith.addi %mul3A_597, %add3A_618 : i32
        %get3A_620 = arith.index_cast %add3A_619 : i32 to index
        %get3A_621 = tpu.vector_load %arg5[%get3A_620] {strides = array<i32>} : memref<100000xf32, #tpu.memory_space<vmem>>, vector<16xf32>,
        %get3A_622 = vector.shape_cast %get3A_621 : vector<16xf32> to vector<16xf32>
        %add3A_623 = arith.constant 80 : i32
        %add3A_624 = arith.addi %mul3A_597, %add3A_623 : i32
        %get3A_625 = arith.index_cast %add3A_624 : i32 to index
        %get3A_626 = tpu.vector_load %arg5[%get3A_625] {strides = array<i32>} : memref<100000xf32, #tpu.memory_space<vmem>>, vector<16xf32>,
        %get3A_627 = vector.shape_cast %get3A_626 : vector<16xf32> to vector<16xf32>
        %add3A_628 = arith.constant 96 : i32
        %add3A_629 = arith.addi %mul3A_597, %add3A_628 : i32
        %get3A_630 = arith.index_cast %add3A_629 : i32 to index
        %get3A_631 = tpu.vector_load %arg5[%get3A_630] {strides = array<i32>} : memref<100000xf32, #tpu.memory_space<vmem>>, vector<16xf32>,
        %get3A_632 = vector.shape_cast %get3A_631 : vector<16xf32> to vector<16xf32>
        %add3A_633 = arith.constant 112 : i32
        %add3A_634 = arith.addi %mul3A_597, %add3A_633 : i32
        %get3A_635 = arith.index_cast %add3A_634 : i32 to index
        %get3A_636 = tpu.vector_load %arg5[%get3A_635] {strides = array<i32>} : memref<100000xf32, #tpu.memory_space<vmem>>, vector<16xf32>,
        %get3A_637 = vector.shape_cast %get3A_636 : vector<16xf32> to vector<16xf32>
        %add3A_638 = arith.constant 128 : i32
        %add3A_639 = arith.addi %mul3A_597, %add3A_638 : i32
        %get3A_640 = arith.index_cast %add3A_639 : i32 to index
        %get3A_641 = tpu.vector_load %arg5[%get3A_640] {strides = array<i32>} : memref<100000xf32, #tpu.memory_space<vmem>>, vector<16xf32>,
        %get3A_642 = vector.shape_cast %get3A_641 : vector<16xf32> to vector<16xf32>
        %add3A_643 = arith.constant 144 : i32
        %add3A_644 = arith.addi %mul3A_597, %add3A_643 : i32
        %get3A_645 = arith.index_cast %add3A_644 : i32 to index
        %get3A_646 = tpu.vector_load %arg5[%get3A_645] {strides = array<i32>} : memref<100000xf32, #tpu.memory_space<vmem>>, vector<16xf32>,
        %get3A_647 = vector.shape_cast %get3A_646 : vector<16xf32> to vector<16xf32>
        %max3A_648 = arith.maximumf %get3A_602, %get3A_607 : vector<16xf32>
        %max3A_649 = arith.maximumf %get3A_612, %get3A_617 : vector<16xf32>
        %max3A_650 = arith.maximumf %get3A_622, %get3A_627 : vector<16xf32>
        %max3A_651 = arith.maximumf %get3A_632, %get3A_637 : vector<16xf32>
        %max3A_652 = arith.maximumf %get3A_642, %get3A_647 : vector<16xf32>
        %max3A_653 = arith.maximumf %max3A_648, %max3A_649 : vector<16xf32>
        %max3A_654 = arith.maximumf %max3A_650, %max3A_651 : vector<16xf32>
        %max3A_655 = arith.maximumf %max3A_653, %max3A_654 : vector<16xf32>
        %max3A_656 = arith.maximumf %max3A_655, %max3A_652 : vector<16xf32>
        %mul3A_657 = arith.constant 16 : i32
        %mul3A_658 = arith.muli %scan3A_140, %mul3A_657 : i32
        %add3A_659 = arith.constant 6 : i32
        %add3A_660 = arith.addi %mul3A_658, %add3A_659 : i32
        %mul3A_661 = arith.constant 16 : i32
        %mul3A_662 = arith.muli %add3A_660, %mul3A_661 : i32
        %swap3A_663 = arith.index_cast %mul3A_662 : i32 to index
        %swap3A_664 = tpu.vector_load %arg6[%swap3A_663] {strides = array<i32>} : memref<9984xf32, #tpu.memory_space<vmem>>, vector<16xf32>,
        %swap3A_665 = vector.shape_cast %swap3A_664 : vector<16xf32> to vector<16xf32>
        %swap3A_666 = vector.shape_cast %max3A_656 : vector<16xf32> to vector<16xf32>
        tpu.vector_store %arg6[%swap3A_663], %swap3A_666 {strides = array<i32>} : memref<9984xf32, #tpu.memory_space<vmem>>, vector<16xf32>,
        %mul3A_667 = arith.constant 16 : i32
        %mul3A_668 = arith.muli %scan3A_140, %mul3A_667 : i32
        %add3A_669 = arith.constant 7 : i32
        %add3A_670 = arith.addi %mul3A_668, %add3A_669 : i32
        %mul3A_671 = arith.constant 160 : i32
        %mul3A_672 = arith.muli %add3A_670, %mul3A_671 : i32
        %add3A_673 = arith.constant 0 : i32
        %add3A_674 = arith.addi %mul3A_672, %add3A_673 : i32
        %get3A_675 = arith.index_cast %add3A_674 : i32 to index
        %get3A_676 = tpu.vector_load %arg5[%get3A_675] {strides = array<i32>} : memref<100000xf32, #tpu.memory_space<vmem>>, vector<16xf32>,
        %get3A_677 = vector.shape_cast %get3A_676 : vector<16xf32> to vector<16xf32>
        %add3A_678 = arith.constant 16 : i32
        %add3A_679 = arith.addi %mul3A_672, %add3A_678 : i32
        %get3A_680 = arith.index_cast %add3A_679 : i32 to index
        %get3A_681 = tpu.vector_load %arg5[%get3A_680] {strides = array<i32>} : memref<100000xf32, #tpu.memory_space<vmem>>, vector<16xf32>,
        %get3A_682 = vector.shape_cast %get3A_681 : vector<16xf32> to vector<16xf32>
        %add3A_683 = arith.constant 32 : i32
        %add3A_684 = arith.addi %mul3A_672, %add3A_683 : i32
        %get3A_685 = arith.index_cast %add3A_684 : i32 to index
        %get3A_686 = tpu.vector_load %arg5[%get3A_685] {strides = array<i32>} : memref<100000xf32, #tpu.memory_space<vmem>>, vector<16xf32>,
        %get3A_687 = vector.shape_cast %get3A_686 : vector<16xf32> to vector<16xf32>
        %add3A_688 = arith.constant 48 : i32
        %add3A_689 = arith.addi %mul3A_672, %add3A_688 : i32
        %get3A_690 = arith.index_cast %add3A_689 : i32 to index
        %get3A_691 = tpu.vector_load %arg5[%get3A_690] {strides = array<i32>} : memref<100000xf32, #tpu.memory_space<vmem>>, vector<16xf32>,
        %get3A_692 = vector.shape_cast %get3A_691 : vector<16xf32> to vector<16xf32>
        %add3A_693 = arith.constant 64 : i32
        %add3A_694 = arith.addi %mul3A_672, %add3A_693 : i32
        %get3A_695 = arith.index_cast %add3A_694 : i32 to index
        %get3A_696 = tpu.vector_load %arg5[%get3A_695] {strides = array<i32>} : memref<100000xf32, #tpu.memory_space<vmem>>, vector<16xf32>,
        %get3A_697 = vector.shape_cast %get3A_696 : vector<16xf32> to vector<16xf32>
        %add3A_698 = arith.constant 80 : i32
        %add3A_699 = arith.addi %mul3A_672, %add3A_698 : i32
        %get3A_700 = arith.index_cast %add3A_699 : i32 to index
        %get3A_701 = tpu.vector_load %arg5[%get3A_700] {strides = array<i32>} : memref<100000xf32, #tpu.memory_space<vmem>>, vector<16xf32>,
        %get3A_702 = vector.shape_cast %get3A_701 : vector<16xf32> to vector<16xf32>
        %add3A_703 = arith.constant 96 : i32
        %add3A_704 = arith.addi %mul3A_672, %add3A_703 : i32
        %get3A_705 = arith.index_cast %add3A_704 : i32 to index
        %get3A_706 = tpu.vector_load %arg5[%get3A_705] {strides = array<i32>} : memref<100000xf32, #tpu.memory_space<vmem>>, vector<16xf32>,
        %get3A_707 = vector.shape_cast %get3A_706 : vector<16xf32> to vector<16xf32>
        %add3A_708 = arith.constant 112 : i32
        %add3A_709 = arith.addi %mul3A_672, %add3A_708 : i32
        %get3A_710 = arith.index_cast %add3A_709 : i32 to index
        %get3A_711 = tpu.vector_load %arg5[%get3A_710] {strides = array<i32>} : memref<100000xf32, #tpu.memory_space<vmem>>, vector<16xf32>,
        %get3A_712 = vector.shape_cast %get3A_711 : vector<16xf32> to vector<16xf32>
        %add3A_713 = arith.constant 128 : i32
        %add3A_714 = arith.addi %mul3A_672, %add3A_713 : i32
        %get3A_715 = arith.index_cast %add3A_714 : i32 to index
        %get3A_716 = tpu.vector_load %arg5[%get3A_715] {strides = array<i32>} : memref<100000xf32, #tpu.memory_space<vmem>>, vector<16xf32>,
        %get3A_717 = vector.shape_cast %get3A_716 : vector<16xf32> to vector<16xf32>
        %add3A_718 = arith.constant 144 : i32
        %add3A_719 = arith.addi %mul3A_672, %add3A_718 : i32
        %get3A_720 = arith.index_cast %add3A_719 : i32 to index
        %get3A_721 = tpu.vector_load %arg5[%get3A_720] {strides = array<i32>} : memref<100000xf32, #tpu.memory_space<vmem>>, vector<16xf32>,
        %get3A_722 = vector.shape_cast %get3A_721 : vector<16xf32> to vector<16xf32>
        %max3A_723 = arith.maximumf %get3A_677, %get3A_682 : vector<16xf32>
        %max3A_724 = arith.maximumf %get3A_687, %get3A_692 : vector<16xf32>
        %max3A_725 = arith.maximumf %get3A_697, %get3A_702 : vector<16xf32>
        %max3A_726 = arith.maximumf %get3A_707, %get3A_712 : vector<16xf32>
        %max3A_727 = arith.maximumf %get3A_717, %get3A_722 : vector<16xf32>
        %max3A_728 = arith.maximumf %max3A_723, %max3A_724 : vector<16xf32>
        %max3A_729 = arith.maximumf %max3A_725, %max3A_726 : vector<16xf32>
        %max3A_730 = arith.maximumf %max3A_728, %max3A_729 : vector<16xf32>
        %max3A_731 = arith.maximumf %max3A_730, %max3A_727 : vector<16xf32>
        %mul3A_732 = arith.constant 16 : i32
        %mul3A_733 = arith.muli %scan3A_140, %mul3A_732 : i32
        %add3A_734 = arith.constant 7 : i32
        %add3A_735 = arith.addi %mul3A_733, %add3A_734 : i32
        %mul3A_736 = arith.constant 16 : i32
        %mul3A_737 = arith.muli %add3A_735, %mul3A_736 : i32
        %swap3A_738 = arith.index_cast %mul3A_737 : i32 to index
        %swap3A_739 = tpu.vector_load %arg6[%swap3A_738] {strides = array<i32>} : memref<9984xf32, #tpu.memory_space<vmem>>, vector<16xf32>,
        %swap3A_740 = vector.shape_cast %swap3A_739 : vector<16xf32> to vector<16xf32>
        %swap3A_741 = vector.shape_cast %max3A_731 : vector<16xf32> to vector<16xf32>
        tpu.vector_store %arg6[%swap3A_738], %swap3A_741 {strides = array<i32>} : memref<9984xf32, #tpu.memory_space<vmem>>, vector<16xf32>,
        %mul3A_742 = arith.constant 16 : i32
        %mul3A_743 = arith.muli %scan3A_140, %mul3A_742 : i32
        %add3A_744 = arith.constant 8 : i32
        %add3A_745 = arith.addi %mul3A_743, %add3A_744 : i32
        %mul3A_746 = arith.constant 160 : i32
        %mul3A_747 = arith.muli %add3A_745, %mul3A_746 : i32
        %add3A_748 = arith.constant 0 : i32
        %add3A_749 = arith.addi %mul3A_747, %add3A_748 : i32
        %get3A_750 = arith.index_cast %add3A_749 : i32 to index
        %get3A_751 = tpu.vector_load %arg5[%get3A_750] {strides = array<i32>} : memref<100000xf32, #tpu.memory_space<vmem>>, vector<16xf32>,
        %get3A_752 = vector.shape_cast %get3A_751 : vector<16xf32> to vector<16xf32>
        %add3A_753 = arith.constant 16 : i32
        %add3A_754 = arith.addi %mul3A_747, %add3A_753 : i32
        %get3A_755 = arith.index_cast %add3A_754 : i32 to index
        %get3A_756 = tpu.vector_load %arg5[%get3A_755] {strides = array<i32>} : memref<100000xf32, #tpu.memory_space<vmem>>, vector<16xf32>,
        %get3A_757 = vector.shape_cast %get3A_756 : vector<16xf32> to vector<16xf32>
        %add3A_758 = arith.constant 32 : i32
        %add3A_759 = arith.addi %mul3A_747, %add3A_758 : i32
        %get3A_760 = arith.index_cast %add3A_759 : i32 to index
        %get3A_761 = tpu.vector_load %arg5[%get3A_760] {strides = array<i32>} : memref<100000xf32, #tpu.memory_space<vmem>>, vector<16xf32>,
        %get3A_762 = vector.shape_cast %get3A_761 : vector<16xf32> to vector<16xf32>
        %add3A_763 = arith.constant 48 : i32
        %add3A_764 = arith.addi %mul3A_747, %add3A_763 : i32
        %get3A_765 = arith.index_cast %add3A_764 : i32 to index
        %get3A_766 = tpu.vector_load %arg5[%get3A_765] {strides = array<i32>} : memref<100000xf32, #tpu.memory_space<vmem>>, vector<16xf32>,
        %get3A_767 = vector.shape_cast %get3A_766 : vector<16xf32> to vector<16xf32>
        %add3A_768 = arith.constant 64 : i32
        %add3A_769 = arith.addi %mul3A_747, %add3A_768 : i32
        %get3A_770 = arith.index_cast %add3A_769 : i32 to index
        %get3A_771 = tpu.vector_load %arg5[%get3A_770] {strides = array<i32>} : memref<100000xf32, #tpu.memory_space<vmem>>, vector<16xf32>,
        %get3A_772 = vector.shape_cast %get3A_771 : vector<16xf32> to vector<16xf32>
        %add3A_773 = arith.constant 80 : i32
        %add3A_774 = arith.addi %mul3A_747, %add3A_773 : i32
        %get3A_775 = arith.index_cast %add3A_774 : i32 to index
        %get3A_776 = tpu.vector_load %arg5[%get3A_775] {strides = array<i32>} : memref<100000xf32, #tpu.memory_space<vmem>>, vector<16xf32>,
        %get3A_777 = vector.shape_cast %get3A_776 : vector<16xf32> to vector<16xf32>
        %add3A_778 = arith.constant 96 : i32
        %add3A_779 = arith.addi %mul3A_747, %add3A_778 : i32
        %get3A_780 = arith.index_cast %add3A_779 : i32 to index
        %get3A_781 = tpu.vector_load %arg5[%get3A_780] {strides = array<i32>} : memref<100000xf32, #tpu.memory_space<vmem>>, vector<16xf32>,
        %get3A_782 = vector.shape_cast %get3A_781 : vector<16xf32> to vector<16xf32>
        %add3A_783 = arith.constant 112 : i32
        %add3A_784 = arith.addi %mul3A_747, %add3A_783 : i32
        %get3A_785 = arith.index_cast %add3A_784 : i32 to index
        %get3A_786 = tpu.vector_load %arg5[%get3A_785] {strides = array<i32>} : memref<100000xf32, #tpu.memory_space<vmem>>, vector<16xf32>,
        %get3A_787 = vector.shape_cast %get3A_786 : vector<16xf32> to vector<16xf32>
        %add3A_788 = arith.constant 128 : i32
        %add3A_789 = arith.addi %mul3A_747, %add3A_788 : i32
        %get3A_790 = arith.index_cast %add3A_789 : i32 to index
        %get3A_791 = tpu.vector_load %arg5[%get3A_790] {strides = array<i32>} : memref<100000xf32, #tpu.memory_space<vmem>>, vector<16xf32>,
        %get3A_792 = vector.shape_cast %get3A_791 : vector<16xf32> to vector<16xf32>
        %add3A_793 = arith.constant 144 : i32
        %add3A_794 = arith.addi %mul3A_747, %add3A_793 : i32
        %get3A_795 = arith.index_cast %add3A_794 : i32 to index
        %get3A_796 = tpu.vector_load %arg5[%get3A_795] {strides = array<i32>} : memref<100000xf32, #tpu.memory_space<vmem>>, vector<16xf32>,
        %get3A_797 = vector.shape_cast %get3A_796 : vector<16xf32> to vector<16xf32>
        %max3A_798 = arith.maximumf %get3A_752, %get3A_757 : vector<16xf32>
        %max3A_799 = arith.maximumf %get3A_762, %get3A_767 : vector<16xf32>
        %max3A_800 = arith.maximumf %get3A_772, %get3A_777 : vector<16xf32>
        %max3A_801 = arith.maximumf %get3A_782, %get3A_787 : vector<16xf32>
        %max3A_802 = arith.maximumf %get3A_792, %get3A_797 : vector<16xf32>
        %max3A_803 = arith.maximumf %max3A_798, %max3A_799 : vector<16xf32>
        %max3A_804 = arith.maximumf %max3A_800, %max3A_801 : vector<16xf32>
        %max3A_805 = arith.maximumf %max3A_803, %max3A_804 : vector<16xf32>
        %max3A_806 = arith.maximumf %max3A_805, %max3A_802 : vector<16xf32>
        %mul3A_807 = arith.constant 16 : i32
        %mul3A_808 = arith.muli %scan3A_140, %mul3A_807 : i32
        %add3A_809 = arith.constant 8 : i32
        %add3A_810 = arith.addi %mul3A_808, %add3A_809 : i32
        %mul3A_811 = arith.constant 16 : i32
        %mul3A_812 = arith.muli %add3A_810, %mul3A_811 : i32
        %swap3A_813 = arith.index_cast %mul3A_812 : i32 to index
        %swap3A_814 = tpu.vector_load %arg6[%swap3A_813] {strides = array<i32>} : memref<9984xf32, #tpu.memory_space<vmem>>, vector<16xf32>,
        %swap3A_815 = vector.shape_cast %swap3A_814 : vector<16xf32> to vector<16xf32>
        %swap3A_816 = vector.shape_cast %max3A_806 : vector<16xf32> to vector<16xf32>
        tpu.vector_store %arg6[%swap3A_813], %swap3A_816 {strides = array<i32>} : memref<9984xf32, #tpu.memory_space<vmem>>, vector<16xf32>,
        %mul3A_817 = arith.constant 16 : i32
        %mul3A_818 = arith.muli %scan3A_140, %mul3A_817 : i32
        %add3A_819 = arith.constant 9 : i32
        %add3A_820 = arith.addi %mul3A_818, %add3A_819 : i32
        %mul3A_821 = arith.constant 160 : i32
        %mul3A_822 = arith.muli %add3A_820, %mul3A_821 : i32
        %add3A_823 = arith.constant 0 : i32
        %add3A_824 = arith.addi %mul3A_822, %add3A_823 : i32
        %get3A_825 = arith.index_cast %add3A_824 : i32 to index
        %get3A_826 = tpu.vector_load %arg5[%get3A_825] {strides = array<i32>} : memref<100000xf32, #tpu.memory_space<vmem>>, vector<16xf32>,
        %get3A_827 = vector.shape_cast %get3A_826 : vector<16xf32> to vector<16xf32>
        %add3A_828 = arith.constant 16 : i32
        %add3A_829 = arith.addi %mul3A_822, %add3A_828 : i32
        %get3A_830 = arith.index_cast %add3A_829 : i32 to index
        %get3A_831 = tpu.vector_load %arg5[%get3A_830] {strides = array<i32>} : memref<100000xf32, #tpu.memory_space<vmem>>, vector<16xf32>,
        %get3A_832 = vector.shape_cast %get3A_831 : vector<16xf32> to vector<16xf32>
        %add3A_833 = arith.constant 32 : i32
        %add3A_834 = arith.addi %mul3A_822, %add3A_833 : i32
        %get3A_835 = arith.index_cast %add3A_834 : i32 to index
        %get3A_836 = tpu.vector_load %arg5[%get3A_835] {strides = array<i32>} : memref<100000xf32, #tpu.memory_space<vmem>>, vector<16xf32>,
        %get3A_837 = vector.shape_cast %get3A_836 : vector<16xf32> to vector<16xf32>
        %add3A_838 = arith.constant 48 : i32
        %add3A_839 = arith.addi %mul3A_822, %add3A_838 : i32
        %get3A_840 = arith.index_cast %add3A_839 : i32 to index
        %get3A_841 = tpu.vector_load %arg5[%get3A_840] {strides = array<i32>} : memref<100000xf32, #tpu.memory_space<vmem>>, vector<16xf32>,
        %get3A_842 = vector.shape_cast %get3A_841 : vector<16xf32> to vector<16xf32>
        %add3A_843 = arith.constant 64 : i32
        %add3A_844 = arith.addi %mul3A_822, %add3A_843 : i32
        %get3A_845 = arith.index_cast %add3A_844 : i32 to index
        %get3A_846 = tpu.vector_load %arg5[%get3A_845] {strides = array<i32>} : memref<100000xf32, #tpu.memory_space<vmem>>, vector<16xf32>,
        %get3A_847 = vector.shape_cast %get3A_846 : vector<16xf32> to vector<16xf32>
        %add3A_848 = arith.constant 80 : i32
        %add3A_849 = arith.addi %mul3A_822, %add3A_848 : i32
        %get3A_850 = arith.index_cast %add3A_849 : i32 to index
        %get3A_851 = tpu.vector_load %arg5[%get3A_850] {strides = array<i32>} : memref<100000xf32, #tpu.memory_space<vmem>>, vector<16xf32>,
        %get3A_852 = vector.shape_cast %get3A_851 : vector<16xf32> to vector<16xf32>
        %add3A_853 = arith.constant 96 : i32
        %add3A_854 = arith.addi %mul3A_822, %add3A_853 : i32
        %get3A_855 = arith.index_cast %add3A_854 : i32 to index
        %get3A_856 = tpu.vector_load %arg5[%get3A_855] {strides = array<i32>} : memref<100000xf32, #tpu.memory_space<vmem>>, vector<16xf32>,
        %get3A_857 = vector.shape_cast %get3A_856 : vector<16xf32> to vector<16xf32>
        %add3A_858 = arith.constant 112 : i32
        %add3A_859 = arith.addi %mul3A_822, %add3A_858 : i32
        %get3A_860 = arith.index_cast %add3A_859 : i32 to index
        %get3A_861 = tpu.vector_load %arg5[%get3A_860] {strides = array<i32>} : memref<100000xf32, #tpu.memory_space<vmem>>, vector<16xf32>,
        %get3A_862 = vector.shape_cast %get3A_861 : vector<16xf32> to vector<16xf32>
        %add3A_863 = arith.constant 128 : i32
        %add3A_864 = arith.addi %mul3A_822, %add3A_863 : i32
        %get3A_865 = arith.index_cast %add3A_864 : i32 to index
        %get3A_866 = tpu.vector_load %arg5[%get3A_865] {strides = array<i32>} : memref<100000xf32, #tpu.memory_space<vmem>>, vector<16xf32>,
        %get3A_867 = vector.shape_cast %get3A_866 : vector<16xf32> to vector<16xf32>
        %add3A_868 = arith.constant 144 : i32
        %add3A_869 = arith.addi %mul3A_822, %add3A_868 : i32
        %get3A_870 = arith.index_cast %add3A_869 : i32 to index
        %get3A_871 = tpu.vector_load %arg5[%get3A_870] {strides = array<i32>} : memref<100000xf32, #tpu.memory_space<vmem>>, vector<16xf32>,
        %get3A_872 = vector.shape_cast %get3A_871 : vector<16xf32> to vector<16xf32>
        %max3A_873 = arith.maximumf %get3A_827, %get3A_832 : vector<16xf32>
        %max3A_874 = arith.maximumf %get3A_837, %get3A_842 : vector<16xf32>
        %max3A_875 = arith.maximumf %get3A_847, %get3A_852 : vector<16xf32>
        %max3A_876 = arith.maximumf %get3A_857, %get3A_862 : vector<16xf32>
        %max3A_877 = arith.maximumf %get3A_867, %get3A_872 : vector<16xf32>
        %max3A_878 = arith.maximumf %max3A_873, %max3A_874 : vector<16xf32>
        %max3A_879 = arith.maximumf %max3A_875, %max3A_876 : vector<16xf32>
        %max3A_880 = arith.maximumf %max3A_878, %max3A_879 : vector<16xf32>
        %max3A_881 = arith.maximumf %max3A_880, %max3A_877 : vector<16xf32>
        %mul3A_882 = arith.constant 16 : i32
        %mul3A_883 = arith.muli %scan3A_140, %mul3A_882 : i32
        %add3A_884 = arith.constant 9 : i32
        %add3A_885 = arith.addi %mul3A_883, %add3A_884 : i32
        %mul3A_886 = arith.constant 16 : i32
        %mul3A_887 = arith.muli %add3A_885, %mul3A_886 : i32
        %swap3A_888 = arith.index_cast %mul3A_887 : i32 to index
        %swap3A_889 = tpu.vector_load %arg6[%swap3A_888] {strides = array<i32>} : memref<9984xf32, #tpu.memory_space<vmem>>, vector<16xf32>,
        %swap3A_890 = vector.shape_cast %swap3A_889 : vector<16xf32> to vector<16xf32>
        %swap3A_891 = vector.shape_cast %max3A_881 : vector<16xf32> to vector<16xf32>
        tpu.vector_store %arg6[%swap3A_888], %swap3A_891 {strides = array<i32>} : memref<9984xf32, #tpu.memory_space<vmem>>, vector<16xf32>,
        %mul3A_892 = arith.constant 16 : i32
        %mul3A_893 = arith.muli %scan3A_140, %mul3A_892 : i32
        %add3A_894 = arith.constant 10 : i32
        %add3A_895 = arith.addi %mul3A_893, %add3A_894 : i32
        %mul3A_896 = arith.constant 160 : i32
        %mul3A_897 = arith.muli %add3A_895, %mul3A_896 : i32
        %add3A_898 = arith.constant 0 : i32
        %add3A_899 = arith.addi %mul3A_897, %add3A_898 : i32
        %get3A_900 = arith.index_cast %add3A_899 : i32 to index
        %get3A_901 = tpu.vector_load %arg5[%get3A_900] {strides = array<i32>} : memref<100000xf32, #tpu.memory_space<vmem>>, vector<16xf32>,
        %get3A_902 = vector.shape_cast %get3A_901 : vector<16xf32> to vector<16xf32>
        %add3A_903 = arith.constant 16 : i32
        %add3A_904 = arith.addi %mul3A_897, %add3A_903 : i32
        %get3A_905 = arith.index_cast %add3A_904 : i32 to index
        %get3A_906 = tpu.vector_load %arg5[%get3A_905] {strides = array<i32>} : memref<100000xf32, #tpu.memory_space<vmem>>, vector<16xf32>,
        %get3A_907 = vector.shape_cast %get3A_906 : vector<16xf32> to vector<16xf32>
        %add3A_908 = arith.constant 32 : i32
        %add3A_909 = arith.addi %mul3A_897, %add3A_908 : i32
        %get3A_910 = arith.index_cast %add3A_909 : i32 to index
        %get3A_911 = tpu.vector_load %arg5[%get3A_910] {strides = array<i32>} : memref<100000xf32, #tpu.memory_space<vmem>>, vector<16xf32>,
        %get3A_912 = vector.shape_cast %get3A_911 : vector<16xf32> to vector<16xf32>
        %add3A_913 = arith.constant 48 : i32
        %add3A_914 = arith.addi %mul3A_897, %add3A_913 : i32
        %get3A_915 = arith.index_cast %add3A_914 : i32 to index
        %get3A_916 = tpu.vector_load %arg5[%get3A_915] {strides = array<i32>} : memref<100000xf32, #tpu.memory_space<vmem>>, vector<16xf32>,
        %get3A_917 = vector.shape_cast %get3A_916 : vector<16xf32> to vector<16xf32>
        %add3A_918 = arith.constant 64 : i32
        %add3A_919 = arith.addi %mul3A_897, %add3A_918 : i32
        %get3A_920 = arith.index_cast %add3A_919 : i32 to index
        %get3A_921 = tpu.vector_load %arg5[%get3A_920] {strides = array<i32>} : memref<100000xf32, #tpu.memory_space<vmem>>, vector<16xf32>,
        %get3A_922 = vector.shape_cast %get3A_921 : vector<16xf32> to vector<16xf32>
        %add3A_923 = arith.constant 80 : i32
        %add3A_924 = arith.addi %mul3A_897, %add3A_923 : i32
        %get3A_925 = arith.index_cast %add3A_924 : i32 to index
        %get3A_926 = tpu.vector_load %arg5[%get3A_925] {strides = array<i32>} : memref<100000xf32, #tpu.memory_space<vmem>>, vector<16xf32>,
        %get3A_927 = vector.shape_cast %get3A_926 : vector<16xf32> to vector<16xf32>
        %add3A_928 = arith.constant 96 : i32
        %add3A_929 = arith.addi %mul3A_897, %add3A_928 : i32
        %get3A_930 = arith.index_cast %add3A_929 : i32 to index
        %get3A_931 = tpu.vector_load %arg5[%get3A_930] {strides = array<i32>} : memref<100000xf32, #tpu.memory_space<vmem>>, vector<16xf32>,
        %get3A_932 = vector.shape_cast %get3A_931 : vector<16xf32> to vector<16xf32>
        %add3A_933 = arith.constant 112 : i32
        %add3A_934 = arith.addi %mul3A_897, %add3A_933 : i32
        %get3A_935 = arith.index_cast %add3A_934 : i32 to index
        %get3A_936 = tpu.vector_load %arg5[%get3A_935] {strides = array<i32>} : memref<100000xf32, #tpu.memory_space<vmem>>, vector<16xf32>,
        %get3A_937 = vector.shape_cast %get3A_936 : vector<16xf32> to vector<16xf32>
        %add3A_938 = arith.constant 128 : i32
        %add3A_939 = arith.addi %mul3A_897, %add3A_938 : i32
        %get3A_940 = arith.index_cast %add3A_939 : i32 to index
        %get3A_941 = tpu.vector_load %arg5[%get3A_940] {strides = array<i32>} : memref<100000xf32, #tpu.memory_space<vmem>>, vector<16xf32>,
        %get3A_942 = vector.shape_cast %get3A_941 : vector<16xf32> to vector<16xf32>
        %add3A_943 = arith.constant 144 : i32
        %add3A_944 = arith.addi %mul3A_897, %add3A_943 : i32
        %get3A_945 = arith.index_cast %add3A_944 : i32 to index
        %get3A_946 = tpu.vector_load %arg5[%get3A_945] {strides = array<i32>} : memref<100000xf32, #tpu.memory_space<vmem>>, vector<16xf32>,
        %get3A_947 = vector.shape_cast %get3A_946 : vector<16xf32> to vector<16xf32>
        %max3A_948 = arith.maximumf %get3A_902, %get3A_907 : vector<16xf32>
        %max3A_949 = arith.maximumf %get3A_912, %get3A_917 : vector<16xf32>
        %max3A_950 = arith.maximumf %get3A_922, %get3A_927 : vector<16xf32>
        %max3A_951 = arith.maximumf %get3A_932, %get3A_937 : vector<16xf32>
        %max3A_952 = arith.maximumf %get3A_942, %get3A_947 : vector<16xf32>
        %max3A_953 = arith.maximumf %max3A_948, %max3A_949 : vector<16xf32>
        %max3A_954 = arith.maximumf %max3A_950, %max3A_951 : vector<16xf32>
        %max3A_955 = arith.maximumf %max3A_953, %max3A_954 : vector<16xf32>
        %max3A_956 = arith.maximumf %max3A_955, %max3A_952 : vector<16xf32>
        %mul3A_957 = arith.constant 16 : i32
        %mul3A_958 = arith.muli %scan3A_140, %mul3A_957 : i32
        %add3A_959 = arith.constant 10 : i32
        %add3A_960 = arith.addi %mul3A_958, %add3A_959 : i32
        %mul3A_961 = arith.constant 16 : i32
        %mul3A_962 = arith.muli %add3A_960, %mul3A_961 : i32
        %swap3A_963 = arith.index_cast %mul3A_962 : i32 to index
        %swap3A_964 = tpu.vector_load %arg6[%swap3A_963] {strides = array<i32>} : memref<9984xf32, #tpu.memory_space<vmem>>, vector<16xf32>,
        %swap3A_965 = vector.shape_cast %swap3A_964 : vector<16xf32> to vector<16xf32>
        %swap3A_966 = vector.shape_cast %max3A_956 : vector<16xf32> to vector<16xf32>
        tpu.vector_store %arg6[%swap3A_963], %swap3A_966 {strides = array<i32>} : memref<9984xf32, #tpu.memory_space<vmem>>, vector<16xf32>,
        %mul3A_967 = arith.constant 16 : i32
        %mul3A_968 = arith.muli %scan3A_140, %mul3A_967 : i32
        %add3A_969 = arith.constant 11 : i32
        %add3A_970 = arith.addi %mul3A_968, %add3A_969 : i32
        %mul3A_971 = arith.constant 160 : i32
        %mul3A_972 = arith.muli %add3A_970, %mul3A_971 : i32
        %add3A_973 = arith.constant 0 : i32
        %add3A_974 = arith.addi %mul3A_972, %add3A_973 : i32
        %get3A_975 = arith.index_cast %add3A_974 : i32 to index
        %get3A_976 = tpu.vector_load %arg5[%get3A_975] {strides = array<i32>} : memref<100000xf32, #tpu.memory_space<vmem>>, vector<16xf32>,
        %get3A_977 = vector.shape_cast %get3A_976 : vector<16xf32> to vector<16xf32>
        %add3A_978 = arith.constant 16 : i32
        %add3A_979 = arith.addi %mul3A_972, %add3A_978 : i32
        %get3A_980 = arith.index_cast %add3A_979 : i32 to index
        %get3A_981 = tpu.vector_load %arg5[%get3A_980] {strides = array<i32>} : memref<100000xf32, #tpu.memory_space<vmem>>, vector<16xf32>,
        %get3A_982 = vector.shape_cast %get3A_981 : vector<16xf32> to vector<16xf32>
        %add3A_983 = arith.constant 32 : i32
        %add3A_984 = arith.addi %mul3A_972, %add3A_983 : i32
        %get3A_985 = arith.index_cast %add3A_984 : i32 to index
        %get3A_986 = tpu.vector_load %arg5[%get3A_985] {strides = array<i32>} : memref<100000xf32, #tpu.memory_space<vmem>>, vector<16xf32>,
        %get3A_987 = vector.shape_cast %get3A_986 : vector<16xf32> to vector<16xf32>
        %add3A_988 = arith.constant 48 : i32
        %add3A_989 = arith.addi %mul3A_972, %add3A_988 : i32
        %get3A_990 = arith.index_cast %add3A_989 : i32 to index
        %get3A_991 = tpu.vector_load %arg5[%get3A_990] {strides = array<i32>} : memref<100000xf32, #tpu.memory_space<vmem>>, vector<16xf32>,
        %get3A_992 = vector.shape_cast %get3A_991 : vector<16xf32> to vector<16xf32>
        %add3A_993 = arith.constant 64 : i32
        %add3A_994 = arith.addi %mul3A_972, %add3A_993 : i32
        %get3A_995 = arith.index_cast %add3A_994 : i32 to index
        %get3A_996 = tpu.vector_load %arg5[%get3A_995] {strides = array<i32>} : memref<100000xf32, #tpu.memory_space<vmem>>, vector<16xf32>,
        %get3A_997 = vector.shape_cast %get3A_996 : vector<16xf32> to vector<16xf32>
        %add3A_998 = arith.constant 80 : i32
        %add3A_999 = arith.addi %mul3A_972, %add3A_998 : i32
        %get3A_1000 = arith.index_cast %add3A_999 : i32 to index
        %get3A_1001 = tpu.vector_load %arg5[%get3A_1000] {strides = array<i32>} : memref<100000xf32, #tpu.memory_space<vmem>>, vector<16xf32>,
        %get3A_1002 = vector.shape_cast %get3A_1001 : vector<16xf32> to vector<16xf32>
        %add3A_1003 = arith.constant 96 : i32
        %add3A_1004 = arith.addi %mul3A_972, %add3A_1003 : i32
        %get3A_1005 = arith.index_cast %add3A_1004 : i32 to index
        %get3A_1006 = tpu.vector_load %arg5[%get3A_1005] {strides = array<i32>} : memref<100000xf32, #tpu.memory_space<vmem>>, vector<16xf32>,
        %get3A_1007 = vector.shape_cast %get3A_1006 : vector<16xf32> to vector<16xf32>
        %add3A_1008 = arith.constant 112 : i32
        %add3A_1009 = arith.addi %mul3A_972, %add3A_1008 : i32
        %get3A_1010 = arith.index_cast %add3A_1009 : i32 to index
        %get3A_1011 = tpu.vector_load %arg5[%get3A_1010] {strides = array<i32>} : memref<100000xf32, #tpu.memory_space<vmem>>, vector<16xf32>,
        %get3A_1012 = vector.shape_cast %get3A_1011 : vector<16xf32> to vector<16xf32>
        %add3A_1013 = arith.constant 128 : i32
        %add3A_1014 = arith.addi %mul3A_972, %add3A_1013 : i32
        %get3A_1015 = arith.index_cast %add3A_1014 : i32 to index
        %get3A_1016 = tpu.vector_load %arg5[%get3A_1015] {strides = array<i32>} : memref<100000xf32, #tpu.memory_space<vmem>>, vector<16xf32>,
        %get3A_1017 = vector.shape_cast %get3A_1016 : vector<16xf32> to vector<16xf32>
        %add3A_1018 = arith.constant 144 : i32
        %add3A_1019 = arith.addi %mul3A_972, %add3A_1018 : i32
        %get3A_1020 = arith.index_cast %add3A_1019 : i32 to index
        %get3A_1021 = tpu.vector_load %arg5[%get3A_1020] {strides = array<i32>} : memref<100000xf32, #tpu.memory_space<vmem>>, vector<16xf32>,
        %get3A_1022 = vector.shape_cast %get3A_1021 : vector<16xf32> to vector<16xf32>
        %max3A_1023 = arith.maximumf %get3A_977, %get3A_982 : vector<16xf32>
        %max3A_1024 = arith.maximumf %get3A_987, %get3A_992 : vector<16xf32>
        %max3A_1025 = arith.maximumf %get3A_997, %get3A_1002 : vector<16xf32>
        %max3A_1026 = arith.maximumf %get3A_1007, %get3A_1012 : vector<16xf32>
        %max3A_1027 = arith.maximumf %get3A_1017, %get3A_1022 : vector<16xf32>
        %max3A_1028 = arith.maximumf %max3A_1023, %max3A_1024 : vector<16xf32>
        %max3A_1029 = arith.maximumf %max3A_1025, %max3A_1026 : vector<16xf32>
        %max3A_1030 = arith.maximumf %max3A_1028, %max3A_1029 : vector<16xf32>
        %max3A_1031 = arith.maximumf %max3A_1030, %max3A_1027 : vector<16xf32>
        %mul3A_1032 = arith.constant 16 : i32
        %mul3A_1033 = arith.muli %scan3A_140, %mul3A_1032 : i32
        %add3A_1034 = arith.constant 11 : i32
        %add3A_1035 = arith.addi %mul3A_1033, %add3A_1034 : i32
        %mul3A_1036 = arith.constant 16 : i32
        %mul3A_1037 = arith.muli %add3A_1035, %mul3A_1036 : i32
        %swap3A_1038 = arith.index_cast %mul3A_1037 : i32 to index
        %swap3A_1039 = tpu.vector_load %arg6[%swap3A_1038] {strides = array<i32>} : memref<9984xf32, #tpu.memory_space<vmem>>, vector<16xf32>,
        %swap3A_1040 = vector.shape_cast %swap3A_1039 : vector<16xf32> to vector<16xf32>
        %swap3A_1041 = vector.shape_cast %max3A_1031 : vector<16xf32> to vector<16xf32>
        tpu.vector_store %arg6[%swap3A_1038], %swap3A_1041 {strides = array<i32>} : memref<9984xf32, #tpu.memory_space<vmem>>, vector<16xf32>,
        %mul3A_1042 = arith.constant 16 : i32
        %mul3A_1043 = arith.muli %scan3A_140, %mul3A_1042 : i32
        %add3A_1044 = arith.constant 12 : i32
        %add3A_1045 = arith.addi %mul3A_1043, %add3A_1044 : i32
        %mul3A_1046 = arith.constant 160 : i32
        %mul3A_1047 = arith.muli %add3A_1045, %mul3A_1046 : i32
        %add3A_1048 = arith.constant 0 : i32
        %add3A_1049 = arith.addi %mul3A_1047, %add3A_1048 : i32
        %get3A_1050 = arith.index_cast %add3A_1049 : i32 to index
        %get3A_1051 = tpu.vector_load %arg5[%get3A_1050] {strides = array<i32>} : memref<100000xf32, #tpu.memory_space<vmem>>, vector<16xf32>,
        %get3A_1052 = vector.shape_cast %get3A_1051 : vector<16xf32> to vector<16xf32>
        %add3A_1053 = arith.constant 16 : i32
        %add3A_1054 = arith.addi %mul3A_1047, %add3A_1053 : i32
        %get3A_1055 = arith.index_cast %add3A_1054 : i32 to index
        %get3A_1056 = tpu.vector_load %arg5[%get3A_1055] {strides = array<i32>} : memref<100000xf32, #tpu.memory_space<vmem>>, vector<16xf32>,
        %get3A_1057 = vector.shape_cast %get3A_1056 : vector<16xf32> to vector<16xf32>
        %add3A_1058 = arith.constant 32 : i32
        %add3A_1059 = arith.addi %mul3A_1047, %add3A_1058 : i32
        %get3A_1060 = arith.index_cast %add3A_1059 : i32 to index
        %get3A_1061 = tpu.vector_load %arg5[%get3A_1060] {strides = array<i32>} : memref<100000xf32, #tpu.memory_space<vmem>>, vector<16xf32>,
        %get3A_1062 = vector.shape_cast %get3A_1061 : vector<16xf32> to vector<16xf32>
        %add3A_1063 = arith.constant 48 : i32
        %add3A_1064 = arith.addi %mul3A_1047, %add3A_1063 : i32
        %get3A_1065 = arith.index_cast %add3A_1064 : i32 to index
        %get3A_1066 = tpu.vector_load %arg5[%get3A_1065] {strides = array<i32>} : memref<100000xf32, #tpu.memory_space<vmem>>, vector<16xf32>,
        %get3A_1067 = vector.shape_cast %get3A_1066 : vector<16xf32> to vector<16xf32>
        %add3A_1068 = arith.constant 64 : i32
        %add3A_1069 = arith.addi %mul3A_1047, %add3A_1068 : i32
        %get3A_1070 = arith.index_cast %add3A_1069 : i32 to index
        %get3A_1071 = tpu.vector_load %arg5[%get3A_1070] {strides = array<i32>} : memref<100000xf32, #tpu.memory_space<vmem>>, vector<16xf32>,
        %get3A_1072 = vector.shape_cast %get3A_1071 : vector<16xf32> to vector<16xf32>
        %add3A_1073 = arith.constant 80 : i32
        %add3A_1074 = arith.addi %mul3A_1047, %add3A_1073 : i32
        %get3A_1075 = arith.index_cast %add3A_1074 : i32 to index
        %get3A_1076 = tpu.vector_load %arg5[%get3A_1075] {strides = array<i32>} : memref<100000xf32, #tpu.memory_space<vmem>>, vector<16xf32>,
        %get3A_1077 = vector.shape_cast %get3A_1076 : vector<16xf32> to vector<16xf32>
        %add3A_1078 = arith.constant 96 : i32
        %add3A_1079 = arith.addi %mul3A_1047, %add3A_1078 : i32
        %get3A_1080 = arith.index_cast %add3A_1079 : i32 to index
        %get3A_1081 = tpu.vector_load %arg5[%get3A_1080] {strides = array<i32>} : memref<100000xf32, #tpu.memory_space<vmem>>, vector<16xf32>,
        %get3A_1082 = vector.shape_cast %get3A_1081 : vector<16xf32> to vector<16xf32>
        %add3A_1083 = arith.constant 112 : i32
        %add3A_1084 = arith.addi %mul3A_1047, %add3A_1083 : i32
        %get3A_1085 = arith.index_cast %add3A_1084 : i32 to index
        %get3A_1086 = tpu.vector_load %arg5[%get3A_1085] {strides = array<i32>} : memref<100000xf32, #tpu.memory_space<vmem>>, vector<16xf32>,
        %get3A_1087 = vector.shape_cast %get3A_1086 : vector<16xf32> to vector<16xf32>
        %add3A_1088 = arith.constant 128 : i32
        %add3A_1089 = arith.addi %mul3A_1047, %add3A_1088 : i32
        %get3A_1090 = arith.index_cast %add3A_1089 : i32 to index
        %get3A_1091 = tpu.vector_load %arg5[%get3A_1090] {strides = array<i32>} : memref<100000xf32, #tpu.memory_space<vmem>>, vector<16xf32>,
        %get3A_1092 = vector.shape_cast %get3A_1091 : vector<16xf32> to vector<16xf32>
        %add3A_1093 = arith.constant 144 : i32
        %add3A_1094 = arith.addi %mul3A_1047, %add3A_1093 : i32
        %get3A_1095 = arith.index_cast %add3A_1094 : i32 to index
        %get3A_1096 = tpu.vector_load %arg5[%get3A_1095] {strides = array<i32>} : memref<100000xf32, #tpu.memory_space<vmem>>, vector<16xf32>,
        %get3A_1097 = vector.shape_cast %get3A_1096 : vector<16xf32> to vector<16xf32>
        %max3A_1098 = arith.maximumf %get3A_1052, %get3A_1057 : vector<16xf32>
        %max3A_1099 = arith.maximumf %get3A_1062, %get3A_1067 : vector<16xf32>
        %max3A_1100 = arith.maximumf %get3A_1072, %get3A_1077 : vector<16xf32>
        %max3A_1101 = arith.maximumf %get3A_1082, %get3A_1087 : vector<16xf32>
        %max3A_1102 = arith.maximumf %get3A_1092, %get3A_1097 : vector<16xf32>
        %max3A_1103 = arith.maximumf %max3A_1098, %max3A_1099 : vector<16xf32>
        %max3A_1104 = arith.maximumf %max3A_1100, %max3A_1101 : vector<16xf32>
        %max3A_1105 = arith.maximumf %max3A_1103, %max3A_1104 : vector<16xf32>
        %max3A_1106 = arith.maximumf %max3A_1105, %max3A_1102 : vector<16xf32>
        %mul3A_1107 = arith.constant 16 : i32
        %mul3A_1108 = arith.muli %scan3A_140, %mul3A_1107 : i32
        %add3A_1109 = arith.constant 12 : i32
        %add3A_1110 = arith.addi %mul3A_1108, %add3A_1109 : i32
        %mul3A_1111 = arith.constant 16 : i32
        %mul3A_1112 = arith.muli %add3A_1110, %mul3A_1111 : i32
        %swap3A_1113 = arith.index_cast %mul3A_1112 : i32 to index
        %swap3A_1114 = tpu.vector_load %arg6[%swap3A_1113] {strides = array<i32>} : memref<9984xf32, #tpu.memory_space<vmem>>, vector<16xf32>,
        %swap3A_1115 = vector.shape_cast %swap3A_1114 : vector<16xf32> to vector<16xf32>
        %swap3A_1116 = vector.shape_cast %max3A_1106 : vector<16xf32> to vector<16xf32>
        tpu.vector_store %arg6[%swap3A_1113], %swap3A_1116 {strides = array<i32>} : memref<9984xf32, #tpu.memory_space<vmem>>, vector<16xf32>,
        %mul3A_1117 = arith.constant 16 : i32
        %mul3A_1118 = arith.muli %scan3A_140, %mul3A_1117 : i32
        %add3A_1119 = arith.constant 13 : i32
        %add3A_1120 = arith.addi %mul3A_1118, %add3A_1119 : i32
        %mul3A_1121 = arith.constant 160 : i32
        %mul3A_1122 = arith.muli %add3A_1120, %mul3A_1121 : i32
        %add3A_1123 = arith.constant 0 : i32
        %add3A_1124 = arith.addi %mul3A_1122, %add3A_1123 : i32
        %get3A_1125 = arith.index_cast %add3A_1124 : i32 to index
        %get3A_1126 = tpu.vector_load %arg5[%get3A_1125] {strides = array<i32>} : memref<100000xf32, #tpu.memory_space<vmem>>, vector<16xf32>,
        %get3A_1127 = vector.shape_cast %get3A_1126 : vector<16xf32> to vector<16xf32>
        %add3A_1128 = arith.constant 16 : i32
        %add3A_1129 = arith.addi %mul3A_1122, %add3A_1128 : i32
        %get3A_1130 = arith.index_cast %add3A_1129 : i32 to index
        %get3A_1131 = tpu.vector_load %arg5[%get3A_1130] {strides = array<i32>} : memref<100000xf32, #tpu.memory_space<vmem>>, vector<16xf32>,
        %get3A_1132 = vector.shape_cast %get3A_1131 : vector<16xf32> to vector<16xf32>
        %add3A_1133 = arith.constant 32 : i32
        %add3A_1134 = arith.addi %mul3A_1122, %add3A_1133 : i32
        %get3A_1135 = arith.index_cast %add3A_1134 : i32 to index
        %get3A_1136 = tpu.vector_load %arg5[%get3A_1135] {strides = array<i32>} : memref<100000xf32, #tpu.memory_space<vmem>>, vector<16xf32>,
        %get3A_1137 = vector.shape_cast %get3A_1136 : vector<16xf32> to vector<16xf32>
        %add3A_1138 = arith.constant 48 : i32
        %add3A_1139 = arith.addi %mul3A_1122, %add3A_1138 : i32
        %get3A_1140 = arith.index_cast %add3A_1139 : i32 to index
        %get3A_1141 = tpu.vector_load %arg5[%get3A_1140] {strides = array<i32>} : memref<100000xf32, #tpu.memory_space<vmem>>, vector<16xf32>,
        %get3A_1142 = vector.shape_cast %get3A_1141 : vector<16xf32> to vector<16xf32>
        %add3A_1143 = arith.constant 64 : i32
        %add3A_1144 = arith.addi %mul3A_1122, %add3A_1143 : i32
        %get3A_1145 = arith.index_cast %add3A_1144 : i32 to index
        %get3A_1146 = tpu.vector_load %arg5[%get3A_1145] {strides = array<i32>} : memref<100000xf32, #tpu.memory_space<vmem>>, vector<16xf32>,
        %get3A_1147 = vector.shape_cast %get3A_1146 : vector<16xf32> to vector<16xf32>
        %add3A_1148 = arith.constant 80 : i32
        %add3A_1149 = arith.addi %mul3A_1122, %add3A_1148 : i32
        %get3A_1150 = arith.index_cast %add3A_1149 : i32 to index
        %get3A_1151 = tpu.vector_load %arg5[%get3A_1150] {strides = array<i32>} : memref<100000xf32, #tpu.memory_space<vmem>>, vector<16xf32>,
        %get3A_1152 = vector.shape_cast %get3A_1151 : vector<16xf32> to vector<16xf32>
        %add3A_1153 = arith.constant 96 : i32
        %add3A_1154 = arith.addi %mul3A_1122, %add3A_1153 : i32
        %get3A_1155 = arith.index_cast %add3A_1154 : i32 to index
        %get3A_1156 = tpu.vector_load %arg5[%get3A_1155] {strides = array<i32>} : memref<100000xf32, #tpu.memory_space<vmem>>, vector<16xf32>,
        %get3A_1157 = vector.shape_cast %get3A_1156 : vector<16xf32> to vector<16xf32>
        %add3A_1158 = arith.constant 112 : i32
        %add3A_1159 = arith.addi %mul3A_1122, %add3A_1158 : i32
        %get3A_1160 = arith.index_cast %add3A_1159 : i32 to index
        %get3A_1161 = tpu.vector_load %arg5[%get3A_1160] {strides = array<i32>} : memref<100000xf32, #tpu.memory_space<vmem>>, vector<16xf32>,
        %get3A_1162 = vector.shape_cast %get3A_1161 : vector<16xf32> to vector<16xf32>
        %add3A_1163 = arith.constant 128 : i32
        %add3A_1164 = arith.addi %mul3A_1122, %add3A_1163 : i32
        %get3A_1165 = arith.index_cast %add3A_1164 : i32 to index
        %get3A_1166 = tpu.vector_load %arg5[%get3A_1165] {strides = array<i32>} : memref<100000xf32, #tpu.memory_space<vmem>>, vector<16xf32>,
        %get3A_1167 = vector.shape_cast %get3A_1166 : vector<16xf32> to vector<16xf32>
        %add3A_1168 = arith.constant 144 : i32
        %add3A_1169 = arith.addi %mul3A_1122, %add3A_1168 : i32
        %get3A_1170 = arith.index_cast %add3A_1169 : i32 to index
        %get3A_1171 = tpu.vector_load %arg5[%get3A_1170] {strides = array<i32>} : memref<100000xf32, #tpu.memory_space<vmem>>, vector<16xf32>,
        %get3A_1172 = vector.shape_cast %get3A_1171 : vector<16xf32> to vector<16xf32>
        %max3A_1173 = arith.maximumf %get3A_1127, %get3A_1132 : vector<16xf32>
        %max3A_1174 = arith.maximumf %get3A_1137, %get3A_1142 : vector<16xf32>
        %max3A_1175 = arith.maximumf %get3A_1147, %get3A_1152 : vector<16xf32>
        %max3A_1176 = arith.maximumf %get3A_1157, %get3A_1162 : vector<16xf32>
        %max3A_1177 = arith.maximumf %get3A_1167, %get3A_1172 : vector<16xf32>
        %max3A_1178 = arith.maximumf %max3A_1173, %max3A_1174 : vector<16xf32>
        %max3A_1179 = arith.maximumf %max3A_1175, %max3A_1176 : vector<16xf32>
        %max3A_1180 = arith.maximumf %max3A_1178, %max3A_1179 : vector<16xf32>
        %max3A_1181 = arith.maximumf %max3A_1180, %max3A_1177 : vector<16xf32>
        %mul3A_1182 = arith.constant 16 : i32
        %mul3A_1183 = arith.muli %scan3A_140, %mul3A_1182 : i32
        %add3A_1184 = arith.constant 13 : i32
        %add3A_1185 = arith.addi %mul3A_1183, %add3A_1184 : i32
        %mul3A_1186 = arith.constant 16 : i32
        %mul3A_1187 = arith.muli %add3A_1185, %mul3A_1186 : i32
        %swap3A_1188 = arith.index_cast %mul3A_1187 : i32 to index
        %swap3A_1189 = tpu.vector_load %arg6[%swap3A_1188] {strides = array<i32>} : memref<9984xf32, #tpu.memory_space<vmem>>, vector<16xf32>,
        %swap3A_1190 = vector.shape_cast %swap3A_1189 : vector<16xf32> to vector<16xf32>
        %swap3A_1191 = vector.shape_cast %max3A_1181 : vector<16xf32> to vector<16xf32>
        tpu.vector_store %arg6[%swap3A_1188], %swap3A_1191 {strides = array<i32>} : memref<9984xf32, #tpu.memory_space<vmem>>, vector<16xf32>,
        %mul3A_1192 = arith.constant 16 : i32
        %mul3A_1193 = arith.muli %scan3A_140, %mul3A_1192 : i32
        %add3A_1194 = arith.constant 14 : i32
        %add3A_1195 = arith.addi %mul3A_1193, %add3A_1194 : i32
        %mul3A_1196 = arith.constant 160 : i32
        %mul3A_1197 = arith.muli %add3A_1195, %mul3A_1196 : i32
        %add3A_1198 = arith.constant 0 : i32
        %add3A_1199 = arith.addi %mul3A_1197, %add3A_1198 : i32
        %get3A_1200 = arith.index_cast %add3A_1199 : i32 to index
        %get3A_1201 = tpu.vector_load %arg5[%get3A_1200] {strides = array<i32>} : memref<100000xf32, #tpu.memory_space<vmem>>, vector<16xf32>,
        %get3A_1202 = vector.shape_cast %get3A_1201 : vector<16xf32> to vector<16xf32>
        %add3A_1203 = arith.constant 16 : i32
        %add3A_1204 = arith.addi %mul3A_1197, %add3A_1203 : i32
        %get3A_1205 = arith.index_cast %add3A_1204 : i32 to index
        %get3A_1206 = tpu.vector_load %arg5[%get3A_1205] {strides = array<i32>} : memref<100000xf32, #tpu.memory_space<vmem>>, vector<16xf32>,
        %get3A_1207 = vector.shape_cast %get3A_1206 : vector<16xf32> to vector<16xf32>
        %add3A_1208 = arith.constant 32 : i32
        %add3A_1209 = arith.addi %mul3A_1197, %add3A_1208 : i32
        %get3A_1210 = arith.index_cast %add3A_1209 : i32 to index
        %get3A_1211 = tpu.vector_load %arg5[%get3A_1210] {strides = array<i32>} : memref<100000xf32, #tpu.memory_space<vmem>>, vector<16xf32>,
        %get3A_1212 = vector.shape_cast %get3A_1211 : vector<16xf32> to vector<16xf32>
        %add3A_1213 = arith.constant 48 : i32
        %add3A_1214 = arith.addi %mul3A_1197, %add3A_1213 : i32
        %get3A_1215 = arith.index_cast %add3A_1214 : i32 to index
        %get3A_1216 = tpu.vector_load %arg5[%get3A_1215] {strides = array<i32>} : memref<100000xf32, #tpu.memory_space<vmem>>, vector<16xf32>,
        %get3A_1217 = vector.shape_cast %get3A_1216 : vector<16xf32> to vector<16xf32>
        %add3A_1218 = arith.constant 64 : i32
        %add3A_1219 = arith.addi %mul3A_1197, %add3A_1218 : i32
        %get3A_1220 = arith.index_cast %add3A_1219 : i32 to index
        %get3A_1221 = tpu.vector_load %arg5[%get3A_1220] {strides = array<i32>} : memref<100000xf32, #tpu.memory_space<vmem>>, vector<16xf32>,
        %get3A_1222 = vector.shape_cast %get3A_1221 : vector<16xf32> to vector<16xf32>
        %add3A_1223 = arith.constant 80 : i32
        %add3A_1224 = arith.addi %mul3A_1197, %add3A_1223 : i32
        %get3A_1225 = arith.index_cast %add3A_1224 : i32 to index
        %get3A_1226 = tpu.vector_load %arg5[%get3A_1225] {strides = array<i32>} : memref<100000xf32, #tpu.memory_space<vmem>>, vector<16xf32>,
        %get3A_1227 = vector.shape_cast %get3A_1226 : vector<16xf32> to vector<16xf32>
        %add3A_1228 = arith.constant 96 : i32
        %add3A_1229 = arith.addi %mul3A_1197, %add3A_1228 : i32
        %get3A_1230 = arith.index_cast %add3A_1229 : i32 to index
        %get3A_1231 = tpu.vector_load %arg5[%get3A_1230] {strides = array<i32>} : memref<100000xf32, #tpu.memory_space<vmem>>, vector<16xf32>,
        %get3A_1232 = vector.shape_cast %get3A_1231 : vector<16xf32> to vector<16xf32>
        %add3A_1233 = arith.constant 112 : i32
        %add3A_1234 = arith.addi %mul3A_1197, %add3A_1233 : i32
        %get3A_1235 = arith.index_cast %add3A_1234 : i32 to index
        %get3A_1236 = tpu.vector_load %arg5[%get3A_1235] {strides = array<i32>} : memref<100000xf32, #tpu.memory_space<vmem>>, vector<16xf32>,
        %get3A_1237 = vector.shape_cast %get3A_1236 : vector<16xf32> to vector<16xf32>
        %add3A_1238 = arith.constant 128 : i32
        %add3A_1239 = arith.addi %mul3A_1197, %add3A_1238 : i32
        %get3A_1240 = arith.index_cast %add3A_1239 : i32 to index
        %get3A_1241 = tpu.vector_load %arg5[%get3A_1240] {strides = array<i32>} : memref<100000xf32, #tpu.memory_space<vmem>>, vector<16xf32>,
        %get3A_1242 = vector.shape_cast %get3A_1241 : vector<16xf32> to vector<16xf32>
        %add3A_1243 = arith.constant 144 : i32
        %add3A_1244 = arith.addi %mul3A_1197, %add3A_1243 : i32
        %get3A_1245 = arith.index_cast %add3A_1244 : i32 to index
        %get3A_1246 = tpu.vector_load %arg5[%get3A_1245] {strides = array<i32>} : memref<100000xf32, #tpu.memory_space<vmem>>, vector<16xf32>,
        %get3A_1247 = vector.shape_cast %get3A_1246 : vector<16xf32> to vector<16xf32>
        %max3A_1248 = arith.maximumf %get3A_1202, %get3A_1207 : vector<16xf32>
        %max3A_1249 = arith.maximumf %get3A_1212, %get3A_1217 : vector<16xf32>
        %max3A_1250 = arith.maximumf %get3A_1222, %get3A_1227 : vector<16xf32>
        %max3A_1251 = arith.maximumf %get3A_1232, %get3A_1237 : vector<16xf32>
        %max3A_1252 = arith.maximumf %get3A_1242, %get3A_1247 : vector<16xf32>
        %max3A_1253 = arith.maximumf %max3A_1248, %max3A_1249 : vector<16xf32>
        %max3A_1254 = arith.maximumf %max3A_1250, %max3A_1251 : vector<16xf32>
        %max3A_1255 = arith.maximumf %max3A_1253, %max3A_1254 : vector<16xf32>
        %max3A_1256 = arith.maximumf %max3A_1255, %max3A_1252 : vector<16xf32>
        %mul3A_1257 = arith.constant 16 : i32
        %mul3A_1258 = arith.muli %scan3A_140, %mul3A_1257 : i32
        %add3A_1259 = arith.constant 14 : i32
        %add3A_1260 = arith.addi %mul3A_1258, %add3A_1259 : i32
        %mul3A_1261 = arith.constant 16 : i32
        %mul3A_1262 = arith.muli %add3A_1260, %mul3A_1261 : i32
        %swap3A_1263 = arith.index_cast %mul3A_1262 : i32 to index
        %swap3A_1264 = tpu.vector_load %arg6[%swap3A_1263] {strides = array<i32>} : memref<9984xf32, #tpu.memory_space<vmem>>, vector<16xf32>,
        %swap3A_1265 = vector.shape_cast %swap3A_1264 : vector<16xf32> to vector<16xf32>
        %swap3A_1266 = vector.shape_cast %max3A_1256 : vector<16xf32> to vector<16xf32>
        tpu.vector_store %arg6[%swap3A_1263], %swap3A_1266 {strides = array<i32>} : memref<9984xf32, #tpu.memory_space<vmem>>, vector<16xf32>,
        %mul3A_1267 = arith.constant 16 : i32
        %mul3A_1268 = arith.muli %scan3A_140, %mul3A_1267 : i32
        %add3A_1269 = arith.constant 15 : i32
        %add3A_1270 = arith.addi %mul3A_1268, %add3A_1269 : i32
        %mul3A_1271 = arith.constant 160 : i32
        %mul3A_1272 = arith.muli %add3A_1270, %mul3A_1271 : i32
        %add3A_1273 = arith.constant 0 : i32
        %add3A_1274 = arith.addi %mul3A_1272, %add3A_1273 : i32
        %get3A_1275 = arith.index_cast %add3A_1274 : i32 to index
        %get3A_1276 = tpu.vector_load %arg5[%get3A_1275] {strides = array<i32>} : memref<100000xf32, #tpu.memory_space<vmem>>, vector<16xf32>,
        %get3A_1277 = vector.shape_cast %get3A_1276 : vector<16xf32> to vector<16xf32>
        %add3A_1278 = arith.constant 16 : i32
        %add3A_1279 = arith.addi %mul3A_1272, %add3A_1278 : i32
        %get3A_1280 = arith.index_cast %add3A_1279 : i32 to index
        %get3A_1281 = tpu.vector_load %arg5[%get3A_1280] {strides = array<i32>} : memref<100000xf32, #tpu.memory_space<vmem>>, vector<16xf32>,
        %get3A_1282 = vector.shape_cast %get3A_1281 : vector<16xf32> to vector<16xf32>
        %add3A_1283 = arith.constant 32 : i32
        %add3A_1284 = arith.addi %mul3A_1272, %add3A_1283 : i32
        %get3A_1285 = arith.index_cast %add3A_1284 : i32 to index
        %get3A_1286 = tpu.vector_load %arg5[%get3A_1285] {strides = array<i32>} : memref<100000xf32, #tpu.memory_space<vmem>>, vector<16xf32>,
        %get3A_1287 = vector.shape_cast %get3A_1286 : vector<16xf32> to vector<16xf32>
        %add3A_1288 = arith.constant 48 : i32
        %add3A_1289 = arith.addi %mul3A_1272, %add3A_1288 : i32
        %get3A_1290 = arith.index_cast %add3A_1289 : i32 to index
        %get3A_1291 = tpu.vector_load %arg5[%get3A_1290] {strides = array<i32>} : memref<100000xf32, #tpu.memory_space<vmem>>, vector<16xf32>,
        %get3A_1292 = vector.shape_cast %get3A_1291 : vector<16xf32> to vector<16xf32>
        %add3A_1293 = arith.constant 64 : i32
        %add3A_1294 = arith.addi %mul3A_1272, %add3A_1293 : i32
        %get3A_1295 = arith.index_cast %add3A_1294 : i32 to index
        %get3A_1296 = tpu.vector_load %arg5[%get3A_1295] {strides = array<i32>} : memref<100000xf32, #tpu.memory_space<vmem>>, vector<16xf32>,
        %get3A_1297 = vector.shape_cast %get3A_1296 : vector<16xf32> to vector<16xf32>
        %add3A_1298 = arith.constant 80 : i32
        %add3A_1299 = arith.addi %mul3A_1272, %add3A_1298 : i32
        %get3A_1300 = arith.index_cast %add3A_1299 : i32 to index
        %get3A_1301 = tpu.vector_load %arg5[%get3A_1300] {strides = array<i32>} : memref<100000xf32, #tpu.memory_space<vmem>>, vector<16xf32>,
        %get3A_1302 = vector.shape_cast %get3A_1301 : vector<16xf32> to vector<16xf32>
        %add3A_1303 = arith.constant 96 : i32
        %add3A_1304 = arith.addi %mul3A_1272, %add3A_1303 : i32
        %get3A_1305 = arith.index_cast %add3A_1304 : i32 to index
        %get3A_1306 = tpu.vector_load %arg5[%get3A_1305] {strides = array<i32>} : memref<100000xf32, #tpu.memory_space<vmem>>, vector<16xf32>,
        %get3A_1307 = vector.shape_cast %get3A_1306 : vector<16xf32> to vector<16xf32>
        %add3A_1308 = arith.constant 112 : i32
        %add3A_1309 = arith.addi %mul3A_1272, %add3A_1308 : i32
        %get3A_1310 = arith.index_cast %add3A_1309 : i32 to index
        %get3A_1311 = tpu.vector_load %arg5[%get3A_1310] {strides = array<i32>} : memref<100000xf32, #tpu.memory_space<vmem>>, vector<16xf32>,
        %get3A_1312 = vector.shape_cast %get3A_1311 : vector<16xf32> to vector<16xf32>
        %add3A_1313 = arith.constant 128 : i32
        %add3A_1314 = arith.addi %mul3A_1272, %add3A_1313 : i32
        %get3A_1315 = arith.index_cast %add3A_1314 : i32 to index
        %get3A_1316 = tpu.vector_load %arg5[%get3A_1315] {strides = array<i32>} : memref<100000xf32, #tpu.memory_space<vmem>>, vector<16xf32>,
        %get3A_1317 = vector.shape_cast %get3A_1316 : vector<16xf32> to vector<16xf32>
        %add3A_1318 = arith.constant 144 : i32
        %add3A_1319 = arith.addi %mul3A_1272, %add3A_1318 : i32
        %get3A_1320 = arith.index_cast %add3A_1319 : i32 to index
        %get3A_1321 = tpu.vector_load %arg5[%get3A_1320] {strides = array<i32>} : memref<100000xf32, #tpu.memory_space<vmem>>, vector<16xf32>,
        %get3A_1322 = vector.shape_cast %get3A_1321 : vector<16xf32> to vector<16xf32>
        %max3A_1323 = arith.maximumf %get3A_1277, %get3A_1282 : vector<16xf32>
        %max3A_1324 = arith.maximumf %get3A_1287, %get3A_1292 : vector<16xf32>
        %max3A_1325 = arith.maximumf %get3A_1297, %get3A_1302 : vector<16xf32>
        %max3A_1326 = arith.maximumf %get3A_1307, %get3A_1312 : vector<16xf32>
        %max3A_1327 = arith.maximumf %get3A_1317, %get3A_1322 : vector<16xf32>
        %max3A_1328 = arith.maximumf %max3A_1323, %max3A_1324 : vector<16xf32>
        %max3A_1329 = arith.maximumf %max3A_1325, %max3A_1326 : vector<16xf32>
        %max3A_1330 = arith.maximumf %max3A_1328, %max3A_1329 : vector<16xf32>
        %max3A_1331 = arith.maximumf %max3A_1330, %max3A_1327 : vector<16xf32>
        %mul3A_1332 = arith.constant 16 : i32
        %mul3A_1333 = arith.muli %scan3A_140, %mul3A_1332 : i32
        %add3A_1334 = arith.constant 15 : i32
        %add3A_1335 = arith.addi %mul3A_1333, %add3A_1334 : i32
        %mul3A_1336 = arith.constant 16 : i32
        %mul3A_1337 = arith.muli %add3A_1335, %mul3A_1336 : i32
        %swap3A_1338 = arith.index_cast %mul3A_1337 : i32 to index
        %swap3A_1339 = tpu.vector_load %arg6[%swap3A_1338] {strides = array<i32>} : memref<9984xf32, #tpu.memory_space<vmem>>, vector<16xf32>,
        %swap3A_1340 = vector.shape_cast %swap3A_1339 : vector<16xf32> to vector<16xf32>
        %swap3A_1341 = vector.shape_cast %max3A_1331 : vector<16xf32> to vector<16xf32>
        tpu.vector_store %arg6[%swap3A_1338], %swap3A_1341 {strides = array<i32>} : memref<9984xf32, #tpu.memory_space<vmem>>, vector<16xf32>,
        %max3A_1342 = arith.maximumf %max3A_206, %max3A_281 : vector<16xf32>
        %max3A_1343 = arith.maximumf %max3A_356, %max3A_431 : vector<16xf32>
        %max3A_1344 = arith.maximumf %max3A_506, %max3A_581 : vector<16xf32>
        %max3A_1345 = arith.maximumf %max3A_656, %max3A_731 : vector<16xf32>
        %max3A_1346 = arith.maximumf %max3A_806, %max3A_881 : vector<16xf32>
        %max3A_1347 = arith.maximumf %max3A_956, %max3A_1031 : vector<16xf32>
        %max3A_1348 = arith.maximumf %max3A_1106, %max3A_1181 : vector<16xf32>
        %max3A_1349 = arith.maximumf %max3A_1256, %max3A_1331 : vector<16xf32>
        %max3A_1350 = arith.maximumf %max3A_1342, %max3A_1343 : vector<16xf32>
        %max3A_1351 = arith.maximumf %max3A_1344, %max3A_1345 : vector<16xf32>
        %max3A_1352 = arith.maximumf %max3A_1346, %max3A_1347 : vector<16xf32>
        %max3A_1353 = arith.maximumf %max3A_1348, %max3A_1349 : vector<16xf32>
        %max3A_1354 = arith.maximumf %max3A_1350, %max3A_1351 : vector<16xf32>
        %max3A_1355 = arith.maximumf %max3A_1352, %max3A_1353 : vector<16xf32>
        %max3A_1356 = arith.maximumf %max3A_1354, %max3A_1355 : vector<16xf32>
        %mul3A_1357 = arith.constant 16 : i32
        %mul3A_1358 = arith.muli %scan3A_140, %mul3A_1357 : i32
        %swap3A_1359 = arith.index_cast %mul3A_1358 : i32 to index
        %swap3A_1360 = tpu.vector_load %arg7[%swap3A_1359] {strides = array<i32>} : memref<624xf32, #tpu.memory_space<vmem>>, vector<16xf32>,
        %swap3A_1361 = vector.shape_cast %swap3A_1360 : vector<16xf32> to vector<16xf32>
        %swap3A_1362 = vector.shape_cast %max3A_1356 : vector<16xf32> to vector<16xf32>
        tpu.vector_store %arg7[%swap3A_1359], %swap3A_1362 {strides = array<i32>} : memref<624xf32, #tpu.memory_space<vmem>>, vector<16xf32>,
        %scan3A_1363 = arith.constant 0 : i32
        scf.yield %scan3A_1363 : i32
      }
      %scan3A_36 = arith.constant 39 : i32
      %scan3A_37 = arith.constant 0 : i32
      %scan3A_38 = arith.constant 0 : i32
      %scan3A_39 = arith.constant 39 : i32
      %scan3A_40 = arith.addi %scan3A_38, %scan3A_39 : i32
      %scan3A_41 = arith.constant 1 : i32
      %scan3A_42 = scf.for %scan3A_140 = %scan3A_38 to %scan3A_40 step %scan3A_41 iter_args(%scan3A_141 = %scan3A_37) -> (i32)  : i32 {
        %mul3A_142 = arith.constant 16 : i32
        %mul3A_143 = arith.muli %scan3A_140, %mul3A_142 : i32
        %get3A_144 = arith.index_cast %mul3A_143 : i32 to index
        %get3A_145 = tpu.vector_load %arg7[%get3A_144] {strides = array<i32>} : memref<624xf32, #tpu.memory_space<vmem>>, vector<16xf32>,
        %get3A_146 = vector.shape_cast %get3A_145 : vector<16xf32> to vector<16xf32>
        %xor3A_147 = arith.constant 8 : i32
        %xor3A_148 = vector.broadcast %xor3A_147 : i32 to vector<16xi32>
        %xor3A_149 = arith.xori %iota3A, %xor3A_148 : vector<16xi32>
        %lt3A_150 = arith.constant 0 : i32
        %lt3A_151 = vector.broadcast %lt3A_150 : i32 to vector<16xi32>
        %lt3A_152 = arith.cmpi slt, %xor3A_149, %lt3A_151 : vector<16xi32>
        %add3A_153 = arith.constant 16 : i32
        %add3A_154 = vector.broadcast %add3A_153 : i32 to vector<16xi32>
        %add3A_155 = arith.addi %xor3A_149, %add3A_154 : vector<16xi32>
        %select_n3A_156 = arith.select %lt3A_152, %add3A_155, %xor3A_149 : vector<16xi1>, vector<16xi32>
        %broadcast_in_dim3A_157 = vector.shape_cast %select_n3A_156 : vector<16xi32> to vector<16x1xi32>
        %gather3A_158 = vector.shape_cast %broadcast_in_dim3A_157 : vector<16x1xi32> to vector<16xi32>
        %gather3A_159 = tpu.dynamic_gather %get3A_146[%gather3A_158] in [0] : vector<16xf32>, vector<16xi32> -> vector<16xf32>
        %max3A_160 = arith.maximumf %get3A_146, %gather3A_159 : vector<16xf32>
        %xor3A_161 = arith.constant 4 : i32
        %xor3A_162 = vector.broadcast %xor3A_161 : i32 to vector<16xi32>
        %xor3A_163 = arith.xori %iota3A, %xor3A_162 : vector<16xi32>
        %lt3A_164 = arith.constant 0 : i32
        %lt3A_165 = vector.broadcast %lt3A_164 : i32 to vector<16xi32>
        %lt3A_166 = arith.cmpi slt, %xor3A_163, %lt3A_165 : vector<16xi32>
        %add3A_167 = arith.constant 16 : i32
        %add3A_168 = vector.broadcast %add3A_167 : i32 to vector<16xi32>
        %add3A_169 = arith.addi %xor3A_163, %add3A_168 : vector<16xi32>
        %select_n3A_170 = arith.select %lt3A_166, %add3A_169, %xor3A_163 : vector<16xi1>, vector<16xi32>
        %broadcast_in_dim3A_171 = vector.shape_cast %select_n3A_170 : vector<16xi32> to vector<16x1xi32>
        %gather3A_172 = vector.shape_cast %broadcast_in_dim3A_171 : vector<16x1xi32> to vector<16xi32>
        %gather3A_173 = tpu.dynamic_gather %max3A_160[%gather3A_172] in [0] : vector<16xf32>, vector<16xi32> -> vector<16xf32>
        %max3A_174 = arith.maximumf %max3A_160, %gather3A_173 : vector<16xf32>
        %xor3A_175 = arith.constant 2 : i32
        %xor3A_176 = vector.broadcast %xor3A_175 : i32 to vector<16xi32>
        %xor3A_177 = arith.xori %iota3A, %xor3A_176 : vector<16xi32>
        %lt3A_178 = arith.constant 0 : i32
        %lt3A_179 = vector.broadcast %lt3A_178 : i32 to vector<16xi32>
        %lt3A_180 = arith.cmpi slt, %xor3A_177, %lt3A_179 : vector<16xi32>
        %add3A_181 = arith.constant 16 : i32
        %add3A_182 = vector.broadcast %add3A_181 : i32 to vector<16xi32>
        %add3A_183 = arith.addi %xor3A_177, %add3A_182 : vector<16xi32>
        %select_n3A_184 = arith.select %lt3A_180, %add3A_183, %xor3A_177 : vector<16xi1>, vector<16xi32>
        %broadcast_in_dim3A_185 = vector.shape_cast %select_n3A_184 : vector<16xi32> to vector<16x1xi32>
        %gather3A_186 = vector.shape_cast %broadcast_in_dim3A_185 : vector<16x1xi32> to vector<16xi32>
        %gather3A_187 = tpu.dynamic_gather %max3A_174[%gather3A_186] in [0] : vector<16xf32>, vector<16xi32> -> vector<16xf32>
        %max3A_188 = arith.maximumf %max3A_174, %gather3A_187 : vector<16xf32>
        %xor3A_189 = arith.constant 1 : i32
        %xor3A_190 = vector.broadcast %xor3A_189 : i32 to vector<16xi32>
        %xor3A_191 = arith.xori %iota3A, %xor3A_190 : vector<16xi32>
        %lt3A_192 = arith.constant 0 : i32
        %lt3A_193 = vector.broadcast %lt3A_192 : i32 to vector<16xi32>
        %lt3A_194 = arith.cmpi slt, %xor3A_191, %lt3A_193 : vector<16xi32>
        %add3A_195 = arith.constant 16 : i32
        %add3A_196 = vector.broadcast %add3A_195 : i32 to vector<16xi32>
        %add3A_197 = arith.addi %xor3A_191, %add3A_196 : vector<16xi32>
        %select_n3A_198 = arith.select %lt3A_194, %add3A_197, %xor3A_191 : vector<16xi1>, vector<16xi32>
        %broadcast_in_dim3A_199 = vector.shape_cast %select_n3A_198 : vector<16xi32> to vector<16x1xi32>
        %gather3A_200 = vector.shape_cast %broadcast_in_dim3A_199 : vector<16x1xi32> to vector<16xi32>
        %gather3A_201 = tpu.dynamic_gather %max3A_188[%gather3A_200] in [0] : vector<16xf32>, vector<16xi32> -> vector<16xf32>
        %max3A_202 = arith.maximumf %max3A_188, %gather3A_201 : vector<16xf32>
        %get3A_203 = arith.constant 0 : index
        %get3A_204 = tpu.vector_load %arg10[%get3A_203] {strides = array<i32>} : memref<16xf32, #tpu.memory_space<vmem>>, vector<16xf32>,
        %get3A_205 = vector.shape_cast %get3A_204 : vector<16xf32> to vector<16xf32>
        %slice3A_206 = vector.extract_strided_slice %max3A_202 {offsets = [0], sizes = [1], strides = [1]} : vector<16xf32> to vector<1xf32>
        %squeeze3A_207 = vector.extract %slice3A_206[0] : f32 from vector<1xf32>
        %slice3A_208 = vector.extract_strided_slice %get3A_205 {offsets = [0], sizes = [1], strides = [1]} : vector<16xf32> to vector<1xf32>
        %squeeze3A_209 = vector.extract %slice3A_208[0] : f32 from vector<1xf32>
        %gt3A_210 = arith.cmpf ogt, %squeeze3A_207, %squeeze3A_209 : f32
        %convert_element_type3A_211 = arith.extui %gt3A_210 : i1 to i32
        %cond3A_212 = arith.constant 0 : i32
        %cond3A_213 = arith.cmpi ne, %convert_element_type3A_211, %cond3A_212 : i32
        scf.if %cond3A_213 {
          %scan3A_215 = arith.constant 0 : i32
          %scan3A_216 = arith.constant 0 : i32
          %scan3A_217 = arith.constant 16 : i32
          %scan3A_218 = arith.addi %scan3A_216, %scan3A_217 : i32
          %scan3A_219 = arith.constant 1 : i32
          %scan3A_220 = scf.for %scan3A_222 = %scan3A_216 to %scan3A_218 step %scan3A_219 iter_args(%scan3A_223 = %scan3A_215) -> (i32)  : i32 {
            %mul3A_224 = arith.constant 16 : i32
            %mul3A_225 = arith.muli %scan3A_140, %mul3A_224 : i32
            %add3A_226 = arith.addi %mul3A_225, %scan3A_222 : i32
            %mul3A_227 = arith.constant 16 : i32
            %mul3A_228 = arith.muli %add3A_226, %mul3A_227 : i32
            %get3A_229 = arith.index_cast %mul3A_228 : i32 to index
            %get3A_230 = tpu.vector_load %arg6[%get3A_229] {strides = array<i32>} : memref<9984xf32, #tpu.memory_space<vmem>>, vector<16xf32>,
            %get3A_231 = vector.shape_cast %get3A_230 : vector<16xf32> to vector<16xf32>
            %xor3A_232 = arith.constant 8 : i32
            %xor3A_233 = vector.broadcast %xor3A_232 : i32 to vector<16xi32>
            %xor3A_234 = arith.xori %iota3A, %xor3A_233 : vector<16xi32>
            %lt3A_235 = arith.constant 0 : i32
            %lt3A_236 = vector.broadcast %lt3A_235 : i32 to vector<16xi32>
            %lt3A_237 = arith.cmpi slt, %xor3A_234, %lt3A_236 : vector<16xi32>
            %add3A_238 = arith.constant 16 : i32
            %add3A_239 = vector.broadcast %add3A_238 : i32 to vector<16xi32>
            %add3A_240 = arith.addi %xor3A_234, %add3A_239 : vector<16xi32>
            %select_n3A_241 = arith.select %lt3A_237, %add3A_240, %xor3A_234 : vector<16xi1>, vector<16xi32>
            %broadcast_in_dim3A_242 = vector.shape_cast %select_n3A_241 : vector<16xi32> to vector<16x1xi32>
            %gather3A_243 = vector.shape_cast %broadcast_in_dim3A_242 : vector<16x1xi32> to vector<16xi32>
            %gather3A_244 = tpu.dynamic_gather %get3A_231[%gather3A_243] in [0] : vector<16xf32>, vector<16xi32> -> vector<16xf32>
            %max3A_245 = arith.maximumf %get3A_231, %gather3A_244 : vector<16xf32>
            %xor3A_246 = arith.constant 4 : i32
            %xor3A_247 = vector.broadcast %xor3A_246 : i32 to vector<16xi32>
            %xor3A_248 = arith.xori %iota3A, %xor3A_247 : vector<16xi32>
            %lt3A_249 = arith.constant 0 : i32
            %lt3A_250 = vector.broadcast %lt3A_249 : i32 to vector<16xi32>
            %lt3A_251 = arith.cmpi slt, %xor3A_248, %lt3A_250 : vector<16xi32>
            %add3A_252 = arith.constant 16 : i32
            %add3A_253 = vector.broadcast %add3A_252 : i32 to vector<16xi32>
            %add3A_254 = arith.addi %xor3A_248, %add3A_253 : vector<16xi32>
            %select_n3A_255 = arith.select %lt3A_251, %add3A_254, %xor3A_248 : vector<16xi1>, vector<16xi32>
            %broadcast_in_dim3A_256 = vector.shape_cast %select_n3A_255 : vector<16xi32> to vector<16x1xi32>
            %gather3A_257 = vector.shape_cast %broadcast_in_dim3A_256 : vector<16x1xi32> to vector<16xi32>
            %gather3A_258 = tpu.dynamic_gather %max3A_245[%gather3A_257] in [0] : vector<16xf32>, vector<16xi32> -> vector<16xf32>
            %max3A_259 = arith.maximumf %max3A_245, %gather3A_258 : vector<16xf32>
            %xor3A_260 = arith.constant 2 : i32
            %xor3A_261 = vector.broadcast %xor3A_260 : i32 to vector<16xi32>
            %xor3A_262 = arith.xori %iota3A, %xor3A_261 : vector<16xi32>
            %lt3A_263 = arith.constant 0 : i32
            %lt3A_264 = vector.broadcast %lt3A_263 : i32 to vector<16xi32>
            %lt3A_265 = arith.cmpi slt, %xor3A_262, %lt3A_264 : vector<16xi32>
            %add3A_266 = arith.constant 16 : i32
            %add3A_267 = vector.broadcast %add3A_266 : i32 to vector<16xi32>
            %add3A_268 = arith.addi %xor3A_262, %add3A_267 : vector<16xi32>
            %select_n3A_269 = arith.select %lt3A_265, %add3A_268, %xor3A_262 : vector<16xi1>, vector<16xi32>
            %broadcast_in_dim3A_270 = vector.shape_cast %select_n3A_269 : vector<16xi32> to vector<16x1xi32>
            %gather3A_271 = vector.shape_cast %broadcast_in_dim3A_270 : vector<16x1xi32> to vector<16xi32>
            %gather3A_272 = tpu.dynamic_gather %max3A_259[%gather3A_271] in [0] : vector<16xf32>, vector<16xi32> -> vector<16xf32>
            %max3A_273 = arith.maximumf %max3A_259, %gather3A_272 : vector<16xf32>
            %xor3A_274 = arith.constant 1 : i32
            %xor3A_275 = vector.broadcast %xor3A_274 : i32 to vector<16xi32>
            %xor3A_276 = arith.xori %iota3A, %xor3A_275 : vector<16xi32>
            %lt3A_277 = arith.constant 0 : i32
            %lt3A_278 = vector.broadcast %lt3A_277 : i32 to vector<16xi32>
            %lt3A_279 = arith.cmpi slt, %xor3A_276, %lt3A_278 : vector<16xi32>
            %add3A_280 = arith.constant 16 : i32
            %add3A_281 = vector.broadcast %add3A_280 : i32 to vector<16xi32>
            %add3A_282 = arith.addi %xor3A_276, %add3A_281 : vector<16xi32>
            %select_n3A_283 = arith.select %lt3A_279, %add3A_282, %xor3A_276 : vector<16xi1>, vector<16xi32>
            %broadcast_in_dim3A_284 = vector.shape_cast %select_n3A_283 : vector<16xi32> to vector<16x1xi32>
            %gather3A_285 = vector.shape_cast %broadcast_in_dim3A_284 : vector<16x1xi32> to vector<16xi32>
            %gather3A_286 = tpu.dynamic_gather %max3A_273[%gather3A_285] in [0] : vector<16xf32>, vector<16xi32> -> vector<16xf32>
            %max3A_287 = arith.maximumf %max3A_273, %gather3A_286 : vector<16xf32>
            %get3A_288 = arith.constant 0 : index
            %get3A_289 = tpu.vector_load %arg10[%get3A_288] {strides = array<i32>} : memref<16xf32, #tpu.memory_space<vmem>>, vector<16xf32>,
            %get3A_290 = vector.shape_cast %get3A_289 : vector<16xf32> to vector<16xf32>
            %slice3A_291 = vector.extract_strided_slice %max3A_287 {offsets = [0], sizes = [1], strides = [1]} : vector<16xf32> to vector<1xf32>
            %squeeze3A_292 = vector.extract %slice3A_291[0] : f32 from vector<1xf32>
            %slice3A_293 = vector.extract_strided_slice %get3A_290 {offsets = [0], sizes = [1], strides = [1]} : vector<16xf32> to vector<1xf32>
            %squeeze3A_294 = vector.extract %slice3A_293[0] : f32 from vector<1xf32>
            %gt3A_295 = arith.cmpf ogt, %squeeze3A_292, %squeeze3A_294 : f32
            %convert_element_type3A_296 = arith.extui %gt3A_295 : i1 to i32
            %cond3A_297 = arith.constant 0 : i32
            %cond3A_298 = arith.cmpi ne, %convert_element_type3A_296, %cond3A_297 : i32
            scf.if %cond3A_298 {
              %scan3A_300 = arith.constant 0 : i32
              %scan3A_301 = arith.constant 0 : i32
              %scan3A_302 = arith.constant 10 : i32
              %scan3A_303 = arith.addi %scan3A_301, %scan3A_302 : i32
              %scan3A_304 = arith.constant 1 : i32
              %scan3A_305 = scf.for %scan3A_307 = %scan3A_301 to %scan3A_303 step %scan3A_304 iter_args(%scan3A_308 = %scan3A_300) -> (i32)  : i32 {
                %mul3A_309 = arith.constant 160 : i32
                %mul3A_310 = arith.muli %add3A_226, %mul3A_309 : i32
                %mul3A_311 = arith.constant 16 : i32
                %mul3A_312 = arith.muli %mul3A_311, %scan3A_307 : i32
                %add3A_313 = arith.addi %mul3A_310, %mul3A_312 : i32
                %get3A_314 = arith.index_cast %add3A_313 : i32 to index
                %get3A_315 = tpu.vector_load %arg5[%get3A_314] {strides = array<i32>} : memref<100000xf32, #tpu.memory_space<vmem>>, vector<16xf32>,
                %get3A_316 = vector.shape_cast %get3A_315 : vector<16xf32> to vector<16xf32>
                %xor3A_317 = arith.constant 8 : i32
                %xor3A_318 = vector.broadcast %xor3A_317 : i32 to vector<16xi32>
                %xor3A_319 = arith.xori %iota3A, %xor3A_318 : vector<16xi32>
                %lt3A_320 = arith.constant 0 : i32
                %lt3A_321 = vector.broadcast %lt3A_320 : i32 to vector<16xi32>
                %lt3A_322 = arith.cmpi slt, %xor3A_319, %lt3A_321 : vector<16xi32>
                %add3A_323 = arith.constant 16 : i32
                %add3A_324 = vector.broadcast %add3A_323 : i32 to vector<16xi32>
                %add3A_325 = arith.addi %xor3A_319, %add3A_324 : vector<16xi32>
                %select_n3A_326 = arith.select %lt3A_322, %add3A_325, %xor3A_319 : vector<16xi1>, vector<16xi32>
                %broadcast_in_dim3A_327 = vector.shape_cast %select_n3A_326 : vector<16xi32> to vector<16x1xi32>
                %gather3A_328 = vector.shape_cast %broadcast_in_dim3A_327 : vector<16x1xi32> to vector<16xi32>
                %gather3A_329 = tpu.dynamic_gather %get3A_316[%gather3A_328] in [0] : vector<16xf32>, vector<16xi32> -> vector<16xf32>
                %max3A_330 = arith.maximumf %get3A_316, %gather3A_329 : vector<16xf32>
                %xor3A_331 = arith.constant 4 : i32
                %xor3A_332 = vector.broadcast %xor3A_331 : i32 to vector<16xi32>
                %xor3A_333 = arith.xori %iota3A, %xor3A_332 : vector<16xi32>
                %lt3A_334 = arith.constant 0 : i32
                %lt3A_335 = vector.broadcast %lt3A_334 : i32 to vector<16xi32>
                %lt3A_336 = arith.cmpi slt, %xor3A_333, %lt3A_335 : vector<16xi32>
                %add3A_337 = arith.constant 16 : i32
                %add3A_338 = vector.broadcast %add3A_337 : i32 to vector<16xi32>
                %add3A_339 = arith.addi %xor3A_333, %add3A_338 : vector<16xi32>
                %select_n3A_340 = arith.select %lt3A_336, %add3A_339, %xor3A_333 : vector<16xi1>, vector<16xi32>
                %broadcast_in_dim3A_341 = vector.shape_cast %select_n3A_340 : vector<16xi32> to vector<16x1xi32>
                %gather3A_342 = vector.shape_cast %broadcast_in_dim3A_341 : vector<16x1xi32> to vector<16xi32>
                %gather3A_343 = tpu.dynamic_gather %max3A_330[%gather3A_342] in [0] : vector<16xf32>, vector<16xi32> -> vector<16xf32>
                %max3A_344 = arith.maximumf %max3A_330, %gather3A_343 : vector<16xf32>
                %xor3A_345 = arith.constant 2 : i32
                %xor3A_346 = vector.broadcast %xor3A_345 : i32 to vector<16xi32>
                %xor3A_347 = arith.xori %iota3A, %xor3A_346 : vector<16xi32>
                %lt3A_348 = arith.constant 0 : i32
                %lt3A_349 = vector.broadcast %lt3A_348 : i32 to vector<16xi32>
                %lt3A_350 = arith.cmpi slt, %xor3A_347, %lt3A_349 : vector<16xi32>
                %add3A_351 = arith.constant 16 : i32
                %add3A_352 = vector.broadcast %add3A_351 : i32 to vector<16xi32>
                %add3A_353 = arith.addi %xor3A_347, %add3A_352 : vector<16xi32>
                %select_n3A_354 = arith.select %lt3A_350, %add3A_353, %xor3A_347 : vector<16xi1>, vector<16xi32>
                %broadcast_in_dim3A_355 = vector.shape_cast %select_n3A_354 : vector<16xi32> to vector<16x1xi32>
                %gather3A_356 = vector.shape_cast %broadcast_in_dim3A_355 : vector<16x1xi32> to vector<16xi32>
                %gather3A_357 = tpu.dynamic_gather %max3A_344[%gather3A_356] in [0] : vector<16xf32>, vector<16xi32> -> vector<16xf32>
                %max3A_358 = arith.maximumf %max3A_344, %gather3A_357 : vector<16xf32>
                %xor3A_359 = arith.constant 1 : i32
                %xor3A_360 = vector.broadcast %xor3A_359 : i32 to vector<16xi32>
                %xor3A_361 = arith.xori %iota3A, %xor3A_360 : vector<16xi32>
                %lt3A_362 = arith.constant 0 : i32
                %lt3A_363 = vector.broadcast %lt3A_362 : i32 to vector<16xi32>
                %lt3A_364 = arith.cmpi slt, %xor3A_361, %lt3A_363 : vector<16xi32>
                %add3A_365 = arith.constant 16 : i32
                %add3A_366 = vector.broadcast %add3A_365 : i32 to vector<16xi32>
                %add3A_367 = arith.addi %xor3A_361, %add3A_366 : vector<16xi32>
                %select_n3A_368 = arith.select %lt3A_364, %add3A_367, %xor3A_361 : vector<16xi1>, vector<16xi32>
                %broadcast_in_dim3A_369 = vector.shape_cast %select_n3A_368 : vector<16xi32> to vector<16x1xi32>
                %gather3A_370 = vector.shape_cast %broadcast_in_dim3A_369 : vector<16x1xi32> to vector<16xi32>
                %gather3A_371 = tpu.dynamic_gather %max3A_358[%gather3A_370] in [0] : vector<16xf32>, vector<16xi32> -> vector<16xf32>
                %max3A_372 = arith.maximumf %max3A_358, %gather3A_371 : vector<16xf32>
                %get3A_373 = arith.constant 0 : index
                %get3A_374 = tpu.vector_load %arg10[%get3A_373] {strides = array<i32>} : memref<16xf32, #tpu.memory_space<vmem>>, vector<16xf32>,
                %get3A_375 = vector.shape_cast %get3A_374 : vector<16xf32> to vector<16xf32>
                %slice3A_376 = vector.extract_strided_slice %max3A_372 {offsets = [0], sizes = [1], strides = [1]} : vector<16xf32> to vector<1xf32>
                %squeeze3A_377 = vector.extract %slice3A_376[0] : f32 from vector<1xf32>
                %slice3A_378 = vector.extract_strided_slice %get3A_375 {offsets = [0], sizes = [1], strides = [1]} : vector<16xf32> to vector<1xf32>
                %squeeze3A_379 = vector.extract %slice3A_378[0] : f32 from vector<1xf32>
                %gt3A_380 = arith.cmpf ogt, %squeeze3A_377, %squeeze3A_379 : f32
                %convert_element_type3A_381 = arith.extui %gt3A_380 : i1 to i32
                %cond3A_382 = arith.constant 0 : i32
                %cond3A_383 = arith.cmpi ne, %convert_element_type3A_381, %cond3A_382 : i32
                scf.if %cond3A_383 {
                  %get3A_385 = arith.constant 0 : index
                  %get3A_386 = tpu.vector_load %arg10[%get3A_385] {strides = array<i32>} : memref<16xf32, #tpu.memory_space<vmem>>, vector<16xf32>,
                  %get3A_387 = vector.shape_cast %get3A_386 : vector<16xf32> to vector<16xf32>
                  %gt3A_388 = arith.cmpf ogt, %get3A_316, %get3A_387 : vector<16xf32>
                  %jit3A = arith.constant 0xFF800000 : f32
                  %broadcast_in_dim3A_389 = vector.broadcast %jit3A : f32 to vector<16xf32>
                  %select_n3A_390 = arith.select %gt3A_388, %get3A_316, %broadcast_in_dim3A_389 : vector<16xi1>, vector<16xf32>
                  %add3A_391 = vector.broadcast %add3A_313 : i32 to vector<16xi32>
                  %add3A_392 = arith.addi %add3A_391, %iota3A : vector<16xi32>
                  %shift_right_arithmetic3A = arith.constant 1 : i32
                  %shift_right_arithmetic3A_393 = vector.broadcast %shift_right_arithmetic3A : i32 to vector<16xi32>
                  %shift_right_arithmetic3A_394 = arith.shrsi %iota3A, %shift_right_arithmetic3A_393 : vector<16xi32>
                  %and3A = arith.constant 1 : i32
                  %and3A_395 = vector.broadcast %and3A : i32 to vector<16xi32>
                  %and3A_396 = arith.andi %shift_right_arithmetic3A_394, %and3A_395 : vector<16xi32>
                  %and3A_397 = arith.constant 1 : i32
                  %and3A_398 = vector.broadcast %and3A_397 : i32 to vector<16xi32>
                  %and3A_399 = arith.andi %iota3A, %and3A_398 : vector<16xi32>
                  %eq3A = arith.constant 0 : i32
                  %eq3A_400 = vector.broadcast %eq3A : i32 to vector<16xi32>
                  %eq3A_401 = arith.cmpi eq, %and3A_399, %eq3A_400 : vector<16xi32>
                  %jit3A_402 = arith.constant 1 : i32
                  %jit3A_403 = arith.constant 0 : i32
                  %broadcast_in_dim3A_404 = vector.broadcast %jit3A_402 : i32 to vector<16xi32>
                  %broadcast_in_dim3A_405 = vector.broadcast %jit3A_403 : i32 to vector<16xi32>
                  %select_n3A_406 = arith.select %eq3A_401, %broadcast_in_dim3A_404, %broadcast_in_dim3A_405 : vector<16xi1>, vector<16xi32>
                  %xor3A_407 = arith.xori %select_n3A_406, %and3A_396 : vector<16xi32>
                  %xor3A_408 = arith.constant 1 : i32
                  %xor3A_409 = vector.broadcast %xor3A_408 : i32 to vector<16xi32>
                  %xor3A_410 = arith.xori %iota3A, %xor3A_409 : vector<16xi32>
                  %lt3A_411 = arith.constant 0 : i32
                  %lt3A_412 = vector.broadcast %lt3A_411 : i32 to vector<16xi32>
                  %lt3A_413 = arith.cmpi slt, %xor3A_410, %lt3A_412 : vector<16xi32>
                  %add3A_414 = arith.constant 16 : i32
                  %add3A_415 = vector.broadcast %add3A_414 : i32 to vector<16xi32>
                  %add3A_416 = arith.addi %xor3A_410, %add3A_415 : vector<16xi32>
                  %select_n3A_417 = arith.select %lt3A_413, %add3A_416, %xor3A_410 : vector<16xi1>, vector<16xi32>
                  %broadcast_in_dim3A_418 = vector.shape_cast %select_n3A_417 : vector<16xi32> to vector<16x1xi32>
                  %gather3A_419 = vector.shape_cast %broadcast_in_dim3A_418 : vector<16x1xi32> to vector<16xi32>
                  %gather3A_420 = tpu.dynamic_gather %select_n3A_390[%gather3A_419] in [0] : vector<16xf32>, vector<16xi32> -> vector<16xf32>
                  %lt3A_421 = arith.constant 0 : i32
                  %lt3A_422 = vector.broadcast %lt3A_421 : i32 to vector<16xi32>
                  %lt3A_423 = arith.cmpi slt, %xor3A_410, %lt3A_422 : vector<16xi32>
                  %add3A_424 = arith.constant 16 : i32
                  %add3A_425 = vector.broadcast %add3A_424 : i32 to vector<16xi32>
                  %add3A_426 = arith.addi %xor3A_410, %add3A_425 : vector<16xi32>
                  %select_n3A_427 = arith.select %lt3A_423, %add3A_426, %xor3A_410 : vector<16xi1>, vector<16xi32>
                  %broadcast_in_dim3A_428 = vector.shape_cast %select_n3A_427 : vector<16xi32> to vector<16x1xi32>
                  %gather3A_429 = vector.shape_cast %broadcast_in_dim3A_428 : vector<16x1xi32> to vector<16xi32>
                  %gather3A_430 = tpu.dynamic_gather %add3A_392[%gather3A_429] in [0] : vector<16xi32>, vector<16xi32> -> vector<16xi32>
                  %gt3A_431 = arith.cmpf ogt, %select_n3A_390, %gather3A_420 : vector<16xf32>
                  %jit3A_432 = arith.constant 1 : i32
                  %jit3A_433 = arith.constant 0 : i32
                  %broadcast_in_dim3A_434 = vector.broadcast %jit3A_432 : i32 to vector<16xi32>
                  %broadcast_in_dim3A_435 = vector.broadcast %jit3A_433 : i32 to vector<16xi32>
                  %select_n3A_436 = arith.select %gt3A_431, %broadcast_in_dim3A_434, %broadcast_in_dim3A_435 : vector<16xi1>, vector<16xi32>
                  %eq3A_437 = arith.cmpf oeq, %select_n3A_390, %gather3A_420 : vector<16xf32>
                  %jit3A_438 = arith.constant 1 : i32
                  %jit3A_439 = arith.constant 0 : i32
                  %broadcast_in_dim3A_440 = vector.broadcast %jit3A_438 : i32 to vector<16xi32>
                  %broadcast_in_dim3A_441 = vector.broadcast %jit3A_439 : i32 to vector<16xi32>
                  %select_n3A_442 = arith.select %eq3A_437, %broadcast_in_dim3A_440, %broadcast_in_dim3A_441 : vector<16xi1>, vector<16xi32>
                  %lt3A_443 = arith.cmpi slt, %add3A_392, %gather3A_430 : vector<16xi32>
                  %jit3A_444 = arith.constant 1 : i32
                  %jit3A_445 = arith.constant 0 : i32
                  %broadcast_in_dim3A_446 = vector.broadcast %jit3A_444 : i32 to vector<16xi32>
                  %broadcast_in_dim3A_447 = vector.broadcast %jit3A_445 : i32 to vector<16xi32>
                  %select_n3A_448 = arith.select %lt3A_443, %broadcast_in_dim3A_446, %broadcast_in_dim3A_447 : vector<16xi1>, vector<16xi32>
                  %and3A_449 = arith.andi %select_n3A_442, %select_n3A_448 : vector<16xi32>
                  %or3A = arith.ori %select_n3A_436, %and3A_449 : vector<16xi32>
                  %xor3A_450 = arith.xori %xor3A_407, %or3A : vector<16xi32>
                  %sub3A = arith.constant 1 : i32
                  %sub3A_451 = vector.broadcast %sub3A : i32 to vector<16xi32>
                  %sub3A_452 = arith.subi %sub3A_451, %xor3A_450 : vector<16xi32>
                  %eq3A_453 = arith.constant 1 : i32
                  %eq3A_454 = vector.broadcast %eq3A_453 : i32 to vector<16xi32>
                  %eq3A_455 = arith.cmpi eq, %sub3A_452, %eq3A_454 : vector<16xi32>
                  %select_n3A_456 = arith.select %eq3A_455, %select_n3A_390, %gather3A_420 : vector<16xi1>, vector<16xf32>
                  %select_n3A_457 = arith.select %eq3A_455, %add3A_392, %gather3A_430 : vector<16xi1>, vector<16xi32>
                  %shift_right_arithmetic3A_458 = arith.constant 2 : i32
                  %shift_right_arithmetic3A_459 = vector.broadcast %shift_right_arithmetic3A_458 : i32 to vector<16xi32>
                  %shift_right_arithmetic3A_460 = arith.shrsi %iota3A, %shift_right_arithmetic3A_459 : vector<16xi32>
                  %and3A_461 = arith.constant 1 : i32
                  %and3A_462 = vector.broadcast %and3A_461 : i32 to vector<16xi32>
                  %and3A_463 = arith.andi %shift_right_arithmetic3A_460, %and3A_462 : vector<16xi32>
                  %and3A_464 = arith.constant 2 : i32
                  %and3A_465 = vector.broadcast %and3A_464 : i32 to vector<16xi32>
                  %and3A_466 = arith.andi %iota3A, %and3A_465 : vector<16xi32>
                  %eq3A_467 = arith.constant 0 : i32
                  %eq3A_468 = vector.broadcast %eq3A_467 : i32 to vector<16xi32>
                  %eq3A_469 = arith.cmpi eq, %and3A_466, %eq3A_468 : vector<16xi32>
                  %jit3A_470 = arith.constant 1 : i32
                  %jit3A_471 = arith.constant 0 : i32
                  %broadcast_in_dim3A_472 = vector.broadcast %jit3A_470 : i32 to vector<16xi32>
                  %broadcast_in_dim3A_473 = vector.broadcast %jit3A_471 : i32 to vector<16xi32>
                  %select_n3A_474 = arith.select %eq3A_469, %broadcast_in_dim3A_472, %broadcast_in_dim3A_473 : vector<16xi1>, vector<16xi32>
                  %xor3A_475 = arith.xori %select_n3A_474, %and3A_463 : vector<16xi32>
                  %xor3A_476 = arith.constant 2 : i32
                  %xor3A_477 = vector.broadcast %xor3A_476 : i32 to vector<16xi32>
                  %xor3A_478 = arith.xori %iota3A, %xor3A_477 : vector<16xi32>
                  %lt3A_479 = arith.constant 0 : i32
                  %lt3A_480 = vector.broadcast %lt3A_479 : i32 to vector<16xi32>
                  %lt3A_481 = arith.cmpi slt, %xor3A_478, %lt3A_480 : vector<16xi32>
                  %add3A_482 = arith.constant 16 : i32
                  %add3A_483 = vector.broadcast %add3A_482 : i32 to vector<16xi32>
                  %add3A_484 = arith.addi %xor3A_478, %add3A_483 : vector<16xi32>
                  %select_n3A_485 = arith.select %lt3A_481, %add3A_484, %xor3A_478 : vector<16xi1>, vector<16xi32>
                  %broadcast_in_dim3A_486 = vector.shape_cast %select_n3A_485 : vector<16xi32> to vector<16x1xi32>
                  %gather3A_487 = vector.shape_cast %broadcast_in_dim3A_486 : vector<16x1xi32> to vector<16xi32>
                  %gather3A_488 = tpu.dynamic_gather %select_n3A_456[%gather3A_487] in [0] : vector<16xf32>, vector<16xi32> -> vector<16xf32>
                  %lt3A_489 = arith.constant 0 : i32
                  %lt3A_490 = vector.broadcast %lt3A_489 : i32 to vector<16xi32>
                  %lt3A_491 = arith.cmpi slt, %xor3A_478, %lt3A_490 : vector<16xi32>
                  %add3A_492 = arith.constant 16 : i32
                  %add3A_493 = vector.broadcast %add3A_492 : i32 to vector<16xi32>
                  %add3A_494 = arith.addi %xor3A_478, %add3A_493 : vector<16xi32>
                  %select_n3A_495 = arith.select %lt3A_491, %add3A_494, %xor3A_478 : vector<16xi1>, vector<16xi32>
                  %broadcast_in_dim3A_496 = vector.shape_cast %select_n3A_495 : vector<16xi32> to vector<16x1xi32>
                  %gather3A_497 = vector.shape_cast %broadcast_in_dim3A_496 : vector<16x1xi32> to vector<16xi32>
                  %gather3A_498 = tpu.dynamic_gather %select_n3A_457[%gather3A_497] in [0] : vector<16xi32>, vector<16xi32> -> vector<16xi32>
                  %gt3A_499 = arith.cmpf ogt, %select_n3A_456, %gather3A_488 : vector<16xf32>
                  %jit3A_500 = arith.constant 1 : i32
                  %jit3A_501 = arith.constant 0 : i32
                  %broadcast_in_dim3A_502 = vector.broadcast %jit3A_500 : i32 to vector<16xi32>
                  %broadcast_in_dim3A_503 = vector.broadcast %jit3A_501 : i32 to vector<16xi32>
                  %select_n3A_504 = arith.select %gt3A_499, %broadcast_in_dim3A_502, %broadcast_in_dim3A_503 : vector<16xi1>, vector<16xi32>
                  %eq3A_505 = arith.cmpf oeq, %select_n3A_456, %gather3A_488 : vector<16xf32>
                  %jit3A_506 = arith.constant 1 : i32
                  %jit3A_507 = arith.constant 0 : i32
                  %broadcast_in_dim3A_508 = vector.broadcast %jit3A_506 : i32 to vector<16xi32>
                  %broadcast_in_dim3A_509 = vector.broadcast %jit3A_507 : i32 to vector<16xi32>
                  %select_n3A_510 = arith.select %eq3A_505, %broadcast_in_dim3A_508, %broadcast_in_dim3A_509 : vector<16xi1>, vector<16xi32>
                  %lt3A_511 = arith.cmpi slt, %select_n3A_457, %gather3A_498 : vector<16xi32>
                  %jit3A_512 = arith.constant 1 : i32
                  %jit3A_513 = arith.constant 0 : i32
                  %broadcast_in_dim3A_514 = vector.broadcast %jit3A_512 : i32 to vector<16xi32>
                  %broadcast_in_dim3A_515 = vector.broadcast %jit3A_513 : i32 to vector<16xi32>
                  %select_n3A_516 = arith.select %lt3A_511, %broadcast_in_dim3A_514, %broadcast_in_dim3A_515 : vector<16xi1>, vector<16xi32>
                  %and3A_517 = arith.andi %select_n3A_510, %select_n3A_516 : vector<16xi32>
                  %or3A_518 = arith.ori %select_n3A_504, %and3A_517 : vector<16xi32>
                  %xor3A_519 = arith.xori %xor3A_475, %or3A_518 : vector<16xi32>
                  %sub3A_520 = arith.constant 1 : i32
                  %sub3A_521 = vector.broadcast %sub3A_520 : i32 to vector<16xi32>
                  %sub3A_522 = arith.subi %sub3A_521, %xor3A_519 : vector<16xi32>
                  %eq3A_523 = arith.constant 1 : i32
                  %eq3A_524 = vector.broadcast %eq3A_523 : i32 to vector<16xi32>
                  %eq3A_525 = arith.cmpi eq, %sub3A_522, %eq3A_524 : vector<16xi32>
                  %select_n3A_526 = arith.select %eq3A_525, %select_n3A_456, %gather3A_488 : vector<16xi1>, vector<16xf32>
                  %select_n3A_527 = arith.select %eq3A_525, %select_n3A_457, %gather3A_498 : vector<16xi1>, vector<16xi32>
                  %shift_right_arithmetic3A_528 = arith.constant 2 : i32
                  %shift_right_arithmetic3A_529 = vector.broadcast %shift_right_arithmetic3A_528 : i32 to vector<16xi32>
                  %shift_right_arithmetic3A_530 = arith.shrsi %iota3A, %shift_right_arithmetic3A_529 : vector<16xi32>
                  %and3A_531 = arith.constant 1 : i32
                  %and3A_532 = vector.broadcast %and3A_531 : i32 to vector<16xi32>
                  %and3A_533 = arith.andi %shift_right_arithmetic3A_530, %and3A_532 : vector<16xi32>
                  %and3A_534 = arith.constant 1 : i32
                  %and3A_535 = vector.broadcast %and3A_534 : i32 to vector<16xi32>
                  %and3A_536 = arith.andi %iota3A, %and3A_535 : vector<16xi32>
                  %eq3A_537 = arith.constant 0 : i32
                  %eq3A_538 = vector.broadcast %eq3A_537 : i32 to vector<16xi32>
                  %eq3A_539 = arith.cmpi eq, %and3A_536, %eq3A_538 : vector<16xi32>
                  %jit3A_540 = arith.constant 1 : i32
                  %jit3A_541 = arith.constant 0 : i32
                  %broadcast_in_dim3A_542 = vector.broadcast %jit3A_540 : i32 to vector<16xi32>
                  %broadcast_in_dim3A_543 = vector.broadcast %jit3A_541 : i32 to vector<16xi32>
                  %select_n3A_544 = arith.select %eq3A_539, %broadcast_in_dim3A_542, %broadcast_in_dim3A_543 : vector<16xi1>, vector<16xi32>
                  %xor3A_545 = arith.xori %select_n3A_544, %and3A_533 : vector<16xi32>
                  %xor3A_546 = arith.constant 1 : i32
                  %xor3A_547 = vector.broadcast %xor3A_546 : i32 to vector<16xi32>
                  %xor3A_548 = arith.xori %iota3A, %xor3A_547 : vector<16xi32>
                  %lt3A_549 = arith.constant 0 : i32
                  %lt3A_550 = vector.broadcast %lt3A_549 : i32 to vector<16xi32>
                  %lt3A_551 = arith.cmpi slt, %xor3A_548, %lt3A_550 : vector<16xi32>
                  %add3A_552 = arith.constant 16 : i32
                  %add3A_553 = vector.broadcast %add3A_552 : i32 to vector<16xi32>
                  %add3A_554 = arith.addi %xor3A_548, %add3A_553 : vector<16xi32>
                  %select_n3A_555 = arith.select %lt3A_551, %add3A_554, %xor3A_548 : vector<16xi1>, vector<16xi32>
                  %broadcast_in_dim3A_556 = vector.shape_cast %select_n3A_555 : vector<16xi32> to vector<16x1xi32>
                  %gather3A_557 = vector.shape_cast %broadcast_in_dim3A_556 : vector<16x1xi32> to vector<16xi32>
                  %gather3A_558 = tpu.dynamic_gather %select_n3A_526[%gather3A_557] in [0] : vector<16xf32>, vector<16xi32> -> vector<16xf32>
                  %lt3A_559 = arith.constant 0 : i32
                  %lt3A_560 = vector.broadcast %lt3A_559 : i32 to vector<16xi32>
                  %lt3A_561 = arith.cmpi slt, %xor3A_548, %lt3A_560 : vector<16xi32>
                  %add3A_562 = arith.constant 16 : i32
                  %add3A_563 = vector.broadcast %add3A_562 : i32 to vector<16xi32>
                  %add3A_564 = arith.addi %xor3A_548, %add3A_563 : vector<16xi32>
                  %select_n3A_565 = arith.select %lt3A_561, %add3A_564, %xor3A_548 : vector<16xi1>, vector<16xi32>
                  %broadcast_in_dim3A_566 = vector.shape_cast %select_n3A_565 : vector<16xi32> to vector<16x1xi32>
                  %gather3A_567 = vector.shape_cast %broadcast_in_dim3A_566 : vector<16x1xi32> to vector<16xi32>
                  %gather3A_568 = tpu.dynamic_gather %select_n3A_527[%gather3A_567] in [0] : vector<16xi32>, vector<16xi32> -> vector<16xi32>
                  %gt3A_569 = arith.cmpf ogt, %select_n3A_526, %gather3A_558 : vector<16xf32>
                  %jit3A_570 = arith.constant 1 : i32
                  %jit3A_571 = arith.constant 0 : i32
                  %broadcast_in_dim3A_572 = vector.broadcast %jit3A_570 : i32 to vector<16xi32>
                  %broadcast_in_dim3A_573 = vector.broadcast %jit3A_571 : i32 to vector<16xi32>
                  %select_n3A_574 = arith.select %gt3A_569, %broadcast_in_dim3A_572, %broadcast_in_dim3A_573 : vector<16xi1>, vector<16xi32>
                  %eq3A_575 = arith.cmpf oeq, %select_n3A_526, %gather3A_558 : vector<16xf32>
                  %jit3A_576 = arith.constant 1 : i32
                  %jit3A_577 = arith.constant 0 : i32
                  %broadcast_in_dim3A_578 = vector.broadcast %jit3A_576 : i32 to vector<16xi32>
                  %broadcast_in_dim3A_579 = vector.broadcast %jit3A_577 : i32 to vector<16xi32>
                  %select_n3A_580 = arith.select %eq3A_575, %broadcast_in_dim3A_578, %broadcast_in_dim3A_579 : vector<16xi1>, vector<16xi32>
                  %lt3A_581 = arith.cmpi slt, %select_n3A_527, %gather3A_568 : vector<16xi32>
                  %jit3A_582 = arith.constant 1 : i32
                  %jit3A_583 = arith.constant 0 : i32
                  %broadcast_in_dim3A_584 = vector.broadcast %jit3A_582 : i32 to vector<16xi32>
                  %broadcast_in_dim3A_585 = vector.broadcast %jit3A_583 : i32 to vector<16xi32>
                  %select_n3A_586 = arith.select %lt3A_581, %broadcast_in_dim3A_584, %broadcast_in_dim3A_585 : vector<16xi1>, vector<16xi32>
                  %and3A_587 = arith.andi %select_n3A_580, %select_n3A_586 : vector<16xi32>
                  %or3A_588 = arith.ori %select_n3A_574, %and3A_587 : vector<16xi32>
                  %xor3A_589 = arith.xori %xor3A_545, %or3A_588 : vector<16xi32>
                  %sub3A_590 = arith.constant 1 : i32
                  %sub3A_591 = vector.broadcast %sub3A_590 : i32 to vector<16xi32>
                  %sub3A_592 = arith.subi %sub3A_591, %xor3A_589 : vector<16xi32>
                  %eq3A_593 = arith.constant 1 : i32
                  %eq3A_594 = vector.broadcast %eq3A_593 : i32 to vector<16xi32>
                  %eq3A_595 = arith.cmpi eq, %sub3A_592, %eq3A_594 : vector<16xi32>
                  %select_n3A_596 = arith.select %eq3A_595, %select_n3A_526, %gather3A_558 : vector<16xi1>, vector<16xf32>
                  %select_n3A_597 = arith.select %eq3A_595, %select_n3A_527, %gather3A_568 : vector<16xi1>, vector<16xi32>
                  %shift_right_arithmetic3A_598 = arith.constant 3 : i32
                  %shift_right_arithmetic3A_599 = vector.broadcast %shift_right_arithmetic3A_598 : i32 to vector<16xi32>
                  %shift_right_arithmetic3A_600 = arith.shrsi %iota3A, %shift_right_arithmetic3A_599 : vector<16xi32>
                  %and3A_601 = arith.constant 1 : i32
                  %and3A_602 = vector.broadcast %and3A_601 : i32 to vector<16xi32>
                  %and3A_603 = arith.andi %shift_right_arithmetic3A_600, %and3A_602 : vector<16xi32>
                  %and3A_604 = arith.constant 4 : i32
                  %and3A_605 = vector.broadcast %and3A_604 : i32 to vector<16xi32>
                  %and3A_606 = arith.andi %iota3A, %and3A_605 : vector<16xi32>
                  %eq3A_607 = arith.constant 0 : i32
                  %eq3A_608 = vector.broadcast %eq3A_607 : i32 to vector<16xi32>
                  %eq3A_609 = arith.cmpi eq, %and3A_606, %eq3A_608 : vector<16xi32>
                  %jit3A_610 = arith.constant 1 : i32
                  %jit3A_611 = arith.constant 0 : i32
                  %broadcast_in_dim3A_612 = vector.broadcast %jit3A_610 : i32 to vector<16xi32>
                  %broadcast_in_dim3A_613 = vector.broadcast %jit3A_611 : i32 to vector<16xi32>
                  %select_n3A_614 = arith.select %eq3A_609, %broadcast_in_dim3A_612, %broadcast_in_dim3A_613 : vector<16xi1>, vector<16xi32>
                  %xor3A_615 = arith.xori %select_n3A_614, %and3A_603 : vector<16xi32>
                  %xor3A_616 = arith.constant 4 : i32
                  %xor3A_617 = vector.broadcast %xor3A_616 : i32 to vector<16xi32>
                  %xor3A_618 = arith.xori %iota3A, %xor3A_617 : vector<16xi32>
                  %lt3A_619 = arith.constant 0 : i32
                  %lt3A_620 = vector.broadcast %lt3A_619 : i32 to vector<16xi32>
                  %lt3A_621 = arith.cmpi slt, %xor3A_618, %lt3A_620 : vector<16xi32>
                  %add3A_622 = arith.constant 16 : i32
                  %add3A_623 = vector.broadcast %add3A_622 : i32 to vector<16xi32>
                  %add3A_624 = arith.addi %xor3A_618, %add3A_623 : vector<16xi32>
                  %select_n3A_625 = arith.select %lt3A_621, %add3A_624, %xor3A_618 : vector<16xi1>, vector<16xi32>
                  %broadcast_in_dim3A_626 = vector.shape_cast %select_n3A_625 : vector<16xi32> to vector<16x1xi32>
                  %gather3A_627 = vector.shape_cast %broadcast_in_dim3A_626 : vector<16x1xi32> to vector<16xi32>
                  %gather3A_628 = tpu.dynamic_gather %select_n3A_596[%gather3A_627] in [0] : vector<16xf32>, vector<16xi32> -> vector<16xf32>
                  %lt3A_629 = arith.constant 0 : i32
                  %lt3A_630 = vector.broadcast %lt3A_629 : i32 to vector<16xi32>
                  %lt3A_631 = arith.cmpi slt, %xor3A_618, %lt3A_630 : vector<16xi32>
                  %add3A_632 = arith.constant 16 : i32
                  %add3A_633 = vector.broadcast %add3A_632 : i32 to vector<16xi32>
                  %add3A_634 = arith.addi %xor3A_618, %add3A_633 : vector<16xi32>
                  %select_n3A_635 = arith.select %lt3A_631, %add3A_634, %xor3A_618 : vector<16xi1>, vector<16xi32>
                  %broadcast_in_dim3A_636 = vector.shape_cast %select_n3A_635 : vector<16xi32> to vector<16x1xi32>
                  %gather3A_637 = vector.shape_cast %broadcast_in_dim3A_636 : vector<16x1xi32> to vector<16xi32>
                  %gather3A_638 = tpu.dynamic_gather %select_n3A_597[%gather3A_637] in [0] : vector<16xi32>, vector<16xi32> -> vector<16xi32>
                  %gt3A_639 = arith.cmpf ogt, %select_n3A_596, %gather3A_628 : vector<16xf32>
                  %jit3A_640 = arith.constant 1 : i32
                  %jit3A_641 = arith.constant 0 : i32
                  %broadcast_in_dim3A_642 = vector.broadcast %jit3A_640 : i32 to vector<16xi32>
                  %broadcast_in_dim3A_643 = vector.broadcast %jit3A_641 : i32 to vector<16xi32>
                  %select_n3A_644 = arith.select %gt3A_639, %broadcast_in_dim3A_642, %broadcast_in_dim3A_643 : vector<16xi1>, vector<16xi32>
                  %eq3A_645 = arith.cmpf oeq, %select_n3A_596, %gather3A_628 : vector<16xf32>
                  %jit3A_646 = arith.constant 1 : i32
                  %jit3A_647 = arith.constant 0 : i32
                  %broadcast_in_dim3A_648 = vector.broadcast %jit3A_646 : i32 to vector<16xi32>
                  %broadcast_in_dim3A_649 = vector.broadcast %jit3A_647 : i32 to vector<16xi32>
                  %select_n3A_650 = arith.select %eq3A_645, %broadcast_in_dim3A_648, %broadcast_in_dim3A_649 : vector<16xi1>, vector<16xi32>
                  %lt3A_651 = arith.cmpi slt, %select_n3A_597, %gather3A_638 : vector<16xi32>
                  %jit3A_652 = arith.constant 1 : i32
                  %jit3A_653 = arith.constant 0 : i32
                  %broadcast_in_dim3A_654 = vector.broadcast %jit3A_652 : i32 to vector<16xi32>
                  %broadcast_in_dim3A_655 = vector.broadcast %jit3A_653 : i32 to vector<16xi32>
                  %select_n3A_656 = arith.select %lt3A_651, %broadcast_in_dim3A_654, %broadcast_in_dim3A_655 : vector<16xi1>, vector<16xi32>
                  %and3A_657 = arith.andi %select_n3A_650, %select_n3A_656 : vector<16xi32>
                  %or3A_658 = arith.ori %select_n3A_644, %and3A_657 : vector<16xi32>
                  %xor3A_659 = arith.xori %xor3A_615, %or3A_658 : vector<16xi32>
                  %sub3A_660 = arith.constant 1 : i32
                  %sub3A_661 = vector.broadcast %sub3A_660 : i32 to vector<16xi32>
                  %sub3A_662 = arith.subi %sub3A_661, %xor3A_659 : vector<16xi32>
                  %eq3A_663 = arith.constant 1 : i32
                  %eq3A_664 = vector.broadcast %eq3A_663 : i32 to vector<16xi32>
                  %eq3A_665 = arith.cmpi eq, %sub3A_662, %eq3A_664 : vector<16xi32>
                  %select_n3A_666 = arith.select %eq3A_665, %select_n3A_596, %gather3A_628 : vector<16xi1>, vector<16xf32>
                  %select_n3A_667 = arith.select %eq3A_665, %select_n3A_597, %gather3A_638 : vector<16xi1>, vector<16xi32>
                  %shift_right_arithmetic3A_668 = arith.constant 3 : i32
                  %shift_right_arithmetic3A_669 = vector.broadcast %shift_right_arithmetic3A_668 : i32 to vector<16xi32>
                  %shift_right_arithmetic3A_670 = arith.shrsi %iota3A, %shift_right_arithmetic3A_669 : vector<16xi32>
                  %and3A_671 = arith.constant 1 : i32
                  %and3A_672 = vector.broadcast %and3A_671 : i32 to vector<16xi32>
                  %and3A_673 = arith.andi %shift_right_arithmetic3A_670, %and3A_672 : vector<16xi32>
                  %and3A_674 = arith.constant 2 : i32
                  %and3A_675 = vector.broadcast %and3A_674 : i32 to vector<16xi32>
                  %and3A_676 = arith.andi %iota3A, %and3A_675 : vector<16xi32>
                  %eq3A_677 = arith.constant 0 : i32
                  %eq3A_678 = vector.broadcast %eq3A_677 : i32 to vector<16xi32>
                  %eq3A_679 = arith.cmpi eq, %and3A_676, %eq3A_678 : vector<16xi32>
                  %jit3A_680 = arith.constant 1 : i32
                  %jit3A_681 = arith.constant 0 : i32
                  %broadcast_in_dim3A_682 = vector.broadcast %jit3A_680 : i32 to vector<16xi32>
                  %broadcast_in_dim3A_683 = vector.broadcast %jit3A_681 : i32 to vector<16xi32>
                  %select_n3A_684 = arith.select %eq3A_679, %broadcast_in_dim3A_682, %broadcast_in_dim3A_683 : vector<16xi1>, vector<16xi32>
                  %xor3A_685 = arith.xori %select_n3A_684, %and3A_673 : vector<16xi32>
                  %xor3A_686 = arith.constant 2 : i32
                  %xor3A_687 = vector.broadcast %xor3A_686 : i32 to vector<16xi32>
                  %xor3A_688 = arith.xori %iota3A, %xor3A_687 : vector<16xi32>
                  %lt3A_689 = arith.constant 0 : i32
                  %lt3A_690 = vector.broadcast %lt3A_689 : i32 to vector<16xi32>
                  %lt3A_691 = arith.cmpi slt, %xor3A_688, %lt3A_690 : vector<16xi32>
                  %add3A_692 = arith.constant 16 : i32
                  %add3A_693 = vector.broadcast %add3A_692 : i32 to vector<16xi32>
                  %add3A_694 = arith.addi %xor3A_688, %add3A_693 : vector<16xi32>
                  %select_n3A_695 = arith.select %lt3A_691, %add3A_694, %xor3A_688 : vector<16xi1>, vector<16xi32>
                  %broadcast_in_dim3A_696 = vector.shape_cast %select_n3A_695 : vector<16xi32> to vector<16x1xi32>
                  %gather3A_697 = vector.shape_cast %broadcast_in_dim3A_696 : vector<16x1xi32> to vector<16xi32>
                  %gather3A_698 = tpu.dynamic_gather %select_n3A_666[%gather3A_697] in [0] : vector<16xf32>, vector<16xi32> -> vector<16xf32>
                  %lt3A_699 = arith.constant 0 : i32
                  %lt3A_700 = vector.broadcast %lt3A_699 : i32 to vector<16xi32>
                  %lt3A_701 = arith.cmpi slt, %xor3A_688, %lt3A_700 : vector<16xi32>
                  %add3A_702 = arith.constant 16 : i32
                  %add3A_703 = vector.broadcast %add3A_702 : i32 to vector<16xi32>
                  %add3A_704 = arith.addi %xor3A_688, %add3A_703 : vector<16xi32>
                  %select_n3A_705 = arith.select %lt3A_701, %add3A_704, %xor3A_688 : vector<16xi1>, vector<16xi32>
                  %broadcast_in_dim3A_706 = vector.shape_cast %select_n3A_705 : vector<16xi32> to vector<16x1xi32>
                  %gather3A_707 = vector.shape_cast %broadcast_in_dim3A_706 : vector<16x1xi32> to vector<16xi32>
                  %gather3A_708 = tpu.dynamic_gather %select_n3A_667[%gather3A_707] in [0] : vector<16xi32>, vector<16xi32> -> vector<16xi32>
                  %gt3A_709 = arith.cmpf ogt, %select_n3A_666, %gather3A_698 : vector<16xf32>
                  %jit3A_710 = arith.constant 1 : i32
                  %jit3A_711 = arith.constant 0 : i32
                  %broadcast_in_dim3A_712 = vector.broadcast %jit3A_710 : i32 to vector<16xi32>
                  %broadcast_in_dim3A_713 = vector.broadcast %jit3A_711 : i32 to vector<16xi32>
                  %select_n3A_714 = arith.select %gt3A_709, %broadcast_in_dim3A_712, %broadcast_in_dim3A_713 : vector<16xi1>, vector<16xi32>
                  %eq3A_715 = arith.cmpf oeq, %select_n3A_666, %gather3A_698 : vector<16xf32>
                  %jit3A_716 = arith.constant 1 : i32
                  %jit3A_717 = arith.constant 0 : i32
                  %broadcast_in_dim3A_718 = vector.broadcast %jit3A_716 : i32 to vector<16xi32>
                  %broadcast_in_dim3A_719 = vector.broadcast %jit3A_717 : i32 to vector<16xi32>
                  %select_n3A_720 = arith.select %eq3A_715, %broadcast_in_dim3A_718, %broadcast_in_dim3A_719 : vector<16xi1>, vector<16xi32>
                  %lt3A_721 = arith.cmpi slt, %select_n3A_667, %gather3A_708 : vector<16xi32>
                  %jit3A_722 = arith.constant 1 : i32
                  %jit3A_723 = arith.constant 0 : i32
                  %broadcast_in_dim3A_724 = vector.broadcast %jit3A_722 : i32 to vector<16xi32>
                  %broadcast_in_dim3A_725 = vector.broadcast %jit3A_723 : i32 to vector<16xi32>
                  %select_n3A_726 = arith.select %lt3A_721, %broadcast_in_dim3A_724, %broadcast_in_dim3A_725 : vector<16xi1>, vector<16xi32>
                  %and3A_727 = arith.andi %select_n3A_720, %select_n3A_726 : vector<16xi32>
                  %or3A_728 = arith.ori %select_n3A_714, %and3A_727 : vector<16xi32>
                  %xor3A_729 = arith.xori %xor3A_685, %or3A_728 : vector<16xi32>
                  %sub3A_730 = arith.constant 1 : i32
                  %sub3A_731 = vector.broadcast %sub3A_730 : i32 to vector<16xi32>
                  %sub3A_732 = arith.subi %sub3A_731, %xor3A_729 : vector<16xi32>
                  %eq3A_733 = arith.constant 1 : i32
                  %eq3A_734 = vector.broadcast %eq3A_733 : i32 to vector<16xi32>
                  %eq3A_735 = arith.cmpi eq, %sub3A_732, %eq3A_734 : vector<16xi32>
                  %select_n3A_736 = arith.select %eq3A_735, %select_n3A_666, %gather3A_698 : vector<16xi1>, vector<16xf32>
                  %select_n3A_737 = arith.select %eq3A_735, %select_n3A_667, %gather3A_708 : vector<16xi1>, vector<16xi32>
                  %shift_right_arithmetic3A_738 = arith.constant 3 : i32
                  %shift_right_arithmetic3A_739 = vector.broadcast %shift_right_arithmetic3A_738 : i32 to vector<16xi32>
                  %shift_right_arithmetic3A_740 = arith.shrsi %iota3A, %shift_right_arithmetic3A_739 : vector<16xi32>
                  %and3A_741 = arith.constant 1 : i32
                  %and3A_742 = vector.broadcast %and3A_741 : i32 to vector<16xi32>
                  %and3A_743 = arith.andi %shift_right_arithmetic3A_740, %and3A_742 : vector<16xi32>
                  %and3A_744 = arith.constant 1 : i32
                  %and3A_745 = vector.broadcast %and3A_744 : i32 to vector<16xi32>
                  %and3A_746 = arith.andi %iota3A, %and3A_745 : vector<16xi32>
                  %eq3A_747 = arith.constant 0 : i32
                  %eq3A_748 = vector.broadcast %eq3A_747 : i32 to vector<16xi32>
                  %eq3A_749 = arith.cmpi eq, %and3A_746, %eq3A_748 : vector<16xi32>
                  %jit3A_750 = arith.constant 1 : i32
                  %jit3A_751 = arith.constant 0 : i32
                  %broadcast_in_dim3A_752 = vector.broadcast %jit3A_750 : i32 to vector<16xi32>
                  %broadcast_in_dim3A_753 = vector.broadcast %jit3A_751 : i32 to vector<16xi32>
                  %select_n3A_754 = arith.select %eq3A_749, %broadcast_in_dim3A_752, %broadcast_in_dim3A_753 : vector<16xi1>, vector<16xi32>
                  %xor3A_755 = arith.xori %select_n3A_754, %and3A_743 : vector<16xi32>
                  %xor3A_756 = arith.constant 1 : i32
                  %xor3A_757 = vector.broadcast %xor3A_756 : i32 to vector<16xi32>
                  %xor3A_758 = arith.xori %iota3A, %xor3A_757 : vector<16xi32>
                  %lt3A_759 = arith.constant 0 : i32
                  %lt3A_760 = vector.broadcast %lt3A_759 : i32 to vector<16xi32>
                  %lt3A_761 = arith.cmpi slt, %xor3A_758, %lt3A_760 : vector<16xi32>
                  %add3A_762 = arith.constant 16 : i32
                  %add3A_763 = vector.broadcast %add3A_762 : i32 to vector<16xi32>
                  %add3A_764 = arith.addi %xor3A_758, %add3A_763 : vector<16xi32>
                  %select_n3A_765 = arith.select %lt3A_761, %add3A_764, %xor3A_758 : vector<16xi1>, vector<16xi32>
                  %broadcast_in_dim3A_766 = vector.shape_cast %select_n3A_765 : vector<16xi32> to vector<16x1xi32>
                  %gather3A_767 = vector.shape_cast %broadcast_in_dim3A_766 : vector<16x1xi32> to vector<16xi32>
                  %gather3A_768 = tpu.dynamic_gather %select_n3A_736[%gather3A_767] in [0] : vector<16xf32>, vector<16xi32> -> vector<16xf32>
                  %lt3A_769 = arith.constant 0 : i32
                  %lt3A_770 = vector.broadcast %lt3A_769 : i32 to vector<16xi32>
                  %lt3A_771 = arith.cmpi slt, %xor3A_758, %lt3A_770 : vector<16xi32>
                  %add3A_772 = arith.constant 16 : i32
                  %add3A_773 = vector.broadcast %add3A_772 : i32 to vector<16xi32>
                  %add3A_774 = arith.addi %xor3A_758, %add3A_773 : vector<16xi32>
                  %select_n3A_775 = arith.select %lt3A_771, %add3A_774, %xor3A_758 : vector<16xi1>, vector<16xi32>
                  %broadcast_in_dim3A_776 = vector.shape_cast %select_n3A_775 : vector<16xi32> to vector<16x1xi32>
                  %gather3A_777 = vector.shape_cast %broadcast_in_dim3A_776 : vector<16x1xi32> to vector<16xi32>
                  %gather3A_778 = tpu.dynamic_gather %select_n3A_737[%gather3A_777] in [0] : vector<16xi32>, vector<16xi32> -> vector<16xi32>
                  %gt3A_779 = arith.cmpf ogt, %select_n3A_736, %gather3A_768 : vector<16xf32>
                  %jit3A_780 = arith.constant 1 : i32
                  %jit3A_781 = arith.constant 0 : i32
                  %broadcast_in_dim3A_782 = vector.broadcast %jit3A_780 : i32 to vector<16xi32>
                  %broadcast_in_dim3A_783 = vector.broadcast %jit3A_781 : i32 to vector<16xi32>
                  %select_n3A_784 = arith.select %gt3A_779, %broadcast_in_dim3A_782, %broadcast_in_dim3A_783 : vector<16xi1>, vector<16xi32>
                  %eq3A_785 = arith.cmpf oeq, %select_n3A_736, %gather3A_768 : vector<16xf32>
                  %jit3A_786 = arith.constant 1 : i32
                  %jit3A_787 = arith.constant 0 : i32
                  %broadcast_in_dim3A_788 = vector.broadcast %jit3A_786 : i32 to vector<16xi32>
                  %broadcast_in_dim3A_789 = vector.broadcast %jit3A_787 : i32 to vector<16xi32>
                  %select_n3A_790 = arith.select %eq3A_785, %broadcast_in_dim3A_788, %broadcast_in_dim3A_789 : vector<16xi1>, vector<16xi32>
                  %lt3A_791 = arith.cmpi slt, %select_n3A_737, %gather3A_778 : vector<16xi32>
                  %jit3A_792 = arith.constant 1 : i32
                  %jit3A_793 = arith.constant 0 : i32
                  %broadcast_in_dim3A_794 = vector.broadcast %jit3A_792 : i32 to vector<16xi32>
                  %broadcast_in_dim3A_795 = vector.broadcast %jit3A_793 : i32 to vector<16xi32>
                  %select_n3A_796 = arith.select %lt3A_791, %broadcast_in_dim3A_794, %broadcast_in_dim3A_795 : vector<16xi1>, vector<16xi32>
                  %and3A_797 = arith.andi %select_n3A_790, %select_n3A_796 : vector<16xi32>
                  %or3A_798 = arith.ori %select_n3A_784, %and3A_797 : vector<16xi32>
                  %xor3A_799 = arith.xori %xor3A_755, %or3A_798 : vector<16xi32>
                  %sub3A_800 = arith.constant 1 : i32
                  %sub3A_801 = vector.broadcast %sub3A_800 : i32 to vector<16xi32>
                  %sub3A_802 = arith.subi %sub3A_801, %xor3A_799 : vector<16xi32>
                  %eq3A_803 = arith.constant 1 : i32
                  %eq3A_804 = vector.broadcast %eq3A_803 : i32 to vector<16xi32>
                  %eq3A_805 = arith.cmpi eq, %sub3A_802, %eq3A_804 : vector<16xi32>
                  %select_n3A_806 = arith.select %eq3A_805, %select_n3A_736, %gather3A_768 : vector<16xi1>, vector<16xf32>
                  %select_n3A_807 = arith.select %eq3A_805, %select_n3A_737, %gather3A_778 : vector<16xi1>, vector<16xi32>
                  %shift_right_arithmetic3A_808 = arith.constant 4 : i32
                  %shift_right_arithmetic3A_809 = vector.broadcast %shift_right_arithmetic3A_808 : i32 to vector<16xi32>
                  %shift_right_arithmetic3A_810 = arith.shrsi %iota3A, %shift_right_arithmetic3A_809 : vector<16xi32>
                  %and3A_811 = arith.constant 1 : i32
                  %and3A_812 = vector.broadcast %and3A_811 : i32 to vector<16xi32>
                  %and3A_813 = arith.andi %shift_right_arithmetic3A_810, %and3A_812 : vector<16xi32>
                  %and3A_814 = arith.constant 8 : i32
                  %and3A_815 = vector.broadcast %and3A_814 : i32 to vector<16xi32>
                  %and3A_816 = arith.andi %iota3A, %and3A_815 : vector<16xi32>
                  %eq3A_817 = arith.constant 0 : i32
                  %eq3A_818 = vector.broadcast %eq3A_817 : i32 to vector<16xi32>
                  %eq3A_819 = arith.cmpi eq, %and3A_816, %eq3A_818 : vector<16xi32>
                  %jit3A_820 = arith.constant 1 : i32
                  %jit3A_821 = arith.constant 0 : i32
                  %broadcast_in_dim3A_822 = vector.broadcast %jit3A_820 : i32 to vector<16xi32>
                  %broadcast_in_dim3A_823 = vector.broadcast %jit3A_821 : i32 to vector<16xi32>
                  %select_n3A_824 = arith.select %eq3A_819, %broadcast_in_dim3A_822, %broadcast_in_dim3A_823 : vector<16xi1>, vector<16xi32>
                  %xor3A_825 = arith.xori %select_n3A_824, %and3A_813 : vector<16xi32>
                  %xor3A_826 = arith.constant 8 : i32
                  %xor3A_827 = vector.broadcast %xor3A_826 : i32 to vector<16xi32>
                  %xor3A_828 = arith.xori %iota3A, %xor3A_827 : vector<16xi32>
                  %lt3A_829 = arith.constant 0 : i32
                  %lt3A_830 = vector.broadcast %lt3A_829 : i32 to vector<16xi32>
                  %lt3A_831 = arith.cmpi slt, %xor3A_828, %lt3A_830 : vector<16xi32>
                  %add3A_832 = arith.constant 16 : i32
                  %add3A_833 = vector.broadcast %add3A_832 : i32 to vector<16xi32>
                  %add3A_834 = arith.addi %xor3A_828, %add3A_833 : vector<16xi32>
                  %select_n3A_835 = arith.select %lt3A_831, %add3A_834, %xor3A_828 : vector<16xi1>, vector<16xi32>
                  %broadcast_in_dim3A_836 = vector.shape_cast %select_n3A_835 : vector<16xi32> to vector<16x1xi32>
                  %gather3A_837 = vector.shape_cast %broadcast_in_dim3A_836 : vector<16x1xi32> to vector<16xi32>
                  %gather3A_838 = tpu.dynamic_gather %select_n3A_806[%gather3A_837] in [0] : vector<16xf32>, vector<16xi32> -> vector<16xf32>
                  %lt3A_839 = arith.constant 0 : i32
                  %lt3A_840 = vector.broadcast %lt3A_839 : i32 to vector<16xi32>
                  %lt3A_841 = arith.cmpi slt, %xor3A_828, %lt3A_840 : vector<16xi32>
                  %add3A_842 = arith.constant 16 : i32
                  %add3A_843 = vector.broadcast %add3A_842 : i32 to vector<16xi32>
                  %add3A_844 = arith.addi %xor3A_828, %add3A_843 : vector<16xi32>
                  %select_n3A_845 = arith.select %lt3A_841, %add3A_844, %xor3A_828 : vector<16xi1>, vector<16xi32>
                  %broadcast_in_dim3A_846 = vector.shape_cast %select_n3A_845 : vector<16xi32> to vector<16x1xi32>
                  %gather3A_847 = vector.shape_cast %broadcast_in_dim3A_846 : vector<16x1xi32> to vector<16xi32>
                  %gather3A_848 = tpu.dynamic_gather %select_n3A_807[%gather3A_847] in [0] : vector<16xi32>, vector<16xi32> -> vector<16xi32>
                  %gt3A_849 = arith.cmpf ogt, %select_n3A_806, %gather3A_838 : vector<16xf32>
                  %jit3A_850 = arith.constant 1 : i32
                  %jit3A_851 = arith.constant 0 : i32
                  %broadcast_in_dim3A_852 = vector.broadcast %jit3A_850 : i32 to vector<16xi32>
                  %broadcast_in_dim3A_853 = vector.broadcast %jit3A_851 : i32 to vector<16xi32>
                  %select_n3A_854 = arith.select %gt3A_849, %broadcast_in_dim3A_852, %broadcast_in_dim3A_853 : vector<16xi1>, vector<16xi32>
                  %eq3A_855 = arith.cmpf oeq, %select_n3A_806, %gather3A_838 : vector<16xf32>
                  %jit3A_856 = arith.constant 1 : i32
                  %jit3A_857 = arith.constant 0 : i32
                  %broadcast_in_dim3A_858 = vector.broadcast %jit3A_856 : i32 to vector<16xi32>
                  %broadcast_in_dim3A_859 = vector.broadcast %jit3A_857 : i32 to vector<16xi32>
                  %select_n3A_860 = arith.select %eq3A_855, %broadcast_in_dim3A_858, %broadcast_in_dim3A_859 : vector<16xi1>, vector<16xi32>
                  %lt3A_861 = arith.cmpi slt, %select_n3A_807, %gather3A_848 : vector<16xi32>
                  %jit3A_862 = arith.constant 1 : i32
                  %jit3A_863 = arith.constant 0 : i32
                  %broadcast_in_dim3A_864 = vector.broadcast %jit3A_862 : i32 to vector<16xi32>
                  %broadcast_in_dim3A_865 = vector.broadcast %jit3A_863 : i32 to vector<16xi32>
                  %select_n3A_866 = arith.select %lt3A_861, %broadcast_in_dim3A_864, %broadcast_in_dim3A_865 : vector<16xi1>, vector<16xi32>
                  %and3A_867 = arith.andi %select_n3A_860, %select_n3A_866 : vector<16xi32>
                  %or3A_868 = arith.ori %select_n3A_854, %and3A_867 : vector<16xi32>
                  %xor3A_869 = arith.xori %xor3A_825, %or3A_868 : vector<16xi32>
                  %sub3A_870 = arith.constant 1 : i32
                  %sub3A_871 = vector.broadcast %sub3A_870 : i32 to vector<16xi32>
                  %sub3A_872 = arith.subi %sub3A_871, %xor3A_869 : vector<16xi32>
                  %eq3A_873 = arith.constant 1 : i32
                  %eq3A_874 = vector.broadcast %eq3A_873 : i32 to vector<16xi32>
                  %eq3A_875 = arith.cmpi eq, %sub3A_872, %eq3A_874 : vector<16xi32>
                  %select_n3A_876 = arith.select %eq3A_875, %select_n3A_806, %gather3A_838 : vector<16xi1>, vector<16xf32>
                  %select_n3A_877 = arith.select %eq3A_875, %select_n3A_807, %gather3A_848 : vector<16xi1>, vector<16xi32>
                  %shift_right_arithmetic3A_878 = arith.constant 4 : i32
                  %shift_right_arithmetic3A_879 = vector.broadcast %shift_right_arithmetic3A_878 : i32 to vector<16xi32>
                  %shift_right_arithmetic3A_880 = arith.shrsi %iota3A, %shift_right_arithmetic3A_879 : vector<16xi32>
                  %and3A_881 = arith.constant 1 : i32
                  %and3A_882 = vector.broadcast %and3A_881 : i32 to vector<16xi32>
                  %and3A_883 = arith.andi %shift_right_arithmetic3A_880, %and3A_882 : vector<16xi32>
                  %and3A_884 = arith.constant 4 : i32
                  %and3A_885 = vector.broadcast %and3A_884 : i32 to vector<16xi32>
                  %and3A_886 = arith.andi %iota3A, %and3A_885 : vector<16xi32>
                  %eq3A_887 = arith.constant 0 : i32
                  %eq3A_888 = vector.broadcast %eq3A_887 : i32 to vector<16xi32>
                  %eq3A_889 = arith.cmpi eq, %and3A_886, %eq3A_888 : vector<16xi32>
                  %jit3A_890 = arith.constant 1 : i32
                  %jit3A_891 = arith.constant 0 : i32
                  %broadcast_in_dim3A_892 = vector.broadcast %jit3A_890 : i32 to vector<16xi32>
                  %broadcast_in_dim3A_893 = vector.broadcast %jit3A_891 : i32 to vector<16xi32>
                  %select_n3A_894 = arith.select %eq3A_889, %broadcast_in_dim3A_892, %broadcast_in_dim3A_893 : vector<16xi1>, vector<16xi32>
                  %xor3A_895 = arith.xori %select_n3A_894, %and3A_883 : vector<16xi32>
                  %xor3A_896 = arith.constant 4 : i32
                  %xor3A_897 = vector.broadcast %xor3A_896 : i32 to vector<16xi32>
                  %xor3A_898 = arith.xori %iota3A, %xor3A_897 : vector<16xi32>
                  %lt3A_899 = arith.constant 0 : i32
                  %lt3A_900 = vector.broadcast %lt3A_899 : i32 to vector<16xi32>
                  %lt3A_901 = arith.cmpi slt, %xor3A_898, %lt3A_900 : vector<16xi32>
                  %add3A_902 = arith.constant 16 : i32
                  %add3A_903 = vector.broadcast %add3A_902 : i32 to vector<16xi32>
                  %add3A_904 = arith.addi %xor3A_898, %add3A_903 : vector<16xi32>
                  %select_n3A_905 = arith.select %lt3A_901, %add3A_904, %xor3A_898 : vector<16xi1>, vector<16xi32>
                  %broadcast_in_dim3A_906 = vector.shape_cast %select_n3A_905 : vector<16xi32> to vector<16x1xi32>
                  %gather3A_907 = vector.shape_cast %broadcast_in_dim3A_906 : vector<16x1xi32> to vector<16xi32>
                  %gather3A_908 = tpu.dynamic_gather %select_n3A_876[%gather3A_907] in [0] : vector<16xf32>, vector<16xi32> -> vector<16xf32>
                  %lt3A_909 = arith.constant 0 : i32
                  %lt3A_910 = vector.broadcast %lt3A_909 : i32 to vector<16xi32>
                  %lt3A_911 = arith.cmpi slt, %xor3A_898, %lt3A_910 : vector<16xi32>
                  %add3A_912 = arith.constant 16 : i32
                  %add3A_913 = vector.broadcast %add3A_912 : i32 to vector<16xi32>
                  %add3A_914 = arith.addi %xor3A_898, %add3A_913 : vector<16xi32>
                  %select_n3A_915 = arith.select %lt3A_911, %add3A_914, %xor3A_898 : vector<16xi1>, vector<16xi32>
                  %broadcast_in_dim3A_916 = vector.shape_cast %select_n3A_915 : vector<16xi32> to vector<16x1xi32>
                  %gather3A_917 = vector.shape_cast %broadcast_in_dim3A_916 : vector<16x1xi32> to vector<16xi32>
                  %gather3A_918 = tpu.dynamic_gather %select_n3A_877[%gather3A_917] in [0] : vector<16xi32>, vector<16xi32> -> vector<16xi32>
                  %gt3A_919 = arith.cmpf ogt, %select_n3A_876, %gather3A_908 : vector<16xf32>
                  %jit3A_920 = arith.constant 1 : i32
                  %jit3A_921 = arith.constant 0 : i32
                  %broadcast_in_dim3A_922 = vector.broadcast %jit3A_920 : i32 to vector<16xi32>
                  %broadcast_in_dim3A_923 = vector.broadcast %jit3A_921 : i32 to vector<16xi32>
                  %select_n3A_924 = arith.select %gt3A_919, %broadcast_in_dim3A_922, %broadcast_in_dim3A_923 : vector<16xi1>, vector<16xi32>
                  %eq3A_925 = arith.cmpf oeq, %select_n3A_876, %gather3A_908 : vector<16xf32>
                  %jit3A_926 = arith.constant 1 : i32
                  %jit3A_927 = arith.constant 0 : i32
                  %broadcast_in_dim3A_928 = vector.broadcast %jit3A_926 : i32 to vector<16xi32>
                  %broadcast_in_dim3A_929 = vector.broadcast %jit3A_927 : i32 to vector<16xi32>
                  %select_n3A_930 = arith.select %eq3A_925, %broadcast_in_dim3A_928, %broadcast_in_dim3A_929 : vector<16xi1>, vector<16xi32>
                  %lt3A_931 = arith.cmpi slt, %select_n3A_877, %gather3A_918 : vector<16xi32>
                  %jit3A_932 = arith.constant 1 : i32
                  %jit3A_933 = arith.constant 0 : i32
                  %broadcast_in_dim3A_934 = vector.broadcast %jit3A_932 : i32 to vector<16xi32>
                  %broadcast_in_dim3A_935 = vector.broadcast %jit3A_933 : i32 to vector<16xi32>
                  %select_n3A_936 = arith.select %lt3A_931, %broadcast_in_dim3A_934, %broadcast_in_dim3A_935 : vector<16xi1>, vector<16xi32>
                  %and3A_937 = arith.andi %select_n3A_930, %select_n3A_936 : vector<16xi32>
                  %or3A_938 = arith.ori %select_n3A_924, %and3A_937 : vector<16xi32>
                  %xor3A_939 = arith.xori %xor3A_895, %or3A_938 : vector<16xi32>
                  %sub3A_940 = arith.constant 1 : i32
                  %sub3A_941 = vector.broadcast %sub3A_940 : i32 to vector<16xi32>
                  %sub3A_942 = arith.subi %sub3A_941, %xor3A_939 : vector<16xi32>
                  %eq3A_943 = arith.constant 1 : i32
                  %eq3A_944 = vector.broadcast %eq3A_943 : i32 to vector<16xi32>
                  %eq3A_945 = arith.cmpi eq, %sub3A_942, %eq3A_944 : vector<16xi32>
                  %select_n3A_946 = arith.select %eq3A_945, %select_n3A_876, %gather3A_908 : vector<16xi1>, vector<16xf32>
                  %select_n3A_947 = arith.select %eq3A_945, %select_n3A_877, %gather3A_918 : vector<16xi1>, vector<16xi32>
                  %shift_right_arithmetic3A_948 = arith.constant 4 : i32
                  %shift_right_arithmetic3A_949 = vector.broadcast %shift_right_arithmetic3A_948 : i32 to vector<16xi32>
                  %shift_right_arithmetic3A_950 = arith.shrsi %iota3A, %shift_right_arithmetic3A_949 : vector<16xi32>
                  %and3A_951 = arith.constant 1 : i32
                  %and3A_952 = vector.broadcast %and3A_951 : i32 to vector<16xi32>
                  %and3A_953 = arith.andi %shift_right_arithmetic3A_950, %and3A_952 : vector<16xi32>
                  %and3A_954 = arith.constant 2 : i32
                  %and3A_955 = vector.broadcast %and3A_954 : i32 to vector<16xi32>
                  %and3A_956 = arith.andi %iota3A, %and3A_955 : vector<16xi32>
                  %eq3A_957 = arith.constant 0 : i32
                  %eq3A_958 = vector.broadcast %eq3A_957 : i32 to vector<16xi32>
                  %eq3A_959 = arith.cmpi eq, %and3A_956, %eq3A_958 : vector<16xi32>
                  %jit3A_960 = arith.constant 1 : i32
                  %jit3A_961 = arith.constant 0 : i32
                  %broadcast_in_dim3A_962 = vector.broadcast %jit3A_960 : i32 to vector<16xi32>
                  %broadcast_in_dim3A_963 = vector.broadcast %jit3A_961 : i32 to vector<16xi32>
                  %select_n3A_964 = arith.select %eq3A_959, %broadcast_in_dim3A_962, %broadcast_in_dim3A_963 : vector<16xi1>, vector<16xi32>
                  %xor3A_965 = arith.xori %select_n3A_964, %and3A_953 : vector<16xi32>
                  %xor3A_966 = arith.constant 2 : i32
                  %xor3A_967 = vector.broadcast %xor3A_966 : i32 to vector<16xi32>
                  %xor3A_968 = arith.xori %iota3A, %xor3A_967 : vector<16xi32>
                  %lt3A_969 = arith.constant 0 : i32
                  %lt3A_970 = vector.broadcast %lt3A_969 : i32 to vector<16xi32>
                  %lt3A_971 = arith.cmpi slt, %xor3A_968, %lt3A_970 : vector<16xi32>
                  %add3A_972 = arith.constant 16 : i32
                  %add3A_973 = vector.broadcast %add3A_972 : i32 to vector<16xi32>
                  %add3A_974 = arith.addi %xor3A_968, %add3A_973 : vector<16xi32>
                  %select_n3A_975 = arith.select %lt3A_971, %add3A_974, %xor3A_968 : vector<16xi1>, vector<16xi32>
                  %broadcast_in_dim3A_976 = vector.shape_cast %select_n3A_975 : vector<16xi32> to vector<16x1xi32>
                  %gather3A_977 = vector.shape_cast %broadcast_in_dim3A_976 : vector<16x1xi32> to vector<16xi32>
                  %gather3A_978 = tpu.dynamic_gather %select_n3A_946[%gather3A_977] in [0] : vector<16xf32>, vector<16xi32> -> vector<16xf32>
                  %lt3A_979 = arith.constant 0 : i32
                  %lt3A_980 = vector.broadcast %lt3A_979 : i32 to vector<16xi32>
                  %lt3A_981 = arith.cmpi slt, %xor3A_968, %lt3A_980 : vector<16xi32>
                  %add3A_982 = arith.constant 16 : i32
                  %add3A_983 = vector.broadcast %add3A_982 : i32 to vector<16xi32>
                  %add3A_984 = arith.addi %xor3A_968, %add3A_983 : vector<16xi32>
                  %select_n3A_985 = arith.select %lt3A_981, %add3A_984, %xor3A_968 : vector<16xi1>, vector<16xi32>
                  %broadcast_in_dim3A_986 = vector.shape_cast %select_n3A_985 : vector<16xi32> to vector<16x1xi32>
                  %gather3A_987 = vector.shape_cast %broadcast_in_dim3A_986 : vector<16x1xi32> to vector<16xi32>
                  %gather3A_988 = tpu.dynamic_gather %select_n3A_947[%gather3A_987] in [0] : vector<16xi32>, vector<16xi32> -> vector<16xi32>
                  %gt3A_989 = arith.cmpf ogt, %select_n3A_946, %gather3A_978 : vector<16xf32>
                  %jit3A_990 = arith.constant 1 : i32
                  %jit3A_991 = arith.constant 0 : i32
                  %broadcast_in_dim3A_992 = vector.broadcast %jit3A_990 : i32 to vector<16xi32>
                  %broadcast_in_dim3A_993 = vector.broadcast %jit3A_991 : i32 to vector<16xi32>
                  %select_n3A_994 = arith.select %gt3A_989, %broadcast_in_dim3A_992, %broadcast_in_dim3A_993 : vector<16xi1>, vector<16xi32>
                  %eq3A_995 = arith.cmpf oeq, %select_n3A_946, %gather3A_978 : vector<16xf32>
                  %jit3A_996 = arith.constant 1 : i32
                  %jit3A_997 = arith.constant 0 : i32
                  %broadcast_in_dim3A_998 = vector.broadcast %jit3A_996 : i32 to vector<16xi32>
                  %broadcast_in_dim3A_999 = vector.broadcast %jit3A_997 : i32 to vector<16xi32>
                  %select_n3A_1000 = arith.select %eq3A_995, %broadcast_in_dim3A_998, %broadcast_in_dim3A_999 : vector<16xi1>, vector<16xi32>
                  %lt3A_1001 = arith.cmpi slt, %select_n3A_947, %gather3A_988 : vector<16xi32>
                  %jit3A_1002 = arith.constant 1 : i32
                  %jit3A_1003 = arith.constant 0 : i32
                  %broadcast_in_dim3A_1004 = vector.broadcast %jit3A_1002 : i32 to vector<16xi32>
                  %broadcast_in_dim3A_1005 = vector.broadcast %jit3A_1003 : i32 to vector<16xi32>
                  %select_n3A_1006 = arith.select %lt3A_1001, %broadcast_in_dim3A_1004, %broadcast_in_dim3A_1005 : vector<16xi1>, vector<16xi32>
                  %and3A_1007 = arith.andi %select_n3A_1000, %select_n3A_1006 : vector<16xi32>
                  %or3A_1008 = arith.ori %select_n3A_994, %and3A_1007 : vector<16xi32>
                  %xor3A_1009 = arith.xori %xor3A_965, %or3A_1008 : vector<16xi32>
                  %sub3A_1010 = arith.constant 1 : i32
                  %sub3A_1011 = vector.broadcast %sub3A_1010 : i32 to vector<16xi32>
                  %sub3A_1012 = arith.subi %sub3A_1011, %xor3A_1009 : vector<16xi32>
                  %eq3A_1013 = arith.constant 1 : i32
                  %eq3A_1014 = vector.broadcast %eq3A_1013 : i32 to vector<16xi32>
                  %eq3A_1015 = arith.cmpi eq, %sub3A_1012, %eq3A_1014 : vector<16xi32>
                  %select_n3A_1016 = arith.select %eq3A_1015, %select_n3A_946, %gather3A_978 : vector<16xi1>, vector<16xf32>
                  %select_n3A_1017 = arith.select %eq3A_1015, %select_n3A_947, %gather3A_988 : vector<16xi1>, vector<16xi32>
                  %shift_right_arithmetic3A_1018 = arith.constant 4 : i32
                  %shift_right_arithmetic3A_1019 = vector.broadcast %shift_right_arithmetic3A_1018 : i32 to vector<16xi32>
                  %shift_right_arithmetic3A_1020 = arith.shrsi %iota3A, %shift_right_arithmetic3A_1019 : vector<16xi32>
                  %and3A_1021 = arith.constant 1 : i32
                  %and3A_1022 = vector.broadcast %and3A_1021 : i32 to vector<16xi32>
                  %and3A_1023 = arith.andi %shift_right_arithmetic3A_1020, %and3A_1022 : vector<16xi32>
                  %and3A_1024 = arith.constant 1 : i32
                  %and3A_1025 = vector.broadcast %and3A_1024 : i32 to vector<16xi32>
                  %and3A_1026 = arith.andi %iota3A, %and3A_1025 : vector<16xi32>
                  %eq3A_1027 = arith.constant 0 : i32
                  %eq3A_1028 = vector.broadcast %eq3A_1027 : i32 to vector<16xi32>
                  %eq3A_1029 = arith.cmpi eq, %and3A_1026, %eq3A_1028 : vector<16xi32>
                  %jit3A_1030 = arith.constant 1 : i32
                  %jit3A_1031 = arith.constant 0 : i32
                  %broadcast_in_dim3A_1032 = vector.broadcast %jit3A_1030 : i32 to vector<16xi32>
                  %broadcast_in_dim3A_1033 = vector.broadcast %jit3A_1031 : i32 to vector<16xi32>
                  %select_n3A_1034 = arith.select %eq3A_1029, %broadcast_in_dim3A_1032, %broadcast_in_dim3A_1033 : vector<16xi1>, vector<16xi32>
                  %xor3A_1035 = arith.xori %select_n3A_1034, %and3A_1023 : vector<16xi32>
                  %xor3A_1036 = arith.constant 1 : i32
                  %xor3A_1037 = vector.broadcast %xor3A_1036 : i32 to vector<16xi32>
                  %xor3A_1038 = arith.xori %iota3A, %xor3A_1037 : vector<16xi32>
                  %lt3A_1039 = arith.constant 0 : i32
                  %lt3A_1040 = vector.broadcast %lt3A_1039 : i32 to vector<16xi32>
                  %lt3A_1041 = arith.cmpi slt, %xor3A_1038, %lt3A_1040 : vector<16xi32>
                  %add3A_1042 = arith.constant 16 : i32
                  %add3A_1043 = vector.broadcast %add3A_1042 : i32 to vector<16xi32>
                  %add3A_1044 = arith.addi %xor3A_1038, %add3A_1043 : vector<16xi32>
                  %select_n3A_1045 = arith.select %lt3A_1041, %add3A_1044, %xor3A_1038 : vector<16xi1>, vector<16xi32>
                  %broadcast_in_dim3A_1046 = vector.shape_cast %select_n3A_1045 : vector<16xi32> to vector<16x1xi32>
                  %gather3A_1047 = vector.shape_cast %broadcast_in_dim3A_1046 : vector<16x1xi32> to vector<16xi32>
                  %gather3A_1048 = tpu.dynamic_gather %select_n3A_1016[%gather3A_1047] in [0] : vector<16xf32>, vector<16xi32> -> vector<16xf32>
                  %lt3A_1049 = arith.constant 0 : i32
                  %lt3A_1050 = vector.broadcast %lt3A_1049 : i32 to vector<16xi32>
                  %lt3A_1051 = arith.cmpi slt, %xor3A_1038, %lt3A_1050 : vector<16xi32>
                  %add3A_1052 = arith.constant 16 : i32
                  %add3A_1053 = vector.broadcast %add3A_1052 : i32 to vector<16xi32>
                  %add3A_1054 = arith.addi %xor3A_1038, %add3A_1053 : vector<16xi32>
                  %select_n3A_1055 = arith.select %lt3A_1051, %add3A_1054, %xor3A_1038 : vector<16xi1>, vector<16xi32>
                  %broadcast_in_dim3A_1056 = vector.shape_cast %select_n3A_1055 : vector<16xi32> to vector<16x1xi32>
                  %gather3A_1057 = vector.shape_cast %broadcast_in_dim3A_1056 : vector<16x1xi32> to vector<16xi32>
                  %gather3A_1058 = tpu.dynamic_gather %select_n3A_1017[%gather3A_1057] in [0] : vector<16xi32>, vector<16xi32> -> vector<16xi32>
                  %gt3A_1059 = arith.cmpf ogt, %select_n3A_1016, %gather3A_1048 : vector<16xf32>
                  %jit3A_1060 = arith.constant 1 : i32
                  %jit3A_1061 = arith.constant 0 : i32
                  %broadcast_in_dim3A_1062 = vector.broadcast %jit3A_1060 : i32 to vector<16xi32>
                  %broadcast_in_dim3A_1063 = vector.broadcast %jit3A_1061 : i32 to vector<16xi32>
                  %select_n3A_1064 = arith.select %gt3A_1059, %broadcast_in_dim3A_1062, %broadcast_in_dim3A_1063 : vector<16xi1>, vector<16xi32>
                  %eq3A_1065 = arith.cmpf oeq, %select_n3A_1016, %gather3A_1048 : vector<16xf32>
                  %jit3A_1066 = arith.constant 1 : i32
                  %jit3A_1067 = arith.constant 0 : i32
                  %broadcast_in_dim3A_1068 = vector.broadcast %jit3A_1066 : i32 to vector<16xi32>
                  %broadcast_in_dim3A_1069 = vector.broadcast %jit3A_1067 : i32 to vector<16xi32>
                  %select_n3A_1070 = arith.select %eq3A_1065, %broadcast_in_dim3A_1068, %broadcast_in_dim3A_1069 : vector<16xi1>, vector<16xi32>
                  %lt3A_1071 = arith.cmpi slt, %select_n3A_1017, %gather3A_1058 : vector<16xi32>
                  %jit3A_1072 = arith.constant 1 : i32
                  %jit3A_1073 = arith.constant 0 : i32
                  %broadcast_in_dim3A_1074 = vector.broadcast %jit3A_1072 : i32 to vector<16xi32>
                  %broadcast_in_dim3A_1075 = vector.broadcast %jit3A_1073 : i32 to vector<16xi32>
                  %select_n3A_1076 = arith.select %lt3A_1071, %broadcast_in_dim3A_1074, %broadcast_in_dim3A_1075 : vector<16xi1>, vector<16xi32>
                  %and3A_1077 = arith.andi %select_n3A_1070, %select_n3A_1076 : vector<16xi32>
                  %or3A_1078 = arith.ori %select_n3A_1064, %and3A_1077 : vector<16xi32>
                  %xor3A_1079 = arith.xori %xor3A_1035, %or3A_1078 : vector<16xi32>
                  %sub3A_1080 = arith.constant 1 : i32
                  %sub3A_1081 = vector.broadcast %sub3A_1080 : i32 to vector<16xi32>
                  %sub3A_1082 = arith.subi %sub3A_1081, %xor3A_1079 : vector<16xi32>
                  %eq3A_1083 = arith.constant 1 : i32
                  %eq3A_1084 = vector.broadcast %eq3A_1083 : i32 to vector<16xi32>
                  %eq3A_1085 = arith.cmpi eq, %sub3A_1082, %eq3A_1084 : vector<16xi32>
                  %select_n3A_1086 = arith.select %eq3A_1085, %select_n3A_1016, %gather3A_1048 : vector<16xi1>, vector<16xf32>
                  %select_n3A_1087 = arith.select %eq3A_1085, %select_n3A_1017, %gather3A_1058 : vector<16xi1>, vector<16xi32>
                  %get3A_1088 = arith.constant 0 : index
                  %get3A_1089 = tpu.vector_load %arg8[%get3A_1088] {strides = array<i32>} : memref<16xf32, #tpu.memory_space<vmem>>, vector<16xf32>,
                  %get3A_1090 = vector.shape_cast %get3A_1089 : vector<16xf32> to vector<16xf32>
                  %get3A_1091 = arith.constant 0 : index
                  %get3A_1092 = tpu.vector_load %arg9[%get3A_1091] {strides = array<i32>} : memref<16xi32, #tpu.memory_space<vmem>>, vector<16xi32>,
                  %get3A_1093 = vector.shape_cast %get3A_1092 : vector<16xi32> to vector<16xi32>
                  %rev3A = arith.constant 15 : i32
                  %rev3A_1094 = vector.broadcast %rev3A : i32 to vector<16xi32>
                  %rev3A_1095 = tpu.iota {dimensions = array<i32: 0>} : vector<16xi32>
                  %rev3A_1096 = arith.subi %rev3A_1094, %rev3A_1095 : vector<16xi32>
                  %rev3A_1097 = tpu.dynamic_gather %get3A_1090[%rev3A_1096] in [0] : vector<16xf32>, vector<16xi32> -> vector<16xf32>
                  %rev3A_1098 = arith.constant 15 : i32
                  %rev3A_1099 = vector.broadcast %rev3A_1098 : i32 to vector<16xi32>
                  %rev3A_1100 = tpu.iota {dimensions = array<i32: 0>} : vector<16xi32>
                  %rev3A_1101 = arith.subi %rev3A_1099, %rev3A_1100 : vector<16xi32>
                  %rev3A_1102 = tpu.dynamic_gather %get3A_1093[%rev3A_1101] in [0] : vector<16xi32>, vector<16xi32> -> vector<16xi32>
                  %gt3A_1103 = arith.cmpf ogt, %select_n3A_1086, %rev3A_1097 : vector<16xf32>
                  %select_n3A_1104 = arith.select %gt3A_1103, %select_n3A_1086, %rev3A_1097 : vector<16xi1>, vector<16xf32>
                  %select_n3A_1105 = arith.select %gt3A_1103, %select_n3A_1087, %rev3A_1102 : vector<16xi1>, vector<16xi32>
                  %and3A_1106 = arith.constant 8 : i32
                  %and3A_1107 = vector.broadcast %and3A_1106 : i32 to vector<16xi32>
                  %and3A_1108 = arith.andi %iota3A, %and3A_1107 : vector<16xi32>
                  %eq3A_1109 = arith.constant 0 : i32
                  %eq3A_1110 = vector.broadcast %eq3A_1109 : i32 to vector<16xi32>
                  %eq3A_1111 = arith.cmpi eq, %and3A_1108, %eq3A_1110 : vector<16xi32>
                  %jit3A_1112 = arith.constant 1 : i32
                  %jit3A_1113 = arith.constant 0 : i32
                  %broadcast_in_dim3A_1114 = vector.broadcast %jit3A_1112 : i32 to vector<16xi32>
                  %broadcast_in_dim3A_1115 = vector.broadcast %jit3A_1113 : i32 to vector<16xi32>
                  %select_n3A_1116 = arith.select %eq3A_1111, %broadcast_in_dim3A_1114, %broadcast_in_dim3A_1115 : vector<16xi1>, vector<16xi32>
                  %xor3A_1117 = arith.constant 8 : i32
                  %xor3A_1118 = vector.broadcast %xor3A_1117 : i32 to vector<16xi32>
                  %xor3A_1119 = arith.xori %iota3A, %xor3A_1118 : vector<16xi32>
                  %lt3A_1120 = arith.constant 0 : i32
                  %lt3A_1121 = vector.broadcast %lt3A_1120 : i32 to vector<16xi32>
                  %lt3A_1122 = arith.cmpi slt, %xor3A_1119, %lt3A_1121 : vector<16xi32>
                  %add3A_1123 = arith.constant 16 : i32
                  %add3A_1124 = vector.broadcast %add3A_1123 : i32 to vector<16xi32>
                  %add3A_1125 = arith.addi %xor3A_1119, %add3A_1124 : vector<16xi32>
                  %select_n3A_1126 = arith.select %lt3A_1122, %add3A_1125, %xor3A_1119 : vector<16xi1>, vector<16xi32>
                  %broadcast_in_dim3A_1127 = vector.shape_cast %select_n3A_1126 : vector<16xi32> to vector<16x1xi32>
                  %gather3A_1128 = vector.shape_cast %broadcast_in_dim3A_1127 : vector<16x1xi32> to vector<16xi32>
                  %gather3A_1129 = tpu.dynamic_gather %select_n3A_1104[%gather3A_1128] in [0] : vector<16xf32>, vector<16xi32> -> vector<16xf32>
                  %lt3A_1130 = arith.constant 0 : i32
                  %lt3A_1131 = vector.broadcast %lt3A_1130 : i32 to vector<16xi32>
                  %lt3A_1132 = arith.cmpi slt, %xor3A_1119, %lt3A_1131 : vector<16xi32>
                  %add3A_1133 = arith.constant 16 : i32
                  %add3A_1134 = vector.broadcast %add3A_1133 : i32 to vector<16xi32>
                  %add3A_1135 = arith.addi %xor3A_1119, %add3A_1134 : vector<16xi32>
                  %select_n3A_1136 = arith.select %lt3A_1132, %add3A_1135, %xor3A_1119 : vector<16xi1>, vector<16xi32>
                  %broadcast_in_dim3A_1137 = vector.shape_cast %select_n3A_1136 : vector<16xi32> to vector<16x1xi32>
                  %gather3A_1138 = vector.shape_cast %broadcast_in_dim3A_1137 : vector<16x1xi32> to vector<16xi32>
                  %gather3A_1139 = tpu.dynamic_gather %select_n3A_1105[%gather3A_1138] in [0] : vector<16xi32>, vector<16xi32> -> vector<16xi32>
                  %gt3A_1140 = arith.cmpf ogt, %select_n3A_1104, %gather3A_1129 : vector<16xf32>
                  %jit3A_1141 = arith.constant 1 : i32
                  %jit3A_1142 = arith.constant 0 : i32
                  %broadcast_in_dim3A_1143 = vector.broadcast %jit3A_1141 : i32 to vector<16xi32>
                  %broadcast_in_dim3A_1144 = vector.broadcast %jit3A_1142 : i32 to vector<16xi32>
                  %select_n3A_1145 = arith.select %gt3A_1140, %broadcast_in_dim3A_1143, %broadcast_in_dim3A_1144 : vector<16xi1>, vector<16xi32>
                  %eq3A_1146 = arith.cmpf oeq, %select_n3A_1104, %gather3A_1129 : vector<16xf32>
                  %jit3A_1147 = arith.constant 1 : i32
                  %jit3A_1148 = arith.constant 0 : i32
                  %broadcast_in_dim3A_1149 = vector.broadcast %jit3A_1147 : i32 to vector<16xi32>
                  %broadcast_in_dim3A_1150 = vector.broadcast %jit3A_1148 : i32 to vector<16xi32>
                  %select_n3A_1151 = arith.select %eq3A_1146, %broadcast_in_dim3A_1149, %broadcast_in_dim3A_1150 : vector<16xi1>, vector<16xi32>
                  %lt3A_1152 = arith.cmpi slt, %select_n3A_1105, %gather3A_1139 : vector<16xi32>
                  %jit3A_1153 = arith.constant 1 : i32
                  %jit3A_1154 = arith.constant 0 : i32
                  %broadcast_in_dim3A_1155 = vector.broadcast %jit3A_1153 : i32 to vector<16xi32>
                  %broadcast_in_dim3A_1156 = vector.broadcast %jit3A_1154 : i32 to vector<16xi32>
                  %select_n3A_1157 = arith.select %lt3A_1152, %broadcast_in_dim3A_1155, %broadcast_in_dim3A_1156 : vector<16xi1>, vector<16xi32>
                  %and3A_1158 = arith.andi %select_n3A_1151, %select_n3A_1157 : vector<16xi32>
                  %or3A_1159 = arith.ori %select_n3A_1145, %and3A_1158 : vector<16xi32>
                  %xor3A_1160 = arith.xori %select_n3A_1116, %or3A_1159 : vector<16xi32>
                  %sub3A_1161 = arith.constant 1 : i32
                  %sub3A_1162 = vector.broadcast %sub3A_1161 : i32 to vector<16xi32>
                  %sub3A_1163 = arith.subi %sub3A_1162, %xor3A_1160 : vector<16xi32>
                  %eq3A_1164 = arith.constant 1 : i32
                  %eq3A_1165 = vector.broadcast %eq3A_1164 : i32 to vector<16xi32>
                  %eq3A_1166 = arith.cmpi eq, %sub3A_1163, %eq3A_1165 : vector<16xi32>
                  %select_n3A_1167 = arith.select %eq3A_1166, %select_n3A_1104, %gather3A_1129 : vector<16xi1>, vector<16xf32>
                  %select_n3A_1168 = arith.select %eq3A_1166, %select_n3A_1105, %gather3A_1139 : vector<16xi1>, vector<16xi32>
                  %and3A_1169 = arith.constant 4 : i32
                  %and3A_1170 = vector.broadcast %and3A_1169 : i32 to vector<16xi32>
                  %and3A_1171 = arith.andi %iota3A, %and3A_1170 : vector<16xi32>
                  %eq3A_1172 = arith.constant 0 : i32
                  %eq3A_1173 = vector.broadcast %eq3A_1172 : i32 to vector<16xi32>
                  %eq3A_1174 = arith.cmpi eq, %and3A_1171, %eq3A_1173 : vector<16xi32>
                  %jit3A_1175 = arith.constant 1 : i32
                  %jit3A_1176 = arith.constant 0 : i32
                  %broadcast_in_dim3A_1177 = vector.broadcast %jit3A_1175 : i32 to vector<16xi32>
                  %broadcast_in_dim3A_1178 = vector.broadcast %jit3A_1176 : i32 to vector<16xi32>
                  %select_n3A_1179 = arith.select %eq3A_1174, %broadcast_in_dim3A_1177, %broadcast_in_dim3A_1178 : vector<16xi1>, vector<16xi32>
                  %xor3A_1180 = arith.constant 4 : i32
                  %xor3A_1181 = vector.broadcast %xor3A_1180 : i32 to vector<16xi32>
                  %xor3A_1182 = arith.xori %iota3A, %xor3A_1181 : vector<16xi32>
                  %lt3A_1183 = arith.constant 0 : i32
                  %lt3A_1184 = vector.broadcast %lt3A_1183 : i32 to vector<16xi32>
                  %lt3A_1185 = arith.cmpi slt, %xor3A_1182, %lt3A_1184 : vector<16xi32>
                  %add3A_1186 = arith.constant 16 : i32
                  %add3A_1187 = vector.broadcast %add3A_1186 : i32 to vector<16xi32>
                  %add3A_1188 = arith.addi %xor3A_1182, %add3A_1187 : vector<16xi32>
                  %select_n3A_1189 = arith.select %lt3A_1185, %add3A_1188, %xor3A_1182 : vector<16xi1>, vector<16xi32>
                  %broadcast_in_dim3A_1190 = vector.shape_cast %select_n3A_1189 : vector<16xi32> to vector<16x1xi32>
                  %gather3A_1191 = vector.shape_cast %broadcast_in_dim3A_1190 : vector<16x1xi32> to vector<16xi32>
                  %gather3A_1192 = tpu.dynamic_gather %select_n3A_1167[%gather3A_1191] in [0] : vector<16xf32>, vector<16xi32> -> vector<16xf32>
                  %lt3A_1193 = arith.constant 0 : i32
                  %lt3A_1194 = vector.broadcast %lt3A_1193 : i32 to vector<16xi32>
                  %lt3A_1195 = arith.cmpi slt, %xor3A_1182, %lt3A_1194 : vector<16xi32>
                  %add3A_1196 = arith.constant 16 : i32
                  %add3A_1197 = vector.broadcast %add3A_1196 : i32 to vector<16xi32>
                  %add3A_1198 = arith.addi %xor3A_1182, %add3A_1197 : vector<16xi32>
                  %select_n3A_1199 = arith.select %lt3A_1195, %add3A_1198, %xor3A_1182 : vector<16xi1>, vector<16xi32>
                  %broadcast_in_dim3A_1200 = vector.shape_cast %select_n3A_1199 : vector<16xi32> to vector<16x1xi32>
                  %gather3A_1201 = vector.shape_cast %broadcast_in_dim3A_1200 : vector<16x1xi32> to vector<16xi32>
                  %gather3A_1202 = tpu.dynamic_gather %select_n3A_1168[%gather3A_1201] in [0] : vector<16xi32>, vector<16xi32> -> vector<16xi32>
                  %gt3A_1203 = arith.cmpf ogt, %select_n3A_1167, %gather3A_1192 : vector<16xf32>
                  %jit3A_1204 = arith.constant 1 : i32
                  %jit3A_1205 = arith.constant 0 : i32
                  %broadcast_in_dim3A_1206 = vector.broadcast %jit3A_1204 : i32 to vector<16xi32>
                  %broadcast_in_dim3A_1207 = vector.broadcast %jit3A_1205 : i32 to vector<16xi32>
                  %select_n3A_1208 = arith.select %gt3A_1203, %broadcast_in_dim3A_1206, %broadcast_in_dim3A_1207 : vector<16xi1>, vector<16xi32>
                  %eq3A_1209 = arith.cmpf oeq, %select_n3A_1167, %gather3A_1192 : vector<16xf32>
                  %jit3A_1210 = arith.constant 1 : i32
                  %jit3A_1211 = arith.constant 0 : i32
                  %broadcast_in_dim3A_1212 = vector.broadcast %jit3A_1210 : i32 to vector<16xi32>
                  %broadcast_in_dim3A_1213 = vector.broadcast %jit3A_1211 : i32 to vector<16xi32>
                  %select_n3A_1214 = arith.select %eq3A_1209, %broadcast_in_dim3A_1212, %broadcast_in_dim3A_1213 : vector<16xi1>, vector<16xi32>
                  %lt3A_1215 = arith.cmpi slt, %select_n3A_1168, %gather3A_1202 : vector<16xi32>
                  %jit3A_1216 = arith.constant 1 : i32
                  %jit3A_1217 = arith.constant 0 : i32
                  %broadcast_in_dim3A_1218 = vector.broadcast %jit3A_1216 : i32 to vector<16xi32>
                  %broadcast_in_dim3A_1219 = vector.broadcast %jit3A_1217 : i32 to vector<16xi32>
                  %select_n3A_1220 = arith.select %lt3A_1215, %broadcast_in_dim3A_1218, %broadcast_in_dim3A_1219 : vector<16xi1>, vector<16xi32>
                  %and3A_1221 = arith.andi %select_n3A_1214, %select_n3A_1220 : vector<16xi32>
                  %or3A_1222 = arith.ori %select_n3A_1208, %and3A_1221 : vector<16xi32>
                  %xor3A_1223 = arith.xori %select_n3A_1179, %or3A_1222 : vector<16xi32>
                  %sub3A_1224 = arith.constant 1 : i32
                  %sub3A_1225 = vector.broadcast %sub3A_1224 : i32 to vector<16xi32>
                  %sub3A_1226 = arith.subi %sub3A_1225, %xor3A_1223 : vector<16xi32>
                  %eq3A_1227 = arith.constant 1 : i32
                  %eq3A_1228 = vector.broadcast %eq3A_1227 : i32 to vector<16xi32>
                  %eq3A_1229 = arith.cmpi eq, %sub3A_1226, %eq3A_1228 : vector<16xi32>
                  %select_n3A_1230 = arith.select %eq3A_1229, %select_n3A_1167, %gather3A_1192 : vector<16xi1>, vector<16xf32>
                  %select_n3A_1231 = arith.select %eq3A_1229, %select_n3A_1168, %gather3A_1202 : vector<16xi1>, vector<16xi32>
                  %and3A_1232 = arith.constant 2 : i32
                  %and3A_1233 = vector.broadcast %and3A_1232 : i32 to vector<16xi32>
                  %and3A_1234 = arith.andi %iota3A, %and3A_1233 : vector<16xi32>
                  %eq3A_1235 = arith.constant 0 : i32
                  %eq3A_1236 = vector.broadcast %eq3A_1235 : i32 to vector<16xi32>
                  %eq3A_1237 = arith.cmpi eq, %and3A_1234, %eq3A_1236 : vector<16xi32>
                  %jit3A_1238 = arith.constant 1 : i32
                  %jit3A_1239 = arith.constant 0 : i32
                  %broadcast_in_dim3A_1240 = vector.broadcast %jit3A_1238 : i32 to vector<16xi32>
                  %broadcast_in_dim3A_1241 = vector.broadcast %jit3A_1239 : i32 to vector<16xi32>
                  %select_n3A_1242 = arith.select %eq3A_1237, %broadcast_in_dim3A_1240, %broadcast_in_dim3A_1241 : vector<16xi1>, vector<16xi32>
                  %xor3A_1243 = arith.constant 2 : i32
                  %xor3A_1244 = vector.broadcast %xor3A_1243 : i32 to vector<16xi32>
                  %xor3A_1245 = arith.xori %iota3A, %xor3A_1244 : vector<16xi32>
                  %lt3A_1246 = arith.constant 0 : i32
                  %lt3A_1247 = vector.broadcast %lt3A_1246 : i32 to vector<16xi32>
                  %lt3A_1248 = arith.cmpi slt, %xor3A_1245, %lt3A_1247 : vector<16xi32>
                  %add3A_1249 = arith.constant 16 : i32
                  %add3A_1250 = vector.broadcast %add3A_1249 : i32 to vector<16xi32>
                  %add3A_1251 = arith.addi %xor3A_1245, %add3A_1250 : vector<16xi32>
                  %select_n3A_1252 = arith.select %lt3A_1248, %add3A_1251, %xor3A_1245 : vector<16xi1>, vector<16xi32>
                  %broadcast_in_dim3A_1253 = vector.shape_cast %select_n3A_1252 : vector<16xi32> to vector<16x1xi32>
                  %gather3A_1254 = vector.shape_cast %broadcast_in_dim3A_1253 : vector<16x1xi32> to vector<16xi32>
                  %gather3A_1255 = tpu.dynamic_gather %select_n3A_1230[%gather3A_1254] in [0] : vector<16xf32>, vector<16xi32> -> vector<16xf32>
                  %lt3A_1256 = arith.constant 0 : i32
                  %lt3A_1257 = vector.broadcast %lt3A_1256 : i32 to vector<16xi32>
                  %lt3A_1258 = arith.cmpi slt, %xor3A_1245, %lt3A_1257 : vector<16xi32>
                  %add3A_1259 = arith.constant 16 : i32
                  %add3A_1260 = vector.broadcast %add3A_1259 : i32 to vector<16xi32>
                  %add3A_1261 = arith.addi %xor3A_1245, %add3A_1260 : vector<16xi32>
                  %select_n3A_1262 = arith.select %lt3A_1258, %add3A_1261, %xor3A_1245 : vector<16xi1>, vector<16xi32>
                  %broadcast_in_dim3A_1263 = vector.shape_cast %select_n3A_1262 : vector<16xi32> to vector<16x1xi32>
                  %gather3A_1264 = vector.shape_cast %broadcast_in_dim3A_1263 : vector<16x1xi32> to vector<16xi32>
                  %gather3A_1265 = tpu.dynamic_gather %select_n3A_1231[%gather3A_1264] in [0] : vector<16xi32>, vector<16xi32> -> vector<16xi32>
                  %gt3A_1266 = arith.cmpf ogt, %select_n3A_1230, %gather3A_1255 : vector<16xf32>
                  %jit3A_1267 = arith.constant 1 : i32
                  %jit3A_1268 = arith.constant 0 : i32
                  %broadcast_in_dim3A_1269 = vector.broadcast %jit3A_1267 : i32 to vector<16xi32>
                  %broadcast_in_dim3A_1270 = vector.broadcast %jit3A_1268 : i32 to vector<16xi32>
                  %select_n3A_1271 = arith.select %gt3A_1266, %broadcast_in_dim3A_1269, %broadcast_in_dim3A_1270 : vector<16xi1>, vector<16xi32>
                  %eq3A_1272 = arith.cmpf oeq, %select_n3A_1230, %gather3A_1255 : vector<16xf32>
                  %jit3A_1273 = arith.constant 1 : i32
                  %jit3A_1274 = arith.constant 0 : i32
                  %broadcast_in_dim3A_1275 = vector.broadcast %jit3A_1273 : i32 to vector<16xi32>
                  %broadcast_in_dim3A_1276 = vector.broadcast %jit3A_1274 : i32 to vector<16xi32>
                  %select_n3A_1277 = arith.select %eq3A_1272, %broadcast_in_dim3A_1275, %broadcast_in_dim3A_1276 : vector<16xi1>, vector<16xi32>
                  %lt3A_1278 = arith.cmpi slt, %select_n3A_1231, %gather3A_1265 : vector<16xi32>
                  %jit3A_1279 = arith.constant 1 : i32
                  %jit3A_1280 = arith.constant 0 : i32
                  %broadcast_in_dim3A_1281 = vector.broadcast %jit3A_1279 : i32 to vector<16xi32>
                  %broadcast_in_dim3A_1282 = vector.broadcast %jit3A_1280 : i32 to vector<16xi32>
                  %select_n3A_1283 = arith.select %lt3A_1278, %broadcast_in_dim3A_1281, %broadcast_in_dim3A_1282 : vector<16xi1>, vector<16xi32>
                  %and3A_1284 = arith.andi %select_n3A_1277, %select_n3A_1283 : vector<16xi32>
                  %or3A_1285 = arith.ori %select_n3A_1271, %and3A_1284 : vector<16xi32>
                  %xor3A_1286 = arith.xori %select_n3A_1242, %or3A_1285 : vector<16xi32>
                  %sub3A_1287 = arith.constant 1 : i32
                  %sub3A_1288 = vector.broadcast %sub3A_1287 : i32 to vector<16xi32>
                  %sub3A_1289 = arith.subi %sub3A_1288, %xor3A_1286 : vector<16xi32>
                  %eq3A_1290 = arith.constant 1 : i32
                  %eq3A_1291 = vector.broadcast %eq3A_1290 : i32 to vector<16xi32>
                  %eq3A_1292 = arith.cmpi eq, %sub3A_1289, %eq3A_1291 : vector<16xi32>
                  %select_n3A_1293 = arith.select %eq3A_1292, %select_n3A_1230, %gather3A_1255 : vector<16xi1>, vector<16xf32>
                  %select_n3A_1294 = arith.select %eq3A_1292, %select_n3A_1231, %gather3A_1265 : vector<16xi1>, vector<16xi32>
                  %and3A_1295 = arith.constant 1 : i32
                  %and3A_1296 = vector.broadcast %and3A_1295 : i32 to vector<16xi32>
                  %and3A_1297 = arith.andi %iota3A, %and3A_1296 : vector<16xi32>
                  %eq3A_1298 = arith.constant 0 : i32
                  %eq3A_1299 = vector.broadcast %eq3A_1298 : i32 to vector<16xi32>
                  %eq3A_1300 = arith.cmpi eq, %and3A_1297, %eq3A_1299 : vector<16xi32>
                  %jit3A_1301 = arith.constant 1 : i32
                  %jit3A_1302 = arith.constant 0 : i32
                  %broadcast_in_dim3A_1303 = vector.broadcast %jit3A_1301 : i32 to vector<16xi32>
                  %broadcast_in_dim3A_1304 = vector.broadcast %jit3A_1302 : i32 to vector<16xi32>
                  %select_n3A_1305 = arith.select %eq3A_1300, %broadcast_in_dim3A_1303, %broadcast_in_dim3A_1304 : vector<16xi1>, vector<16xi32>
                  %xor3A_1306 = arith.constant 1 : i32
                  %xor3A_1307 = vector.broadcast %xor3A_1306 : i32 to vector<16xi32>
                  %xor3A_1308 = arith.xori %iota3A, %xor3A_1307 : vector<16xi32>
                  %lt3A_1309 = arith.constant 0 : i32
                  %lt3A_1310 = vector.broadcast %lt3A_1309 : i32 to vector<16xi32>
                  %lt3A_1311 = arith.cmpi slt, %xor3A_1308, %lt3A_1310 : vector<16xi32>
                  %add3A_1312 = arith.constant 16 : i32
                  %add3A_1313 = vector.broadcast %add3A_1312 : i32 to vector<16xi32>
                  %add3A_1314 = arith.addi %xor3A_1308, %add3A_1313 : vector<16xi32>
                  %select_n3A_1315 = arith.select %lt3A_1311, %add3A_1314, %xor3A_1308 : vector<16xi1>, vector<16xi32>
                  %broadcast_in_dim3A_1316 = vector.shape_cast %select_n3A_1315 : vector<16xi32> to vector<16x1xi32>
                  %gather3A_1317 = vector.shape_cast %broadcast_in_dim3A_1316 : vector<16x1xi32> to vector<16xi32>
                  %gather3A_1318 = tpu.dynamic_gather %select_n3A_1293[%gather3A_1317] in [0] : vector<16xf32>, vector<16xi32> -> vector<16xf32>
                  %lt3A_1319 = arith.constant 0 : i32
                  %lt3A_1320 = vector.broadcast %lt3A_1319 : i32 to vector<16xi32>
                  %lt3A_1321 = arith.cmpi slt, %xor3A_1308, %lt3A_1320 : vector<16xi32>
                  %add3A_1322 = arith.constant 16 : i32
                  %add3A_1323 = vector.broadcast %add3A_1322 : i32 to vector<16xi32>
                  %add3A_1324 = arith.addi %xor3A_1308, %add3A_1323 : vector<16xi32>
                  %select_n3A_1325 = arith.select %lt3A_1321, %add3A_1324, %xor3A_1308 : vector<16xi1>, vector<16xi32>
                  %broadcast_in_dim3A_1326 = vector.shape_cast %select_n3A_1325 : vector<16xi32> to vector<16x1xi32>
                  %gather3A_1327 = vector.shape_cast %broadcast_in_dim3A_1326 : vector<16x1xi32> to vector<16xi32>
                  %gather3A_1328 = tpu.dynamic_gather %select_n3A_1294[%gather3A_1327] in [0] : vector<16xi32>, vector<16xi32> -> vector<16xi32>
                  %gt3A_1329 = arith.cmpf ogt, %select_n3A_1293, %gather3A_1318 : vector<16xf32>
                  %jit3A_1330 = arith.constant 1 : i32
                  %jit3A_1331 = arith.constant 0 : i32
                  %broadcast_in_dim3A_1332 = vector.broadcast %jit3A_1330 : i32 to vector<16xi32>
                  %broadcast_in_dim3A_1333 = vector.broadcast %jit3A_1331 : i32 to vector<16xi32>
                  %select_n3A_1334 = arith.select %gt3A_1329, %broadcast_in_dim3A_1332, %broadcast_in_dim3A_1333 : vector<16xi1>, vector<16xi32>
                  %eq3A_1335 = arith.cmpf oeq, %select_n3A_1293, %gather3A_1318 : vector<16xf32>
                  %jit3A_1336 = arith.constant 1 : i32
                  %jit3A_1337 = arith.constant 0 : i32
                  %broadcast_in_dim3A_1338 = vector.broadcast %jit3A_1336 : i32 to vector<16xi32>
                  %broadcast_in_dim3A_1339 = vector.broadcast %jit3A_1337 : i32 to vector<16xi32>
                  %select_n3A_1340 = arith.select %eq3A_1335, %broadcast_in_dim3A_1338, %broadcast_in_dim3A_1339 : vector<16xi1>, vector<16xi32>
                  %lt3A_1341 = arith.cmpi slt, %select_n3A_1294, %gather3A_1328 : vector<16xi32>
                  %jit3A_1342 = arith.constant 1 : i32
                  %jit3A_1343 = arith.constant 0 : i32
                  %broadcast_in_dim3A_1344 = vector.broadcast %jit3A_1342 : i32 to vector<16xi32>
                  %broadcast_in_dim3A_1345 = vector.broadcast %jit3A_1343 : i32 to vector<16xi32>
                  %select_n3A_1346 = arith.select %lt3A_1341, %broadcast_in_dim3A_1344, %broadcast_in_dim3A_1345 : vector<16xi1>, vector<16xi32>
                  %and3A_1347 = arith.andi %select_n3A_1340, %select_n3A_1346 : vector<16xi32>
                  %or3A_1348 = arith.ori %select_n3A_1334, %and3A_1347 : vector<16xi32>
                  %xor3A_1349 = arith.xori %select_n3A_1305, %or3A_1348 : vector<16xi32>
                  %sub3A_1350 = arith.constant 1 : i32
                  %sub3A_1351 = vector.broadcast %sub3A_1350 : i32 to vector<16xi32>
                  %sub3A_1352 = arith.subi %sub3A_1351, %xor3A_1349 : vector<16xi32>
                  %eq3A_1353 = arith.constant 1 : i32
                  %eq3A_1354 = vector.broadcast %eq3A_1353 : i32 to vector<16xi32>
                  %eq3A_1355 = arith.cmpi eq, %sub3A_1352, %eq3A_1354 : vector<16xi32>
                  %select_n3A_1356 = arith.select %eq3A_1355, %select_n3A_1293, %gather3A_1318 : vector<16xi1>, vector<16xf32>
                  %select_n3A_1357 = arith.select %eq3A_1355, %select_n3A_1294, %gather3A_1328 : vector<16xi1>, vector<16xi32>
                  %swap3A_1358 = arith.constant 0 : index
                  %swap3A_1359 = tpu.vector_load %arg8[%swap3A_1358] {strides = array<i32>} : memref<16xf32, #tpu.memory_space<vmem>>, vector<16xf32>,
                  %swap3A_1360 = vector.shape_cast %swap3A_1359 : vector<16xf32> to vector<16xf32>
                  %swap3A_1361 = vector.shape_cast %select_n3A_1356 : vector<16xf32> to vector<16xf32>
                  tpu.vector_store %arg8[%swap3A_1358], %swap3A_1361 {strides = array<i32>} : memref<16xf32, #tpu.memory_space<vmem>>, vector<16xf32>,
                  %swap3A_1362 = arith.constant 0 : index
                  %swap3A_1363 = tpu.vector_load %arg9[%swap3A_1362] {strides = array<i32>} : memref<16xi32, #tpu.memory_space<vmem>>, vector<16xi32>,
                  %swap3A_1364 = vector.shape_cast %swap3A_1363 : vector<16xi32> to vector<16xi32>
                  %swap3A_1365 = vector.shape_cast %select_n3A_1357 : vector<16xi32> to vector<16xi32>
                  tpu.vector_store %arg9[%swap3A_1362], %swap3A_1365 {strides = array<i32>} : memref<16xi32, #tpu.memory_space<vmem>>, vector<16xi32>,
                  %lt3A_1366 = arith.constant 0 : i32
                  %lt3A_1367 = vector.broadcast %lt3A_1366 : i32 to vector<16xi32>
                  %lt3A_1368 = arith.cmpi slt, %broadcast_in_dim3A_1, %lt3A_1367 : vector<16xi32>
                  %add3A_1369 = arith.constant 16 : i32
                  %add3A_1370 = vector.broadcast %add3A_1369 : i32 to vector<16xi32>
                  %add3A_1371 = arith.addi %broadcast_in_dim3A_1, %add3A_1370 : vector<16xi32>
                  %select_n3A_1372 = arith.select %lt3A_1368, %add3A_1371, %broadcast_in_dim3A_1 : vector<16xi1>, vector<16xi32>
                  %broadcast_in_dim3A_1373 = vector.shape_cast %select_n3A_1372 : vector<16xi32> to vector<16x1xi32>
                  %gather3A_1374 = vector.shape_cast %broadcast_in_dim3A_1373 : vector<16x1xi32> to vector<16xi32>
                  %gather3A_1375 = tpu.dynamic_gather %select_n3A_1356[%gather3A_1374] in [0] : vector<16xf32>, vector<16xi32> -> vector<16xf32>
                  %swap3A_1376 = arith.constant 0 : index
                  %swap3A_1377 = tpu.vector_load %arg10[%swap3A_1376] {strides = array<i32>} : memref<16xf32, #tpu.memory_space<vmem>>, vector<16xf32>,
                  %swap3A_1378 = vector.shape_cast %swap3A_1377 : vector<16xf32> to vector<16xf32>
                  %swap3A_1379 = vector.shape_cast %gather3A_1375 : vector<16xf32> to vector<16xf32>
                  tpu.vector_store %arg10[%swap3A_1376], %swap3A_1379 {strides = array<i32>} : memref<16xf32, #tpu.memory_space<vmem>>, vector<16xf32>,
                } else {
                }
                %scan3A_384 = arith.constant 0 : i32
                scf.yield %scan3A_384 : i32
              }
              %scan3A_306 = arith.constant 10 : i32
            } else {
            }
            %scan3A_299 = arith.constant 0 : i32
            scf.yield %scan3A_299 : i32
          }
          %scan3A_221 = arith.constant 16 : i32
        } else {
        }
        %scan3A_214 = arith.constant 0 : i32
        scf.yield %scan3A_214 : i32
      }
      %scan3A_43 = arith.constant 39 : i32
      %get3A = arith.constant 99840 : index
      %get3A_44 = tpu.vector_load %arg5[%get3A] {strides = array<i32>} : memref<100000xf32, #tpu.memory_space<vmem>>, vector<16xf32>,
      %get3A_45 = vector.shape_cast %get3A_44 : vector<16xf32> to vector<16xf32>
      %get3A_46 = arith.constant 99856 : index
      %get3A_47 = tpu.vector_load %arg5[%get3A_46] {strides = array<i32>} : memref<100000xf32, #tpu.memory_space<vmem>>, vector<16xf32>,
      %get3A_48 = vector.shape_cast %get3A_47 : vector<16xf32> to vector<16xf32>
      %max3A = arith.maximumf %get3A_45, %get3A_48 : vector<16xf32>
      %get3A_49 = arith.constant 99872 : index
      %get3A_50 = tpu.vector_load %arg5[%get3A_49] {strides = array<i32>} : memref<100000xf32, #tpu.memory_space<vmem>>, vector<16xf32>,
      %get3A_51 = vector.shape_cast %get3A_50 : vector<16xf32> to vector<16xf32>
      %max3A_52 = arith.maximumf %max3A, %get3A_51 : vector<16xf32>
      %get3A_53 = arith.constant 99888 : index
      %get3A_54 = tpu.vector_load %arg5[%get3A_53] {strides = array<i32>} : memref<100000xf32, #tpu.memory_space<vmem>>, vector<16xf32>,
      %get3A_55 = vector.shape_cast %get3A_54 : vector<16xf32> to vector<16xf32>
      %max3A_56 = arith.maximumf %max3A_52, %get3A_55 : vector<16xf32>
      %get3A_57 = arith.constant 99904 : index
      %get3A_58 = tpu.vector_load %arg5[%get3A_57] {strides = array<i32>} : memref<100000xf32, #tpu.memory_space<vmem>>, vector<16xf32>,
      %get3A_59 = vector.shape_cast %get3A_58 : vector<16xf32> to vector<16xf32>
      %max3A_60 = arith.maximumf %max3A_56, %get3A_59 : vector<16xf32>
      %get3A_61 = arith.constant 99920 : index
      %get3A_62 = tpu.vector_load %arg5[%get3A_61] {strides = array<i32>} : memref<100000xf32, #tpu.memory_space<vmem>>, vector<16xf32>,
      %get3A_63 = vector.shape_cast %get3A_62 : vector<16xf32> to vector<16xf32>
      %max3A_64 = arith.maximumf %max3A_60, %get3A_63 : vector<16xf32>
      %get3A_65 = arith.constant 99936 : index
      %get3A_66 = tpu.vector_load %arg5[%get3A_65] {strides = array<i32>} : memref<100000xf32, #tpu.memory_space<vmem>>, vector<16xf32>,
      %get3A_67 = vector.shape_cast %get3A_66 : vector<16xf32> to vector<16xf32>
      %max3A_68 = arith.maximumf %max3A_64, %get3A_67 : vector<16xf32>
      %get3A_69 = arith.constant 99952 : index
      %get3A_70 = tpu.vector_load %arg5[%get3A_69] {strides = array<i32>} : memref<100000xf32, #tpu.memory_space<vmem>>, vector<16xf32>,
      %get3A_71 = vector.shape_cast %get3A_70 : vector<16xf32> to vector<16xf32>
      %max3A_72 = arith.maximumf %max3A_68, %get3A_71 : vector<16xf32>
      %get3A_73 = arith.constant 99968 : index
      %get3A_74 = tpu.vector_load %arg5[%get3A_73] {strides = array<i32>} : memref<100000xf32, #tpu.memory_space<vmem>>, vector<16xf32>,
      %get3A_75 = vector.shape_cast %get3A_74 : vector<16xf32> to vector<16xf32>
      %max3A_76 = arith.maximumf %max3A_72, %get3A_75 : vector<16xf32>
      %get3A_77 = arith.constant 99984 : index
      %get3A_78 = tpu.vector_load %arg5[%get3A_77] {strides = array<i32>} : memref<100000xf32, #tpu.memory_space<vmem>>, vector<16xf32>,
      %get3A_79 = vector.shape_cast %get3A_78 : vector<16xf32> to vector<16xf32>
      %max3A_80 = arith.maximumf %max3A_76, %get3A_79 : vector<16xf32>
      %xor3A = arith.constant 8 : i32
      %xor3A_81 = vector.broadcast %xor3A : i32 to vector<16xi32>
      %xor3A_82 = arith.xori %iota3A, %xor3A_81 : vector<16xi32>
      %lt3A = arith.constant 0 : i32
      %lt3A_83 = vector.broadcast %lt3A : i32 to vector<16xi32>
      %lt3A_84 = arith.cmpi slt, %xor3A_82, %lt3A_83 : vector<16xi32>
      %add3A_85 = arith.constant 16 : i32
      %add3A_86 = vector.broadcast %add3A_85 : i32 to vector<16xi32>
      %add3A_87 = arith.addi %xor3A_82, %add3A_86 : vector<16xi32>
      %select_n3A = arith.select %lt3A_84, %add3A_87, %xor3A_82 : vector<16xi1>, vector<16xi32>
      %broadcast_in_dim3A_88 = vector.shape_cast %select_n3A : vector<16xi32> to vector<16x1xi32>
      %gather3A = vector.shape_cast %broadcast_in_dim3A_88 : vector<16x1xi32> to vector<16xi32>
      %gather3A_89 = tpu.dynamic_gather %max3A_80[%gather3A] in [0] : vector<16xf32>, vector<16xi32> -> vector<16xf32>
      %max3A_90 = arith.maximumf %max3A_80, %gather3A_89 : vector<16xf32>
      %xor3A_91 = arith.constant 4 : i32
      %xor3A_92 = vector.broadcast %xor3A_91 : i32 to vector<16xi32>
      %xor3A_93 = arith.xori %iota3A, %xor3A_92 : vector<16xi32>
      %lt3A_94 = arith.constant 0 : i32
      %lt3A_95 = vector.broadcast %lt3A_94 : i32 to vector<16xi32>
      %lt3A_96 = arith.cmpi slt, %xor3A_93, %lt3A_95 : vector<16xi32>
      %add3A_97 = arith.constant 16 : i32
      %add3A_98 = vector.broadcast %add3A_97 : i32 to vector<16xi32>
      %add3A_99 = arith.addi %xor3A_93, %add3A_98 : vector<16xi32>
      %select_n3A_100 = arith.select %lt3A_96, %add3A_99, %xor3A_93 : vector<16xi1>, vector<16xi32>
      %broadcast_in_dim3A_101 = vector.shape_cast %select_n3A_100 : vector<16xi32> to vector<16x1xi32>
      %gather3A_102 = vector.shape_cast %broadcast_in_dim3A_101 : vector<16x1xi32> to vector<16xi32>
      %gather3A_103 = tpu.dynamic_gather %max3A_90[%gather3A_102] in [0] : vector<16xf32>, vector<16xi32> -> vector<16xf32>
      %max3A_104 = arith.maximumf %max3A_90, %gather3A_103 : vector<16xf32>
      %xor3A_105 = arith.constant 2 : i32
      %xor3A_106 = vector.broadcast %xor3A_105 : i32 to vector<16xi32>
      %xor3A_107 = arith.xori %iota3A, %xor3A_106 : vector<16xi32>
      %lt3A_108 = arith.constant 0 : i32
      %lt3A_109 = vector.broadcast %lt3A_108 : i32 to vector<16xi32>
      %lt3A_110 = arith.cmpi slt, %xor3A_107, %lt3A_109 : vector<16xi32>
      %add3A_111 = arith.constant 16 : i32
      %add3A_112 = vector.broadcast %add3A_111 : i32 to vector<16xi32>
      %add3A_113 = arith.addi %xor3A_107, %add3A_112 : vector<16xi32>
      %select_n3A_114 = arith.select %lt3A_110, %add3A_113, %xor3A_107 : vector<16xi1>, vector<16xi32>
      %broadcast_in_dim3A_115 = vector.shape_cast %select_n3A_114 : vector<16xi32> to vector<16x1xi32>
      %gather3A_116 = vector.shape_cast %broadcast_in_dim3A_115 : vector<16x1xi32> to vector<16xi32>
      %gather3A_117 = tpu.dynamic_gather %max3A_104[%gather3A_116] in [0] : vector<16xf32>, vector<16xi32> -> vector<16xf32>
      %max3A_118 = arith.maximumf %max3A_104, %gather3A_117 : vector<16xf32>
      %xor3A_119 = arith.constant 1 : i32
      %xor3A_120 = vector.broadcast %xor3A_119 : i32 to vector<16xi32>
      %xor3A_121 = arith.xori %iota3A, %xor3A_120 : vector<16xi32>
      %lt3A_122 = arith.constant 0 : i32
      %lt3A_123 = vector.broadcast %lt3A_122 : i32 to vector<16xi32>
      %lt3A_124 = arith.cmpi slt, %xor3A_121, %lt3A_123 : vector<16xi32>
      %add3A_125 = arith.constant 16 : i32
      %add3A_126 = vector.broadcast %add3A_125 : i32 to vector<16xi32>
      %add3A_127 = arith.addi %xor3A_121, %add3A_126 : vector<16xi32>
      %select_n3A_128 = arith.select %lt3A_124, %add3A_127, %xor3A_121 : vector<16xi1>, vector<16xi32>
      %broadcast_in_dim3A_129 = vector.shape_cast %select_n3A_128 : vector<16xi32> to vector<16x1xi32>
      %gather3A_130 = vector.shape_cast %broadcast_in_dim3A_129 : vector<16x1xi32> to vector<16xi32>
      %gather3A_131 = tpu.dynamic_gather %max3A_118[%gather3A_130] in [0] : vector<16xf32>, vector<16xi32> -> vector<16xf32>
      %max3A_132 = arith.maximumf %max3A_118, %gather3A_131 : vector<16xf32>
      %get3A_133 = arith.constant 0 : index
      %get3A_134 = tpu.vector_load %arg10[%get3A_133] {strides = array<i32>} : memref<16xf32, #tpu.memory_space<vmem>>, vector<16xf32>,
      %get3A_135 = vector.shape_cast %get3A_134 : vector<16xf32> to vector<16xf32>
      %slice3A = vector.extract_strided_slice %max3A_132 {offsets = [0], sizes = [1], strides = [1]} : vector<16xf32> to vector<1xf32>
      %squeeze3A = vector.extract %slice3A[0] : f32 from vector<1xf32>
      %slice3A_136 = vector.extract_strided_slice %get3A_135 {offsets = [0], sizes = [1], strides = [1]} : vector<16xf32> to vector<1xf32>
      %squeeze3A_137 = vector.extract %slice3A_136[0] : f32 from vector<1xf32>
      %gt3A = arith.cmpf ogt, %squeeze3A, %squeeze3A_137 : f32
      %convert_element_type3A = arith.extui %gt3A : i1 to i32
      %cond3A = arith.constant 0 : i32
      %cond3A_138 = arith.cmpi ne, %convert_element_type3A, %cond3A : i32
      scf.if %cond3A_138 {
        %scan3A_140 = arith.constant 0 : i32
        %scan3A_141 = arith.constant 0 : i32
        %scan3A_142 = arith.constant 10 : i32
        %scan3A_143 = arith.addi %scan3A_141, %scan3A_142 : i32
        %scan3A_144 = arith.constant 1 : i32
        %scan3A_145 = scf.for %scan3A_147 = %scan3A_141 to %scan3A_143 step %scan3A_144 iter_args(%scan3A_148 = %scan3A_140) -> (i32)  : i32 {
          %mul3A_149 = arith.constant 16 : i32
          %mul3A_150 = arith.muli %mul3A_149, %scan3A_147 : i32
          %add3A_151 = arith.constant 99840 : i32
          %add3A_152 = arith.addi %add3A_151, %mul3A_150 : i32
          %get3A_153 = arith.index_cast %add3A_152 : i32 to index
          %get3A_154 = tpu.vector_load %arg5[%get3A_153] {strides = array<i32>} : memref<100000xf32, #tpu.memory_space<vmem>>, vector<16xf32>,
          %get3A_155 = vector.shape_cast %get3A_154 : vector<16xf32> to vector<16xf32>
          %xor3A_156 = arith.constant 8 : i32
          %xor3A_157 = vector.broadcast %xor3A_156 : i32 to vector<16xi32>
          %xor3A_158 = arith.xori %iota3A, %xor3A_157 : vector<16xi32>
          %lt3A_159 = arith.constant 0 : i32
          %lt3A_160 = vector.broadcast %lt3A_159 : i32 to vector<16xi32>
          %lt3A_161 = arith.cmpi slt, %xor3A_158, %lt3A_160 : vector<16xi32>
          %add3A_162 = arith.constant 16 : i32
          %add3A_163 = vector.broadcast %add3A_162 : i32 to vector<16xi32>
          %add3A_164 = arith.addi %xor3A_158, %add3A_163 : vector<16xi32>
          %select_n3A_165 = arith.select %lt3A_161, %add3A_164, %xor3A_158 : vector<16xi1>, vector<16xi32>
          %broadcast_in_dim3A_166 = vector.shape_cast %select_n3A_165 : vector<16xi32> to vector<16x1xi32>
          %gather3A_167 = vector.shape_cast %broadcast_in_dim3A_166 : vector<16x1xi32> to vector<16xi32>
          %gather3A_168 = tpu.dynamic_gather %get3A_155[%gather3A_167] in [0] : vector<16xf32>, vector<16xi32> -> vector<16xf32>
          %max3A_169 = arith.maximumf %get3A_155, %gather3A_168 : vector<16xf32>
          %xor3A_170 = arith.constant 4 : i32
          %xor3A_171 = vector.broadcast %xor3A_170 : i32 to vector<16xi32>
          %xor3A_172 = arith.xori %iota3A, %xor3A_171 : vector<16xi32>
          %lt3A_173 = arith.constant 0 : i32
          %lt3A_174 = vector.broadcast %lt3A_173 : i32 to vector<16xi32>
          %lt3A_175 = arith.cmpi slt, %xor3A_172, %lt3A_174 : vector<16xi32>
          %add3A_176 = arith.constant 16 : i32
          %add3A_177 = vector.broadcast %add3A_176 : i32 to vector<16xi32>
          %add3A_178 = arith.addi %xor3A_172, %add3A_177 : vector<16xi32>
          %select_n3A_179 = arith.select %lt3A_175, %add3A_178, %xor3A_172 : vector<16xi1>, vector<16xi32>
          %broadcast_in_dim3A_180 = vector.shape_cast %select_n3A_179 : vector<16xi32> to vector<16x1xi32>
          %gather3A_181 = vector.shape_cast %broadcast_in_dim3A_180 : vector<16x1xi32> to vector<16xi32>
          %gather3A_182 = tpu.dynamic_gather %max3A_169[%gather3A_181] in [0] : vector<16xf32>, vector<16xi32> -> vector<16xf32>
          %max3A_183 = arith.maximumf %max3A_169, %gather3A_182 : vector<16xf32>
          %xor3A_184 = arith.constant 2 : i32
          %xor3A_185 = vector.broadcast %xor3A_184 : i32 to vector<16xi32>
          %xor3A_186 = arith.xori %iota3A, %xor3A_185 : vector<16xi32>
          %lt3A_187 = arith.constant 0 : i32
          %lt3A_188 = vector.broadcast %lt3A_187 : i32 to vector<16xi32>
          %lt3A_189 = arith.cmpi slt, %xor3A_186, %lt3A_188 : vector<16xi32>
          %add3A_190 = arith.constant 16 : i32
          %add3A_191 = vector.broadcast %add3A_190 : i32 to vector<16xi32>
          %add3A_192 = arith.addi %xor3A_186, %add3A_191 : vector<16xi32>
          %select_n3A_193 = arith.select %lt3A_189, %add3A_192, %xor3A_186 : vector<16xi1>, vector<16xi32>
          %broadcast_in_dim3A_194 = vector.shape_cast %select_n3A_193 : vector<16xi32> to vector<16x1xi32>
          %gather3A_195 = vector.shape_cast %broadcast_in_dim3A_194 : vector<16x1xi32> to vector<16xi32>
          %gather3A_196 = tpu.dynamic_gather %max3A_183[%gather3A_195] in [0] : vector<16xf32>, vector<16xi32> -> vector<16xf32>
          %max3A_197 = arith.maximumf %max3A_183, %gather3A_196 : vector<16xf32>
          %xor3A_198 = arith.constant 1 : i32
          %xor3A_199 = vector.broadcast %xor3A_198 : i32 to vector<16xi32>
          %xor3A_200 = arith.xori %iota3A, %xor3A_199 : vector<16xi32>
          %lt3A_201 = arith.constant 0 : i32
          %lt3A_202 = vector.broadcast %lt3A_201 : i32 to vector<16xi32>
          %lt3A_203 = arith.cmpi slt, %xor3A_200, %lt3A_202 : vector<16xi32>
          %add3A_204 = arith.constant 16 : i32
          %add3A_205 = vector.broadcast %add3A_204 : i32 to vector<16xi32>
          %add3A_206 = arith.addi %xor3A_200, %add3A_205 : vector<16xi32>
          %select_n3A_207 = arith.select %lt3A_203, %add3A_206, %xor3A_200 : vector<16xi1>, vector<16xi32>
          %broadcast_in_dim3A_208 = vector.shape_cast %select_n3A_207 : vector<16xi32> to vector<16x1xi32>
          %gather3A_209 = vector.shape_cast %broadcast_in_dim3A_208 : vector<16x1xi32> to vector<16xi32>
          %gather3A_210 = tpu.dynamic_gather %max3A_197[%gather3A_209] in [0] : vector<16xf32>, vector<16xi32> -> vector<16xf32>
          %max3A_211 = arith.maximumf %max3A_197, %gather3A_210 : vector<16xf32>
          %get3A_212 = arith.constant 0 : index
          %get3A_213 = tpu.vector_load %arg10[%get3A_212] {strides = array<i32>} : memref<16xf32, #tpu.memory_space<vmem>>, vector<16xf32>,
          %get3A_214 = vector.shape_cast %get3A_213 : vector<16xf32> to vector<16xf32>
          %slice3A_215 = vector.extract_strided_slice %max3A_211 {offsets = [0], sizes = [1], strides = [1]} : vector<16xf32> to vector<1xf32>
          %squeeze3A_216 = vector.extract %slice3A_215[0] : f32 from vector<1xf32>
          %slice3A_217 = vector.extract_strided_slice %get3A_214 {offsets = [0], sizes = [1], strides = [1]} : vector<16xf32> to vector<1xf32>
          %squeeze3A_218 = vector.extract %slice3A_217[0] : f32 from vector<1xf32>
          %gt3A_219 = arith.cmpf ogt, %squeeze3A_216, %squeeze3A_218 : f32
          %convert_element_type3A_220 = arith.extui %gt3A_219 : i1 to i32
          %cond3A_221 = arith.constant 0 : i32
          %cond3A_222 = arith.cmpi ne, %convert_element_type3A_220, %cond3A_221 : i32
          scf.if %cond3A_222 {
            %get3A_224 = arith.constant 0 : index
            %get3A_225 = tpu.vector_load %arg10[%get3A_224] {strides = array<i32>} : memref<16xf32, #tpu.memory_space<vmem>>, vector<16xf32>,
            %get3A_226 = vector.shape_cast %get3A_225 : vector<16xf32> to vector<16xf32>
            %gt3A_227 = arith.cmpf ogt, %get3A_155, %get3A_226 : vector<16xf32>
            %jit3A = arith.constant 0xFF800000 : f32
            %broadcast_in_dim3A_228 = vector.broadcast %jit3A : f32 to vector<16xf32>
            %select_n3A_229 = arith.select %gt3A_227, %get3A_155, %broadcast_in_dim3A_228 : vector<16xi1>, vector<16xf32>
            %add3A_230 = vector.broadcast %add3A_152 : i32 to vector<16xi32>
            %add3A_231 = arith.addi %add3A_230, %iota3A : vector<16xi32>
            %shift_right_arithmetic3A = arith.constant 1 : i32
            %shift_right_arithmetic3A_232 = vector.broadcast %shift_right_arithmetic3A : i32 to vector<16xi32>
            %shift_right_arithmetic3A_233 = arith.shrsi %iota3A, %shift_right_arithmetic3A_232 : vector<16xi32>
            %and3A = arith.constant 1 : i32
            %and3A_234 = vector.broadcast %and3A : i32 to vector<16xi32>
            %and3A_235 = arith.andi %shift_right_arithmetic3A_233, %and3A_234 : vector<16xi32>
            %and3A_236 = arith.constant 1 : i32
            %and3A_237 = vector.broadcast %and3A_236 : i32 to vector<16xi32>
            %and3A_238 = arith.andi %iota3A, %and3A_237 : vector<16xi32>
            %eq3A = arith.constant 0 : i32
            %eq3A_239 = vector.broadcast %eq3A : i32 to vector<16xi32>
            %eq3A_240 = arith.cmpi eq, %and3A_238, %eq3A_239 : vector<16xi32>
            %jit3A_241 = arith.constant 1 : i32
            %jit3A_242 = arith.constant 0 : i32
            %broadcast_in_dim3A_243 = vector.broadcast %jit3A_241 : i32 to vector<16xi32>
            %broadcast_in_dim3A_244 = vector.broadcast %jit3A_242 : i32 to vector<16xi32>
            %select_n3A_245 = arith.select %eq3A_240, %broadcast_in_dim3A_243, %broadcast_in_dim3A_244 : vector<16xi1>, vector<16xi32>
            %xor3A_246 = arith.xori %select_n3A_245, %and3A_235 : vector<16xi32>
            %xor3A_247 = arith.constant 1 : i32
            %xor3A_248 = vector.broadcast %xor3A_247 : i32 to vector<16xi32>
            %xor3A_249 = arith.xori %iota3A, %xor3A_248 : vector<16xi32>
            %lt3A_250 = arith.constant 0 : i32
            %lt3A_251 = vector.broadcast %lt3A_250 : i32 to vector<16xi32>
            %lt3A_252 = arith.cmpi slt, %xor3A_249, %lt3A_251 : vector<16xi32>
            %add3A_253 = arith.constant 16 : i32
            %add3A_254 = vector.broadcast %add3A_253 : i32 to vector<16xi32>
            %add3A_255 = arith.addi %xor3A_249, %add3A_254 : vector<16xi32>
            %select_n3A_256 = arith.select %lt3A_252, %add3A_255, %xor3A_249 : vector<16xi1>, vector<16xi32>
            %broadcast_in_dim3A_257 = vector.shape_cast %select_n3A_256 : vector<16xi32> to vector<16x1xi32>
            %gather3A_258 = vector.shape_cast %broadcast_in_dim3A_257 : vector<16x1xi32> to vector<16xi32>
            %gather3A_259 = tpu.dynamic_gather %select_n3A_229[%gather3A_258] in [0] : vector<16xf32>, vector<16xi32> -> vector<16xf32>
            %lt3A_260 = arith.constant 0 : i32
            %lt3A_261 = vector.broadcast %lt3A_260 : i32 to vector<16xi32>
            %lt3A_262 = arith.cmpi slt, %xor3A_249, %lt3A_261 : vector<16xi32>
            %add3A_263 = arith.constant 16 : i32
            %add3A_264 = vector.broadcast %add3A_263 : i32 to vector<16xi32>
            %add3A_265 = arith.addi %xor3A_249, %add3A_264 : vector<16xi32>
            %select_n3A_266 = arith.select %lt3A_262, %add3A_265, %xor3A_249 : vector<16xi1>, vector<16xi32>
            %broadcast_in_dim3A_267 = vector.shape_cast %select_n3A_266 : vector<16xi32> to vector<16x1xi32>
            %gather3A_268 = vector.shape_cast %broadcast_in_dim3A_267 : vector<16x1xi32> to vector<16xi32>
            %gather3A_269 = tpu.dynamic_gather %add3A_231[%gather3A_268] in [0] : vector<16xi32>, vector<16xi32> -> vector<16xi32>
            %gt3A_270 = arith.cmpf ogt, %select_n3A_229, %gather3A_259 : vector<16xf32>
            %jit3A_271 = arith.constant 1 : i32
            %jit3A_272 = arith.constant 0 : i32
            %broadcast_in_dim3A_273 = vector.broadcast %jit3A_271 : i32 to vector<16xi32>
            %broadcast_in_dim3A_274 = vector.broadcast %jit3A_272 : i32 to vector<16xi32>
            %select_n3A_275 = arith.select %gt3A_270, %broadcast_in_dim3A_273, %broadcast_in_dim3A_274 : vector<16xi1>, vector<16xi32>
            %eq3A_276 = arith.cmpf oeq, %select_n3A_229, %gather3A_259 : vector<16xf32>
            %jit3A_277 = arith.constant 1 : i32
            %jit3A_278 = arith.constant 0 : i32
            %broadcast_in_dim3A_279 = vector.broadcast %jit3A_277 : i32 to vector<16xi32>
            %broadcast_in_dim3A_280 = vector.broadcast %jit3A_278 : i32 to vector<16xi32>
            %select_n3A_281 = arith.select %eq3A_276, %broadcast_in_dim3A_279, %broadcast_in_dim3A_280 : vector<16xi1>, vector<16xi32>
            %lt3A_282 = arith.cmpi slt, %add3A_231, %gather3A_269 : vector<16xi32>
            %jit3A_283 = arith.constant 1 : i32
            %jit3A_284 = arith.constant 0 : i32
            %broadcast_in_dim3A_285 = vector.broadcast %jit3A_283 : i32 to vector<16xi32>
            %broadcast_in_dim3A_286 = vector.broadcast %jit3A_284 : i32 to vector<16xi32>
            %select_n3A_287 = arith.select %lt3A_282, %broadcast_in_dim3A_285, %broadcast_in_dim3A_286 : vector<16xi1>, vector<16xi32>
            %and3A_288 = arith.andi %select_n3A_281, %select_n3A_287 : vector<16xi32>
            %or3A = arith.ori %select_n3A_275, %and3A_288 : vector<16xi32>
            %xor3A_289 = arith.xori %xor3A_246, %or3A : vector<16xi32>
            %sub3A = arith.constant 1 : i32
            %sub3A_290 = vector.broadcast %sub3A : i32 to vector<16xi32>
            %sub3A_291 = arith.subi %sub3A_290, %xor3A_289 : vector<16xi32>
            %eq3A_292 = arith.constant 1 : i32
            %eq3A_293 = vector.broadcast %eq3A_292 : i32 to vector<16xi32>
            %eq3A_294 = arith.cmpi eq, %sub3A_291, %eq3A_293 : vector<16xi32>
            %select_n3A_295 = arith.select %eq3A_294, %select_n3A_229, %gather3A_259 : vector<16xi1>, vector<16xf32>
            %select_n3A_296 = arith.select %eq3A_294, %add3A_231, %gather3A_269 : vector<16xi1>, vector<16xi32>
            %shift_right_arithmetic3A_297 = arith.constant 2 : i32
            %shift_right_arithmetic3A_298 = vector.broadcast %shift_right_arithmetic3A_297 : i32 to vector<16xi32>
            %shift_right_arithmetic3A_299 = arith.shrsi %iota3A, %shift_right_arithmetic3A_298 : vector<16xi32>
            %and3A_300 = arith.constant 1 : i32
            %and3A_301 = vector.broadcast %and3A_300 : i32 to vector<16xi32>
            %and3A_302 = arith.andi %shift_right_arithmetic3A_299, %and3A_301 : vector<16xi32>
            %and3A_303 = arith.constant 2 : i32
            %and3A_304 = vector.broadcast %and3A_303 : i32 to vector<16xi32>
            %and3A_305 = arith.andi %iota3A, %and3A_304 : vector<16xi32>
            %eq3A_306 = arith.constant 0 : i32
            %eq3A_307 = vector.broadcast %eq3A_306 : i32 to vector<16xi32>
            %eq3A_308 = arith.cmpi eq, %and3A_305, %eq3A_307 : vector<16xi32>
            %jit3A_309 = arith.constant 1 : i32
            %jit3A_310 = arith.constant 0 : i32
            %broadcast_in_dim3A_311 = vector.broadcast %jit3A_309 : i32 to vector<16xi32>
            %broadcast_in_dim3A_312 = vector.broadcast %jit3A_310 : i32 to vector<16xi32>
            %select_n3A_313 = arith.select %eq3A_308, %broadcast_in_dim3A_311, %broadcast_in_dim3A_312 : vector<16xi1>, vector<16xi32>
            %xor3A_314 = arith.xori %select_n3A_313, %and3A_302 : vector<16xi32>
            %xor3A_315 = arith.constant 2 : i32
            %xor3A_316 = vector.broadcast %xor3A_315 : i32 to vector<16xi32>
            %xor3A_317 = arith.xori %iota3A, %xor3A_316 : vector<16xi32>
            %lt3A_318 = arith.constant 0 : i32
            %lt3A_319 = vector.broadcast %lt3A_318 : i32 to vector<16xi32>
            %lt3A_320 = arith.cmpi slt, %xor3A_317, %lt3A_319 : vector<16xi32>
            %add3A_321 = arith.constant 16 : i32
            %add3A_322 = vector.broadcast %add3A_321 : i32 to vector<16xi32>
            %add3A_323 = arith.addi %xor3A_317, %add3A_322 : vector<16xi32>
            %select_n3A_324 = arith.select %lt3A_320, %add3A_323, %xor3A_317 : vector<16xi1>, vector<16xi32>
            %broadcast_in_dim3A_325 = vector.shape_cast %select_n3A_324 : vector<16xi32> to vector<16x1xi32>
            %gather3A_326 = vector.shape_cast %broadcast_in_dim3A_325 : vector<16x1xi32> to vector<16xi32>
            %gather3A_327 = tpu.dynamic_gather %select_n3A_295[%gather3A_326] in [0] : vector<16xf32>, vector<16xi32> -> vector<16xf32>
            %lt3A_328 = arith.constant 0 : i32
            %lt3A_329 = vector.broadcast %lt3A_328 : i32 to vector<16xi32>
            %lt3A_330 = arith.cmpi slt, %xor3A_317, %lt3A_329 : vector<16xi32>
            %add3A_331 = arith.constant 16 : i32
            %add3A_332 = vector.broadcast %add3A_331 : i32 to vector<16xi32>
            %add3A_333 = arith.addi %xor3A_317, %add3A_332 : vector<16xi32>
            %select_n3A_334 = arith.select %lt3A_330, %add3A_333, %xor3A_317 : vector<16xi1>, vector<16xi32>
            %broadcast_in_dim3A_335 = vector.shape_cast %select_n3A_334 : vector<16xi32> to vector<16x1xi32>
            %gather3A_336 = vector.shape_cast %broadcast_in_dim3A_335 : vector<16x1xi32> to vector<16xi32>
            %gather3A_337 = tpu.dynamic_gather %select_n3A_296[%gather3A_336] in [0] : vector<16xi32>, vector<16xi32> -> vector<16xi32>
            %gt3A_338 = arith.cmpf ogt, %select_n3A_295, %gather3A_327 : vector<16xf32>
            %jit3A_339 = arith.constant 1 : i32
            %jit3A_340 = arith.constant 0 : i32
            %broadcast_in_dim3A_341 = vector.broadcast %jit3A_339 : i32 to vector<16xi32>
            %broadcast_in_dim3A_342 = vector.broadcast %jit3A_340 : i32 to vector<16xi32>
            %select_n3A_343 = arith.select %gt3A_338, %broadcast_in_dim3A_341, %broadcast_in_dim3A_342 : vector<16xi1>, vector<16xi32>
            %eq3A_344 = arith.cmpf oeq, %select_n3A_295, %gather3A_327 : vector<16xf32>
            %jit3A_345 = arith.constant 1 : i32
            %jit3A_346 = arith.constant 0 : i32
            %broadcast_in_dim3A_347 = vector.broadcast %jit3A_345 : i32 to vector<16xi32>
            %broadcast_in_dim3A_348 = vector.broadcast %jit3A_346 : i32 to vector<16xi32>
            %select_n3A_349 = arith.select %eq3A_344, %broadcast_in_dim3A_347, %broadcast_in_dim3A_348 : vector<16xi1>, vector<16xi32>
            %lt3A_350 = arith.cmpi slt, %select_n3A_296, %gather3A_337 : vector<16xi32>
            %jit3A_351 = arith.constant 1 : i32
            %jit3A_352 = arith.constant 0 : i32
            %broadcast_in_dim3A_353 = vector.broadcast %jit3A_351 : i32 to vector<16xi32>
            %broadcast_in_dim3A_354 = vector.broadcast %jit3A_352 : i32 to vector<16xi32>
            %select_n3A_355 = arith.select %lt3A_350, %broadcast_in_dim3A_353, %broadcast_in_dim3A_354 : vector<16xi1>, vector<16xi32>
            %and3A_356 = arith.andi %select_n3A_349, %select_n3A_355 : vector<16xi32>
            %or3A_357 = arith.ori %select_n3A_343, %and3A_356 : vector<16xi32>
            %xor3A_358 = arith.xori %xor3A_314, %or3A_357 : vector<16xi32>
            %sub3A_359 = arith.constant 1 : i32
            %sub3A_360 = vector.broadcast %sub3A_359 : i32 to vector<16xi32>
            %sub3A_361 = arith.subi %sub3A_360, %xor3A_358 : vector<16xi32>
            %eq3A_362 = arith.constant 1 : i32
            %eq3A_363 = vector.broadcast %eq3A_362 : i32 to vector<16xi32>
            %eq3A_364 = arith.cmpi eq, %sub3A_361, %eq3A_363 : vector<16xi32>
            %select_n3A_365 = arith.select %eq3A_364, %select_n3A_295, %gather3A_327 : vector<16xi1>, vector<16xf32>
            %select_n3A_366 = arith.select %eq3A_364, %select_n3A_296, %gather3A_337 : vector<16xi1>, vector<16xi32>
            %shift_right_arithmetic3A_367 = arith.constant 2 : i32
            %shift_right_arithmetic3A_368 = vector.broadcast %shift_right_arithmetic3A_367 : i32 to vector<16xi32>
            %shift_right_arithmetic3A_369 = arith.shrsi %iota3A, %shift_right_arithmetic3A_368 : vector<16xi32>
            %and3A_370 = arith.constant 1 : i32
            %and3A_371 = vector.broadcast %and3A_370 : i32 to vector<16xi32>
            %and3A_372 = arith.andi %shift_right_arithmetic3A_369, %and3A_371 : vector<16xi32>
            %and3A_373 = arith.constant 1 : i32
            %and3A_374 = vector.broadcast %and3A_373 : i32 to vector<16xi32>
            %and3A_375 = arith.andi %iota3A, %and3A_374 : vector<16xi32>
            %eq3A_376 = arith.constant 0 : i32
            %eq3A_377 = vector.broadcast %eq3A_376 : i32 to vector<16xi32>
            %eq3A_378 = arith.cmpi eq, %and3A_375, %eq3A_377 : vector<16xi32>
            %jit3A_379 = arith.constant 1 : i32
            %jit3A_380 = arith.constant 0 : i32
            %broadcast_in_dim3A_381 = vector.broadcast %jit3A_379 : i32 to vector<16xi32>
            %broadcast_in_dim3A_382 = vector.broadcast %jit3A_380 : i32 to vector<16xi32>
            %select_n3A_383 = arith.select %eq3A_378, %broadcast_in_dim3A_381, %broadcast_in_dim3A_382 : vector<16xi1>, vector<16xi32>
            %xor3A_384 = arith.xori %select_n3A_383, %and3A_372 : vector<16xi32>
            %xor3A_385 = arith.constant 1 : i32
            %xor3A_386 = vector.broadcast %xor3A_385 : i32 to vector<16xi32>
            %xor3A_387 = arith.xori %iota3A, %xor3A_386 : vector<16xi32>
            %lt3A_388 = arith.constant 0 : i32
            %lt3A_389 = vector.broadcast %lt3A_388 : i32 to vector<16xi32>
            %lt3A_390 = arith.cmpi slt, %xor3A_387, %lt3A_389 : vector<16xi32>
            %add3A_391 = arith.constant 16 : i32
            %add3A_392 = vector.broadcast %add3A_391 : i32 to vector<16xi32>
            %add3A_393 = arith.addi %xor3A_387, %add3A_392 : vector<16xi32>
            %select_n3A_394 = arith.select %lt3A_390, %add3A_393, %xor3A_387 : vector<16xi1>, vector<16xi32>
            %broadcast_in_dim3A_395 = vector.shape_cast %select_n3A_394 : vector<16xi32> to vector<16x1xi32>
            %gather3A_396 = vector.shape_cast %broadcast_in_dim3A_395 : vector<16x1xi32> to vector<16xi32>
            %gather3A_397 = tpu.dynamic_gather %select_n3A_365[%gather3A_396] in [0] : vector<16xf32>, vector<16xi32> -> vector<16xf32>
            %lt3A_398 = arith.constant 0 : i32
            %lt3A_399 = vector.broadcast %lt3A_398 : i32 to vector<16xi32>
            %lt3A_400 = arith.cmpi slt, %xor3A_387, %lt3A_399 : vector<16xi32>
            %add3A_401 = arith.constant 16 : i32
            %add3A_402 = vector.broadcast %add3A_401 : i32 to vector<16xi32>
            %add3A_403 = arith.addi %xor3A_387, %add3A_402 : vector<16xi32>
            %select_n3A_404 = arith.select %lt3A_400, %add3A_403, %xor3A_387 : vector<16xi1>, vector<16xi32>
            %broadcast_in_dim3A_405 = vector.shape_cast %select_n3A_404 : vector<16xi32> to vector<16x1xi32>
            %gather3A_406 = vector.shape_cast %broadcast_in_dim3A_405 : vector<16x1xi32> to vector<16xi32>
            %gather3A_407 = tpu.dynamic_gather %select_n3A_366[%gather3A_406] in [0] : vector<16xi32>, vector<16xi32> -> vector<16xi32>
            %gt3A_408 = arith.cmpf ogt, %select_n3A_365, %gather3A_397 : vector<16xf32>
            %jit3A_409 = arith.constant 1 : i32
            %jit3A_410 = arith.constant 0 : i32
            %broadcast_in_dim3A_411 = vector.broadcast %jit3A_409 : i32 to vector<16xi32>
            %broadcast_in_dim3A_412 = vector.broadcast %jit3A_410 : i32 to vector<16xi32>
            %select_n3A_413 = arith.select %gt3A_408, %broadcast_in_dim3A_411, %broadcast_in_dim3A_412 : vector<16xi1>, vector<16xi32>
            %eq3A_414 = arith.cmpf oeq, %select_n3A_365, %gather3A_397 : vector<16xf32>
            %jit3A_415 = arith.constant 1 : i32
            %jit3A_416 = arith.constant 0 : i32
            %broadcast_in_dim3A_417 = vector.broadcast %jit3A_415 : i32 to vector<16xi32>
            %broadcast_in_dim3A_418 = vector.broadcast %jit3A_416 : i32 to vector<16xi32>
            %select_n3A_419 = arith.select %eq3A_414, %broadcast_in_dim3A_417, %broadcast_in_dim3A_418 : vector<16xi1>, vector<16xi32>
            %lt3A_420 = arith.cmpi slt, %select_n3A_366, %gather3A_407 : vector<16xi32>
            %jit3A_421 = arith.constant 1 : i32
            %jit3A_422 = arith.constant 0 : i32
            %broadcast_in_dim3A_423 = vector.broadcast %jit3A_421 : i32 to vector<16xi32>
            %broadcast_in_dim3A_424 = vector.broadcast %jit3A_422 : i32 to vector<16xi32>
            %select_n3A_425 = arith.select %lt3A_420, %broadcast_in_dim3A_423, %broadcast_in_dim3A_424 : vector<16xi1>, vector<16xi32>
            %and3A_426 = arith.andi %select_n3A_419, %select_n3A_425 : vector<16xi32>
            %or3A_427 = arith.ori %select_n3A_413, %and3A_426 : vector<16xi32>
            %xor3A_428 = arith.xori %xor3A_384, %or3A_427 : vector<16xi32>
            %sub3A_429 = arith.constant 1 : i32
            %sub3A_430 = vector.broadcast %sub3A_429 : i32 to vector<16xi32>
            %sub3A_431 = arith.subi %sub3A_430, %xor3A_428 : vector<16xi32>
            %eq3A_432 = arith.constant 1 : i32
            %eq3A_433 = vector.broadcast %eq3A_432 : i32 to vector<16xi32>
            %eq3A_434 = arith.cmpi eq, %sub3A_431, %eq3A_433 : vector<16xi32>
            %select_n3A_435 = arith.select %eq3A_434, %select_n3A_365, %gather3A_397 : vector<16xi1>, vector<16xf32>
            %select_n3A_436 = arith.select %eq3A_434, %select_n3A_366, %gather3A_407 : vector<16xi1>, vector<16xi32>
            %shift_right_arithmetic3A_437 = arith.constant 3 : i32
            %shift_right_arithmetic3A_438 = vector.broadcast %shift_right_arithmetic3A_437 : i32 to vector<16xi32>
            %shift_right_arithmetic3A_439 = arith.shrsi %iota3A, %shift_right_arithmetic3A_438 : vector<16xi32>
            %and3A_440 = arith.constant 1 : i32
            %and3A_441 = vector.broadcast %and3A_440 : i32 to vector<16xi32>
            %and3A_442 = arith.andi %shift_right_arithmetic3A_439, %and3A_441 : vector<16xi32>
            %and3A_443 = arith.constant 4 : i32
            %and3A_444 = vector.broadcast %and3A_443 : i32 to vector<16xi32>
            %and3A_445 = arith.andi %iota3A, %and3A_444 : vector<16xi32>
            %eq3A_446 = arith.constant 0 : i32
            %eq3A_447 = vector.broadcast %eq3A_446 : i32 to vector<16xi32>
            %eq3A_448 = arith.cmpi eq, %and3A_445, %eq3A_447 : vector<16xi32>
            %jit3A_449 = arith.constant 1 : i32
            %jit3A_450 = arith.constant 0 : i32
            %broadcast_in_dim3A_451 = vector.broadcast %jit3A_449 : i32 to vector<16xi32>
            %broadcast_in_dim3A_452 = vector.broadcast %jit3A_450 : i32 to vector<16xi32>
            %select_n3A_453 = arith.select %eq3A_448, %broadcast_in_dim3A_451, %broadcast_in_dim3A_452 : vector<16xi1>, vector<16xi32>
            %xor3A_454 = arith.xori %select_n3A_453, %and3A_442 : vector<16xi32>
            %xor3A_455 = arith.constant 4 : i32
            %xor3A_456 = vector.broadcast %xor3A_455 : i32 to vector<16xi32>
            %xor3A_457 = arith.xori %iota3A, %xor3A_456 : vector<16xi32>
            %lt3A_458 = arith.constant 0 : i32
            %lt3A_459 = vector.broadcast %lt3A_458 : i32 to vector<16xi32>
            %lt3A_460 = arith.cmpi slt, %xor3A_457, %lt3A_459 : vector<16xi32>
            %add3A_461 = arith.constant 16 : i32
            %add3A_462 = vector.broadcast %add3A_461 : i32 to vector<16xi32>
            %add3A_463 = arith.addi %xor3A_457, %add3A_462 : vector<16xi32>
            %select_n3A_464 = arith.select %lt3A_460, %add3A_463, %xor3A_457 : vector<16xi1>, vector<16xi32>
            %broadcast_in_dim3A_465 = vector.shape_cast %select_n3A_464 : vector<16xi32> to vector<16x1xi32>
            %gather3A_466 = vector.shape_cast %broadcast_in_dim3A_465 : vector<16x1xi32> to vector<16xi32>
            %gather3A_467 = tpu.dynamic_gather %select_n3A_435[%gather3A_466] in [0] : vector<16xf32>, vector<16xi32> -> vector<16xf32>
            %lt3A_468 = arith.constant 0 : i32
            %lt3A_469 = vector.broadcast %lt3A_468 : i32 to vector<16xi32>
            %lt3A_470 = arith.cmpi slt, %xor3A_457, %lt3A_469 : vector<16xi32>
            %add3A_471 = arith.constant 16 : i32
            %add3A_472 = vector.broadcast %add3A_471 : i32 to vector<16xi32>
            %add3A_473 = arith.addi %xor3A_457, %add3A_472 : vector<16xi32>
            %select_n3A_474 = arith.select %lt3A_470, %add3A_473, %xor3A_457 : vector<16xi1>, vector<16xi32>
            %broadcast_in_dim3A_475 = vector.shape_cast %select_n3A_474 : vector<16xi32> to vector<16x1xi32>
            %gather3A_476 = vector.shape_cast %broadcast_in_dim3A_475 : vector<16x1xi32> to vector<16xi32>
            %gather3A_477 = tpu.dynamic_gather %select_n3A_436[%gather3A_476] in [0] : vector<16xi32>, vector<16xi32> -> vector<16xi32>
            %gt3A_478 = arith.cmpf ogt, %select_n3A_435, %gather3A_467 : vector<16xf32>
            %jit3A_479 = arith.constant 1 : i32
            %jit3A_480 = arith.constant 0 : i32
            %broadcast_in_dim3A_481 = vector.broadcast %jit3A_479 : i32 to vector<16xi32>
            %broadcast_in_dim3A_482 = vector.broadcast %jit3A_480 : i32 to vector<16xi32>
            %select_n3A_483 = arith.select %gt3A_478, %broadcast_in_dim3A_481, %broadcast_in_dim3A_482 : vector<16xi1>, vector<16xi32>
            %eq3A_484 = arith.cmpf oeq, %select_n3A_435, %gather3A_467 : vector<16xf32>
            %jit3A_485 = arith.constant 1 : i32
            %jit3A_486 = arith.constant 0 : i32
            %broadcast_in_dim3A_487 = vector.broadcast %jit3A_485 : i32 to vector<16xi32>
            %broadcast_in_dim3A_488 = vector.broadcast %jit3A_486 : i32 to vector<16xi32>
            %select_n3A_489 = arith.select %eq3A_484, %broadcast_in_dim3A_487, %broadcast_in_dim3A_488 : vector<16xi1>, vector<16xi32>
            %lt3A_490 = arith.cmpi slt, %select_n3A_436, %gather3A_477 : vector<16xi32>
            %jit3A_491 = arith.constant 1 : i32
            %jit3A_492 = arith.constant 0 : i32
            %broadcast_in_dim3A_493 = vector.broadcast %jit3A_491 : i32 to vector<16xi32>
            %broadcast_in_dim3A_494 = vector.broadcast %jit3A_492 : i32 to vector<16xi32>
            %select_n3A_495 = arith.select %lt3A_490, %broadcast_in_dim3A_493, %broadcast_in_dim3A_494 : vector<16xi1>, vector<16xi32>
            %and3A_496 = arith.andi %select_n3A_489, %select_n3A_495 : vector<16xi32>
            %or3A_497 = arith.ori %select_n3A_483, %and3A_496 : vector<16xi32>
            %xor3A_498 = arith.xori %xor3A_454, %or3A_497 : vector<16xi32>
            %sub3A_499 = arith.constant 1 : i32
            %sub3A_500 = vector.broadcast %sub3A_499 : i32 to vector<16xi32>
            %sub3A_501 = arith.subi %sub3A_500, %xor3A_498 : vector<16xi32>
            %eq3A_502 = arith.constant 1 : i32
            %eq3A_503 = vector.broadcast %eq3A_502 : i32 to vector<16xi32>
            %eq3A_504 = arith.cmpi eq, %sub3A_501, %eq3A_503 : vector<16xi32>
            %select_n3A_505 = arith.select %eq3A_504, %select_n3A_435, %gather3A_467 : vector<16xi1>, vector<16xf32>
            %select_n3A_506 = arith.select %eq3A_504, %select_n3A_436, %gather3A_477 : vector<16xi1>, vector<16xi32>
            %shift_right_arithmetic3A_507 = arith.constant 3 : i32
            %shift_right_arithmetic3A_508 = vector.broadcast %shift_right_arithmetic3A_507 : i32 to vector<16xi32>
            %shift_right_arithmetic3A_509 = arith.shrsi %iota3A, %shift_right_arithmetic3A_508 : vector<16xi32>
            %and3A_510 = arith.constant 1 : i32
            %and3A_511 = vector.broadcast %and3A_510 : i32 to vector<16xi32>
            %and3A_512 = arith.andi %shift_right_arithmetic3A_509, %and3A_511 : vector<16xi32>
            %and3A_513 = arith.constant 2 : i32
            %and3A_514 = vector.broadcast %and3A_513 : i32 to vector<16xi32>
            %and3A_515 = arith.andi %iota3A, %and3A_514 : vector<16xi32>
            %eq3A_516 = arith.constant 0 : i32
            %eq3A_517 = vector.broadcast %eq3A_516 : i32 to vector<16xi32>
            %eq3A_518 = arith.cmpi eq, %and3A_515, %eq3A_517 : vector<16xi32>
            %jit3A_519 = arith.constant 1 : i32
            %jit3A_520 = arith.constant 0 : i32
            %broadcast_in_dim3A_521 = vector.broadcast %jit3A_519 : i32 to vector<16xi32>
            %broadcast_in_dim3A_522 = vector.broadcast %jit3A_520 : i32 to vector<16xi32>
            %select_n3A_523 = arith.select %eq3A_518, %broadcast_in_dim3A_521, %broadcast_in_dim3A_522 : vector<16xi1>, vector<16xi32>
            %xor3A_524 = arith.xori %select_n3A_523, %and3A_512 : vector<16xi32>
            %xor3A_525 = arith.constant 2 : i32
            %xor3A_526 = vector.broadcast %xor3A_525 : i32 to vector<16xi32>
            %xor3A_527 = arith.xori %iota3A, %xor3A_526 : vector<16xi32>
            %lt3A_528 = arith.constant 0 : i32
            %lt3A_529 = vector.broadcast %lt3A_528 : i32 to vector<16xi32>
            %lt3A_530 = arith.cmpi slt, %xor3A_527, %lt3A_529 : vector<16xi32>
            %add3A_531 = arith.constant 16 : i32
            %add3A_532 = vector.broadcast %add3A_531 : i32 to vector<16xi32>
            %add3A_533 = arith.addi %xor3A_527, %add3A_532 : vector<16xi32>
            %select_n3A_534 = arith.select %lt3A_530, %add3A_533, %xor3A_527 : vector<16xi1>, vector<16xi32>
            %broadcast_in_dim3A_535 = vector.shape_cast %select_n3A_534 : vector<16xi32> to vector<16x1xi32>
            %gather3A_536 = vector.shape_cast %broadcast_in_dim3A_535 : vector<16x1xi32> to vector<16xi32>
            %gather3A_537 = tpu.dynamic_gather %select_n3A_505[%gather3A_536] in [0] : vector<16xf32>, vector<16xi32> -> vector<16xf32>
            %lt3A_538 = arith.constant 0 : i32
            %lt3A_539 = vector.broadcast %lt3A_538 : i32 to vector<16xi32>
            %lt3A_540 = arith.cmpi slt, %xor3A_527, %lt3A_539 : vector<16xi32>
            %add3A_541 = arith.constant 16 : i32
            %add3A_542 = vector.broadcast %add3A_541 : i32 to vector<16xi32>
            %add3A_543 = arith.addi %xor3A_527, %add3A_542 : vector<16xi32>
            %select_n3A_544 = arith.select %lt3A_540, %add3A_543, %xor3A_527 : vector<16xi1>, vector<16xi32>
            %broadcast_in_dim3A_545 = vector.shape_cast %select_n3A_544 : vector<16xi32> to vector<16x1xi32>
            %gather3A_546 = vector.shape_cast %broadcast_in_dim3A_545 : vector<16x1xi32> to vector<16xi32>
            %gather3A_547 = tpu.dynamic_gather %select_n3A_506[%gather3A_546] in [0] : vector<16xi32>, vector<16xi32> -> vector<16xi32>
            %gt3A_548 = arith.cmpf ogt, %select_n3A_505, %gather3A_537 : vector<16xf32>
            %jit3A_549 = arith.constant 1 : i32
            %jit3A_550 = arith.constant 0 : i32
            %broadcast_in_dim3A_551 = vector.broadcast %jit3A_549 : i32 to vector<16xi32>
            %broadcast_in_dim3A_552 = vector.broadcast %jit3A_550 : i32 to vector<16xi32>
            %select_n3A_553 = arith.select %gt3A_548, %broadcast_in_dim3A_551, %broadcast_in_dim3A_552 : vector<16xi1>, vector<16xi32>
            %eq3A_554 = arith.cmpf oeq, %select_n3A_505, %gather3A_537 : vector<16xf32>
            %jit3A_555 = arith.constant 1 : i32
            %jit3A_556 = arith.constant 0 : i32
            %broadcast_in_dim3A_557 = vector.broadcast %jit3A_555 : i32 to vector<16xi32>
            %broadcast_in_dim3A_558 = vector.broadcast %jit3A_556 : i32 to vector<16xi32>
            %select_n3A_559 = arith.select %eq3A_554, %broadcast_in_dim3A_557, %broadcast_in_dim3A_558 : vector<16xi1>, vector<16xi32>
            %lt3A_560 = arith.cmpi slt, %select_n3A_506, %gather3A_547 : vector<16xi32>
            %jit3A_561 = arith.constant 1 : i32
            %jit3A_562 = arith.constant 0 : i32
            %broadcast_in_dim3A_563 = vector.broadcast %jit3A_561 : i32 to vector<16xi32>
            %broadcast_in_dim3A_564 = vector.broadcast %jit3A_562 : i32 to vector<16xi32>
            %select_n3A_565 = arith.select %lt3A_560, %broadcast_in_dim3A_563, %broadcast_in_dim3A_564 : vector<16xi1>, vector<16xi32>
            %and3A_566 = arith.andi %select_n3A_559, %select_n3A_565 : vector<16xi32>
            %or3A_567 = arith.ori %select_n3A_553, %and3A_566 : vector<16xi32>
            %xor3A_568 = arith.xori %xor3A_524, %or3A_567 : vector<16xi32>
            %sub3A_569 = arith.constant 1 : i32
            %sub3A_570 = vector.broadcast %sub3A_569 : i32 to vector<16xi32>
            %sub3A_571 = arith.subi %sub3A_570, %xor3A_568 : vector<16xi32>
            %eq3A_572 = arith.constant 1 : i32
            %eq3A_573 = vector.broadcast %eq3A_572 : i32 to vector<16xi32>
            %eq3A_574 = arith.cmpi eq, %sub3A_571, %eq3A_573 : vector<16xi32>
            %select_n3A_575 = arith.select %eq3A_574, %select_n3A_505, %gather3A_537 : vector<16xi1>, vector<16xf32>
            %select_n3A_576 = arith.select %eq3A_574, %select_n3A_506, %gather3A_547 : vector<16xi1>, vector<16xi32>
            %shift_right_arithmetic3A_577 = arith.constant 3 : i32
            %shift_right_arithmetic3A_578 = vector.broadcast %shift_right_arithmetic3A_577 : i32 to vector<16xi32>
            %shift_right_arithmetic3A_579 = arith.shrsi %iota3A, %shift_right_arithmetic3A_578 : vector<16xi32>
            %and3A_580 = arith.constant 1 : i32
            %and3A_581 = vector.broadcast %and3A_580 : i32 to vector<16xi32>
            %and3A_582 = arith.andi %shift_right_arithmetic3A_579, %and3A_581 : vector<16xi32>
            %and3A_583 = arith.constant 1 : i32
            %and3A_584 = vector.broadcast %and3A_583 : i32 to vector<16xi32>
            %and3A_585 = arith.andi %iota3A, %and3A_584 : vector<16xi32>
            %eq3A_586 = arith.constant 0 : i32
            %eq3A_587 = vector.broadcast %eq3A_586 : i32 to vector<16xi32>
            %eq3A_588 = arith.cmpi eq, %and3A_585, %eq3A_587 : vector<16xi32>
            %jit3A_589 = arith.constant 1 : i32
            %jit3A_590 = arith.constant 0 : i32
            %broadcast_in_dim3A_591 = vector.broadcast %jit3A_589 : i32 to vector<16xi32>
            %broadcast_in_dim3A_592 = vector.broadcast %jit3A_590 : i32 to vector<16xi32>
            %select_n3A_593 = arith.select %eq3A_588, %broadcast_in_dim3A_591, %broadcast_in_dim3A_592 : vector<16xi1>, vector<16xi32>
            %xor3A_594 = arith.xori %select_n3A_593, %and3A_582 : vector<16xi32>
            %xor3A_595 = arith.constant 1 : i32
            %xor3A_596 = vector.broadcast %xor3A_595 : i32 to vector<16xi32>
            %xor3A_597 = arith.xori %iota3A, %xor3A_596 : vector<16xi32>
            %lt3A_598 = arith.constant 0 : i32
            %lt3A_599 = vector.broadcast %lt3A_598 : i32 to vector<16xi32>
            %lt3A_600 = arith.cmpi slt, %xor3A_597, %lt3A_599 : vector<16xi32>
            %add3A_601 = arith.constant 16 : i32
            %add3A_602 = vector.broadcast %add3A_601 : i32 to vector<16xi32>
            %add3A_603 = arith.addi %xor3A_597, %add3A_602 : vector<16xi32>
            %select_n3A_604 = arith.select %lt3A_600, %add3A_603, %xor3A_597 : vector<16xi1>, vector<16xi32>
            %broadcast_in_dim3A_605 = vector.shape_cast %select_n3A_604 : vector<16xi32> to vector<16x1xi32>
            %gather3A_606 = vector.shape_cast %broadcast_in_dim3A_605 : vector<16x1xi32> to vector<16xi32>
            %gather3A_607 = tpu.dynamic_gather %select_n3A_575[%gather3A_606] in [0] : vector<16xf32>, vector<16xi32> -> vector<16xf32>
            %lt3A_608 = arith.constant 0 : i32
            %lt3A_609 = vector.broadcast %lt3A_608 : i32 to vector<16xi32>
            %lt3A_610 = arith.cmpi slt, %xor3A_597, %lt3A_609 : vector<16xi32>
            %add3A_611 = arith.constant 16 : i32
            %add3A_612 = vector.broadcast %add3A_611 : i32 to vector<16xi32>
            %add3A_613 = arith.addi %xor3A_597, %add3A_612 : vector<16xi32>
            %select_n3A_614 = arith.select %lt3A_610, %add3A_613, %xor3A_597 : vector<16xi1>, vector<16xi32>
            %broadcast_in_dim3A_615 = vector.shape_cast %select_n3A_614 : vector<16xi32> to vector<16x1xi32>
            %gather3A_616 = vector.shape_cast %broadcast_in_dim3A_615 : vector<16x1xi32> to vector<16xi32>
            %gather3A_617 = tpu.dynamic_gather %select_n3A_576[%gather3A_616] in [0] : vector<16xi32>, vector<16xi32> -> vector<16xi32>
            %gt3A_618 = arith.cmpf ogt, %select_n3A_575, %gather3A_607 : vector<16xf32>
            %jit3A_619 = arith.constant 1 : i32
            %jit3A_620 = arith.constant 0 : i32
            %broadcast_in_dim3A_621 = vector.broadcast %jit3A_619 : i32 to vector<16xi32>
            %broadcast_in_dim3A_622 = vector.broadcast %jit3A_620 : i32 to vector<16xi32>
            %select_n3A_623 = arith.select %gt3A_618, %broadcast_in_dim3A_621, %broadcast_in_dim3A_622 : vector<16xi1>, vector<16xi32>
            %eq3A_624 = arith.cmpf oeq, %select_n3A_575, %gather3A_607 : vector<16xf32>
            %jit3A_625 = arith.constant 1 : i32
            %jit3A_626 = arith.constant 0 : i32
            %broadcast_in_dim3A_627 = vector.broadcast %jit3A_625 : i32 to vector<16xi32>
            %broadcast_in_dim3A_628 = vector.broadcast %jit3A_626 : i32 to vector<16xi32>
            %select_n3A_629 = arith.select %eq3A_624, %broadcast_in_dim3A_627, %broadcast_in_dim3A_628 : vector<16xi1>, vector<16xi32>
            %lt3A_630 = arith.cmpi slt, %select_n3A_576, %gather3A_617 : vector<16xi32>
            %jit3A_631 = arith.constant 1 : i32
            %jit3A_632 = arith.constant 0 : i32
            %broadcast_in_dim3A_633 = vector.broadcast %jit3A_631 : i32 to vector<16xi32>
            %broadcast_in_dim3A_634 = vector.broadcast %jit3A_632 : i32 to vector<16xi32>
            %select_n3A_635 = arith.select %lt3A_630, %broadcast_in_dim3A_633, %broadcast_in_dim3A_634 : vector<16xi1>, vector<16xi32>
            %and3A_636 = arith.andi %select_n3A_629, %select_n3A_635 : vector<16xi32>
            %or3A_637 = arith.ori %select_n3A_623, %and3A_636 : vector<16xi32>
            %xor3A_638 = arith.xori %xor3A_594, %or3A_637 : vector<16xi32>
            %sub3A_639 = arith.constant 1 : i32
            %sub3A_640 = vector.broadcast %sub3A_639 : i32 to vector<16xi32>
            %sub3A_641 = arith.subi %sub3A_640, %xor3A_638 : vector<16xi32>
            %eq3A_642 = arith.constant 1 : i32
            %eq3A_643 = vector.broadcast %eq3A_642 : i32 to vector<16xi32>
            %eq3A_644 = arith.cmpi eq, %sub3A_641, %eq3A_643 : vector<16xi32>
            %select_n3A_645 = arith.select %eq3A_644, %select_n3A_575, %gather3A_607 : vector<16xi1>, vector<16xf32>
            %select_n3A_646 = arith.select %eq3A_644, %select_n3A_576, %gather3A_617 : vector<16xi1>, vector<16xi32>
            %shift_right_arithmetic3A_647 = arith.constant 4 : i32
            %shift_right_arithmetic3A_648 = vector.broadcast %shift_right_arithmetic3A_647 : i32 to vector<16xi32>
            %shift_right_arithmetic3A_649 = arith.shrsi %iota3A, %shift_right_arithmetic3A_648 : vector<16xi32>
            %and3A_650 = arith.constant 1 : i32
            %and3A_651 = vector.broadcast %and3A_650 : i32 to vector<16xi32>
            %and3A_652 = arith.andi %shift_right_arithmetic3A_649, %and3A_651 : vector<16xi32>
            %and3A_653 = arith.constant 8 : i32
            %and3A_654 = vector.broadcast %and3A_653 : i32 to vector<16xi32>
            %and3A_655 = arith.andi %iota3A, %and3A_654 : vector<16xi32>
            %eq3A_656 = arith.constant 0 : i32
            %eq3A_657 = vector.broadcast %eq3A_656 : i32 to vector<16xi32>
            %eq3A_658 = arith.cmpi eq, %and3A_655, %eq3A_657 : vector<16xi32>
            %jit3A_659 = arith.constant 1 : i32
            %jit3A_660 = arith.constant 0 : i32
            %broadcast_in_dim3A_661 = vector.broadcast %jit3A_659 : i32 to vector<16xi32>
            %broadcast_in_dim3A_662 = vector.broadcast %jit3A_660 : i32 to vector<16xi32>
            %select_n3A_663 = arith.select %eq3A_658, %broadcast_in_dim3A_661, %broadcast_in_dim3A_662 : vector<16xi1>, vector<16xi32>
            %xor3A_664 = arith.xori %select_n3A_663, %and3A_652 : vector<16xi32>
            %xor3A_665 = arith.constant 8 : i32
            %xor3A_666 = vector.broadcast %xor3A_665 : i32 to vector<16xi32>
            %xor3A_667 = arith.xori %iota3A, %xor3A_666 : vector<16xi32>
            %lt3A_668 = arith.constant 0 : i32
            %lt3A_669 = vector.broadcast %lt3A_668 : i32 to vector<16xi32>
            %lt3A_670 = arith.cmpi slt, %xor3A_667, %lt3A_669 : vector<16xi32>
            %add3A_671 = arith.constant 16 : i32
            %add3A_672 = vector.broadcast %add3A_671 : i32 to vector<16xi32>
            %add3A_673 = arith.addi %xor3A_667, %add3A_672 : vector<16xi32>
            %select_n3A_674 = arith.select %lt3A_670, %add3A_673, %xor3A_667 : vector<16xi1>, vector<16xi32>
            %broadcast_in_dim3A_675 = vector.shape_cast %select_n3A_674 : vector<16xi32> to vector<16x1xi32>
            %gather3A_676 = vector.shape_cast %broadcast_in_dim3A_675 : vector<16x1xi32> to vector<16xi32>
            %gather3A_677 = tpu.dynamic_gather %select_n3A_645[%gather3A_676] in [0] : vector<16xf32>, vector<16xi32> -> vector<16xf32>
            %lt3A_678 = arith.constant 0 : i32
            %lt3A_679 = vector.broadcast %lt3A_678 : i32 to vector<16xi32>
            %lt3A_680 = arith.cmpi slt, %xor3A_667, %lt3A_679 : vector<16xi32>
            %add3A_681 = arith.constant 16 : i32
            %add3A_682 = vector.broadcast %add3A_681 : i32 to vector<16xi32>
            %add3A_683 = arith.addi %xor3A_667, %add3A_682 : vector<16xi32>
            %select_n3A_684 = arith.select %lt3A_680, %add3A_683, %xor3A_667 : vector<16xi1>, vector<16xi32>
            %broadcast_in_dim3A_685 = vector.shape_cast %select_n3A_684 : vector<16xi32> to vector<16x1xi32>
            %gather3A_686 = vector.shape_cast %broadcast_in_dim3A_685 : vector<16x1xi32> to vector<16xi32>
            %gather3A_687 = tpu.dynamic_gather %select_n3A_646[%gather3A_686] in [0] : vector<16xi32>, vector<16xi32> -> vector<16xi32>
            %gt3A_688 = arith.cmpf ogt, %select_n3A_645, %gather3A_677 : vector<16xf32>
            %jit3A_689 = arith.constant 1 : i32
            %jit3A_690 = arith.constant 0 : i32
            %broadcast_in_dim3A_691 = vector.broadcast %jit3A_689 : i32 to vector<16xi32>
            %broadcast_in_dim3A_692 = vector.broadcast %jit3A_690 : i32 to vector<16xi32>
            %select_n3A_693 = arith.select %gt3A_688, %broadcast_in_dim3A_691, %broadcast_in_dim3A_692 : vector<16xi1>, vector<16xi32>
            %eq3A_694 = arith.cmpf oeq, %select_n3A_645, %gather3A_677 : vector<16xf32>
            %jit3A_695 = arith.constant 1 : i32
            %jit3A_696 = arith.constant 0 : i32
            %broadcast_in_dim3A_697 = vector.broadcast %jit3A_695 : i32 to vector<16xi32>
            %broadcast_in_dim3A_698 = vector.broadcast %jit3A_696 : i32 to vector<16xi32>
            %select_n3A_699 = arith.select %eq3A_694, %broadcast_in_dim3A_697, %broadcast_in_dim3A_698 : vector<16xi1>, vector<16xi32>
            %lt3A_700 = arith.cmpi slt, %select_n3A_646, %gather3A_687 : vector<16xi32>
            %jit3A_701 = arith.constant 1 : i32
            %jit3A_702 = arith.constant 0 : i32
            %broadcast_in_dim3A_703 = vector.broadcast %jit3A_701 : i32 to vector<16xi32>
            %broadcast_in_dim3A_704 = vector.broadcast %jit3A_702 : i32 to vector<16xi32>
            %select_n3A_705 = arith.select %lt3A_700, %broadcast_in_dim3A_703, %broadcast_in_dim3A_704 : vector<16xi1>, vector<16xi32>
            %and3A_706 = arith.andi %select_n3A_699, %select_n3A_705 : vector<16xi32>
            %or3A_707 = arith.ori %select_n3A_693, %and3A_706 : vector<16xi32>
            %xor3A_708 = arith.xori %xor3A_664, %or3A_707 : vector<16xi32>
            %sub3A_709 = arith.constant 1 : i32
            %sub3A_710 = vector.broadcast %sub3A_709 : i32 to vector<16xi32>
            %sub3A_711 = arith.subi %sub3A_710, %xor3A_708 : vector<16xi32>
            %eq3A_712 = arith.constant 1 : i32
            %eq3A_713 = vector.broadcast %eq3A_712 : i32 to vector<16xi32>
            %eq3A_714 = arith.cmpi eq, %sub3A_711, %eq3A_713 : vector<16xi32>
            %select_n3A_715 = arith.select %eq3A_714, %select_n3A_645, %gather3A_677 : vector<16xi1>, vector<16xf32>
            %select_n3A_716 = arith.select %eq3A_714, %select_n3A_646, %gather3A_687 : vector<16xi1>, vector<16xi32>
            %shift_right_arithmetic3A_717 = arith.constant 4 : i32
            %shift_right_arithmetic3A_718 = vector.broadcast %shift_right_arithmetic3A_717 : i32 to vector<16xi32>
            %shift_right_arithmetic3A_719 = arith.shrsi %iota3A, %shift_right_arithmetic3A_718 : vector<16xi32>
            %and3A_720 = arith.constant 1 : i32
            %and3A_721 = vector.broadcast %and3A_720 : i32 to vector<16xi32>
            %and3A_722 = arith.andi %shift_right_arithmetic3A_719, %and3A_721 : vector<16xi32>
            %and3A_723 = arith.constant 4 : i32
            %and3A_724 = vector.broadcast %and3A_723 : i32 to vector<16xi32>
            %and3A_725 = arith.andi %iota3A, %and3A_724 : vector<16xi32>
            %eq3A_726 = arith.constant 0 : i32
            %eq3A_727 = vector.broadcast %eq3A_726 : i32 to vector<16xi32>
            %eq3A_728 = arith.cmpi eq, %and3A_725, %eq3A_727 : vector<16xi32>
            %jit3A_729 = arith.constant 1 : i32
            %jit3A_730 = arith.constant 0 : i32
            %broadcast_in_dim3A_731 = vector.broadcast %jit3A_729 : i32 to vector<16xi32>
            %broadcast_in_dim3A_732 = vector.broadcast %jit3A_730 : i32 to vector<16xi32>
            %select_n3A_733 = arith.select %eq3A_728, %broadcast_in_dim3A_731, %broadcast_in_dim3A_732 : vector<16xi1>, vector<16xi32>
            %xor3A_734 = arith.xori %select_n3A_733, %and3A_722 : vector<16xi32>
            %xor3A_735 = arith.constant 4 : i32
            %xor3A_736 = vector.broadcast %xor3A_735 : i32 to vector<16xi32>
            %xor3A_737 = arith.xori %iota3A, %xor3A_736 : vector<16xi32>
            %lt3A_738 = arith.constant 0 : i32
            %lt3A_739 = vector.broadcast %lt3A_738 : i32 to vector<16xi32>
            %lt3A_740 = arith.cmpi slt, %xor3A_737, %lt3A_739 : vector<16xi32>
            %add3A_741 = arith.constant 16 : i32
            %add3A_742 = vector.broadcast %add3A_741 : i32 to vector<16xi32>
            %add3A_743 = arith.addi %xor3A_737, %add3A_742 : vector<16xi32>
            %select_n3A_744 = arith.select %lt3A_740, %add3A_743, %xor3A_737 : vector<16xi1>, vector<16xi32>
            %broadcast_in_dim3A_745 = vector.shape_cast %select_n3A_744 : vector<16xi32> to vector<16x1xi32>
            %gather3A_746 = vector.shape_cast %broadcast_in_dim3A_745 : vector<16x1xi32> to vector<16xi32>
            %gather3A_747 = tpu.dynamic_gather %select_n3A_715[%gather3A_746] in [0] : vector<16xf32>, vector<16xi32> -> vector<16xf32>
            %lt3A_748 = arith.constant 0 : i32
            %lt3A_749 = vector.broadcast %lt3A_748 : i32 to vector<16xi32>
            %lt3A_750 = arith.cmpi slt, %xor3A_737, %lt3A_749 : vector<16xi32>
            %add3A_751 = arith.constant 16 : i32
            %add3A_752 = vector.broadcast %add3A_751 : i32 to vector<16xi32>
            %add3A_753 = arith.addi %xor3A_737, %add3A_752 : vector<16xi32>
            %select_n3A_754 = arith.select %lt3A_750, %add3A_753, %xor3A_737 : vector<16xi1>, vector<16xi32>
            %broadcast_in_dim3A_755 = vector.shape_cast %select_n3A_754 : vector<16xi32> to vector<16x1xi32>
            %gather3A_756 = vector.shape_cast %broadcast_in_dim3A_755 : vector<16x1xi32> to vector<16xi32>
            %gather3A_757 = tpu.dynamic_gather %select_n3A_716[%gather3A_756] in [0] : vector<16xi32>, vector<16xi32> -> vector<16xi32>
            %gt3A_758 = arith.cmpf ogt, %select_n3A_715, %gather3A_747 : vector<16xf32>
            %jit3A_759 = arith.constant 1 : i32
            %jit3A_760 = arith.constant 0 : i32
            %broadcast_in_dim3A_761 = vector.broadcast %jit3A_759 : i32 to vector<16xi32>
            %broadcast_in_dim3A_762 = vector.broadcast %jit3A_760 : i32 to vector<16xi32>
            %select_n3A_763 = arith.select %gt3A_758, %broadcast_in_dim3A_761, %broadcast_in_dim3A_762 : vector<16xi1>, vector<16xi32>
            %eq3A_764 = arith.cmpf oeq, %select_n3A_715, %gather3A_747 : vector<16xf32>
            %jit3A_765 = arith.constant 1 : i32
            %jit3A_766 = arith.constant 0 : i32
            %broadcast_in_dim3A_767 = vector.broadcast %jit3A_765 : i32 to vector<16xi32>
            %broadcast_in_dim3A_768 = vector.broadcast %jit3A_766 : i32 to vector<16xi32>
            %select_n3A_769 = arith.select %eq3A_764, %broadcast_in_dim3A_767, %broadcast_in_dim3A_768 : vector<16xi1>, vector<16xi32>
            %lt3A_770 = arith.cmpi slt, %select_n3A_716, %gather3A_757 : vector<16xi32>
            %jit3A_771 = arith.constant 1 : i32
            %jit3A_772 = arith.constant 0 : i32
            %broadcast_in_dim3A_773 = vector.broadcast %jit3A_771 : i32 to vector<16xi32>
            %broadcast_in_dim3A_774 = vector.broadcast %jit3A_772 : i32 to vector<16xi32>
            %select_n3A_775 = arith.select %lt3A_770, %broadcast_in_dim3A_773, %broadcast_in_dim3A_774 : vector<16xi1>, vector<16xi32>
            %and3A_776 = arith.andi %select_n3A_769, %select_n3A_775 : vector<16xi32>
            %or3A_777 = arith.ori %select_n3A_763, %and3A_776 : vector<16xi32>
            %xor3A_778 = arith.xori %xor3A_734, %or3A_777 : vector<16xi32>
            %sub3A_779 = arith.constant 1 : i32
            %sub3A_780 = vector.broadcast %sub3A_779 : i32 to vector<16xi32>
            %sub3A_781 = arith.subi %sub3A_780, %xor3A_778 : vector<16xi32>
            %eq3A_782 = arith.constant 1 : i32
            %eq3A_783 = vector.broadcast %eq3A_782 : i32 to vector<16xi32>
            %eq3A_784 = arith.cmpi eq, %sub3A_781, %eq3A_783 : vector<16xi32>
            %select_n3A_785 = arith.select %eq3A_784, %select_n3A_715, %gather3A_747 : vector<16xi1>, vector<16xf32>
            %select_n3A_786 = arith.select %eq3A_784, %select_n3A_716, %gather3A_757 : vector<16xi1>, vector<16xi32>
            %shift_right_arithmetic3A_787 = arith.constant 4 : i32
            %shift_right_arithmetic3A_788 = vector.broadcast %shift_right_arithmetic3A_787 : i32 to vector<16xi32>
            %shift_right_arithmetic3A_789 = arith.shrsi %iota3A, %shift_right_arithmetic3A_788 : vector<16xi32>
            %and3A_790 = arith.constant 1 : i32
            %and3A_791 = vector.broadcast %and3A_790 : i32 to vector<16xi32>
            %and3A_792 = arith.andi %shift_right_arithmetic3A_789, %and3A_791 : vector<16xi32>
            %and3A_793 = arith.constant 2 : i32
            %and3A_794 = vector.broadcast %and3A_793 : i32 to vector<16xi32>
            %and3A_795 = arith.andi %iota3A, %and3A_794 : vector<16xi32>
            %eq3A_796 = arith.constant 0 : i32
            %eq3A_797 = vector.broadcast %eq3A_796 : i32 to vector<16xi32>
            %eq3A_798 = arith.cmpi eq, %and3A_795, %eq3A_797 : vector<16xi32>
            %jit3A_799 = arith.constant 1 : i32
            %jit3A_800 = arith.constant 0 : i32
            %broadcast_in_dim3A_801 = vector.broadcast %jit3A_799 : i32 to vector<16xi32>
            %broadcast_in_dim3A_802 = vector.broadcast %jit3A_800 : i32 to vector<16xi32>
            %select_n3A_803 = arith.select %eq3A_798, %broadcast_in_dim3A_801, %broadcast_in_dim3A_802 : vector<16xi1>, vector<16xi32>
            %xor3A_804 = arith.xori %select_n3A_803, %and3A_792 : vector<16xi32>
            %xor3A_805 = arith.constant 2 : i32
            %xor3A_806 = vector.broadcast %xor3A_805 : i32 to vector<16xi32>
            %xor3A_807 = arith.xori %iota3A, %xor3A_806 : vector<16xi32>
            %lt3A_808 = arith.constant 0 : i32
            %lt3A_809 = vector.broadcast %lt3A_808 : i32 to vector<16xi32>
            %lt3A_810 = arith.cmpi slt, %xor3A_807, %lt3A_809 : vector<16xi32>
            %add3A_811 = arith.constant 16 : i32
            %add3A_812 = vector.broadcast %add3A_811 : i32 to vector<16xi32>
            %add3A_813 = arith.addi %xor3A_807, %add3A_812 : vector<16xi32>
            %select_n3A_814 = arith.select %lt3A_810, %add3A_813, %xor3A_807 : vector<16xi1>, vector<16xi32>
            %broadcast_in_dim3A_815 = vector.shape_cast %select_n3A_814 : vector<16xi32> to vector<16x1xi32>
            %gather3A_816 = vector.shape_cast %broadcast_in_dim3A_815 : vector<16x1xi32> to vector<16xi32>
            %gather3A_817 = tpu.dynamic_gather %select_n3A_785[%gather3A_816] in [0] : vector<16xf32>, vector<16xi32> -> vector<16xf32>
            %lt3A_818 = arith.constant 0 : i32
            %lt3A_819 = vector.broadcast %lt3A_818 : i32 to vector<16xi32>
            %lt3A_820 = arith.cmpi slt, %xor3A_807, %lt3A_819 : vector<16xi32>
            %add3A_821 = arith.constant 16 : i32
            %add3A_822 = vector.broadcast %add3A_821 : i32 to vector<16xi32>
            %add3A_823 = arith.addi %xor3A_807, %add3A_822 : vector<16xi32>
            %select_n3A_824 = arith.select %lt3A_820, %add3A_823, %xor3A_807 : vector<16xi1>, vector<16xi32>
            %broadcast_in_dim3A_825 = vector.shape_cast %select_n3A_824 : vector<16xi32> to vector<16x1xi32>
            %gather3A_826 = vector.shape_cast %broadcast_in_dim3A_825 : vector<16x1xi32> to vector<16xi32>
            %gather3A_827 = tpu.dynamic_gather %select_n3A_786[%gather3A_826] in [0] : vector<16xi32>, vector<16xi32> -> vector<16xi32>
            %gt3A_828 = arith.cmpf ogt, %select_n3A_785, %gather3A_817 : vector<16xf32>
            %jit3A_829 = arith.constant 1 : i32
            %jit3A_830 = arith.constant 0 : i32
            %broadcast_in_dim3A_831 = vector.broadcast %jit3A_829 : i32 to vector<16xi32>
            %broadcast_in_dim3A_832 = vector.broadcast %jit3A_830 : i32 to vector<16xi32>
            %select_n3A_833 = arith.select %gt3A_828, %broadcast_in_dim3A_831, %broadcast_in_dim3A_832 : vector<16xi1>, vector<16xi32>
            %eq3A_834 = arith.cmpf oeq, %select_n3A_785, %gather3A_817 : vector<16xf32>
            %jit3A_835 = arith.constant 1 : i32
            %jit3A_836 = arith.constant 0 : i32
            %broadcast_in_dim3A_837 = vector.broadcast %jit3A_835 : i32 to vector<16xi32>
            %broadcast_in_dim3A_838 = vector.broadcast %jit3A_836 : i32 to vector<16xi32>
            %select_n3A_839 = arith.select %eq3A_834, %broadcast_in_dim3A_837, %broadcast_in_dim3A_838 : vector<16xi1>, vector<16xi32>
            %lt3A_840 = arith.cmpi slt, %select_n3A_786, %gather3A_827 : vector<16xi32>
            %jit3A_841 = arith.constant 1 : i32
            %jit3A_842 = arith.constant 0 : i32
            %broadcast_in_dim3A_843 = vector.broadcast %jit3A_841 : i32 to vector<16xi32>
            %broadcast_in_dim3A_844 = vector.broadcast %jit3A_842 : i32 to vector<16xi32>
            %select_n3A_845 = arith.select %lt3A_840, %broadcast_in_dim3A_843, %broadcast_in_dim3A_844 : vector<16xi1>, vector<16xi32>
            %and3A_846 = arith.andi %select_n3A_839, %select_n3A_845 : vector<16xi32>
            %or3A_847 = arith.ori %select_n3A_833, %and3A_846 : vector<16xi32>
            %xor3A_848 = arith.xori %xor3A_804, %or3A_847 : vector<16xi32>
            %sub3A_849 = arith.constant 1 : i32
            %sub3A_850 = vector.broadcast %sub3A_849 : i32 to vector<16xi32>
            %sub3A_851 = arith.subi %sub3A_850, %xor3A_848 : vector<16xi32>
            %eq3A_852 = arith.constant 1 : i32
            %eq3A_853 = vector.broadcast %eq3A_852 : i32 to vector<16xi32>
            %eq3A_854 = arith.cmpi eq, %sub3A_851, %eq3A_853 : vector<16xi32>
            %select_n3A_855 = arith.select %eq3A_854, %select_n3A_785, %gather3A_817 : vector<16xi1>, vector<16xf32>
            %select_n3A_856 = arith.select %eq3A_854, %select_n3A_786, %gather3A_827 : vector<16xi1>, vector<16xi32>
            %shift_right_arithmetic3A_857 = arith.constant 4 : i32
            %shift_right_arithmetic3A_858 = vector.broadcast %shift_right_arithmetic3A_857 : i32 to vector<16xi32>
            %shift_right_arithmetic3A_859 = arith.shrsi %iota3A, %shift_right_arithmetic3A_858 : vector<16xi32>
            %and3A_860 = arith.constant 1 : i32
            %and3A_861 = vector.broadcast %and3A_860 : i32 to vector<16xi32>
            %and3A_862 = arith.andi %shift_right_arithmetic3A_859, %and3A_861 : vector<16xi32>
            %and3A_863 = arith.constant 1 : i32
            %and3A_864 = vector.broadcast %and3A_863 : i32 to vector<16xi32>
            %and3A_865 = arith.andi %iota3A, %and3A_864 : vector<16xi32>
            %eq3A_866 = arith.constant 0 : i32
            %eq3A_867 = vector.broadcast %eq3A_866 : i32 to vector<16xi32>
            %eq3A_868 = arith.cmpi eq, %and3A_865, %eq3A_867 : vector<16xi32>
            %jit3A_869 = arith.constant 1 : i32
            %jit3A_870 = arith.constant 0 : i32
            %broadcast_in_dim3A_871 = vector.broadcast %jit3A_869 : i32 to vector<16xi32>
            %broadcast_in_dim3A_872 = vector.broadcast %jit3A_870 : i32 to vector<16xi32>
            %select_n3A_873 = arith.select %eq3A_868, %broadcast_in_dim3A_871, %broadcast_in_dim3A_872 : vector<16xi1>, vector<16xi32>
            %xor3A_874 = arith.xori %select_n3A_873, %and3A_862 : vector<16xi32>
            %xor3A_875 = arith.constant 1 : i32
            %xor3A_876 = vector.broadcast %xor3A_875 : i32 to vector<16xi32>
            %xor3A_877 = arith.xori %iota3A, %xor3A_876 : vector<16xi32>
            %lt3A_878 = arith.constant 0 : i32
            %lt3A_879 = vector.broadcast %lt3A_878 : i32 to vector<16xi32>
            %lt3A_880 = arith.cmpi slt, %xor3A_877, %lt3A_879 : vector<16xi32>
            %add3A_881 = arith.constant 16 : i32
            %add3A_882 = vector.broadcast %add3A_881 : i32 to vector<16xi32>
            %add3A_883 = arith.addi %xor3A_877, %add3A_882 : vector<16xi32>
            %select_n3A_884 = arith.select %lt3A_880, %add3A_883, %xor3A_877 : vector<16xi1>, vector<16xi32>
            %broadcast_in_dim3A_885 = vector.shape_cast %select_n3A_884 : vector<16xi32> to vector<16x1xi32>
            %gather3A_886 = vector.shape_cast %broadcast_in_dim3A_885 : vector<16x1xi32> to vector<16xi32>
            %gather3A_887 = tpu.dynamic_gather %select_n3A_855[%gather3A_886] in [0] : vector<16xf32>, vector<16xi32> -> vector<16xf32>
            %lt3A_888 = arith.constant 0 : i32
            %lt3A_889 = vector.broadcast %lt3A_888 : i32 to vector<16xi32>
            %lt3A_890 = arith.cmpi slt, %xor3A_877, %lt3A_889 : vector<16xi32>
            %add3A_891 = arith.constant 16 : i32
            %add3A_892 = vector.broadcast %add3A_891 : i32 to vector<16xi32>
            %add3A_893 = arith.addi %xor3A_877, %add3A_892 : vector<16xi32>
            %select_n3A_894 = arith.select %lt3A_890, %add3A_893, %xor3A_877 : vector<16xi1>, vector<16xi32>
            %broadcast_in_dim3A_895 = vector.shape_cast %select_n3A_894 : vector<16xi32> to vector<16x1xi32>
            %gather3A_896 = vector.shape_cast %broadcast_in_dim3A_895 : vector<16x1xi32> to vector<16xi32>
            %gather3A_897 = tpu.dynamic_gather %select_n3A_856[%gather3A_896] in [0] : vector<16xi32>, vector<16xi32> -> vector<16xi32>
            %gt3A_898 = arith.cmpf ogt, %select_n3A_855, %gather3A_887 : vector<16xf32>
            %jit3A_899 = arith.constant 1 : i32
            %jit3A_900 = arith.constant 0 : i32
            %broadcast_in_dim3A_901 = vector.broadcast %jit3A_899 : i32 to vector<16xi32>
            %broadcast_in_dim3A_902 = vector.broadcast %jit3A_900 : i32 to vector<16xi32>
            %select_n3A_903 = arith.select %gt3A_898, %broadcast_in_dim3A_901, %broadcast_in_dim3A_902 : vector<16xi1>, vector<16xi32>
            %eq3A_904 = arith.cmpf oeq, %select_n3A_855, %gather3A_887 : vector<16xf32>
            %jit3A_905 = arith.constant 1 : i32
            %jit3A_906 = arith.constant 0 : i32
            %broadcast_in_dim3A_907 = vector.broadcast %jit3A_905 : i32 to vector<16xi32>
            %broadcast_in_dim3A_908 = vector.broadcast %jit3A_906 : i32 to vector<16xi32>
            %select_n3A_909 = arith.select %eq3A_904, %broadcast_in_dim3A_907, %broadcast_in_dim3A_908 : vector<16xi1>, vector<16xi32>
            %lt3A_910 = arith.cmpi slt, %select_n3A_856, %gather3A_897 : vector<16xi32>
            %jit3A_911 = arith.constant 1 : i32
            %jit3A_912 = arith.constant 0 : i32
            %broadcast_in_dim3A_913 = vector.broadcast %jit3A_911 : i32 to vector<16xi32>
            %broadcast_in_dim3A_914 = vector.broadcast %jit3A_912 : i32 to vector<16xi32>
            %select_n3A_915 = arith.select %lt3A_910, %broadcast_in_dim3A_913, %broadcast_in_dim3A_914 : vector<16xi1>, vector<16xi32>
            %and3A_916 = arith.andi %select_n3A_909, %select_n3A_915 : vector<16xi32>
            %or3A_917 = arith.ori %select_n3A_903, %and3A_916 : vector<16xi32>
            %xor3A_918 = arith.xori %xor3A_874, %or3A_917 : vector<16xi32>
            %sub3A_919 = arith.constant 1 : i32
            %sub3A_920 = vector.broadcast %sub3A_919 : i32 to vector<16xi32>
            %sub3A_921 = arith.subi %sub3A_920, %xor3A_918 : vector<16xi32>
            %eq3A_922 = arith.constant 1 : i32
            %eq3A_923 = vector.broadcast %eq3A_922 : i32 to vector<16xi32>
            %eq3A_924 = arith.cmpi eq, %sub3A_921, %eq3A_923 : vector<16xi32>
            %select_n3A_925 = arith.select %eq3A_924, %select_n3A_855, %gather3A_887 : vector<16xi1>, vector<16xf32>
            %select_n3A_926 = arith.select %eq3A_924, %select_n3A_856, %gather3A_897 : vector<16xi1>, vector<16xi32>
            %get3A_927 = arith.constant 0 : index
            %get3A_928 = tpu.vector_load %arg8[%get3A_927] {strides = array<i32>} : memref<16xf32, #tpu.memory_space<vmem>>, vector<16xf32>,
            %get3A_929 = vector.shape_cast %get3A_928 : vector<16xf32> to vector<16xf32>
            %get3A_930 = arith.constant 0 : index
            %get3A_931 = tpu.vector_load %arg9[%get3A_930] {strides = array<i32>} : memref<16xi32, #tpu.memory_space<vmem>>, vector<16xi32>,
            %get3A_932 = vector.shape_cast %get3A_931 : vector<16xi32> to vector<16xi32>
            %rev3A = arith.constant 15 : i32
            %rev3A_933 = vector.broadcast %rev3A : i32 to vector<16xi32>
            %rev3A_934 = tpu.iota {dimensions = array<i32: 0>} : vector<16xi32>
            %rev3A_935 = arith.subi %rev3A_933, %rev3A_934 : vector<16xi32>
            %rev3A_936 = tpu.dynamic_gather %get3A_929[%rev3A_935] in [0] : vector<16xf32>, vector<16xi32> -> vector<16xf32>
            %rev3A_937 = arith.constant 15 : i32
            %rev3A_938 = vector.broadcast %rev3A_937 : i32 to vector<16xi32>
            %rev3A_939 = tpu.iota {dimensions = array<i32: 0>} : vector<16xi32>
            %rev3A_940 = arith.subi %rev3A_938, %rev3A_939 : vector<16xi32>
            %rev3A_941 = tpu.dynamic_gather %get3A_932[%rev3A_940] in [0] : vector<16xi32>, vector<16xi32> -> vector<16xi32>
            %gt3A_942 = arith.cmpf ogt, %select_n3A_925, %rev3A_936 : vector<16xf32>
            %select_n3A_943 = arith.select %gt3A_942, %select_n3A_925, %rev3A_936 : vector<16xi1>, vector<16xf32>
            %select_n3A_944 = arith.select %gt3A_942, %select_n3A_926, %rev3A_941 : vector<16xi1>, vector<16xi32>
            %and3A_945 = arith.constant 8 : i32
            %and3A_946 = vector.broadcast %and3A_945 : i32 to vector<16xi32>
            %and3A_947 = arith.andi %iota3A, %and3A_946 : vector<16xi32>
            %eq3A_948 = arith.constant 0 : i32
            %eq3A_949 = vector.broadcast %eq3A_948 : i32 to vector<16xi32>
            %eq3A_950 = arith.cmpi eq, %and3A_947, %eq3A_949 : vector<16xi32>
            %jit3A_951 = arith.constant 1 : i32
            %jit3A_952 = arith.constant 0 : i32
            %broadcast_in_dim3A_953 = vector.broadcast %jit3A_951 : i32 to vector<16xi32>
            %broadcast_in_dim3A_954 = vector.broadcast %jit3A_952 : i32 to vector<16xi32>
            %select_n3A_955 = arith.select %eq3A_950, %broadcast_in_dim3A_953, %broadcast_in_dim3A_954 : vector<16xi1>, vector<16xi32>
            %xor3A_956 = arith.constant 8 : i32
            %xor3A_957 = vector.broadcast %xor3A_956 : i32 to vector<16xi32>
            %xor3A_958 = arith.xori %iota3A, %xor3A_957 : vector<16xi32>
            %lt3A_959 = arith.constant 0 : i32
            %lt3A_960 = vector.broadcast %lt3A_959 : i32 to vector<16xi32>
            %lt3A_961 = arith.cmpi slt, %xor3A_958, %lt3A_960 : vector<16xi32>
            %add3A_962 = arith.constant 16 : i32
            %add3A_963 = vector.broadcast %add3A_962 : i32 to vector<16xi32>
            %add3A_964 = arith.addi %xor3A_958, %add3A_963 : vector<16xi32>
            %select_n3A_965 = arith.select %lt3A_961, %add3A_964, %xor3A_958 : vector<16xi1>, vector<16xi32>
            %broadcast_in_dim3A_966 = vector.shape_cast %select_n3A_965 : vector<16xi32> to vector<16x1xi32>
            %gather3A_967 = vector.shape_cast %broadcast_in_dim3A_966 : vector<16x1xi32> to vector<16xi32>
            %gather3A_968 = tpu.dynamic_gather %select_n3A_943[%gather3A_967] in [0] : vector<16xf32>, vector<16xi32> -> vector<16xf32>
            %lt3A_969 = arith.constant 0 : i32
            %lt3A_970 = vector.broadcast %lt3A_969 : i32 to vector<16xi32>
            %lt3A_971 = arith.cmpi slt, %xor3A_958, %lt3A_970 : vector<16xi32>
            %add3A_972 = arith.constant 16 : i32
            %add3A_973 = vector.broadcast %add3A_972 : i32 to vector<16xi32>
            %add3A_974 = arith.addi %xor3A_958, %add3A_973 : vector<16xi32>
            %select_n3A_975 = arith.select %lt3A_971, %add3A_974, %xor3A_958 : vector<16xi1>, vector<16xi32>
            %broadcast_in_dim3A_976 = vector.shape_cast %select_n3A_975 : vector<16xi32> to vector<16x1xi32>
            %gather3A_977 = vector.shape_cast %broadcast_in_dim3A_976 : vector<16x1xi32> to vector<16xi32>
            %gather3A_978 = tpu.dynamic_gather %select_n3A_944[%gather3A_977] in [0] : vector<16xi32>, vector<16xi32> -> vector<16xi32>
            %gt3A_979 = arith.cmpf ogt, %select_n3A_943, %gather3A_968 : vector<16xf32>
            %jit3A_980 = arith.constant 1 : i32
            %jit3A_981 = arith.constant 0 : i32
            %broadcast_in_dim3A_982 = vector.broadcast %jit3A_980 : i32 to vector<16xi32>
            %broadcast_in_dim3A_983 = vector.broadcast %jit3A_981 : i32 to vector<16xi32>
            %select_n3A_984 = arith.select %gt3A_979, %broadcast_in_dim3A_982, %broadcast_in_dim3A_983 : vector<16xi1>, vector<16xi32>
            %eq3A_985 = arith.cmpf oeq, %select_n3A_943, %gather3A_968 : vector<16xf32>
            %jit3A_986 = arith.constant 1 : i32
            %jit3A_987 = arith.constant 0 : i32
            %broadcast_in_dim3A_988 = vector.broadcast %jit3A_986 : i32 to vector<16xi32>
            %broadcast_in_dim3A_989 = vector.broadcast %jit3A_987 : i32 to vector<16xi32>
            %select_n3A_990 = arith.select %eq3A_985, %broadcast_in_dim3A_988, %broadcast_in_dim3A_989 : vector<16xi1>, vector<16xi32>
            %lt3A_991 = arith.cmpi slt, %select_n3A_944, %gather3A_978 : vector<16xi32>
            %jit3A_992 = arith.constant 1 : i32
            %jit3A_993 = arith.constant 0 : i32
            %broadcast_in_dim3A_994 = vector.broadcast %jit3A_992 : i32 to vector<16xi32>
            %broadcast_in_dim3A_995 = vector.broadcast %jit3A_993 : i32 to vector<16xi32>
            %select_n3A_996 = arith.select %lt3A_991, %broadcast_in_dim3A_994, %broadcast_in_dim3A_995 : vector<16xi1>, vector<16xi32>
            %and3A_997 = arith.andi %select_n3A_990, %select_n3A_996 : vector<16xi32>
            %or3A_998 = arith.ori %select_n3A_984, %and3A_997 : vector<16xi32>
            %xor3A_999 = arith.xori %select_n3A_955, %or3A_998 : vector<16xi32>
            %sub3A_1000 = arith.constant 1 : i32
            %sub3A_1001 = vector.broadcast %sub3A_1000 : i32 to vector<16xi32>
            %sub3A_1002 = arith.subi %sub3A_1001, %xor3A_999 : vector<16xi32>
            %eq3A_1003 = arith.constant 1 : i32
            %eq3A_1004 = vector.broadcast %eq3A_1003 : i32 to vector<16xi32>
            %eq3A_1005 = arith.cmpi eq, %sub3A_1002, %eq3A_1004 : vector<16xi32>
            %select_n3A_1006 = arith.select %eq3A_1005, %select_n3A_943, %gather3A_968 : vector<16xi1>, vector<16xf32>
            %select_n3A_1007 = arith.select %eq3A_1005, %select_n3A_944, %gather3A_978 : vector<16xi1>, vector<16xi32>
            %and3A_1008 = arith.constant 4 : i32
            %and3A_1009 = vector.broadcast %and3A_1008 : i32 to vector<16xi32>
            %and3A_1010 = arith.andi %iota3A, %and3A_1009 : vector<16xi32>
            %eq3A_1011 = arith.constant 0 : i32
            %eq3A_1012 = vector.broadcast %eq3A_1011 : i32 to vector<16xi32>
            %eq3A_1013 = arith.cmpi eq, %and3A_1010, %eq3A_1012 : vector<16xi32>
            %jit3A_1014 = arith.constant 1 : i32
            %jit3A_1015 = arith.constant 0 : i32
            %broadcast_in_dim3A_1016 = vector.broadcast %jit3A_1014 : i32 to vector<16xi32>
            %broadcast_in_dim3A_1017 = vector.broadcast %jit3A_1015 : i32 to vector<16xi32>
            %select_n3A_1018 = arith.select %eq3A_1013, %broadcast_in_dim3A_1016, %broadcast_in_dim3A_1017 : vector<16xi1>, vector<16xi32>
            %xor3A_1019 = arith.constant 4 : i32
            %xor3A_1020 = vector.broadcast %xor3A_1019 : i32 to vector<16xi32>
            %xor3A_1021 = arith.xori %iota3A, %xor3A_1020 : vector<16xi32>
            %lt3A_1022 = arith.constant 0 : i32
            %lt3A_1023 = vector.broadcast %lt3A_1022 : i32 to vector<16xi32>
            %lt3A_1024 = arith.cmpi slt, %xor3A_1021, %lt3A_1023 : vector<16xi32>
            %add3A_1025 = arith.constant 16 : i32
            %add3A_1026 = vector.broadcast %add3A_1025 : i32 to vector<16xi32>
            %add3A_1027 = arith.addi %xor3A_1021, %add3A_1026 : vector<16xi32>
            %select_n3A_1028 = arith.select %lt3A_1024, %add3A_1027, %xor3A_1021 : vector<16xi1>, vector<16xi32>
            %broadcast_in_dim3A_1029 = vector.shape_cast %select_n3A_1028 : vector<16xi32> to vector<16x1xi32>
            %gather3A_1030 = vector.shape_cast %broadcast_in_dim3A_1029 : vector<16x1xi32> to vector<16xi32>
            %gather3A_1031 = tpu.dynamic_gather %select_n3A_1006[%gather3A_1030] in [0] : vector<16xf32>, vector<16xi32> -> vector<16xf32>
            %lt3A_1032 = arith.constant 0 : i32
            %lt3A_1033 = vector.broadcast %lt3A_1032 : i32 to vector<16xi32>
            %lt3A_1034 = arith.cmpi slt, %xor3A_1021, %lt3A_1033 : vector<16xi32>
            %add3A_1035 = arith.constant 16 : i32
            %add3A_1036 = vector.broadcast %add3A_1035 : i32 to vector<16xi32>
            %add3A_1037 = arith.addi %xor3A_1021, %add3A_1036 : vector<16xi32>
            %select_n3A_1038 = arith.select %lt3A_1034, %add3A_1037, %xor3A_1021 : vector<16xi1>, vector<16xi32>
            %broadcast_in_dim3A_1039 = vector.shape_cast %select_n3A_1038 : vector<16xi32> to vector<16x1xi32>
            %gather3A_1040 = vector.shape_cast %broadcast_in_dim3A_1039 : vector<16x1xi32> to vector<16xi32>
            %gather3A_1041 = tpu.dynamic_gather %select_n3A_1007[%gather3A_1040] in [0] : vector<16xi32>, vector<16xi32> -> vector<16xi32>
            %gt3A_1042 = arith.cmpf ogt, %select_n3A_1006, %gather3A_1031 : vector<16xf32>
            %jit3A_1043 = arith.constant 1 : i32
            %jit3A_1044 = arith.constant 0 : i32
            %broadcast_in_dim3A_1045 = vector.broadcast %jit3A_1043 : i32 to vector<16xi32>
            %broadcast_in_dim3A_1046 = vector.broadcast %jit3A_1044 : i32 to vector<16xi32>
            %select_n3A_1047 = arith.select %gt3A_1042, %broadcast_in_dim3A_1045, %broadcast_in_dim3A_1046 : vector<16xi1>, vector<16xi32>
            %eq3A_1048 = arith.cmpf oeq, %select_n3A_1006, %gather3A_1031 : vector<16xf32>
            %jit3A_1049 = arith.constant 1 : i32
            %jit3A_1050 = arith.constant 0 : i32
            %broadcast_in_dim3A_1051 = vector.broadcast %jit3A_1049 : i32 to vector<16xi32>
            %broadcast_in_dim3A_1052 = vector.broadcast %jit3A_1050 : i32 to vector<16xi32>
            %select_n3A_1053 = arith.select %eq3A_1048, %broadcast_in_dim3A_1051, %broadcast_in_dim3A_1052 : vector<16xi1>, vector<16xi32>
            %lt3A_1054 = arith.cmpi slt, %select_n3A_1007, %gather3A_1041 : vector<16xi32>
            %jit3A_1055 = arith.constant 1 : i32
            %jit3A_1056 = arith.constant 0 : i32
            %broadcast_in_dim3A_1057 = vector.broadcast %jit3A_1055 : i32 to vector<16xi32>
            %broadcast_in_dim3A_1058 = vector.broadcast %jit3A_1056 : i32 to vector<16xi32>
            %select_n3A_1059 = arith.select %lt3A_1054, %broadcast_in_dim3A_1057, %broadcast_in_dim3A_1058 : vector<16xi1>, vector<16xi32>
            %and3A_1060 = arith.andi %select_n3A_1053, %select_n3A_1059 : vector<16xi32>
            %or3A_1061 = arith.ori %select_n3A_1047, %and3A_1060 : vector<16xi32>
            %xor3A_1062 = arith.xori %select_n3A_1018, %or3A_1061 : vector<16xi32>
            %sub3A_1063 = arith.constant 1 : i32
            %sub3A_1064 = vector.broadcast %sub3A_1063 : i32 to vector<16xi32>
            %sub3A_1065 = arith.subi %sub3A_1064, %xor3A_1062 : vector<16xi32>
            %eq3A_1066 = arith.constant 1 : i32
            %eq3A_1067 = vector.broadcast %eq3A_1066 : i32 to vector<16xi32>
            %eq3A_1068 = arith.cmpi eq, %sub3A_1065, %eq3A_1067 : vector<16xi32>
            %select_n3A_1069 = arith.select %eq3A_1068, %select_n3A_1006, %gather3A_1031 : vector<16xi1>, vector<16xf32>
            %select_n3A_1070 = arith.select %eq3A_1068, %select_n3A_1007, %gather3A_1041 : vector<16xi1>, vector<16xi32>
            %and3A_1071 = arith.constant 2 : i32
            %and3A_1072 = vector.broadcast %and3A_1071 : i32 to vector<16xi32>
            %and3A_1073 = arith.andi %iota3A, %and3A_1072 : vector<16xi32>
            %eq3A_1074 = arith.constant 0 : i32
            %eq3A_1075 = vector.broadcast %eq3A_1074 : i32 to vector<16xi32>
            %eq3A_1076 = arith.cmpi eq, %and3A_1073, %eq3A_1075 : vector<16xi32>
            %jit3A_1077 = arith.constant 1 : i32
            %jit3A_1078 = arith.constant 0 : i32
            %broadcast_in_dim3A_1079 = vector.broadcast %jit3A_1077 : i32 to vector<16xi32>
            %broadcast_in_dim3A_1080 = vector.broadcast %jit3A_1078 : i32 to vector<16xi32>
            %select_n3A_1081 = arith.select %eq3A_1076, %broadcast_in_dim3A_1079, %broadcast_in_dim3A_1080 : vector<16xi1>, vector<16xi32>
            %xor3A_1082 = arith.constant 2 : i32
            %xor3A_1083 = vector.broadcast %xor3A_1082 : i32 to vector<16xi32>
            %xor3A_1084 = arith.xori %iota3A, %xor3A_1083 : vector<16xi32>
            %lt3A_1085 = arith.constant 0 : i32
            %lt3A_1086 = vector.broadcast %lt3A_1085 : i32 to vector<16xi32>
            %lt3A_1087 = arith.cmpi slt, %xor3A_1084, %lt3A_1086 : vector<16xi32>
            %add3A_1088 = arith.constant 16 : i32
            %add3A_1089 = vector.broadcast %add3A_1088 : i32 to vector<16xi32>
            %add3A_1090 = arith.addi %xor3A_1084, %add3A_1089 : vector<16xi32>
            %select_n3A_1091 = arith.select %lt3A_1087, %add3A_1090, %xor3A_1084 : vector<16xi1>, vector<16xi32>
            %broadcast_in_dim3A_1092 = vector.shape_cast %select_n3A_1091 : vector<16xi32> to vector<16x1xi32>
            %gather3A_1093 = vector.shape_cast %broadcast_in_dim3A_1092 : vector<16x1xi32> to vector<16xi32>
            %gather3A_1094 = tpu.dynamic_gather %select_n3A_1069[%gather3A_1093] in [0] : vector<16xf32>, vector<16xi32> -> vector<16xf32>
            %lt3A_1095 = arith.constant 0 : i32
            %lt3A_1096 = vector.broadcast %lt3A_1095 : i32 to vector<16xi32>
            %lt3A_1097 = arith.cmpi slt, %xor3A_1084, %lt3A_1096 : vector<16xi32>
            %add3A_1098 = arith.constant 16 : i32
            %add3A_1099 = vector.broadcast %add3A_1098 : i32 to vector<16xi32>
            %add3A_1100 = arith.addi %xor3A_1084, %add3A_1099 : vector<16xi32>
            %select_n3A_1101 = arith.select %lt3A_1097, %add3A_1100, %xor3A_1084 : vector<16xi1>, vector<16xi32>
            %broadcast_in_dim3A_1102 = vector.shape_cast %select_n3A_1101 : vector<16xi32> to vector<16x1xi32>
            %gather3A_1103 = vector.shape_cast %broadcast_in_dim3A_1102 : vector<16x1xi32> to vector<16xi32>
            %gather3A_1104 = tpu.dynamic_gather %select_n3A_1070[%gather3A_1103] in [0] : vector<16xi32>, vector<16xi32> -> vector<16xi32>
            %gt3A_1105 = arith.cmpf ogt, %select_n3A_1069, %gather3A_1094 : vector<16xf32>
            %jit3A_1106 = arith.constant 1 : i32
            %jit3A_1107 = arith.constant 0 : i32
            %broadcast_in_dim3A_1108 = vector.broadcast %jit3A_1106 : i32 to vector<16xi32>
            %broadcast_in_dim3A_1109 = vector.broadcast %jit3A_1107 : i32 to vector<16xi32>
            %select_n3A_1110 = arith.select %gt3A_1105, %broadcast_in_dim3A_1108, %broadcast_in_dim3A_1109 : vector<16xi1>, vector<16xi32>
            %eq3A_1111 = arith.cmpf oeq, %select_n3A_1069, %gather3A_1094 : vector<16xf32>
            %jit3A_1112 = arith.constant 1 : i32
            %jit3A_1113 = arith.constant 0 : i32
            %broadcast_in_dim3A_1114 = vector.broadcast %jit3A_1112 : i32 to vector<16xi32>
            %broadcast_in_dim3A_1115 = vector.broadcast %jit3A_1113 : i32 to vector<16xi32>
            %select_n3A_1116 = arith.select %eq3A_1111, %broadcast_in_dim3A_1114, %broadcast_in_dim3A_1115 : vector<16xi1>, vector<16xi32>
            %lt3A_1117 = arith.cmpi slt, %select_n3A_1070, %gather3A_1104 : vector<16xi32>
            %jit3A_1118 = arith.constant 1 : i32
            %jit3A_1119 = arith.constant 0 : i32
            %broadcast_in_dim3A_1120 = vector.broadcast %jit3A_1118 : i32 to vector<16xi32>
            %broadcast_in_dim3A_1121 = vector.broadcast %jit3A_1119 : i32 to vector<16xi32>
            %select_n3A_1122 = arith.select %lt3A_1117, %broadcast_in_dim3A_1120, %broadcast_in_dim3A_1121 : vector<16xi1>, vector<16xi32>
            %and3A_1123 = arith.andi %select_n3A_1116, %select_n3A_1122 : vector<16xi32>
            %or3A_1124 = arith.ori %select_n3A_1110, %and3A_1123 : vector<16xi32>
            %xor3A_1125 = arith.xori %select_n3A_1081, %or3A_1124 : vector<16xi32>
            %sub3A_1126 = arith.constant 1 : i32
            %sub3A_1127 = vector.broadcast %sub3A_1126 : i32 to vector<16xi32>
            %sub3A_1128 = arith.subi %sub3A_1127, %xor3A_1125 : vector<16xi32>
            %eq3A_1129 = arith.constant 1 : i32
            %eq3A_1130 = vector.broadcast %eq3A_1129 : i32 to vector<16xi32>
            %eq3A_1131 = arith.cmpi eq, %sub3A_1128, %eq3A_1130 : vector<16xi32>
            %select_n3A_1132 = arith.select %eq3A_1131, %select_n3A_1069, %gather3A_1094 : vector<16xi1>, vector<16xf32>
            %select_n3A_1133 = arith.select %eq3A_1131, %select_n3A_1070, %gather3A_1104 : vector<16xi1>, vector<16xi32>
            %and3A_1134 = arith.constant 1 : i32
            %and3A_1135 = vector.broadcast %and3A_1134 : i32 to vector<16xi32>
            %and3A_1136 = arith.andi %iota3A, %and3A_1135 : vector<16xi32>
            %eq3A_1137 = arith.constant 0 : i32
            %eq3A_1138 = vector.broadcast %eq3A_1137 : i32 to vector<16xi32>
            %eq3A_1139 = arith.cmpi eq, %and3A_1136, %eq3A_1138 : vector<16xi32>
            %jit3A_1140 = arith.constant 1 : i32
            %jit3A_1141 = arith.constant 0 : i32
            %broadcast_in_dim3A_1142 = vector.broadcast %jit3A_1140 : i32 to vector<16xi32>
            %broadcast_in_dim3A_1143 = vector.broadcast %jit3A_1141 : i32 to vector<16xi32>
            %select_n3A_1144 = arith.select %eq3A_1139, %broadcast_in_dim3A_1142, %broadcast_in_dim3A_1143 : vector<16xi1>, vector<16xi32>
            %xor3A_1145 = arith.constant 1 : i32
            %xor3A_1146 = vector.broadcast %xor3A_1145 : i32 to vector<16xi32>
            %xor3A_1147 = arith.xori %iota3A, %xor3A_1146 : vector<16xi32>
            %lt3A_1148 = arith.constant 0 : i32
            %lt3A_1149 = vector.broadcast %lt3A_1148 : i32 to vector<16xi32>
            %lt3A_1150 = arith.cmpi slt, %xor3A_1147, %lt3A_1149 : vector<16xi32>
            %add3A_1151 = arith.constant 16 : i32
            %add3A_1152 = vector.broadcast %add3A_1151 : i32 to vector<16xi32>
            %add3A_1153 = arith.addi %xor3A_1147, %add3A_1152 : vector<16xi32>
            %select_n3A_1154 = arith.select %lt3A_1150, %add3A_1153, %xor3A_1147 : vector<16xi1>, vector<16xi32>
            %broadcast_in_dim3A_1155 = vector.shape_cast %select_n3A_1154 : vector<16xi32> to vector<16x1xi32>
            %gather3A_1156 = vector.shape_cast %broadcast_in_dim3A_1155 : vector<16x1xi32> to vector<16xi32>
            %gather3A_1157 = tpu.dynamic_gather %select_n3A_1132[%gather3A_1156] in [0] : vector<16xf32>, vector<16xi32> -> vector<16xf32>
            %lt3A_1158 = arith.constant 0 : i32
            %lt3A_1159 = vector.broadcast %lt3A_1158 : i32 to vector<16xi32>
            %lt3A_1160 = arith.cmpi slt, %xor3A_1147, %lt3A_1159 : vector<16xi32>
            %add3A_1161 = arith.constant 16 : i32
            %add3A_1162 = vector.broadcast %add3A_1161 : i32 to vector<16xi32>
            %add3A_1163 = arith.addi %xor3A_1147, %add3A_1162 : vector<16xi32>
            %select_n3A_1164 = arith.select %lt3A_1160, %add3A_1163, %xor3A_1147 : vector<16xi1>, vector<16xi32>
            %broadcast_in_dim3A_1165 = vector.shape_cast %select_n3A_1164 : vector<16xi32> to vector<16x1xi32>
            %gather3A_1166 = vector.shape_cast %broadcast_in_dim3A_1165 : vector<16x1xi32> to vector<16xi32>
            %gather3A_1167 = tpu.dynamic_gather %select_n3A_1133[%gather3A_1166] in [0] : vector<16xi32>, vector<16xi32> -> vector<16xi32>
            %gt3A_1168 = arith.cmpf ogt, %select_n3A_1132, %gather3A_1157 : vector<16xf32>
            %jit3A_1169 = arith.constant 1 : i32
            %jit3A_1170 = arith.constant 0 : i32
            %broadcast_in_dim3A_1171 = vector.broadcast %jit3A_1169 : i32 to vector<16xi32>
            %broadcast_in_dim3A_1172 = vector.broadcast %jit3A_1170 : i32 to vector<16xi32>
            %select_n3A_1173 = arith.select %gt3A_1168, %broadcast_in_dim3A_1171, %broadcast_in_dim3A_1172 : vector<16xi1>, vector<16xi32>
            %eq3A_1174 = arith.cmpf oeq, %select_n3A_1132, %gather3A_1157 : vector<16xf32>
            %jit3A_1175 = arith.constant 1 : i32
            %jit3A_1176 = arith.constant 0 : i32
            %broadcast_in_dim3A_1177 = vector.broadcast %jit3A_1175 : i32 to vector<16xi32>
            %broadcast_in_dim3A_1178 = vector.broadcast %jit3A_1176 : i32 to vector<16xi32>
            %select_n3A_1179 = arith.select %eq3A_1174, %broadcast_in_dim3A_1177, %broadcast_in_dim3A_1178 : vector<16xi1>, vector<16xi32>
            %lt3A_1180 = arith.cmpi slt, %select_n3A_1133, %gather3A_1167 : vector<16xi32>
            %jit3A_1181 = arith.constant 1 : i32
            %jit3A_1182 = arith.constant 0 : i32
            %broadcast_in_dim3A_1183 = vector.broadcast %jit3A_1181 : i32 to vector<16xi32>
            %broadcast_in_dim3A_1184 = vector.broadcast %jit3A_1182 : i32 to vector<16xi32>
            %select_n3A_1185 = arith.select %lt3A_1180, %broadcast_in_dim3A_1183, %broadcast_in_dim3A_1184 : vector<16xi1>, vector<16xi32>
            %and3A_1186 = arith.andi %select_n3A_1179, %select_n3A_1185 : vector<16xi32>
            %or3A_1187 = arith.ori %select_n3A_1173, %and3A_1186 : vector<16xi32>
            %xor3A_1188 = arith.xori %select_n3A_1144, %or3A_1187 : vector<16xi32>
            %sub3A_1189 = arith.constant 1 : i32
            %sub3A_1190 = vector.broadcast %sub3A_1189 : i32 to vector<16xi32>
            %sub3A_1191 = arith.subi %sub3A_1190, %xor3A_1188 : vector<16xi32>
            %eq3A_1192 = arith.constant 1 : i32
            %eq3A_1193 = vector.broadcast %eq3A_1192 : i32 to vector<16xi32>
            %eq3A_1194 = arith.cmpi eq, %sub3A_1191, %eq3A_1193 : vector<16xi32>
            %select_n3A_1195 = arith.select %eq3A_1194, %select_n3A_1132, %gather3A_1157 : vector<16xi1>, vector<16xf32>
            %select_n3A_1196 = arith.select %eq3A_1194, %select_n3A_1133, %gather3A_1167 : vector<16xi1>, vector<16xi32>
            %swap3A_1197 = arith.constant 0 : index
            %swap3A_1198 = tpu.vector_load %arg8[%swap3A_1197] {strides = array<i32>} : memref<16xf32, #tpu.memory_space<vmem>>, vector<16xf32>,
            %swap3A_1199 = vector.shape_cast %swap3A_1198 : vector<16xf32> to vector<16xf32>
            %swap3A_1200 = vector.shape_cast %select_n3A_1195 : vector<16xf32> to vector<16xf32>
            tpu.vector_store %arg8[%swap3A_1197], %swap3A_1200 {strides = array<i32>} : memref<16xf32, #tpu.memory_space<vmem>>, vector<16xf32>,
            %swap3A_1201 = arith.constant 0 : index
            %swap3A_1202 = tpu.vector_load %arg9[%swap3A_1201] {strides = array<i32>} : memref<16xi32, #tpu.memory_space<vmem>>, vector<16xi32>,
            %swap3A_1203 = vector.shape_cast %swap3A_1202 : vector<16xi32> to vector<16xi32>
            %swap3A_1204 = vector.shape_cast %select_n3A_1196 : vector<16xi32> to vector<16xi32>
            tpu.vector_store %arg9[%swap3A_1201], %swap3A_1204 {strides = array<i32>} : memref<16xi32, #tpu.memory_space<vmem>>, vector<16xi32>,
            %lt3A_1205 = arith.constant 0 : i32
            %lt3A_1206 = vector.broadcast %lt3A_1205 : i32 to vector<16xi32>
            %lt3A_1207 = arith.cmpi slt, %broadcast_in_dim3A_1, %lt3A_1206 : vector<16xi32>
            %add3A_1208 = arith.constant 16 : i32
            %add3A_1209 = vector.broadcast %add3A_1208 : i32 to vector<16xi32>
            %add3A_1210 = arith.addi %broadcast_in_dim3A_1, %add3A_1209 : vector<16xi32>
            %select_n3A_1211 = arith.select %lt3A_1207, %add3A_1210, %broadcast_in_dim3A_1 : vector<16xi1>, vector<16xi32>
            %broadcast_in_dim3A_1212 = vector.shape_cast %select_n3A_1211 : vector<16xi32> to vector<16x1xi32>
            %gather3A_1213 = vector.shape_cast %broadcast_in_dim3A_1212 : vector<16x1xi32> to vector<16xi32>
            %gather3A_1214 = tpu.dynamic_gather %select_n3A_1195[%gather3A_1213] in [0] : vector<16xf32>, vector<16xi32> -> vector<16xf32>
            %swap3A_1215 = arith.constant 0 : index
            %swap3A_1216 = tpu.vector_load %arg10[%swap3A_1215] {strides = array<i32>} : memref<16xf32, #tpu.memory_space<vmem>>, vector<16xf32>,
            %swap3A_1217 = vector.shape_cast %swap3A_1216 : vector<16xf32> to vector<16xf32>
            %swap3A_1218 = vector.shape_cast %gather3A_1214 : vector<16xf32> to vector<16xf32>
            tpu.vector_store %arg10[%swap3A_1215], %swap3A_1218 {strides = array<i32>} : memref<16xf32, #tpu.memory_space<vmem>>, vector<16xf32>,
          } else {
          }
          %scan3A_223 = arith.constant 0 : i32
          scf.yield %scan3A_223 : i32
        }
        %scan3A_146 = arith.constant 10 : i32
      } else {
      }
      "tpu.region"() ({
        %run_scoped3A = tpu.sem_alloc : memref<!tpu.dma_semaphore, #tpu.memory_space<semaphore_mem>>
        %dma_start3A = arith.constant 0 : i32
        %dma_start3A_140 = tpu.memref_slice %arg3[%add3A_12, %dma_start3A] : memref<640x16xf32, #tpu.memory_space<hbm>> -> memref<1x16xf32, #tpu.memory_space<hbm>>
        %dma_start3A_141 = tpu.memref_squeeze %dma_start3A_140 : memref<1x16xf32, #tpu.memory_space<hbm>> -> memref<16xf32, #tpu.memory_space<hbm>>
        %dma_start3A_142 = arith.constant 0 : i32
        %dma_start3A_143 = tpu.memref_slice %arg3[%add3A_12, %dma_start3A_142] : memref<640x16xf32, #tpu.memory_space<hbm>> -> memref<1x16xf32, #tpu.memory_space<hbm>>
        %dma_start3A_144 = tpu.memref_squeeze %dma_start3A_143 : memref<1x16xf32, #tpu.memory_space<hbm>> -> memref<16xf32, #tpu.memory_space<hbm>>
        tpu.enqueue_dma source(%arg8 : memref<16xf32, #tpu.memory_space<vmem>>) target(%dma_start3A_144 : memref<16xf32, #tpu.memory_space<hbm>>) target_semaphore(%run_scoped3A : memref<!tpu.dma_semaphore, #tpu.memory_space<semaphore_mem>>)
        %dma_wait3A = arith.constant 0 : i32
        %dma_wait3A_145 = tpu.memref_slice %arg3[%add3A_12, %dma_wait3A] : memref<640x16xf32, #tpu.memory_space<hbm>> -> memref<1x16xf32, #tpu.memory_space<hbm>>
        %dma_wait3A_146 = tpu.memref_squeeze %dma_wait3A_145 : memref<1x16xf32, #tpu.memory_space<hbm>> -> memref<16xf32, #tpu.memory_space<hbm>>
        %dma_wait3A_147 = arith.constant 0 : i32
        %dma_wait3A_148 = tpu.memref_slice %arg3[%add3A_12, %dma_wait3A_147] : memref<640x16xf32, #tpu.memory_space<hbm>> -> memref<1x16xf32, #tpu.memory_space<hbm>>
        %dma_wait3A_149 = tpu.memref_squeeze %dma_wait3A_148 : memref<1x16xf32, #tpu.memory_space<hbm>> -> memref<16xf32, #tpu.memory_space<hbm>>
        tpu.wait_dma2 semaphore(%run_scoped3A : memref<!tpu.dma_semaphore, #tpu.memory_space<semaphore_mem>>) src(%arg8 : memref<16xf32, #tpu.memory_space<vmem>>) dst(%dma_wait3A_149 : memref<16xf32, #tpu.memory_space<hbm>>)
        tpu.yield
      }) : () -> ()
      "tpu.region"() ({
        %run_scoped3A = tpu.sem_alloc : memref<!tpu.dma_semaphore, #tpu.memory_space<semaphore_mem>>
        %dma_start3A = arith.constant 0 : i32
        %dma_start3A_140 = tpu.memref_slice %arg4[%add3A_12, %dma_start3A] : memref<640x16xi32, #tpu.memory_space<hbm>> -> memref<1x16xi32, #tpu.memory_space<hbm>>
        %dma_start3A_141 = tpu.memref_squeeze %dma_start3A_140 : memref<1x16xi32, #tpu.memory_space<hbm>> -> memref<16xi32, #tpu.memory_space<hbm>>
        %dma_start3A_142 = arith.constant 0 : i32
        %dma_start3A_143 = tpu.memref_slice %arg4[%add3A_12, %dma_start3A_142] : memref<640x16xi32, #tpu.memory_space<hbm>> -> memref<1x16xi32, #tpu.memory_space<hbm>>
        %dma_start3A_144 = tpu.memref_squeeze %dma_start3A_143 : memref<1x16xi32, #tpu.memory_space<hbm>> -> memref<16xi32, #tpu.memory_space<hbm>>
        tpu.enqueue_dma source(%arg9 : memref<16xi32, #tpu.memory_space<vmem>>) target(%dma_start3A_144 : memref<16xi32, #tpu.memory_space<hbm>>) target_semaphore(%run_scoped3A : memref<!tpu.dma_semaphore, #tpu.memory_space<semaphore_mem>>)
        %dma_wait3A = arith.constant 0 : i32
        %dma_wait3A_145 = tpu.memref_slice %arg4[%add3A_12, %dma_wait3A] : memref<640x16xi32, #tpu.memory_space<hbm>> -> memref<1x16xi32, #tpu.memory_space<hbm>>
        %dma_wait3A_146 = tpu.memref_squeeze %dma_wait3A_145 : memref<1x16xi32, #tpu.memory_space<hbm>> -> memref<16xi32, #tpu.memory_space<hbm>>
        %dma_wait3A_147 = arith.constant 0 : i32
        %dma_wait3A_148 = tpu.memref_slice %arg4[%add3A_12, %dma_wait3A_147] : memref<640x16xi32, #tpu.memory_space<hbm>> -> memref<1x16xi32, #tpu.memory_space<hbm>>
        %dma_wait3A_149 = tpu.memref_squeeze %dma_wait3A_148 : memref<1x16xi32, #tpu.memory_space<hbm>> -> memref<16xi32, #tpu.memory_space<hbm>>
        tpu.wait_dma2 semaphore(%run_scoped3A : memref<!tpu.dma_semaphore, #tpu.memory_space<semaphore_mem>>) src(%arg9 : memref<16xi32, #tpu.memory_space<vmem>>) dst(%dma_wait3A_149 : memref<16xi32, #tpu.memory_space<hbm>>)
        tpu.yield
      }) : () -> ()
      %scan3A_139 = arith.constant 0 : i32
      scf.yield %scan3A_139 : i32
    }
    %scan3A_7 = arith.constant 20 : i32
    return
  }
}

module attributes {stable_mosaic.version = 14 : i64} {
  func.func @_stage2_body(%arg0: memref<64x160xf32, #tpu.memory_space<vmem>>, %arg1: memref<64x160xi32, #tpu.memory_space<vmem>>, %arg2: memref<64x160xf32, #tpu.memory_space<vmem>>, %arg3: memref<64x160xi32, #tpu.memory_space<vmem>>, %arg4: memref<64x16xf32, #tpu.memory_space<vmem>>, %arg5: memref<64x16xf32, #tpu.memory_space<vmem>>, %arg6: memref<64x16xi32, #tpu.memory_space<vmem>>) attributes {dimension_semantics = [], scalar_prefetch = 0 : i64, scratch_operands = 0 : i64, tpu.core_type = #tpu.core_type<tc>} {
    %get3A = arith.constant 0 : index
    %get3A_0 = arith.constant 0 : index
    %get3A_1 = vector.load %arg0[%get3A, %get3A_0] : memref<64x160xf32, #tpu.memory_space<vmem>>, vector<64x160xf32>
    %get3A_2 = arith.constant 0 : index
    %get3A_3 = arith.constant 0 : index
    %get3A_4 = vector.load %arg1[%get3A_2, %get3A_3] : memref<64x160xi32, #tpu.memory_space<vmem>>, vector<64x160xi32>
    %get3A_5 = arith.constant 0 : index
    %get3A_6 = arith.constant 0 : index
    %get3A_7 = vector.load %arg2[%get3A_5, %get3A_6] : memref<64x160xf32, #tpu.memory_space<vmem>>, vector<64x160xf32>
    %get3A_8 = arith.constant 0 : index
    %get3A_9 = arith.constant 0 : index
    %get3A_10 = vector.load %arg3[%get3A_8, %get3A_9] : memref<64x160xi32, #tpu.memory_space<vmem>>, vector<64x160xi32>
    %ne3A = arith.constant 0 : i32
    %ne3A_11 = vector.broadcast %ne3A : i32 to vector<64x160xi32>
    %ne3A_12 = arith.cmpi ne, %get3A_10, %ne3A_11 : vector<64x160xi32>
    %iota3A = tpu.iota {dimensions = array<i32: 1>} : vector<64x160xi32>
    %jit3A = arith.constant 16 : i32
    %eq3A = arith.constant 0 : i32
    %eq3A_13 = arith.cmpi eq, %jit3A, %eq3A : i32
    %jit3A_14 = arith.constant 1 : i32
    %select_n3A = arith.select %eq3A_13, %jit3A_14, %jit3A : i32
    %rem3A = vector.broadcast %select_n3A : i32 to vector<64x160xi32>
    %rem3A_15 = arith.remsi %iota3A, %rem3A : vector<64x160xi32>
    %ne3A_16 = arith.constant 0 : i32
    %ne3A_17 = vector.broadcast %ne3A_16 : i32 to vector<64x160xi32>
    %ne3A_18 = arith.cmpi ne, %rem3A_15, %ne3A_17 : vector<64x160xi32>
    %lt3A = arith.constant 0 : i32
    %lt3A_19 = vector.broadcast %lt3A : i32 to vector<64x160xi32>
    %lt3A_20 = arith.cmpi slt, %rem3A_15, %lt3A_19 : vector<64x160xi32>
    %lt3A_21 = arith.constant 0 : i32
    %lt3A_22 = arith.cmpi slt, %select_n3A, %lt3A_21 : i32
    %ne3A_23 = vector.broadcast %lt3A_22 : i1 to vector<64x160xi1>
    %ne3A_24 = vector.broadcast %ne3A_23 : vector<64x160xi1> to vector<64x160xi1>
    %ne3A_25 = arith.xori %lt3A_20, %ne3A_24 : vector<64x160xi1>
    %and3A = arith.andi %ne3A_25, %ne3A_18 : vector<64x160xi1>
    %add3A = vector.broadcast %select_n3A : i32 to vector<64x160xi32>
    %add3A_26 = arith.addi %rem3A_15, %add3A : vector<64x160xi32>
    %select_n3A_27 = arith.select %and3A, %add3A_26, %rem3A_15 : vector<64x160xi1>, vector<64x160xi32>
    %iota3A_28 = tpu.iota {dimensions = array<i32: 0>} : vector<64x16xi32>
    %ge3A = arith.constant 1 : i32
    %ge3A_29 = vector.broadcast %ge3A : i32 to vector<64x160xi32>
    %ge3A_30 = arith.cmpi sge, %select_n3A_27, %ge3A_29 : vector<64x160xi32>
    %and3A_31 = arith.andi %ne3A_12, %ge3A_30 : vector<64x160xi1>
    %jit3A_32 = arith.constant -1.000000e+30 : f32
    %broadcast_in_dim3A = vector.broadcast %jit3A_32 : f32 to vector<64x160xf32>
    %select_n3A_33 = arith.select %and3A_31, %broadcast_in_dim3A, %get3A_1 : vector<64x160xi1>, vector<64x160xf32>
    %eq3A_34 = arith.constant 0 : i32
    %eq3A_35 = vector.broadcast %eq3A_34 : i32 to vector<64x160xi32>
    %eq3A_36 = arith.cmpi eq, %select_n3A_27, %eq3A_35 : vector<64x160xi32>
    %and3A_37 = arith.andi %ne3A_12, %eq3A_36 : vector<64x160xi1>
    %jit3A_38 = arith.constant 0.000000e+00 : f32
    %broadcast_in_dim3A_39 = vector.broadcast %jit3A_38 : f32 to vector<64x160xf32>
    %select_n3A_40 = arith.select %and3A_37, %broadcast_in_dim3A_39, %select_n3A_33 : vector<64x160xi1>, vector<64x160xf32>
    %ge3A_41 = arith.constant 10 : i32
    %ge3A_42 = vector.broadcast %ge3A_41 : i32 to vector<64x160xi32>
    %ge3A_43 = arith.cmpi sge, %select_n3A_27, %ge3A_42 : vector<64x160xi32>
    %jit3A_44 = arith.constant -1.000000e+30 : f32
    %broadcast_in_dim3A_45 = vector.broadcast %jit3A_44 : f32 to vector<64x160xf32>
    %select_n3A_46 = arith.select %ge3A_43, %broadcast_in_dim3A_45, %select_n3A_40 : vector<64x160xi1>, vector<64x160xf32>
    %add3A_47 = arith.addf %get3A_7, %select_n3A_46 : vector<64x160xf32>
    %jit3A_48 = arith.constant 2 : i32
    %broadcast_in_dim3A_49 = vector.broadcast %jit3A_48 : i32 to vector<64x160xi32>
    %select_n3A_50 = arith.select %ne3A_12, %broadcast_in_dim3A_49, %get3A_4 : vector<64x160xi1>, vector<64x160xi32>
    %convert_element_type3A = arith.sitofp %select_n3A_50 : vector<64x160xi32> to vector<64x160xf32>
    %reduce_max3A = arith.constant dense<0xFF800000> : vector<64xf32>
    %reduce_max3A_51 = vector.multi_reduction <maximumf>, %add3A_47, %reduce_max3A [1] : vector<64x160xf32> to vector<64xf32>
    %broadcast_in_dim3A_52 = vector.shape_cast %reduce_max3A_51 : vector<64xf32> to vector<64x1xf32>
    %eq3A_53 = vector.broadcast %broadcast_in_dim3A_52 : vector<64x1xf32> to vector<64x160xf32>
    %eq3A_54 = arith.cmpf oeq, %add3A_47, %eq3A_53 : vector<64x160xf32>
    %jit3A_55 = arith.constant 10000 : i32
    %broadcast_in_dim3A_56 = vector.broadcast %jit3A_55 : i32 to vector<64x160xi32>
    %select_n3A_57 = arith.select %eq3A_54, %iota3A, %broadcast_in_dim3A_56 : vector<64x160xi1>, vector<64x160xi32>
    %reduce_min3A = arith.constant dense<2147483647> : vector<64xi32>
    %reduce_min3A_58 = vector.multi_reduction <minsi>, %select_n3A_57, %reduce_min3A [1] : vector<64x160xi32> to vector<64xi32>
    %broadcast_in_dim3A_59 = vector.shape_cast %reduce_min3A_58 : vector<64xi32> to vector<64x1xi32>
    %eq3A_60 = vector.broadcast %broadcast_in_dim3A_59 : vector<64x1xi32> to vector<64x160xi32>
    %eq3A_61 = arith.cmpi eq, %iota3A, %eq3A_60 : vector<64x160xi32>
    %jit3A_62 = arith.constant 0.000000e+00 : f32
    %broadcast_in_dim3A_63 = vector.broadcast %jit3A_62 : f32 to vector<64x160xf32>
    %select_n3A_64 = arith.select %eq3A_61, %convert_element_type3A, %broadcast_in_dim3A_63 : vector<64x160xi1>, vector<64x160xf32>
    %reduce_sum3A = arith.constant dense<0.000000e+00> : vector<64xf32>
    %reduce_sum3A_65 = vector.multi_reduction <add>, %select_n3A_64, %reduce_sum3A [1] : vector<64x160xf32> to vector<64xf32>
    %broadcast_in_dim3A_66 = vector.shape_cast %reduce_sum3A_65 : vector<64xf32> to vector<64x1xf32>
    %swap3A = arith.constant 0 : index
    %swap3A_67 = arith.constant 0 : index
    %swap3A_68 = vector.load %arg4[%swap3A, %swap3A_67] : memref<64x16xf32, #tpu.memory_space<vmem>>, vector<64x1xf32>
    tpu.vector_store %arg4[%swap3A, %swap3A_67], %broadcast_in_dim3A_52 {strides = array<i32>} : memref<64x16xf32, #tpu.memory_space<vmem>>, vector<64x1xf32>,
    %swap3A_69 = arith.constant 0 : index
    %swap3A_70 = arith.constant 0 : index
    %swap3A_71 = vector.load %arg5[%swap3A_69, %swap3A_70] : memref<64x16xf32, #tpu.memory_space<vmem>>, vector<64x1xf32>
    tpu.vector_store %arg5[%swap3A_69, %swap3A_70], %broadcast_in_dim3A_66 {strides = array<i32>} : memref<64x16xf32, #tpu.memory_space<vmem>>, vector<64x1xf32>,
    %slice3A = vector.extract_strided_slice %iota3A_28 {offsets = [0, 0], sizes = [64, 1], strides = [1, 1]} : vector<64x16xi32> to vector<64x1xi32>
    %mul3A = arith.constant 10 : i32
    %mul3A_72 = vector.broadcast %mul3A : i32 to vector<64x1xi32>
    %mul3A_73 = arith.muli %slice3A, %mul3A_72 : vector<64x1xi32>
    %jit3A_74 = arith.constant 16 : i32
    %div3A = vector.broadcast %jit3A_74 : i32 to vector<64x1xi32>
    %div3A_75 = arith.divsi %broadcast_in_dim3A_59, %div3A : vector<64x1xi32>
    %sign3A = arith.constant 0 : i32
    %sign3A_76 = vector.broadcast %sign3A : i32 to vector<64x1xi32>
    %sign3A_77 = arith.cmpi sgt, %broadcast_in_dim3A_59, %sign3A_76 : vector<64x1xi32>
    %sign3A_78 = arith.extui %sign3A_77 : vector<64x1xi1> to vector<64x1xi32>
    %sign3A_79 = arith.constant 0 : i32
    %sign3A_80 = vector.broadcast %sign3A_79 : i32 to vector<64x1xi32>
    %sign3A_81 = arith.cmpi slt, %broadcast_in_dim3A_59, %sign3A_80 : vector<64x1xi32>
    %sign3A_82 = arith.extui %sign3A_81 : vector<64x1xi1> to vector<64x1xi32>
    %sign3A_83 = arith.subi %sign3A_78, %sign3A_82 : vector<64x1xi32>
    %sign3A_84 = arith.constant 0 : i32
    %sign3A_85 = arith.cmpi sgt, %jit3A_74, %sign3A_84 : i32
    %sign3A_86 = arith.extui %sign3A_85 : i1 to i32
    %sign3A_87 = arith.constant 0 : i32
    %sign3A_88 = arith.cmpi slt, %jit3A_74, %sign3A_87 : i32
    %sign3A_89 = arith.extui %sign3A_88 : i1 to i32
    %sign3A_90 = arith.subi %sign3A_86, %sign3A_89 : i32
    %ne3A_91 = vector.broadcast %sign3A_90 : i32 to vector<64x1xi32>
    %ne3A_92 = arith.cmpi ne, %sign3A_83, %ne3A_91 : vector<64x1xi32>
    %rem3A_93 = vector.broadcast %jit3A_74 : i32 to vector<64x1xi32>
    %rem3A_94 = arith.remsi %broadcast_in_dim3A_59, %rem3A_93 : vector<64x1xi32>
    %ne3A_95 = arith.constant 0 : i32
    %ne3A_96 = vector.broadcast %ne3A_95 : i32 to vector<64x1xi32>
    %ne3A_97 = arith.cmpi ne, %rem3A_94, %ne3A_96 : vector<64x1xi32>
    %and3A_98 = arith.andi %ne3A_92, %ne3A_97 : vector<64x1xi1>
    %sub3A = arith.constant 1 : i32
    %sub3A_99 = vector.broadcast %sub3A : i32 to vector<64x1xi32>
    %sub3A_100 = arith.subi %div3A_75, %sub3A_99 : vector<64x1xi32>
    %select_n3A_101 = arith.select %and3A_98, %sub3A_100, %div3A_75 : vector<64x1xi1>, vector<64x1xi32>
    %add3A_102 = arith.addi %mul3A_73, %select_n3A_101 : vector<64x1xi32>
    %swap3A_103 = arith.constant 0 : index
    %swap3A_104 = arith.constant 0 : index
    %swap3A_105 = vector.load %arg6[%swap3A_103, %swap3A_104] : memref<64x16xi32, #tpu.memory_space<vmem>>, vector<64x1xi32>
    tpu.vector_store %arg6[%swap3A_103, %swap3A_104], %add3A_102 {strides = array<i32>} : memref<64x16xi32, #tpu.memory_space<vmem>>, vector<64x1xi32>,
    %jit3A_106 = arith.constant 0xFF800000 : f32
    %broadcast_in_dim3A_107 = vector.broadcast %jit3A_106 : f32 to vector<64x160xf32>
    %select_n3A_108 = arith.select %eq3A_61, %broadcast_in_dim3A_107, %add3A_47 : vector<64x160xi1>, vector<64x160xf32>
    %reduce_max3A_109 = arith.constant dense<0xFF800000> : vector<64xf32>
    %reduce_max3A_110 = vector.multi_reduction <maximumf>, %select_n3A_108, %reduce_max3A_109 [1] : vector<64x160xf32> to vector<64xf32>
    %broadcast_in_dim3A_111 = vector.shape_cast %reduce_max3A_110 : vector<64xf32> to vector<64x1xf32>
    %eq3A_112 = vector.broadcast %broadcast_in_dim3A_111 : vector<64x1xf32> to vector<64x160xf32>
    %eq3A_113 = arith.cmpf oeq, %select_n3A_108, %eq3A_112 : vector<64x160xf32>
    %jit3A_114 = arith.constant 10000 : i32
    %broadcast_in_dim3A_115 = vector.broadcast %jit3A_114 : i32 to vector<64x160xi32>
    %select_n3A_116 = arith.select %eq3A_113, %iota3A, %broadcast_in_dim3A_115 : vector<64x160xi1>, vector<64x160xi32>
    %reduce_min3A_117 = arith.constant dense<2147483647> : vector<64xi32>
    %reduce_min3A_118 = vector.multi_reduction <minsi>, %select_n3A_116, %reduce_min3A_117 [1] : vector<64x160xi32> to vector<64xi32>
    %broadcast_in_dim3A_119 = vector.shape_cast %reduce_min3A_118 : vector<64xi32> to vector<64x1xi32>
    %eq3A_120 = vector.broadcast %broadcast_in_dim3A_119 : vector<64x1xi32> to vector<64x160xi32>
    %eq3A_121 = arith.cmpi eq, %iota3A, %eq3A_120 : vector<64x160xi32>
    %jit3A_122 = arith.constant 0.000000e+00 : f32
    %broadcast_in_dim3A_123 = vector.broadcast %jit3A_122 : f32 to vector<64x160xf32>
    %select_n3A_124 = arith.select %eq3A_121, %convert_element_type3A, %broadcast_in_dim3A_123 : vector<64x160xi1>, vector<64x160xf32>
    %reduce_sum3A_125 = arith.constant dense<0.000000e+00> : vector<64xf32>
    %reduce_sum3A_126 = vector.multi_reduction <add>, %select_n3A_124, %reduce_sum3A_125 [1] : vector<64x160xf32> to vector<64xf32>
    %broadcast_in_dim3A_127 = vector.shape_cast %reduce_sum3A_126 : vector<64xf32> to vector<64x1xf32>
    %swap3A_128 = arith.constant 0 : index
    %swap3A_129 = arith.constant 1 : index
    %swap3A_130 = vector.load %arg4[%swap3A_128, %swap3A_129] : memref<64x16xf32, #tpu.memory_space<vmem>>, vector<64x1xf32>
    tpu.vector_store %arg4[%swap3A_128, %swap3A_129], %broadcast_in_dim3A_111 {strides = array<i32>} : memref<64x16xf32, #tpu.memory_space<vmem>>, vector<64x1xf32>,
    %swap3A_131 = arith.constant 0 : index
    %swap3A_132 = arith.constant 1 : index
    %swap3A_133 = vector.load %arg5[%swap3A_131, %swap3A_132] : memref<64x16xf32, #tpu.memory_space<vmem>>, vector<64x1xf32>
    tpu.vector_store %arg5[%swap3A_131, %swap3A_132], %broadcast_in_dim3A_127 {strides = array<i32>} : memref<64x16xf32, #tpu.memory_space<vmem>>, vector<64x1xf32>,
    %slice3A_134 = vector.extract_strided_slice %iota3A_28 {offsets = [0, 0], sizes = [64, 1], strides = [1, 1]} : vector<64x16xi32> to vector<64x1xi32>
    %mul3A_135 = arith.constant 10 : i32
    %mul3A_136 = vector.broadcast %mul3A_135 : i32 to vector<64x1xi32>
    %mul3A_137 = arith.muli %slice3A_134, %mul3A_136 : vector<64x1xi32>
    %jit3A_138 = arith.constant 16 : i32
    %div3A_139 = vector.broadcast %jit3A_138 : i32 to vector<64x1xi32>
    %div3A_140 = arith.divsi %broadcast_in_dim3A_119, %div3A_139 : vector<64x1xi32>
    %sign3A_141 = arith.constant 0 : i32
    %sign3A_142 = vector.broadcast %sign3A_141 : i32 to vector<64x1xi32>
    %sign3A_143 = arith.cmpi sgt, %broadcast_in_dim3A_119, %sign3A_142 : vector<64x1xi32>
    %sign3A_144 = arith.extui %sign3A_143 : vector<64x1xi1> to vector<64x1xi32>
    %sign3A_145 = arith.constant 0 : i32
    %sign3A_146 = vector.broadcast %sign3A_145 : i32 to vector<64x1xi32>
    %sign3A_147 = arith.cmpi slt, %broadcast_in_dim3A_119, %sign3A_146 : vector<64x1xi32>
    %sign3A_148 = arith.extui %sign3A_147 : vector<64x1xi1> to vector<64x1xi32>
    %sign3A_149 = arith.subi %sign3A_144, %sign3A_148 : vector<64x1xi32>
    %sign3A_150 = arith.constant 0 : i32
    %sign3A_151 = arith.cmpi sgt, %jit3A_138, %sign3A_150 : i32
    %sign3A_152 = arith.extui %sign3A_151 : i1 to i32
    %sign3A_153 = arith.constant 0 : i32
    %sign3A_154 = arith.cmpi slt, %jit3A_138, %sign3A_153 : i32
    %sign3A_155 = arith.extui %sign3A_154 : i1 to i32
    %sign3A_156 = arith.subi %sign3A_152, %sign3A_155 : i32
    %ne3A_157 = vector.broadcast %sign3A_156 : i32 to vector<64x1xi32>
    %ne3A_158 = arith.cmpi ne, %sign3A_149, %ne3A_157 : vector<64x1xi32>
    %rem3A_159 = vector.broadcast %jit3A_138 : i32 to vector<64x1xi32>
    %rem3A_160 = arith.remsi %broadcast_in_dim3A_119, %rem3A_159 : vector<64x1xi32>
    %ne3A_161 = arith.constant 0 : i32
    %ne3A_162 = vector.broadcast %ne3A_161 : i32 to vector<64x1xi32>
    %ne3A_163 = arith.cmpi ne, %rem3A_160, %ne3A_162 : vector<64x1xi32>
    %and3A_164 = arith.andi %ne3A_158, %ne3A_163 : vector<64x1xi1>
    %sub3A_165 = arith.constant 1 : i32
    %sub3A_166 = vector.broadcast %sub3A_165 : i32 to vector<64x1xi32>
    %sub3A_167 = arith.subi %div3A_140, %sub3A_166 : vector<64x1xi32>
    %select_n3A_168 = arith.select %and3A_164, %sub3A_167, %div3A_140 : vector<64x1xi1>, vector<64x1xi32>
    %add3A_169 = arith.addi %mul3A_137, %select_n3A_168 : vector<64x1xi32>
    %swap3A_170 = arith.constant 0 : index
    %swap3A_171 = arith.constant 1 : index
    %swap3A_172 = vector.load %arg6[%swap3A_170, %swap3A_171] : memref<64x16xi32, #tpu.memory_space<vmem>>, vector<64x1xi32>
    tpu.vector_store %arg6[%swap3A_170, %swap3A_171], %add3A_169 {strides = array<i32>} : memref<64x16xi32, #tpu.memory_space<vmem>>, vector<64x1xi32>,
    %jit3A_173 = arith.constant 0xFF800000 : f32
    %broadcast_in_dim3A_174 = vector.broadcast %jit3A_173 : f32 to vector<64x160xf32>
    %select_n3A_175 = arith.select %eq3A_121, %broadcast_in_dim3A_174, %select_n3A_108 : vector<64x160xi1>, vector<64x160xf32>
    %reduce_max3A_176 = arith.constant dense<0xFF800000> : vector<64xf32>
    %reduce_max3A_177 = vector.multi_reduction <maximumf>, %select_n3A_175, %reduce_max3A_176 [1] : vector<64x160xf32> to vector<64xf32>
    %broadcast_in_dim3A_178 = vector.shape_cast %reduce_max3A_177 : vector<64xf32> to vector<64x1xf32>
    %eq3A_179 = vector.broadcast %broadcast_in_dim3A_178 : vector<64x1xf32> to vector<64x160xf32>
    %eq3A_180 = arith.cmpf oeq, %select_n3A_175, %eq3A_179 : vector<64x160xf32>
    %jit3A_181 = arith.constant 10000 : i32
    %broadcast_in_dim3A_182 = vector.broadcast %jit3A_181 : i32 to vector<64x160xi32>
    %select_n3A_183 = arith.select %eq3A_180, %iota3A, %broadcast_in_dim3A_182 : vector<64x160xi1>, vector<64x160xi32>
    %reduce_min3A_184 = arith.constant dense<2147483647> : vector<64xi32>
    %reduce_min3A_185 = vector.multi_reduction <minsi>, %select_n3A_183, %reduce_min3A_184 [1] : vector<64x160xi32> to vector<64xi32>
    %broadcast_in_dim3A_186 = vector.shape_cast %reduce_min3A_185 : vector<64xi32> to vector<64x1xi32>
    %eq3A_187 = vector.broadcast %broadcast_in_dim3A_186 : vector<64x1xi32> to vector<64x160xi32>
    %eq3A_188 = arith.cmpi eq, %iota3A, %eq3A_187 : vector<64x160xi32>
    %jit3A_189 = arith.constant 0.000000e+00 : f32
    %broadcast_in_dim3A_190 = vector.broadcast %jit3A_189 : f32 to vector<64x160xf32>
    %select_n3A_191 = arith.select %eq3A_188, %convert_element_type3A, %broadcast_in_dim3A_190 : vector<64x160xi1>, vector<64x160xf32>
    %reduce_sum3A_192 = arith.constant dense<0.000000e+00> : vector<64xf32>
    %reduce_sum3A_193 = vector.multi_reduction <add>, %select_n3A_191, %reduce_sum3A_192 [1] : vector<64x160xf32> to vector<64xf32>
    %broadcast_in_dim3A_194 = vector.shape_cast %reduce_sum3A_193 : vector<64xf32> to vector<64x1xf32>
    %swap3A_195 = arith.constant 0 : index
    %swap3A_196 = arith.constant 2 : index
    %swap3A_197 = vector.load %arg4[%swap3A_195, %swap3A_196] : memref<64x16xf32, #tpu.memory_space<vmem>>, vector<64x1xf32>
    tpu.vector_store %arg4[%swap3A_195, %swap3A_196], %broadcast_in_dim3A_178 {strides = array<i32>} : memref<64x16xf32, #tpu.memory_space<vmem>>, vector<64x1xf32>,
    %swap3A_198 = arith.constant 0 : index
    %swap3A_199 = arith.constant 2 : index
    %swap3A_200 = vector.load %arg5[%swap3A_198, %swap3A_199] : memref<64x16xf32, #tpu.memory_space<vmem>>, vector<64x1xf32>
    tpu.vector_store %arg5[%swap3A_198, %swap3A_199], %broadcast_in_dim3A_194 {strides = array<i32>} : memref<64x16xf32, #tpu.memory_space<vmem>>, vector<64x1xf32>,
    %slice3A_201 = vector.extract_strided_slice %iota3A_28 {offsets = [0, 0], sizes = [64, 1], strides = [1, 1]} : vector<64x16xi32> to vector<64x1xi32>
    %mul3A_202 = arith.constant 10 : i32
    %mul3A_203 = vector.broadcast %mul3A_202 : i32 to vector<64x1xi32>
    %mul3A_204 = arith.muli %slice3A_201, %mul3A_203 : vector<64x1xi32>
    %jit3A_205 = arith.constant 16 : i32
    %div3A_206 = vector.broadcast %jit3A_205 : i32 to vector<64x1xi32>
    %div3A_207 = arith.divsi %broadcast_in_dim3A_186, %div3A_206 : vector<64x1xi32>
    %sign3A_208 = arith.constant 0 : i32
    %sign3A_209 = vector.broadcast %sign3A_208 : i32 to vector<64x1xi32>
    %sign3A_210 = arith.cmpi sgt, %broadcast_in_dim3A_186, %sign3A_209 : vector<64x1xi32>
    %sign3A_211 = arith.extui %sign3A_210 : vector<64x1xi1> to vector<64x1xi32>
    %sign3A_212 = arith.constant 0 : i32
    %sign3A_213 = vector.broadcast %sign3A_212 : i32 to vector<64x1xi32>
    %sign3A_214 = arith.cmpi slt, %broadcast_in_dim3A_186, %sign3A_213 : vector<64x1xi32>
    %sign3A_215 = arith.extui %sign3A_214 : vector<64x1xi1> to vector<64x1xi32>
    %sign3A_216 = arith.subi %sign3A_211, %sign3A_215 : vector<64x1xi32>
    %sign3A_217 = arith.constant 0 : i32
    %sign3A_218 = arith.cmpi sgt, %jit3A_205, %sign3A_217 : i32
    %sign3A_219 = arith.extui %sign3A_218 : i1 to i32
    %sign3A_220 = arith.constant 0 : i32
    %sign3A_221 = arith.cmpi slt, %jit3A_205, %sign3A_220 : i32
    %sign3A_222 = arith.extui %sign3A_221 : i1 to i32
    %sign3A_223 = arith.subi %sign3A_219, %sign3A_222 : i32
    %ne3A_224 = vector.broadcast %sign3A_223 : i32 to vector<64x1xi32>
    %ne3A_225 = arith.cmpi ne, %sign3A_216, %ne3A_224 : vector<64x1xi32>
    %rem3A_226 = vector.broadcast %jit3A_205 : i32 to vector<64x1xi32>
    %rem3A_227 = arith.remsi %broadcast_in_dim3A_186, %rem3A_226 : vector<64x1xi32>
    %ne3A_228 = arith.constant 0 : i32
    %ne3A_229 = vector.broadcast %ne3A_228 : i32 to vector<64x1xi32>
    %ne3A_230 = arith.cmpi ne, %rem3A_227, %ne3A_229 : vector<64x1xi32>
    %and3A_231 = arith.andi %ne3A_225, %ne3A_230 : vector<64x1xi1>
    %sub3A_232 = arith.constant 1 : i32
    %sub3A_233 = vector.broadcast %sub3A_232 : i32 to vector<64x1xi32>
    %sub3A_234 = arith.subi %div3A_207, %sub3A_233 : vector<64x1xi32>
    %select_n3A_235 = arith.select %and3A_231, %sub3A_234, %div3A_207 : vector<64x1xi1>, vector<64x1xi32>
    %add3A_236 = arith.addi %mul3A_204, %select_n3A_235 : vector<64x1xi32>
    %swap3A_237 = arith.constant 0 : index
    %swap3A_238 = arith.constant 2 : index
    %swap3A_239 = vector.load %arg6[%swap3A_237, %swap3A_238] : memref<64x16xi32, #tpu.memory_space<vmem>>, vector<64x1xi32>
    tpu.vector_store %arg6[%swap3A_237, %swap3A_238], %add3A_236 {strides = array<i32>} : memref<64x16xi32, #tpu.memory_space<vmem>>, vector<64x1xi32>,
    %jit3A_240 = arith.constant 0xFF800000 : f32
    %broadcast_in_dim3A_241 = vector.broadcast %jit3A_240 : f32 to vector<64x160xf32>
    %select_n3A_242 = arith.select %eq3A_188, %broadcast_in_dim3A_241, %select_n3A_175 : vector<64x160xi1>, vector<64x160xf32>
    %reduce_max3A_243 = arith.constant dense<0xFF800000> : vector<64xf32>
    %reduce_max3A_244 = vector.multi_reduction <maximumf>, %select_n3A_242, %reduce_max3A_243 [1] : vector<64x160xf32> to vector<64xf32>
    %broadcast_in_dim3A_245 = vector.shape_cast %reduce_max3A_244 : vector<64xf32> to vector<64x1xf32>
    %eq3A_246 = vector.broadcast %broadcast_in_dim3A_245 : vector<64x1xf32> to vector<64x160xf32>
    %eq3A_247 = arith.cmpf oeq, %select_n3A_242, %eq3A_246 : vector<64x160xf32>
    %jit3A_248 = arith.constant 10000 : i32
    %broadcast_in_dim3A_249 = vector.broadcast %jit3A_248 : i32 to vector<64x160xi32>
    %select_n3A_250 = arith.select %eq3A_247, %iota3A, %broadcast_in_dim3A_249 : vector<64x160xi1>, vector<64x160xi32>
    %reduce_min3A_251 = arith.constant dense<2147483647> : vector<64xi32>
    %reduce_min3A_252 = vector.multi_reduction <minsi>, %select_n3A_250, %reduce_min3A_251 [1] : vector<64x160xi32> to vector<64xi32>
    %broadcast_in_dim3A_253 = vector.shape_cast %reduce_min3A_252 : vector<64xi32> to vector<64x1xi32>
    %eq3A_254 = vector.broadcast %broadcast_in_dim3A_253 : vector<64x1xi32> to vector<64x160xi32>
    %eq3A_255 = arith.cmpi eq, %iota3A, %eq3A_254 : vector<64x160xi32>
    %jit3A_256 = arith.constant 0.000000e+00 : f32
    %broadcast_in_dim3A_257 = vector.broadcast %jit3A_256 : f32 to vector<64x160xf32>
    %select_n3A_258 = arith.select %eq3A_255, %convert_element_type3A, %broadcast_in_dim3A_257 : vector<64x160xi1>, vector<64x160xf32>
    %reduce_sum3A_259 = arith.constant dense<0.000000e+00> : vector<64xf32>
    %reduce_sum3A_260 = vector.multi_reduction <add>, %select_n3A_258, %reduce_sum3A_259 [1] : vector<64x160xf32> to vector<64xf32>
    %broadcast_in_dim3A_261 = vector.shape_cast %reduce_sum3A_260 : vector<64xf32> to vector<64x1xf32>
    %swap3A_262 = arith.constant 0 : index
    %swap3A_263 = arith.constant 3 : index
    %swap3A_264 = vector.load %arg4[%swap3A_262, %swap3A_263] : memref<64x16xf32, #tpu.memory_space<vmem>>, vector<64x1xf32>
    tpu.vector_store %arg4[%swap3A_262, %swap3A_263], %broadcast_in_dim3A_245 {strides = array<i32>} : memref<64x16xf32, #tpu.memory_space<vmem>>, vector<64x1xf32>,
    %swap3A_265 = arith.constant 0 : index
    %swap3A_266 = arith.constant 3 : index
    %swap3A_267 = vector.load %arg5[%swap3A_265, %swap3A_266] : memref<64x16xf32, #tpu.memory_space<vmem>>, vector<64x1xf32>
    tpu.vector_store %arg5[%swap3A_265, %swap3A_266], %broadcast_in_dim3A_261 {strides = array<i32>} : memref<64x16xf32, #tpu.memory_space<vmem>>, vector<64x1xf32>,
    %slice3A_268 = vector.extract_strided_slice %iota3A_28 {offsets = [0, 0], sizes = [64, 1], strides = [1, 1]} : vector<64x16xi32> to vector<64x1xi32>
    %mul3A_269 = arith.constant 10 : i32
    %mul3A_270 = vector.broadcast %mul3A_269 : i32 to vector<64x1xi32>
    %mul3A_271 = arith.muli %slice3A_268, %mul3A_270 : vector<64x1xi32>
    %jit3A_272 = arith.constant 16 : i32
    %div3A_273 = vector.broadcast %jit3A_272 : i32 to vector<64x1xi32>
    %div3A_274 = arith.divsi %broadcast_in_dim3A_253, %div3A_273 : vector<64x1xi32>
    %sign3A_275 = arith.constant 0 : i32
    %sign3A_276 = vector.broadcast %sign3A_275 : i32 to vector<64x1xi32>
    %sign3A_277 = arith.cmpi sgt, %broadcast_in_dim3A_253, %sign3A_276 : vector<64x1xi32>
    %sign3A_278 = arith.extui %sign3A_277 : vector<64x1xi1> to vector<64x1xi32>
    %sign3A_279 = arith.constant 0 : i32
    %sign3A_280 = vector.broadcast %sign3A_279 : i32 to vector<64x1xi32>
    %sign3A_281 = arith.cmpi slt, %broadcast_in_dim3A_253, %sign3A_280 : vector<64x1xi32>
    %sign3A_282 = arith.extui %sign3A_281 : vector<64x1xi1> to vector<64x1xi32>
    %sign3A_283 = arith.subi %sign3A_278, %sign3A_282 : vector<64x1xi32>
    %sign3A_284 = arith.constant 0 : i32
    %sign3A_285 = arith.cmpi sgt, %jit3A_272, %sign3A_284 : i32
    %sign3A_286 = arith.extui %sign3A_285 : i1 to i32
    %sign3A_287 = arith.constant 0 : i32
    %sign3A_288 = arith.cmpi slt, %jit3A_272, %sign3A_287 : i32
    %sign3A_289 = arith.extui %sign3A_288 : i1 to i32
    %sign3A_290 = arith.subi %sign3A_286, %sign3A_289 : i32
    %ne3A_291 = vector.broadcast %sign3A_290 : i32 to vector<64x1xi32>
    %ne3A_292 = arith.cmpi ne, %sign3A_283, %ne3A_291 : vector<64x1xi32>
    %rem3A_293 = vector.broadcast %jit3A_272 : i32 to vector<64x1xi32>
    %rem3A_294 = arith.remsi %broadcast_in_dim3A_253, %rem3A_293 : vector<64x1xi32>
    %ne3A_295 = arith.constant 0 : i32
    %ne3A_296 = vector.broadcast %ne3A_295 : i32 to vector<64x1xi32>
    %ne3A_297 = arith.cmpi ne, %rem3A_294, %ne3A_296 : vector<64x1xi32>
    %and3A_298 = arith.andi %ne3A_292, %ne3A_297 : vector<64x1xi1>
    %sub3A_299 = arith.constant 1 : i32
    %sub3A_300 = vector.broadcast %sub3A_299 : i32 to vector<64x1xi32>
    %sub3A_301 = arith.subi %div3A_274, %sub3A_300 : vector<64x1xi32>
    %select_n3A_302 = arith.select %and3A_298, %sub3A_301, %div3A_274 : vector<64x1xi1>, vector<64x1xi32>
    %add3A_303 = arith.addi %mul3A_271, %select_n3A_302 : vector<64x1xi32>
    %swap3A_304 = arith.constant 0 : index
    %swap3A_305 = arith.constant 3 : index
    %swap3A_306 = vector.load %arg6[%swap3A_304, %swap3A_305] : memref<64x16xi32, #tpu.memory_space<vmem>>, vector<64x1xi32>
    tpu.vector_store %arg6[%swap3A_304, %swap3A_305], %add3A_303 {strides = array<i32>} : memref<64x16xi32, #tpu.memory_space<vmem>>, vector<64x1xi32>,
    %jit3A_307 = arith.constant 0xFF800000 : f32
    %broadcast_in_dim3A_308 = vector.broadcast %jit3A_307 : f32 to vector<64x160xf32>
    %select_n3A_309 = arith.select %eq3A_255, %broadcast_in_dim3A_308, %select_n3A_242 : vector<64x160xi1>, vector<64x160xf32>
    %reduce_max3A_310 = arith.constant dense<0xFF800000> : vector<64xf32>
    %reduce_max3A_311 = vector.multi_reduction <maximumf>, %select_n3A_309, %reduce_max3A_310 [1] : vector<64x160xf32> to vector<64xf32>
    %broadcast_in_dim3A_312 = vector.shape_cast %reduce_max3A_311 : vector<64xf32> to vector<64x1xf32>
    %eq3A_313 = vector.broadcast %broadcast_in_dim3A_312 : vector<64x1xf32> to vector<64x160xf32>
    %eq3A_314 = arith.cmpf oeq, %select_n3A_309, %eq3A_313 : vector<64x160xf32>
    %jit3A_315 = arith.constant 10000 : i32
    %broadcast_in_dim3A_316 = vector.broadcast %jit3A_315 : i32 to vector<64x160xi32>
    %select_n3A_317 = arith.select %eq3A_314, %iota3A, %broadcast_in_dim3A_316 : vector<64x160xi1>, vector<64x160xi32>
    %reduce_min3A_318 = arith.constant dense<2147483647> : vector<64xi32>
    %reduce_min3A_319 = vector.multi_reduction <minsi>, %select_n3A_317, %reduce_min3A_318 [1] : vector<64x160xi32> to vector<64xi32>
    %broadcast_in_dim3A_320 = vector.shape_cast %reduce_min3A_319 : vector<64xi32> to vector<64x1xi32>
    %eq3A_321 = vector.broadcast %broadcast_in_dim3A_320 : vector<64x1xi32> to vector<64x160xi32>
    %eq3A_322 = arith.cmpi eq, %iota3A, %eq3A_321 : vector<64x160xi32>
    %jit3A_323 = arith.constant 0.000000e+00 : f32
    %broadcast_in_dim3A_324 = vector.broadcast %jit3A_323 : f32 to vector<64x160xf32>
    %select_n3A_325 = arith.select %eq3A_322, %convert_element_type3A, %broadcast_in_dim3A_324 : vector<64x160xi1>, vector<64x160xf32>
    %reduce_sum3A_326 = arith.constant dense<0.000000e+00> : vector<64xf32>
    %reduce_sum3A_327 = vector.multi_reduction <add>, %select_n3A_325, %reduce_sum3A_326 [1] : vector<64x160xf32> to vector<64xf32>
    %broadcast_in_dim3A_328 = vector.shape_cast %reduce_sum3A_327 : vector<64xf32> to vector<64x1xf32>
    %swap3A_329 = arith.constant 0 : index
    %swap3A_330 = arith.constant 4 : index
    %swap3A_331 = vector.load %arg4[%swap3A_329, %swap3A_330] : memref<64x16xf32, #tpu.memory_space<vmem>>, vector<64x1xf32>
    tpu.vector_store %arg4[%swap3A_329, %swap3A_330], %broadcast_in_dim3A_312 {strides = array<i32>} : memref<64x16xf32, #tpu.memory_space<vmem>>, vector<64x1xf32>,
    %swap3A_332 = arith.constant 0 : index
    %swap3A_333 = arith.constant 4 : index
    %swap3A_334 = vector.load %arg5[%swap3A_332, %swap3A_333] : memref<64x16xf32, #tpu.memory_space<vmem>>, vector<64x1xf32>
    tpu.vector_store %arg5[%swap3A_332, %swap3A_333], %broadcast_in_dim3A_328 {strides = array<i32>} : memref<64x16xf32, #tpu.memory_space<vmem>>, vector<64x1xf32>,
    %slice3A_335 = vector.extract_strided_slice %iota3A_28 {offsets = [0, 0], sizes = [64, 1], strides = [1, 1]} : vector<64x16xi32> to vector<64x1xi32>
    %mul3A_336 = arith.constant 10 : i32
    %mul3A_337 = vector.broadcast %mul3A_336 : i32 to vector<64x1xi32>
    %mul3A_338 = arith.muli %slice3A_335, %mul3A_337 : vector<64x1xi32>
    %jit3A_339 = arith.constant 16 : i32
    %div3A_340 = vector.broadcast %jit3A_339 : i32 to vector<64x1xi32>
    %div3A_341 = arith.divsi %broadcast_in_dim3A_320, %div3A_340 : vector<64x1xi32>
    %sign3A_342 = arith.constant 0 : i32
    %sign3A_343 = vector.broadcast %sign3A_342 : i32 to vector<64x1xi32>
    %sign3A_344 = arith.cmpi sgt, %broadcast_in_dim3A_320, %sign3A_343 : vector<64x1xi32>
    %sign3A_345 = arith.extui %sign3A_344 : vector<64x1xi1> to vector<64x1xi32>
    %sign3A_346 = arith.constant 0 : i32
    %sign3A_347 = vector.broadcast %sign3A_346 : i32 to vector<64x1xi32>
    %sign3A_348 = arith.cmpi slt, %broadcast_in_dim3A_320, %sign3A_347 : vector<64x1xi32>
    %sign3A_349 = arith.extui %sign3A_348 : vector<64x1xi1> to vector<64x1xi32>
    %sign3A_350 = arith.subi %sign3A_345, %sign3A_349 : vector<64x1xi32>
    %sign3A_351 = arith.constant 0 : i32
    %sign3A_352 = arith.cmpi sgt, %jit3A_339, %sign3A_351 : i32
    %sign3A_353 = arith.extui %sign3A_352 : i1 to i32
    %sign3A_354 = arith.constant 0 : i32
    %sign3A_355 = arith.cmpi slt, %jit3A_339, %sign3A_354 : i32
    %sign3A_356 = arith.extui %sign3A_355 : i1 to i32
    %sign3A_357 = arith.subi %sign3A_353, %sign3A_356 : i32
    %ne3A_358 = vector.broadcast %sign3A_357 : i32 to vector<64x1xi32>
    %ne3A_359 = arith.cmpi ne, %sign3A_350, %ne3A_358 : vector<64x1xi32>
    %rem3A_360 = vector.broadcast %jit3A_339 : i32 to vector<64x1xi32>
    %rem3A_361 = arith.remsi %broadcast_in_dim3A_320, %rem3A_360 : vector<64x1xi32>
    %ne3A_362 = arith.constant 0 : i32
    %ne3A_363 = vector.broadcast %ne3A_362 : i32 to vector<64x1xi32>
    %ne3A_364 = arith.cmpi ne, %rem3A_361, %ne3A_363 : vector<64x1xi32>
    %and3A_365 = arith.andi %ne3A_359, %ne3A_364 : vector<64x1xi1>
    %sub3A_366 = arith.constant 1 : i32
    %sub3A_367 = vector.broadcast %sub3A_366 : i32 to vector<64x1xi32>
    %sub3A_368 = arith.subi %div3A_341, %sub3A_367 : vector<64x1xi32>
    %select_n3A_369 = arith.select %and3A_365, %sub3A_368, %div3A_341 : vector<64x1xi1>, vector<64x1xi32>
    %add3A_370 = arith.addi %mul3A_338, %select_n3A_369 : vector<64x1xi32>
    %swap3A_371 = arith.constant 0 : index
    %swap3A_372 = arith.constant 4 : index
    %swap3A_373 = vector.load %arg6[%swap3A_371, %swap3A_372] : memref<64x16xi32, #tpu.memory_space<vmem>>, vector<64x1xi32>
    tpu.vector_store %arg6[%swap3A_371, %swap3A_372], %add3A_370 {strides = array<i32>} : memref<64x16xi32, #tpu.memory_space<vmem>>, vector<64x1xi32>,
    %jit3A_374 = arith.constant 0xFF800000 : f32
    %broadcast_in_dim3A_375 = vector.broadcast %jit3A_374 : f32 to vector<64x160xf32>
    %select_n3A_376 = arith.select %eq3A_322, %broadcast_in_dim3A_375, %select_n3A_309 : vector<64x160xi1>, vector<64x160xf32>
    %reduce_max3A_377 = arith.constant dense<0xFF800000> : vector<64xf32>
    %reduce_max3A_378 = vector.multi_reduction <maximumf>, %select_n3A_376, %reduce_max3A_377 [1] : vector<64x160xf32> to vector<64xf32>
    %broadcast_in_dim3A_379 = vector.shape_cast %reduce_max3A_378 : vector<64xf32> to vector<64x1xf32>
    %eq3A_380 = vector.broadcast %broadcast_in_dim3A_379 : vector<64x1xf32> to vector<64x160xf32>
    %eq3A_381 = arith.cmpf oeq, %select_n3A_376, %eq3A_380 : vector<64x160xf32>
    %jit3A_382 = arith.constant 10000 : i32
    %broadcast_in_dim3A_383 = vector.broadcast %jit3A_382 : i32 to vector<64x160xi32>
    %select_n3A_384 = arith.select %eq3A_381, %iota3A, %broadcast_in_dim3A_383 : vector<64x160xi1>, vector<64x160xi32>
    %reduce_min3A_385 = arith.constant dense<2147483647> : vector<64xi32>
    %reduce_min3A_386 = vector.multi_reduction <minsi>, %select_n3A_384, %reduce_min3A_385 [1] : vector<64x160xi32> to vector<64xi32>
    %broadcast_in_dim3A_387 = vector.shape_cast %reduce_min3A_386 : vector<64xi32> to vector<64x1xi32>
    %eq3A_388 = vector.broadcast %broadcast_in_dim3A_387 : vector<64x1xi32> to vector<64x160xi32>
    %eq3A_389 = arith.cmpi eq, %iota3A, %eq3A_388 : vector<64x160xi32>
    %jit3A_390 = arith.constant 0.000000e+00 : f32
    %broadcast_in_dim3A_391 = vector.broadcast %jit3A_390 : f32 to vector<64x160xf32>
    %select_n3A_392 = arith.select %eq3A_389, %convert_element_type3A, %broadcast_in_dim3A_391 : vector<64x160xi1>, vector<64x160xf32>
    %reduce_sum3A_393 = arith.constant dense<0.000000e+00> : vector<64xf32>
    %reduce_sum3A_394 = vector.multi_reduction <add>, %select_n3A_392, %reduce_sum3A_393 [1] : vector<64x160xf32> to vector<64xf32>
    %broadcast_in_dim3A_395 = vector.shape_cast %reduce_sum3A_394 : vector<64xf32> to vector<64x1xf32>
    %swap3A_396 = arith.constant 0 : index
    %swap3A_397 = arith.constant 5 : index
    %swap3A_398 = vector.load %arg4[%swap3A_396, %swap3A_397] : memref<64x16xf32, #tpu.memory_space<vmem>>, vector<64x1xf32>
    tpu.vector_store %arg4[%swap3A_396, %swap3A_397], %broadcast_in_dim3A_379 {strides = array<i32>} : memref<64x16xf32, #tpu.memory_space<vmem>>, vector<64x1xf32>,
    %swap3A_399 = arith.constant 0 : index
    %swap3A_400 = arith.constant 5 : index
    %swap3A_401 = vector.load %arg5[%swap3A_399, %swap3A_400] : memref<64x16xf32, #tpu.memory_space<vmem>>, vector<64x1xf32>
    tpu.vector_store %arg5[%swap3A_399, %swap3A_400], %broadcast_in_dim3A_395 {strides = array<i32>} : memref<64x16xf32, #tpu.memory_space<vmem>>, vector<64x1xf32>,
    %slice3A_402 = vector.extract_strided_slice %iota3A_28 {offsets = [0, 0], sizes = [64, 1], strides = [1, 1]} : vector<64x16xi32> to vector<64x1xi32>
    %mul3A_403 = arith.constant 10 : i32
    %mul3A_404 = vector.broadcast %mul3A_403 : i32 to vector<64x1xi32>
    %mul3A_405 = arith.muli %slice3A_402, %mul3A_404 : vector<64x1xi32>
    %jit3A_406 = arith.constant 16 : i32
    %div3A_407 = vector.broadcast %jit3A_406 : i32 to vector<64x1xi32>
    %div3A_408 = arith.divsi %broadcast_in_dim3A_387, %div3A_407 : vector<64x1xi32>
    %sign3A_409 = arith.constant 0 : i32
    %sign3A_410 = vector.broadcast %sign3A_409 : i32 to vector<64x1xi32>
    %sign3A_411 = arith.cmpi sgt, %broadcast_in_dim3A_387, %sign3A_410 : vector<64x1xi32>
    %sign3A_412 = arith.extui %sign3A_411 : vector<64x1xi1> to vector<64x1xi32>
    %sign3A_413 = arith.constant 0 : i32
    %sign3A_414 = vector.broadcast %sign3A_413 : i32 to vector<64x1xi32>
    %sign3A_415 = arith.cmpi slt, %broadcast_in_dim3A_387, %sign3A_414 : vector<64x1xi32>
    %sign3A_416 = arith.extui %sign3A_415 : vector<64x1xi1> to vector<64x1xi32>
    %sign3A_417 = arith.subi %sign3A_412, %sign3A_416 : vector<64x1xi32>
    %sign3A_418 = arith.constant 0 : i32
    %sign3A_419 = arith.cmpi sgt, %jit3A_406, %sign3A_418 : i32
    %sign3A_420 = arith.extui %sign3A_419 : i1 to i32
    %sign3A_421 = arith.constant 0 : i32
    %sign3A_422 = arith.cmpi slt, %jit3A_406, %sign3A_421 : i32
    %sign3A_423 = arith.extui %sign3A_422 : i1 to i32
    %sign3A_424 = arith.subi %sign3A_420, %sign3A_423 : i32
    %ne3A_425 = vector.broadcast %sign3A_424 : i32 to vector<64x1xi32>
    %ne3A_426 = arith.cmpi ne, %sign3A_417, %ne3A_425 : vector<64x1xi32>
    %rem3A_427 = vector.broadcast %jit3A_406 : i32 to vector<64x1xi32>
    %rem3A_428 = arith.remsi %broadcast_in_dim3A_387, %rem3A_427 : vector<64x1xi32>
    %ne3A_429 = arith.constant 0 : i32
    %ne3A_430 = vector.broadcast %ne3A_429 : i32 to vector<64x1xi32>
    %ne3A_431 = arith.cmpi ne, %rem3A_428, %ne3A_430 : vector<64x1xi32>
    %and3A_432 = arith.andi %ne3A_426, %ne3A_431 : vector<64x1xi1>
    %sub3A_433 = arith.constant 1 : i32
    %sub3A_434 = vector.broadcast %sub3A_433 : i32 to vector<64x1xi32>
    %sub3A_435 = arith.subi %div3A_408, %sub3A_434 : vector<64x1xi32>
    %select_n3A_436 = arith.select %and3A_432, %sub3A_435, %div3A_408 : vector<64x1xi1>, vector<64x1xi32>
    %add3A_437 = arith.addi %mul3A_405, %select_n3A_436 : vector<64x1xi32>
    %swap3A_438 = arith.constant 0 : index
    %swap3A_439 = arith.constant 5 : index
    %swap3A_440 = vector.load %arg6[%swap3A_438, %swap3A_439] : memref<64x16xi32, #tpu.memory_space<vmem>>, vector<64x1xi32>
    tpu.vector_store %arg6[%swap3A_438, %swap3A_439], %add3A_437 {strides = array<i32>} : memref<64x16xi32, #tpu.memory_space<vmem>>, vector<64x1xi32>,
    %jit3A_441 = arith.constant 0xFF800000 : f32
    %broadcast_in_dim3A_442 = vector.broadcast %jit3A_441 : f32 to vector<64x160xf32>
    %select_n3A_443 = arith.select %eq3A_389, %broadcast_in_dim3A_442, %select_n3A_376 : vector<64x160xi1>, vector<64x160xf32>
    %reduce_max3A_444 = arith.constant dense<0xFF800000> : vector<64xf32>
    %reduce_max3A_445 = vector.multi_reduction <maximumf>, %select_n3A_443, %reduce_max3A_444 [1] : vector<64x160xf32> to vector<64xf32>
    %broadcast_in_dim3A_446 = vector.shape_cast %reduce_max3A_445 : vector<64xf32> to vector<64x1xf32>
    %eq3A_447 = vector.broadcast %broadcast_in_dim3A_446 : vector<64x1xf32> to vector<64x160xf32>
    %eq3A_448 = arith.cmpf oeq, %select_n3A_443, %eq3A_447 : vector<64x160xf32>
    %jit3A_449 = arith.constant 10000 : i32
    %broadcast_in_dim3A_450 = vector.broadcast %jit3A_449 : i32 to vector<64x160xi32>
    %select_n3A_451 = arith.select %eq3A_448, %iota3A, %broadcast_in_dim3A_450 : vector<64x160xi1>, vector<64x160xi32>
    %reduce_min3A_452 = arith.constant dense<2147483647> : vector<64xi32>
    %reduce_min3A_453 = vector.multi_reduction <minsi>, %select_n3A_451, %reduce_min3A_452 [1] : vector<64x160xi32> to vector<64xi32>
    %broadcast_in_dim3A_454 = vector.shape_cast %reduce_min3A_453 : vector<64xi32> to vector<64x1xi32>
    %eq3A_455 = vector.broadcast %broadcast_in_dim3A_454 : vector<64x1xi32> to vector<64x160xi32>
    %eq3A_456 = arith.cmpi eq, %iota3A, %eq3A_455 : vector<64x160xi32>
    %jit3A_457 = arith.constant 0.000000e+00 : f32
    %broadcast_in_dim3A_458 = vector.broadcast %jit3A_457 : f32 to vector<64x160xf32>
    %select_n3A_459 = arith.select %eq3A_456, %convert_element_type3A, %broadcast_in_dim3A_458 : vector<64x160xi1>, vector<64x160xf32>
    %reduce_sum3A_460 = arith.constant dense<0.000000e+00> : vector<64xf32>
    %reduce_sum3A_461 = vector.multi_reduction <add>, %select_n3A_459, %reduce_sum3A_460 [1] : vector<64x160xf32> to vector<64xf32>
    %broadcast_in_dim3A_462 = vector.shape_cast %reduce_sum3A_461 : vector<64xf32> to vector<64x1xf32>
    %swap3A_463 = arith.constant 0 : index
    %swap3A_464 = arith.constant 6 : index
    %swap3A_465 = vector.load %arg4[%swap3A_463, %swap3A_464] : memref<64x16xf32, #tpu.memory_space<vmem>>, vector<64x1xf32>
    tpu.vector_store %arg4[%swap3A_463, %swap3A_464], %broadcast_in_dim3A_446 {strides = array<i32>} : memref<64x16xf32, #tpu.memory_space<vmem>>, vector<64x1xf32>,
    %swap3A_466 = arith.constant 0 : index
    %swap3A_467 = arith.constant 6 : index
    %swap3A_468 = vector.load %arg5[%swap3A_466, %swap3A_467] : memref<64x16xf32, #tpu.memory_space<vmem>>, vector<64x1xf32>
    tpu.vector_store %arg5[%swap3A_466, %swap3A_467], %broadcast_in_dim3A_462 {strides = array<i32>} : memref<64x16xf32, #tpu.memory_space<vmem>>, vector<64x1xf32>,
    %slice3A_469 = vector.extract_strided_slice %iota3A_28 {offsets = [0, 0], sizes = [64, 1], strides = [1, 1]} : vector<64x16xi32> to vector<64x1xi32>
    %mul3A_470 = arith.constant 10 : i32
    %mul3A_471 = vector.broadcast %mul3A_470 : i32 to vector<64x1xi32>
    %mul3A_472 = arith.muli %slice3A_469, %mul3A_471 : vector<64x1xi32>
    %jit3A_473 = arith.constant 16 : i32
    %div3A_474 = vector.broadcast %jit3A_473 : i32 to vector<64x1xi32>
    %div3A_475 = arith.divsi %broadcast_in_dim3A_454, %div3A_474 : vector<64x1xi32>
    %sign3A_476 = arith.constant 0 : i32
    %sign3A_477 = vector.broadcast %sign3A_476 : i32 to vector<64x1xi32>
    %sign3A_478 = arith.cmpi sgt, %broadcast_in_dim3A_454, %sign3A_477 : vector<64x1xi32>
    %sign3A_479 = arith.extui %sign3A_478 : vector<64x1xi1> to vector<64x1xi32>
    %sign3A_480 = arith.constant 0 : i32
    %sign3A_481 = vector.broadcast %sign3A_480 : i32 to vector<64x1xi32>
    %sign3A_482 = arith.cmpi slt, %broadcast_in_dim3A_454, %sign3A_481 : vector<64x1xi32>
    %sign3A_483 = arith.extui %sign3A_482 : vector<64x1xi1> to vector<64x1xi32>
    %sign3A_484 = arith.subi %sign3A_479, %sign3A_483 : vector<64x1xi32>
    %sign3A_485 = arith.constant 0 : i32
    %sign3A_486 = arith.cmpi sgt, %jit3A_473, %sign3A_485 : i32
    %sign3A_487 = arith.extui %sign3A_486 : i1 to i32
    %sign3A_488 = arith.constant 0 : i32
    %sign3A_489 = arith.cmpi slt, %jit3A_473, %sign3A_488 : i32
    %sign3A_490 = arith.extui %sign3A_489 : i1 to i32
    %sign3A_491 = arith.subi %sign3A_487, %sign3A_490 : i32
    %ne3A_492 = vector.broadcast %sign3A_491 : i32 to vector<64x1xi32>
    %ne3A_493 = arith.cmpi ne, %sign3A_484, %ne3A_492 : vector<64x1xi32>
    %rem3A_494 = vector.broadcast %jit3A_473 : i32 to vector<64x1xi32>
    %rem3A_495 = arith.remsi %broadcast_in_dim3A_454, %rem3A_494 : vector<64x1xi32>
    %ne3A_496 = arith.constant 0 : i32
    %ne3A_497 = vector.broadcast %ne3A_496 : i32 to vector<64x1xi32>
    %ne3A_498 = arith.cmpi ne, %rem3A_495, %ne3A_497 : vector<64x1xi32>
    %and3A_499 = arith.andi %ne3A_493, %ne3A_498 : vector<64x1xi1>
    %sub3A_500 = arith.constant 1 : i32
    %sub3A_501 = vector.broadcast %sub3A_500 : i32 to vector<64x1xi32>
    %sub3A_502 = arith.subi %div3A_475, %sub3A_501 : vector<64x1xi32>
    %select_n3A_503 = arith.select %and3A_499, %sub3A_502, %div3A_475 : vector<64x1xi1>, vector<64x1xi32>
    %add3A_504 = arith.addi %mul3A_472, %select_n3A_503 : vector<64x1xi32>
    %swap3A_505 = arith.constant 0 : index
    %swap3A_506 = arith.constant 6 : index
    %swap3A_507 = vector.load %arg6[%swap3A_505, %swap3A_506] : memref<64x16xi32, #tpu.memory_space<vmem>>, vector<64x1xi32>
    tpu.vector_store %arg6[%swap3A_505, %swap3A_506], %add3A_504 {strides = array<i32>} : memref<64x16xi32, #tpu.memory_space<vmem>>, vector<64x1xi32>,
    %jit3A_508 = arith.constant 0xFF800000 : f32
    %broadcast_in_dim3A_509 = vector.broadcast %jit3A_508 : f32 to vector<64x160xf32>
    %select_n3A_510 = arith.select %eq3A_456, %broadcast_in_dim3A_509, %select_n3A_443 : vector<64x160xi1>, vector<64x160xf32>
    %reduce_max3A_511 = arith.constant dense<0xFF800000> : vector<64xf32>
    %reduce_max3A_512 = vector.multi_reduction <maximumf>, %select_n3A_510, %reduce_max3A_511 [1] : vector<64x160xf32> to vector<64xf32>
    %broadcast_in_dim3A_513 = vector.shape_cast %reduce_max3A_512 : vector<64xf32> to vector<64x1xf32>
    %eq3A_514 = vector.broadcast %broadcast_in_dim3A_513 : vector<64x1xf32> to vector<64x160xf32>
    %eq3A_515 = arith.cmpf oeq, %select_n3A_510, %eq3A_514 : vector<64x160xf32>
    %jit3A_516 = arith.constant 10000 : i32
    %broadcast_in_dim3A_517 = vector.broadcast %jit3A_516 : i32 to vector<64x160xi32>
    %select_n3A_518 = arith.select %eq3A_515, %iota3A, %broadcast_in_dim3A_517 : vector<64x160xi1>, vector<64x160xi32>
    %reduce_min3A_519 = arith.constant dense<2147483647> : vector<64xi32>
    %reduce_min3A_520 = vector.multi_reduction <minsi>, %select_n3A_518, %reduce_min3A_519 [1] : vector<64x160xi32> to vector<64xi32>
    %broadcast_in_dim3A_521 = vector.shape_cast %reduce_min3A_520 : vector<64xi32> to vector<64x1xi32>
    %eq3A_522 = vector.broadcast %broadcast_in_dim3A_521 : vector<64x1xi32> to vector<64x160xi32>
    %eq3A_523 = arith.cmpi eq, %iota3A, %eq3A_522 : vector<64x160xi32>
    %jit3A_524 = arith.constant 0.000000e+00 : f32
    %broadcast_in_dim3A_525 = vector.broadcast %jit3A_524 : f32 to vector<64x160xf32>
    %select_n3A_526 = arith.select %eq3A_523, %convert_element_type3A, %broadcast_in_dim3A_525 : vector<64x160xi1>, vector<64x160xf32>
    %reduce_sum3A_527 = arith.constant dense<0.000000e+00> : vector<64xf32>
    %reduce_sum3A_528 = vector.multi_reduction <add>, %select_n3A_526, %reduce_sum3A_527 [1] : vector<64x160xf32> to vector<64xf32>
    %broadcast_in_dim3A_529 = vector.shape_cast %reduce_sum3A_528 : vector<64xf32> to vector<64x1xf32>
    %swap3A_530 = arith.constant 0 : index
    %swap3A_531 = arith.constant 7 : index
    %swap3A_532 = vector.load %arg4[%swap3A_530, %swap3A_531] : memref<64x16xf32, #tpu.memory_space<vmem>>, vector<64x1xf32>
    tpu.vector_store %arg4[%swap3A_530, %swap3A_531], %broadcast_in_dim3A_513 {strides = array<i32>} : memref<64x16xf32, #tpu.memory_space<vmem>>, vector<64x1xf32>,
    %swap3A_533 = arith.constant 0 : index
    %swap3A_534 = arith.constant 7 : index
    %swap3A_535 = vector.load %arg5[%swap3A_533, %swap3A_534] : memref<64x16xf32, #tpu.memory_space<vmem>>, vector<64x1xf32>
    tpu.vector_store %arg5[%swap3A_533, %swap3A_534], %broadcast_in_dim3A_529 {strides = array<i32>} : memref<64x16xf32, #tpu.memory_space<vmem>>, vector<64x1xf32>,
    %slice3A_536 = vector.extract_strided_slice %iota3A_28 {offsets = [0, 0], sizes = [64, 1], strides = [1, 1]} : vector<64x16xi32> to vector<64x1xi32>
    %mul3A_537 = arith.constant 10 : i32
    %mul3A_538 = vector.broadcast %mul3A_537 : i32 to vector<64x1xi32>
    %mul3A_539 = arith.muli %slice3A_536, %mul3A_538 : vector<64x1xi32>
    %jit3A_540 = arith.constant 16 : i32
    %div3A_541 = vector.broadcast %jit3A_540 : i32 to vector<64x1xi32>
    %div3A_542 = arith.divsi %broadcast_in_dim3A_521, %div3A_541 : vector<64x1xi32>
    %sign3A_543 = arith.constant 0 : i32
    %sign3A_544 = vector.broadcast %sign3A_543 : i32 to vector<64x1xi32>
    %sign3A_545 = arith.cmpi sgt, %broadcast_in_dim3A_521, %sign3A_544 : vector<64x1xi32>
    %sign3A_546 = arith.extui %sign3A_545 : vector<64x1xi1> to vector<64x1xi32>
    %sign3A_547 = arith.constant 0 : i32
    %sign3A_548 = vector.broadcast %sign3A_547 : i32 to vector<64x1xi32>
    %sign3A_549 = arith.cmpi slt, %broadcast_in_dim3A_521, %sign3A_548 : vector<64x1xi32>
    %sign3A_550 = arith.extui %sign3A_549 : vector<64x1xi1> to vector<64x1xi32>
    %sign3A_551 = arith.subi %sign3A_546, %sign3A_550 : vector<64x1xi32>
    %sign3A_552 = arith.constant 0 : i32
    %sign3A_553 = arith.cmpi sgt, %jit3A_540, %sign3A_552 : i32
    %sign3A_554 = arith.extui %sign3A_553 : i1 to i32
    %sign3A_555 = arith.constant 0 : i32
    %sign3A_556 = arith.cmpi slt, %jit3A_540, %sign3A_555 : i32
    %sign3A_557 = arith.extui %sign3A_556 : i1 to i32
    %sign3A_558 = arith.subi %sign3A_554, %sign3A_557 : i32
    %ne3A_559 = vector.broadcast %sign3A_558 : i32 to vector<64x1xi32>
    %ne3A_560 = arith.cmpi ne, %sign3A_551, %ne3A_559 : vector<64x1xi32>
    %rem3A_561 = vector.broadcast %jit3A_540 : i32 to vector<64x1xi32>
    %rem3A_562 = arith.remsi %broadcast_in_dim3A_521, %rem3A_561 : vector<64x1xi32>
    %ne3A_563 = arith.constant 0 : i32
    %ne3A_564 = vector.broadcast %ne3A_563 : i32 to vector<64x1xi32>
    %ne3A_565 = arith.cmpi ne, %rem3A_562, %ne3A_564 : vector<64x1xi32>
    %and3A_566 = arith.andi %ne3A_560, %ne3A_565 : vector<64x1xi1>
    %sub3A_567 = arith.constant 1 : i32
    %sub3A_568 = vector.broadcast %sub3A_567 : i32 to vector<64x1xi32>
    %sub3A_569 = arith.subi %div3A_542, %sub3A_568 : vector<64x1xi32>
    %select_n3A_570 = arith.select %and3A_566, %sub3A_569, %div3A_542 : vector<64x1xi1>, vector<64x1xi32>
    %add3A_571 = arith.addi %mul3A_539, %select_n3A_570 : vector<64x1xi32>
    %swap3A_572 = arith.constant 0 : index
    %swap3A_573 = arith.constant 7 : index
    %swap3A_574 = vector.load %arg6[%swap3A_572, %swap3A_573] : memref<64x16xi32, #tpu.memory_space<vmem>>, vector<64x1xi32>
    tpu.vector_store %arg6[%swap3A_572, %swap3A_573], %add3A_571 {strides = array<i32>} : memref<64x16xi32, #tpu.memory_space<vmem>>, vector<64x1xi32>,
    %jit3A_575 = arith.constant 0xFF800000 : f32
    %broadcast_in_dim3A_576 = vector.broadcast %jit3A_575 : f32 to vector<64x160xf32>
    %select_n3A_577 = arith.select %eq3A_523, %broadcast_in_dim3A_576, %select_n3A_510 : vector<64x160xi1>, vector<64x160xf32>
    %reduce_max3A_578 = arith.constant dense<0xFF800000> : vector<64xf32>
    %reduce_max3A_579 = vector.multi_reduction <maximumf>, %select_n3A_577, %reduce_max3A_578 [1] : vector<64x160xf32> to vector<64xf32>
    %broadcast_in_dim3A_580 = vector.shape_cast %reduce_max3A_579 : vector<64xf32> to vector<64x1xf32>
    %eq3A_581 = vector.broadcast %broadcast_in_dim3A_580 : vector<64x1xf32> to vector<64x160xf32>
    %eq3A_582 = arith.cmpf oeq, %select_n3A_577, %eq3A_581 : vector<64x160xf32>
    %jit3A_583 = arith.constant 10000 : i32
    %broadcast_in_dim3A_584 = vector.broadcast %jit3A_583 : i32 to vector<64x160xi32>
    %select_n3A_585 = arith.select %eq3A_582, %iota3A, %broadcast_in_dim3A_584 : vector<64x160xi1>, vector<64x160xi32>
    %reduce_min3A_586 = arith.constant dense<2147483647> : vector<64xi32>
    %reduce_min3A_587 = vector.multi_reduction <minsi>, %select_n3A_585, %reduce_min3A_586 [1] : vector<64x160xi32> to vector<64xi32>
    %broadcast_in_dim3A_588 = vector.shape_cast %reduce_min3A_587 : vector<64xi32> to vector<64x1xi32>
    %eq3A_589 = vector.broadcast %broadcast_in_dim3A_588 : vector<64x1xi32> to vector<64x160xi32>
    %eq3A_590 = arith.cmpi eq, %iota3A, %eq3A_589 : vector<64x160xi32>
    %jit3A_591 = arith.constant 0.000000e+00 : f32
    %broadcast_in_dim3A_592 = vector.broadcast %jit3A_591 : f32 to vector<64x160xf32>
    %select_n3A_593 = arith.select %eq3A_590, %convert_element_type3A, %broadcast_in_dim3A_592 : vector<64x160xi1>, vector<64x160xf32>
    %reduce_sum3A_594 = arith.constant dense<0.000000e+00> : vector<64xf32>
    %reduce_sum3A_595 = vector.multi_reduction <add>, %select_n3A_593, %reduce_sum3A_594 [1] : vector<64x160xf32> to vector<64xf32>
    %broadcast_in_dim3A_596 = vector.shape_cast %reduce_sum3A_595 : vector<64xf32> to vector<64x1xf32>
    %swap3A_597 = arith.constant 0 : index
    %swap3A_598 = arith.constant 8 : index
    %swap3A_599 = vector.load %arg4[%swap3A_597, %swap3A_598] : memref<64x16xf32, #tpu.memory_space<vmem>>, vector<64x1xf32>
    tpu.vector_store %arg4[%swap3A_597, %swap3A_598], %broadcast_in_dim3A_580 {strides = array<i32>} : memref<64x16xf32, #tpu.memory_space<vmem>>, vector<64x1xf32>,
    %swap3A_600 = arith.constant 0 : index
    %swap3A_601 = arith.constant 8 : index
    %swap3A_602 = vector.load %arg5[%swap3A_600, %swap3A_601] : memref<64x16xf32, #tpu.memory_space<vmem>>, vector<64x1xf32>
    tpu.vector_store %arg5[%swap3A_600, %swap3A_601], %broadcast_in_dim3A_596 {strides = array<i32>} : memref<64x16xf32, #tpu.memory_space<vmem>>, vector<64x1xf32>,
    %slice3A_603 = vector.extract_strided_slice %iota3A_28 {offsets = [0, 0], sizes = [64, 1], strides = [1, 1]} : vector<64x16xi32> to vector<64x1xi32>
    %mul3A_604 = arith.constant 10 : i32
    %mul3A_605 = vector.broadcast %mul3A_604 : i32 to vector<64x1xi32>
    %mul3A_606 = arith.muli %slice3A_603, %mul3A_605 : vector<64x1xi32>
    %jit3A_607 = arith.constant 16 : i32
    %div3A_608 = vector.broadcast %jit3A_607 : i32 to vector<64x1xi32>
    %div3A_609 = arith.divsi %broadcast_in_dim3A_588, %div3A_608 : vector<64x1xi32>
    %sign3A_610 = arith.constant 0 : i32
    %sign3A_611 = vector.broadcast %sign3A_610 : i32 to vector<64x1xi32>
    %sign3A_612 = arith.cmpi sgt, %broadcast_in_dim3A_588, %sign3A_611 : vector<64x1xi32>
    %sign3A_613 = arith.extui %sign3A_612 : vector<64x1xi1> to vector<64x1xi32>
    %sign3A_614 = arith.constant 0 : i32
    %sign3A_615 = vector.broadcast %sign3A_614 : i32 to vector<64x1xi32>
    %sign3A_616 = arith.cmpi slt, %broadcast_in_dim3A_588, %sign3A_615 : vector<64x1xi32>
    %sign3A_617 = arith.extui %sign3A_616 : vector<64x1xi1> to vector<64x1xi32>
    %sign3A_618 = arith.subi %sign3A_613, %sign3A_617 : vector<64x1xi32>
    %sign3A_619 = arith.constant 0 : i32
    %sign3A_620 = arith.cmpi sgt, %jit3A_607, %sign3A_619 : i32
    %sign3A_621 = arith.extui %sign3A_620 : i1 to i32
    %sign3A_622 = arith.constant 0 : i32
    %sign3A_623 = arith.cmpi slt, %jit3A_607, %sign3A_622 : i32
    %sign3A_624 = arith.extui %sign3A_623 : i1 to i32
    %sign3A_625 = arith.subi %sign3A_621, %sign3A_624 : i32
    %ne3A_626 = vector.broadcast %sign3A_625 : i32 to vector<64x1xi32>
    %ne3A_627 = arith.cmpi ne, %sign3A_618, %ne3A_626 : vector<64x1xi32>
    %rem3A_628 = vector.broadcast %jit3A_607 : i32 to vector<64x1xi32>
    %rem3A_629 = arith.remsi %broadcast_in_dim3A_588, %rem3A_628 : vector<64x1xi32>
    %ne3A_630 = arith.constant 0 : i32
    %ne3A_631 = vector.broadcast %ne3A_630 : i32 to vector<64x1xi32>
    %ne3A_632 = arith.cmpi ne, %rem3A_629, %ne3A_631 : vector<64x1xi32>
    %and3A_633 = arith.andi %ne3A_627, %ne3A_632 : vector<64x1xi1>
    %sub3A_634 = arith.constant 1 : i32
    %sub3A_635 = vector.broadcast %sub3A_634 : i32 to vector<64x1xi32>
    %sub3A_636 = arith.subi %div3A_609, %sub3A_635 : vector<64x1xi32>
    %select_n3A_637 = arith.select %and3A_633, %sub3A_636, %div3A_609 : vector<64x1xi1>, vector<64x1xi32>
    %add3A_638 = arith.addi %mul3A_606, %select_n3A_637 : vector<64x1xi32>
    %swap3A_639 = arith.constant 0 : index
    %swap3A_640 = arith.constant 8 : index
    %swap3A_641 = vector.load %arg6[%swap3A_639, %swap3A_640] : memref<64x16xi32, #tpu.memory_space<vmem>>, vector<64x1xi32>
    tpu.vector_store %arg6[%swap3A_639, %swap3A_640], %add3A_638 {strides = array<i32>} : memref<64x16xi32, #tpu.memory_space<vmem>>, vector<64x1xi32>,
    %jit3A_642 = arith.constant 0xFF800000 : f32
    %broadcast_in_dim3A_643 = vector.broadcast %jit3A_642 : f32 to vector<64x160xf32>
    %select_n3A_644 = arith.select %eq3A_590, %broadcast_in_dim3A_643, %select_n3A_577 : vector<64x160xi1>, vector<64x160xf32>
    %reduce_max3A_645 = arith.constant dense<0xFF800000> : vector<64xf32>
    %reduce_max3A_646 = vector.multi_reduction <maximumf>, %select_n3A_644, %reduce_max3A_645 [1] : vector<64x160xf32> to vector<64xf32>
    %broadcast_in_dim3A_647 = vector.shape_cast %reduce_max3A_646 : vector<64xf32> to vector<64x1xf32>
    %eq3A_648 = vector.broadcast %broadcast_in_dim3A_647 : vector<64x1xf32> to vector<64x160xf32>
    %eq3A_649 = arith.cmpf oeq, %select_n3A_644, %eq3A_648 : vector<64x160xf32>
    %jit3A_650 = arith.constant 10000 : i32
    %broadcast_in_dim3A_651 = vector.broadcast %jit3A_650 : i32 to vector<64x160xi32>
    %select_n3A_652 = arith.select %eq3A_649, %iota3A, %broadcast_in_dim3A_651 : vector<64x160xi1>, vector<64x160xi32>
    %reduce_min3A_653 = arith.constant dense<2147483647> : vector<64xi32>
    %reduce_min3A_654 = vector.multi_reduction <minsi>, %select_n3A_652, %reduce_min3A_653 [1] : vector<64x160xi32> to vector<64xi32>
    %broadcast_in_dim3A_655 = vector.shape_cast %reduce_min3A_654 : vector<64xi32> to vector<64x1xi32>
    %eq3A_656 = vector.broadcast %broadcast_in_dim3A_655 : vector<64x1xi32> to vector<64x160xi32>
    %eq3A_657 = arith.cmpi eq, %iota3A, %eq3A_656 : vector<64x160xi32>
    %jit3A_658 = arith.constant 0.000000e+00 : f32
    %broadcast_in_dim3A_659 = vector.broadcast %jit3A_658 : f32 to vector<64x160xf32>
    %select_n3A_660 = arith.select %eq3A_657, %convert_element_type3A, %broadcast_in_dim3A_659 : vector<64x160xi1>, vector<64x160xf32>
    %reduce_sum3A_661 = arith.constant dense<0.000000e+00> : vector<64xf32>
    %reduce_sum3A_662 = vector.multi_reduction <add>, %select_n3A_660, %reduce_sum3A_661 [1] : vector<64x160xf32> to vector<64xf32>
    %broadcast_in_dim3A_663 = vector.shape_cast %reduce_sum3A_662 : vector<64xf32> to vector<64x1xf32>
    %swap3A_664 = arith.constant 0 : index
    %swap3A_665 = arith.constant 9 : index
    %swap3A_666 = vector.load %arg4[%swap3A_664, %swap3A_665] : memref<64x16xf32, #tpu.memory_space<vmem>>, vector<64x1xf32>
    tpu.vector_store %arg4[%swap3A_664, %swap3A_665], %broadcast_in_dim3A_647 {strides = array<i32>} : memref<64x16xf32, #tpu.memory_space<vmem>>, vector<64x1xf32>,
    %swap3A_667 = arith.constant 0 : index
    %swap3A_668 = arith.constant 9 : index
    %swap3A_669 = vector.load %arg5[%swap3A_667, %swap3A_668] : memref<64x16xf32, #tpu.memory_space<vmem>>, vector<64x1xf32>
    tpu.vector_store %arg5[%swap3A_667, %swap3A_668], %broadcast_in_dim3A_663 {strides = array<i32>} : memref<64x16xf32, #tpu.memory_space<vmem>>, vector<64x1xf32>,
    %slice3A_670 = vector.extract_strided_slice %iota3A_28 {offsets = [0, 0], sizes = [64, 1], strides = [1, 1]} : vector<64x16xi32> to vector<64x1xi32>
    %mul3A_671 = arith.constant 10 : i32
    %mul3A_672 = vector.broadcast %mul3A_671 : i32 to vector<64x1xi32>
    %mul3A_673 = arith.muli %slice3A_670, %mul3A_672 : vector<64x1xi32>
    %jit3A_674 = arith.constant 16 : i32
    %div3A_675 = vector.broadcast %jit3A_674 : i32 to vector<64x1xi32>
    %div3A_676 = arith.divsi %broadcast_in_dim3A_655, %div3A_675 : vector<64x1xi32>
    %sign3A_677 = arith.constant 0 : i32
    %sign3A_678 = vector.broadcast %sign3A_677 : i32 to vector<64x1xi32>
    %sign3A_679 = arith.cmpi sgt, %broadcast_in_dim3A_655, %sign3A_678 : vector<64x1xi32>
    %sign3A_680 = arith.extui %sign3A_679 : vector<64x1xi1> to vector<64x1xi32>
    %sign3A_681 = arith.constant 0 : i32
    %sign3A_682 = vector.broadcast %sign3A_681 : i32 to vector<64x1xi32>
    %sign3A_683 = arith.cmpi slt, %broadcast_in_dim3A_655, %sign3A_682 : vector<64x1xi32>
    %sign3A_684 = arith.extui %sign3A_683 : vector<64x1xi1> to vector<64x1xi32>
    %sign3A_685 = arith.subi %sign3A_680, %sign3A_684 : vector<64x1xi32>
    %sign3A_686 = arith.constant 0 : i32
    %sign3A_687 = arith.cmpi sgt, %jit3A_674, %sign3A_686 : i32
    %sign3A_688 = arith.extui %sign3A_687 : i1 to i32
    %sign3A_689 = arith.constant 0 : i32
    %sign3A_690 = arith.cmpi slt, %jit3A_674, %sign3A_689 : i32
    %sign3A_691 = arith.extui %sign3A_690 : i1 to i32
    %sign3A_692 = arith.subi %sign3A_688, %sign3A_691 : i32
    %ne3A_693 = vector.broadcast %sign3A_692 : i32 to vector<64x1xi32>
    %ne3A_694 = arith.cmpi ne, %sign3A_685, %ne3A_693 : vector<64x1xi32>
    %rem3A_695 = vector.broadcast %jit3A_674 : i32 to vector<64x1xi32>
    %rem3A_696 = arith.remsi %broadcast_in_dim3A_655, %rem3A_695 : vector<64x1xi32>
    %ne3A_697 = arith.constant 0 : i32
    %ne3A_698 = vector.broadcast %ne3A_697 : i32 to vector<64x1xi32>
    %ne3A_699 = arith.cmpi ne, %rem3A_696, %ne3A_698 : vector<64x1xi32>
    %and3A_700 = arith.andi %ne3A_694, %ne3A_699 : vector<64x1xi1>
    %sub3A_701 = arith.constant 1 : i32
    %sub3A_702 = vector.broadcast %sub3A_701 : i32 to vector<64x1xi32>
    %sub3A_703 = arith.subi %div3A_676, %sub3A_702 : vector<64x1xi32>
    %select_n3A_704 = arith.select %and3A_700, %sub3A_703, %div3A_676 : vector<64x1xi1>, vector<64x1xi32>
    %add3A_705 = arith.addi %mul3A_673, %select_n3A_704 : vector<64x1xi32>
    %swap3A_706 = arith.constant 0 : index
    %swap3A_707 = arith.constant 9 : index
    %swap3A_708 = vector.load %arg6[%swap3A_706, %swap3A_707] : memref<64x16xi32, #tpu.memory_space<vmem>>, vector<64x1xi32>
    tpu.vector_store %arg6[%swap3A_706, %swap3A_707], %add3A_705 {strides = array<i32>} : memref<64x16xi32, #tpu.memory_space<vmem>>, vector<64x1xi32>,
    return
  }
}

module attributes {stable_mosaic.version = 14 : i64} {
  func.func @_gather_body(%arg0: memref<640x1xi32, #tpu.memory_space<vmem>>, %arg1: memref<640x16xf32, #tpu.memory_space<vmem>>, %arg2: memref<640x1xi32, #tpu.memory_space<vmem>>, %arg3: memref<640x16xf32, #tpu.memory_space<vmem>>, %arg4: memref<640x1xi32, #tpu.memory_space<vmem>>) attributes {dimension_semantics = [], scalar_prefetch = 0 : i64, scratch_operands = 0 : i64, tpu.core_type = #tpu.core_type<tc>} {
    %get3A = arith.constant 0 : index
    %get3A_0 = arith.constant 0 : index
    %get3A_1 = vector.load %arg0[%get3A, %get3A_0] : memref<640x1xi32, #tpu.memory_space<vmem>>, vector<640x1xi32>
    %iota3A = tpu.iota {dimensions = array<i32: 1>} : vector<640x640xi32>
    %eq3A = vector.broadcast %get3A_1 : vector<640x1xi32> to vector<640x640xi32>
    %eq3A_2 = arith.cmpi eq, %eq3A, %iota3A : vector<640x640xi32>
    %convert_element_type3A = arith.extui %eq3A_2 : vector<640x640xi1> to vector<640x640xi32>
    %convert_element_type3A_3 = arith.sitofp %convert_element_type3A : vector<640x640xi32> to vector<640x640xf32>
    %get3A_4 = arith.constant 0 : index
    %get3A_5 = arith.constant 0 : index
    %get3A_6 = vector.load %arg1[%get3A_4, %get3A_5] : memref<640x16xf32, #tpu.memory_space<vmem>>, vector<640x16xf32>
    %dot_general3A = arith.constant dense<0.000000e+00> : vector<640x16xf32>
    %dot_general3A_7 = tpu.matmul %convert_element_type3A_3, %get3A_6, %dot_general3A {dimension_numbers = #tpu.dot_dimension_numbers<[1], [0], [0], [1], [0, 0, 1, 1], [], []>, transpose_lhs_hint = false} : vector<640x640xf32>, vector<640x16xf32>, vector<640x16xf32> -> vector<640x16xf32>
    %swap3A = arith.constant 0 : index
    %swap3A_8 = arith.constant 0 : index
    %swap3A_9 = vector.load %arg3[%swap3A, %swap3A_8] : memref<640x16xf32, #tpu.memory_space<vmem>>, vector<640x16xf32>
    tpu.vector_store %arg3[%swap3A, %swap3A_8], %dot_general3A_7 {strides = array<i32>} : memref<640x16xf32, #tpu.memory_space<vmem>>, vector<640x16xf32>,
    %get3A_10 = arith.constant 0 : index
    %get3A_11 = arith.constant 0 : index
    %get3A_12 = vector.load %arg2[%get3A_10, %get3A_11] : memref<640x1xi32, #tpu.memory_space<vmem>>, vector<640x1xi32>
    %eq3A_13 = arith.constant 2 : i32
    %eq3A_14 = vector.broadcast %eq3A_13 : i32 to vector<640x1xi32>
    %eq3A_15 = arith.cmpi eq, %get3A_12, %eq3A_14 : vector<640x1xi32>
    %convert_element_type3A_16 = arith.extui %eq3A_15 : vector<640x1xi1> to vector<640x1xi32>
    %swap3A_17 = arith.constant 0 : index
    %swap3A_18 = arith.constant 0 : index
    %swap3A_19 = vector.load %arg4[%swap3A_17, %swap3A_18] : memref<640x1xi32, #tpu.memory_space<vmem>>, vector<640x1xi32>
    tpu.vector_store %arg4[%swap3A_17, %swap3A_18], %convert_element_type3A_16 {strides = array<i32>} : memref<640x1xi32, #tpu.memory_space<vmem>>, vector<640x1xi32>,
    return
  }
}

</mosaic_0001>

<sc_bundles>
// kernel: kernel.5.cloned.1.call-start
scs
__scs_entry_jumppad:
0x0: {  	(pc) =	sbr.rel $0x88, $3  }
0x1: {  	(tag) =	ssettag $0x0;
	lr =	simm.s32 $0x1  }
0x2: {  	[smem:$0x3F9D] =	sst lr;
	_ =	strace $0xD0000000  }
0x3: {  	_ = 	snop  }
0x4: {  	_ = 	snop  }
0x5: {  	_ = 	snop  }
0x6: {  	_ = 	snop  }
0x7: {  	_ = 	snop  }
__scs_overlays_trampoline_lowered:
0x8: {  	[smem:$0x3FAC] =	sst s0  }
0x9: {  	[smem:$0x3FAD] =	sst s1  }
0xa: {  	[smem:$0x3FAE] =	sst s2  }
0xb: {  	[smem:$0x3FAF] =	sst s3  }
0xc: {  	[smem:$0x3FB0] =	sst s4  }
0xd: {  	[smem:$0x3FB1] =	sst s5  }
0xe: {  	[smem:$0x3FB2] =	sst s6  }
0xf: {  	[smem:$0x3FB3] =	sst s7  }
0x10: {  	[smem:$0x3FB4] =	sst s8  }
0x11: {  	[smem:$0x3FB5] =	sst s9;
	s0 =	simm.s32 @!p0 $0x0  }
0x12: {  	s1 =	sld [smem:$0x3F9B];
	s0 =	simm.s32 @p0 $0x1  }
0x13: {  	[smem:$0x3FB6] =	sst s0;
	s0 =	simm.s32 @!p1 $0x0  }
0x14: {  	s2 =	sld [smem:$0x3F9A];
	s0 =	simm.s32 @p1 $0x1  }
0x15: {  	[smem:$0x3FB7] =	sst s0;
	s0 =	simm.s32 @!p2 $0x0  }
0x16: {  	s3 =	sld [smem:$0x3FDB];
	s0 =	simm.s32 @p2 $0x1  }
0x17: {  	s4 =	simm.s32 $0x1BF5;
	[smem:$0x3FB9] =	sst s0  }
0x18: {  	s0 =	sld [smem:$0x3F9C];
	_ =	swait.ge [sflag:s4], $0x0  }
0x19: {  	s7 =	sld [smem:$0x3F9D]  }
0x1a: {  	s8 =	sadd.s32 $0xFFFFE003, lr  }
0x1b: {  	s9 =	sadd.s32 $0xFFFFFEF7, lr;
	s5 =	simm.s32 $0xFFFFFFFF;
	p2 =	slt.u32 s8, $0xFFFFF086  }
0x1c: {  	p1 =	slt.u32 s9, $0xF7A;
	s5 =	simm.s32 @!p2 $0x0  }
0x1d: {  	s5 =	simm.s32 @p1 $0x1;
	p0 =	seq.s32 s7, s2  }
0x1e: {  	s7 =	smul.u32 @!p0 $0xF7A, s2;
	p2 =	seq.s32 @!p0 s5, $0x0  }
0x1f: {  	s9 =	smul.u32 $0xF7A, s1;
	s8 =	simm.s32 @!p0 $0x1BF5;
	p2 =	por !p2, p0  }
0x20: {  	[sflag:s8] =	ssyncset.s32 @!p0 $0xFFFFF086;
	s6 =	sadd.s32 @!p0 s3, s7;
	s7 =	simm.s32 @!p0 $0x108  }
0x21: {  	s3 =	sadd.s32 s3, s9;
	s6 =	sadd.s32 @!p0 $0x88, s6;
	s7 =	simm.s32 @p2 $0x1082  }
0x22: {  	[simem:s7], [sflag:s8] =	dma.local @!p0 [hbm:s6], $0xF7A  }
0x23: {  	s9 =	sor.u32 $0xD0000000, s2;
	s6 =	simm.s32 $0x108;
	_ =	swait.ge @!p0 [sflag:s8], $0x0  }
0x24: {  	s3 =	sadd.s32 $0x88, s3;
	s6 =	simm.s32 @!p1 $0x1082;
	[sflag:s4] =	ssyncset.s32 $0xFFFFF086  }
0x25: {  	[simem:s6], [sflag:s4] =	dma.local [hbm:s3], $0xF7A  }
0x26: {  	[smem:$0x3F9D] =	sst s1;
	(tag) =	ssettag s2;
	_ =	strace s9  }
0x27: {  	s1 =	sld [smem:$0x3FAD]  }
0x28: {  	s2 =	sld [smem:$0x3FAE]  }
0x29: {  	s4 =	sld [smem:$0x3FB0]  }
0x2a: {  	p0 =	seq.s32 s5, $0x0;
	s5 =	sld [smem:$0x3FB1]  }
0x2b: {  	s6 =	sld [smem:$0x3FB2]  }
0x2c: {  	s7 =	sld [smem:$0x3FB3]  }
0x2d: {  	s3 =	simm.s32 $0x108;
	s8 =	sld [smem:$0x3FB4]  }
0x2e: {  	s3 =	simm.s32 @!p0 $0x1082;
	s9 =	sld [smem:$0x3FB5]  }
0x2f: {  	lr =	sadd.s32 s0, s3;
	s0 =	sld [smem:$0x3FAC]  }
0x30: {  	s3 =	sld [smem:$0x3FAF]  }
0x31: {  	[smem:$0x3FB8] =	sst s10  }
0x32: {  	s10 =	sld [smem:$0x3FB6];
	_ =	sdelay $0x3  }
0x33: {  	p0 =	seq.s32 s10, $0x1;
	s10 =	sld [smem:$0x3FB8];
	_ =	sdelay $0x3  }
0x34: {  	[smem:$0x3FB8] =	sst s10  }
0x35: {  	s10 =	sld [smem:$0x3FB7];
	_ =	sdelay $0x3  }
0x36: {  	p1 =	seq.s32 s10, $0x1;
	s10 =	sld [smem:$0x3FB8];
	_ =	sdelay $0x3  }
0x37: {  	[smem:$0x3FB8] =	sst s10  }
0x38: {  	s10 =	sld [smem:$0x3FB9]  }
0x39: {  	_ = 	snop;
	(pc) =	sbr.ind lr, $3  }
0x3a: {  	_ = 	snop  }
0x3b: {  	_ = 	snop  }
0x3c: {  	p2 =	seq.s32 s10, $0x1;
	s10 =	sld [smem:$0x3FB8]  }
0x3d: {  	_ =	shalt  }
0x3e: {  	_ =	shalt  }
0x3f: {  	_ =	shalt  }
0x40: {  	_ =	shalt  }
0x41: {  	_ =	shalt  }
0x42: {  	_ =	shalt  }
0x43: {  	_ =	shalt  }
0x44: {  	_ =	shalt  }
0x45: {  	_ =	shalt  }
0x46: {  	_ =	shalt  }
0x47: {  	_ =	shalt  }
0x48: {  	_ =	shalt  }
0x49: {  	_ =	shalt  }
0x4a: {  	_ =	shalt  }
0x4b: {  	_ =	shalt  }
0x4c: {  	_ =	shalt  }
0x4d: {  	_ =	shalt  }
0x4e: {  	_ =	shalt  }
0x4f: {  	_ =	shalt  }
0x50: {  	_ =	shalt  }
0x51: {  	_ =	shalt  }
0x52: {  	_ =	shalt  }
0x53: {  	_ =	shalt  }
0x54: {  	_ =	shalt  }
0x55: {  	_ =	shalt  }
0x56: {  	_ =	shalt  }
0x57: {  	_ =	shalt  }
0x58: {  	_ =	shalt  }
0x59: {  	_ =	shalt  }
0x5a: {  	_ =	shalt  }
0x5b: {  	_ =	shalt  }
0x5c: {  	_ =	shalt  }
0x5d: {  	_ =	shalt  }
0x5e: {  	_ =	shalt  }
0x5f: {  	_ =	shalt  }
0x60: {  	_ =	shalt  }
0x61: {  	_ =	shalt  }
0x62: {  	_ =	shalt  }
0x63: {  	_ =	shalt  }
0x64: {  	_ =	shalt  }
0x65: {  	_ =	shalt  }
0x66: {  	_ =	shalt  }
0x67: {  	_ =	shalt  }
0x68: {  	_ =	shalt  }
0x69: {  	_ =	shalt  }
0x6a: {  	_ =	shalt  }
0x6b: {  	_ =	shalt  }
0x6c: {  	_ =	shalt  }
0x6d: {  	_ =	shalt  }
0x6e: {  	_ =	shalt  }
0x6f: {  	_ =	shalt  }
0x70: {  	_ =	shalt  }
0x71: {  	_ =	shalt  }
0x72: {  	_ =	shalt  }
0x73: {  	_ =	shalt  }
0x74: {  	_ =	shalt  }
0x75: {  	_ =	shalt  }
0x76: {  	_ =	shalt  }
0x77: {  	_ =	shalt  }
0x78: {  	_ =	shalt  }
0x79: {  	_ =	shalt  }
0x7a: {  	_ =	shalt  }
0x7b: {  	_ =	shalt  }
0x7c: {  	_ =	shalt  }
0x7d: {  	_ =	shalt  }
0x7e: {  	_ =	shalt  }
0x7f: {  	_ =	shalt  }
0x80: {  	_ =	shalt  }
0x81: {  	_ =	shalt  }
0x82: {  	_ =	shalt  }
0x83: {  	_ =	shalt  }
0x84: {  	_ =	shalt  }
0x85: {  	_ =	shalt  }
0x86: {  	_ =	shalt  }
0x87: {  	_ =	shalt  }
.Lfunc_end0:
.L_simem_size_0:
called_computation_lowered:
.L_overlay_start_0:
0x88: {  	s2 =	sld [smem:$0x3FD9]  }
0x89: {  	s3 =	sld [smem:$0x3FFE];
	_ =	sdelay $0x1  }
0x8a: {  	s1 =	srdreg.scid  }
0x8b: {  	s0 =	sand.u32 $0x1, s1  }
0x8c: {  	s16 =	sshll.u32 s0, $0xA;
	s2 =	sadd.s32 s3, s2  }
0x8d: {  	s2 =	sadd.s32 s2, s16  }
0x8e: {  	[smem:$0x3FC4] =	sst s2  }
0x8f: {  	_ = 	snop  }
0x90: {  	(tm) =	ssettm $0x1  }
0x91: {  	s17 =	sld [smem:$0x3FFB];
	_ =	sdelay $0x3  }
0x92: {  	_ =	strace s17  }
0x93: {  	s2 =	sld [smem:$0x3FFC];
	_ =	sdelay $0x3  }
0x94: {  	_ =	strace s2  }
0x95: {  	s2 =	sld [smem:$0x3FFD];
	_ =	sdelay $0x3  }
0x96: {  	_ =	strace s2  }
0x97: {  	_ =	strace $0x8FFFFFFF  }
0x98: {  	s18 =	sld [smem:$0x3FDB];
	_ =	sdelay $0x1  }
0x99: {  	s19 =	simm.s32 $_scs_section_size  }
0x9a: {  	s4 =	simm.s32 $_size__tile_overlayer_lowered;
	s5 =	simm.s32 $_tile_overlayer_lowered  }
0x9b: {  	s22 =	simm.s32 $0x1BFF;
	s21 =	sshll.u32 s5, $0x1;
	s2 =	sadd.s32 s19, s18  }
0x9c: {  	s6 =	simm.s32 $0x0;
	s20 =	sshll.u32 s4, $0x1;
	s4 =	sadd.s32 s21, s2  }
0x9d: {  	[timem:s6], [sflag:s22] =	dma.local [hbm:s4], s20  }
0x9e: {  	_ =	swait.ge [sflag:s22], s20  }
0x9f: {  	s3 =	ssub.s32 $0x0, s20;
	[sflag:s22] =	ssyncset.done $0x0  }
0xa0: {  	[sflag:s22] =	ssyncadd.s32 s3;
	_ =	sdelay $0x1  }
0xa1: {  	s23 =	simm.s32 $0x1B8B  }
0xa2: {  	_ =	swait.ge [sflag:s23], $0x1  }
0xa3: {  	[sflag:s23] =	ssyncset.done $0x0  }
0xa4: {  	s25 =	simm.s32 $0x1B8E;
	s24 =	sld [smem:$0x3FFE];
	[sflag:s23] =	ssyncadd.s32 $0xFFFFFFFF  }
0xa5: {  	s26 =	simm.s32 $execute0_lowered;
	[smem:$0x3FD2] =	sst s25  }
0xa6: {  	s4 =	sshll.u32 s26, $0x1;
	_ =	strace $0x80000046;
	[dreg:$0x1] =	wrdreg $0xFFFFFFFF  }
0xa7: {  	s28 =	simm.s32 $_size_execute0_lowered;
	s2 =	sadd.s32 s2, s4;
	[dreg:$0x0] =	wrdreg $0x0  }
0xa8: {  	s4 =	sshll.u32 s28, $0x1;
	[dreg:$0x2] =	wrdreg s2  }
0xa9: {  	[dreg:$0x3] =	wrdreg s4  }
0xaa: {  	[dreg:$0x4] =	wrdreg $0xC0  }
0xab: {  	_ =	task [dreg:s6], $0x5FFFF  }
0xac: {  	[dreg:$0x1] =	wrdreg $0xFFFFFFFF  }
0xad: {  	[dreg:$0x0] =	wrdreg $0x60  }
0xae: {  	[dreg:$0x2] =	wrdreg s24  }
0xaf: {  	[dreg:$0x3] =	wrdreg $0x9  }
0xb0: {  	_ =	task.clear_ibuf [dreg:s6], $0x4FFFF;
	_ =	strace $0x90000046  }
0xb1: {  	s29 =	simm.s32 $0x9;
	_ =	strace $0x80000048  }
0xb2: {  	_ =	swait.ge [sflag:s29], $0x1  }
0xb3: {  	[sflag:s29] =	ssyncadd.s32 $0xFFFFFFFF  }
0xb4: {  	_ =	strace $0x90000048  }
0xb5: {  	_ =	sfence  }
0xb6: {  	s30 =	sld [smem:$0x0];
	_ =	sdelay $0x2  }
0xb7: {  	s31 =	sshll.u32 s1, $0xD;
	s1 =	sshrl.u32 s1, $0x2  }
0xb8: {  	s3 =	sand.u32 $0x4000, s31;
	s1 =	sadd.s32 s1, s30  }
0xb9: {  	s0 =	sor.u32 s3, s0;
	s1 =	sshll.u32 s1, $0x11  }
0xba: {  	s0 =	sor.u32 s1, s0  }
0xbb: {  	s0 =	sadd.s32 $0x8F2B, s0  }
0xbc: {  	[sflag:s0] =	ssyncadd.remote.s32 $0x1  }
0xbd: {  	_ =	sfence.sel $0xFFFF  }
0xbe: {  	[dreg:$0x0] =	wrdreg $0xFFFFFFFF;
	(pc) =	sbr.abs _section_cstart, $3  }
0xbf: {  	[dreg:$0x1] =	wrdreg $0xFFFFFFFF  }
0xc0: {  	_ =	task.clear_ibuf [dreg:s6], $0x2FFFF;
	_ =	strace $0x9FFFFFFF  }
0xc1: {  	(tm) =	ssettm $0x7FFFFFFF  }
tec
execute0_lowered:
.L_overlay_start_1:
0x0: {  	(tag) =	ssettag $0x1  }
0x1: {  	v0 =	vimm.s32 $0xFEDCBA98;
	v1 =	vimm.s32 $0x76543210  }
0x2: {  	v5 =	vimm.s32 $0x32107654;
	v6 =	vimm.s32 $0xDCFE98BA;
	v7 =	vimm.s32 $0xEFCDAB89  }
0x3: {  	v8 =	vimm.s32 $0x67452301;
	v9 =	vimm.s32 $0x54761032;
	vm0 =	vcmask $0x1B14  }
0x4: {  	vm1 =	vcmask $0xB04;
	vm2 =	vcmask $0x130C;
	vm4 =	vcmask $0x704  }
0x5: {  	vm8 =	vcmask $0x2724;
	vm3 =	vcmask $0x332C;
	vm5 =	vcmask $0x1708  }
0x6: {  	vm6 =	vcmask $0x3B38;
	vm7 =	vcmask $0xF0C;
	vm9 =	vcmask $0xF08  }
0x7: {  	vm10 =	vcmask $0x3730;
	vm12 =	vcmask $0x2B28;
	v11 =	vimm.s32 $0x9  }
0x8: {  	v2 =	vunpack.c.l.s4.s8 v0;
	v3 =	vunpack.c.l.s4.s8 v1;
	v1 =	vimm.s32 $0xBA98FEDC  }
0x9: {  	v0 =	vimm.f32 $-Inf;
	v5 =	vunpack.c.l.s4.s8 v5;
	v7 =	vunpack.c.l.s4.s8 v7  }
0xa: {  	v8 =	vunpack.c.l.s4.s8 v8;
	v6 =	vunpack.c.l.s4.s8 v6;
	v9 =	vunpack.c.l.s4.s8 v9  }
0xb: {  	vm0 =	vmor vm1, vm0;
	vm1 =	vcmask $0x2B24;
	v4 =	vunpack.c.l.s4.s8 v1  }
0xc: {  	v1 =	vimm.s32 $0x0;
	vm0 =	vmor vm0, vm1;
	vm1 =	vcmask $0x3B34  }
0xd: {  	v2 =	vunpack.c.0.s8.s32 v2;
	v3 =	vunpack.c.0.s8.s32 v3;
	v5 =	vunpack.c.0.s8.s32 v5  }
0xe: {  	v7 =	vunpack.c.0.s8.s32 v7;
	v8 =	vunpack.c.0.s8.s32 v8;
	vm0 =	vmor vm0, vm1  }
0xf: {  	vm1 =	vmor vm4, vm2;
	vm2 =	vcmask $0x1B18;
	vm4 =	vmor vm4, vm7  }
0x10: {  	vm7 =	vcmask $0x1714;
	v4 =	vunpack.c.0.s8.s32 v4;
	vm1 =	vmor vm1, vm2  }
0x11: {  	vm2 =	vcmask $0x3728;
	vm7 =	vmor vm4, vm7;
	vm4 =	vcmask $0x231C  }
0x12: {  	v2 =	vand.u32 $0xF, v2;
	vm1 =	vmor vm1, vm8;
	vm11 =	vmor vm7, vm4  }
0x13: {  	v2 =	vcombine.low v2, v3;
	v3 =	vcombine.low v5, v4;
	v5 =	vunpack.c.0.s8.s32 v6  }
0x14: {  	v6 =	vunpack.c.0.s8.s32 v9;
	v4 =	vcombine.low v8, v7;
	vm3 =	vmor vm1, vm3  }
0x15: {  	vm1 =	vmor vm5, vm2;
	vm5 =	vcmask $0x2718;
	vm2 =	vmor vm3, vm6  }
0x16: {  	vm3 =	vcmask $0x2F10;
	vm5 =	vmor vm9, vm5;
	v5 =	vcombine.low v6, v5  }
0x17: {  	v6 =	vlaneseq.u32;
	v7 =	vand.u32 $0xF, v4;
	v9 =	vand.u32 $0xF, v3  }
0x18: {  	s5 =	rddreg [dreg:$0x0];
	vm4 =	vmor vm5, vm10;
	vm5 =	vmor vm11, vm12;
	vm10 =	vcmask $0x3330  }
0x19: {  	s0 =	rddreg [dreg:$0x1];
	s1 =	simm.s32 $0x0;
	s2 =	srdreg.scid;
	vm11 =	vcmask $0x1F10;
	vm5 =	vmor vm5, vm10;
	vm10 =	vcmask $0x3F30  }
0x1a: {  	s10 =	simm.s32 $0x1;
	s11 =	simm.s32 $0x1B080;
	s12 =	simm.s32 $0x1B100;
	vm5 =	vmor vm5, vm6;
	vm6 =	vmor vm11, vm10;
	vm10 =	vcmask $0x1F18  }
0x1b: {  	s13 =	simm.s32 $0x0;
	[smem:$0x7FF] =	sst s1;
	s6 =	sand.u32 $0x1, s2;
	vm11 =	vcmask $0x1F1C;
	vm9 =	vmor vm9, vm10;
	vm10 =	vcmask $0x2F28  }
.Ltmp0:
0x1c: {  	s2 =	stileid.u32;
	s3 =	sadd.s32 $0x800, s5;
	vm11 =	vmor vm7, vm11;
	vm9 =	vmor vm9, vm10;
	vm10 =	vcmask $0x3F38;
	(pc) =	sbr.rel .LBB2_1-.Ltmp0, $4  }
0x1d: {  	s4 =	sadd.s32 $0x7A6000, s5;
	s5 =	sadd.s32 $0x7A3800, s5;
	s7 =	ssub.s32 $0x2, s6;
	vm8 =	vmor vm11, vm8;
	vm7 =	vmor vm9, vm10;
	vm9 =	vcmask $0x2F2C  }
0x1e: {  	_ =	strace $0x80000047;
	s9 =	sshll.u32 s2, $0x1;
	s8 =	sshrl.u32 s7, $0x1;
	v10 =	vmul.u32 $0xFFFFFFFF, v6;
	vm10 =	vcmask $0x3734;
	vm9 =	vmor vm8, vm9  }
0x1f: {  	s6 =	sor.u32 s6, s9;
	s9 =	simm.s32 $0x400;
	s7 =	ssub.s32 s7, s8;
	v8 =	vand.u32 $0xF, v5;
	vm9 =	vmor vm9, vm10;
	vm10 =	vcmask $0x3F3C  }
0x20: {  	s6 =	smul.u32 $0x14, s6;
	s8 =	simm.s32 $0x80;
	s7 =	smax.u32 s7, $0x1;
	v10 =	vadd.s32 $0xF, v10;
	vm8 =	vcmask $0x3F20;
	vm9 =	vmor vm9, vm10  }
.LBB2_17:
0x21: {  	s13 =	sadd.s32 $0x1, s13  }
0x22: {  	p0 =	sne.s32 s13, s7  }
.Ltmp1:
0x23: {  	_ = 	snop;
	(pc) =	sbr.rel @!p0 .LBB2_18-.Ltmp1, $1  }
0x24: {  	_ =	sdelay $0x3  }
.LBB2_1:
.Ltmp2:
0x25: {  	(pc) =	sbr.rel .LBB2_2-.Ltmp2, $2  }
0x26: {  	_ =	sdelay $0x2  }
0x27: {  	s14 =	simm.s32 $0x0  }
.LBB2_16:
0x28: {  	s15 =	sshll.u32 s15, $0xA  }
0x29: {  	s15 =	sor.u32 s16, s15  }
0x2a: {  	s15 =	sshrl.u32 s15, $0x3  }
0x2b: {  	s31 =	sadd.s32 s4, s15  }
0x2c: {  	[hbm4b:s31+s1] =	stream.linear.scatter [tilespmem:s11], [sflag:$0x1], $0x80, $0x38;
	[tilespmem:$0x1B200] =	vst v63  }
0x2d: {  	s14 =	sadd.s32 $0x1, s14;
	_ =	swait.ge [sflag:s10], $0x80  }
0x2e: {  	p0 =	sne.s32 s14, $0x14;
	[sflag:s10] =	ssyncset.done $0x0  }
.Ltmp3:
0x2f: {  	s15 =	sadd.s32 s5, s15;
	[sflag:s10] =	ssyncadd.s32 $0xFFFFFF80;
	(pc) =	sbr.rel @!p0 .LBB2_17-.Ltmp3, $4  }
0x30: {  	[hbm4b:s15+s1] =	stream.linear.scatter [tilespmem:s12], [sflag:$0x1], $0x80, $0x38;
	[tilespmem:$0x1B200] =	vst v63  }
0x31: {  	_ =	swait.ge [sflag:s10], $0x80  }
0x32: {  	[sflag:s10] =	ssyncset.done $0x0  }
0x33: {  	[sflag:s10] =	ssyncadd.s32 $0xFFFFFF80  }
.LBB2_2:
0x34: {  	s16 =	sadd.s32 s6, s14  }
0x35: {  	s15 =	sshrl.u32 s16, $0x3  }
0x36: {  	s16 =	sshll.u32 s16, $0x7;
	s17 =	smul.u32 $0xC3800, s15  }
0x37: {  	s16 =	sand.u32 $0x380, s16  }
0x38: {  	s17 =	sor.u32 s16, s17  }
0x39: {  	s17 =	sshrl.u32 s17, $0x3  }
0x3a: {  	s17 =	sadd.s32 s3, s17  }
0x3b: {  	[tilespmem:s1], [sflag:$0x1] =	stream.strided.gather [hbm4b:s17+s8], $0x18700, s9, s8, $0x38;
	[tilespmem:$0x1B200] =	vst v63  }
0x3c: {  	_ =	swait.ge [sflag:s10], $0x18700  }
0x3d: {  	[sflag:s10] =	ssyncset.done $0x0  }
0x3e: {  	[sflag:s10] =	ssyncadd.s32 $0xFFFE7900  }
0x3f: {  	[tilespmem:$0x1B080] =	vst v0  }
0x40: {  	s18 =	simm.s32 $0x1AE00;
	[tilespmem:$0x1B100] =	vst v1  }
0x41: {  	s19 =	simm.s32 $0x18780;
	s20 =	simm.s32 $0x500;
	s17 =	simm.s32 $0x9C0;
	[tilespmem:$0x1B180] =	vst v0  }
.LBB2_3:
0x42: {  	v12 =	vld [tilespmem:s20+$0xFFFFFB00]  }
0x43: {  	v13 =	vld [tilespmem:s20+$0xFFFFFB10]  }
0x44: {  	v14 =	vld [tilespmem:s20+$0xFFFFFB20]  }
0x45: {  	v15 =	vld [tilespmem:s20+$0xFFFFFB30]  }
0x46: {  	v16 =	vld [tilespmem:s20+$0xFFFFFB40]  }
0x47: {  	v17 =	vld [tilespmem:s20+$0xFFFFFB50]  }
0x48: {  	v18 =	vld [tilespmem:s20+$0xFFFFFB60]  }
0x49: {  	v19 =	vld [tilespmem:s20+$0xFFFFFB70]  }
0x4a: {  	v20 =	vld [tilespmem:s20+$0xFFFFFB80]  }
0x4b: {  	v21 =	vld [tilespmem:s20+$0xFFFFFB90];
	_ =	sdelay $0x1  }
0x4c: {  	v12 =	vmax.f32 v12, v13  }
0x4d: {  	v22 =	vmax.f32 v14, v15;
	v23 =	vmax.f32 v16, v17;
	v24 =	vmax.f32 v18, v19  }
0x4e: {  	v12 =	vmax.f32 v12, v22;
	v25 =	vmax.f32 v23, v24  }
0x4f: {  	v26 =	vmax.f32 v20, v21;
	v12 =	vmax.f32 v12, v25  }
0x50: {  	v12 =	vmax.f32 v12, v26  }
0x51: {  	[tilespmem:s19+$0xFFFFFF80] =	vst v12  }
0x52: {  	v27 =	vld [tilespmem:s20+$0xFFFFFBA0]  }
0x53: {  	v28 =	vld [tilespmem:s20+$0xFFFFFBB0]  }
0x54: {  	v29 =	vld [tilespmem:s20+$0xFFFFFBC0]  }
0x55: {  	v30 =	vld [tilespmem:s20+$0xFFFFFBD0]  }
0x56: {  	v31 =	vld [tilespmem:s20+$0xFFFFFBE0]  }
0x57: {  	v32 =	vld [tilespmem:s20+$0xFFFFFBF0]  }
0x58: {  	v33 =	vld [tilespmem:s20+$0xFFFFFC00]  }
0x59: {  	v34 =	vld [tilespmem:s20+$0xFFFFFC10]  }
0x5a: {  	v35 =	vld [tilespmem:s20+$0xFFFFFC20]  }
0x5b: {  	v22 =	vld [tilespmem:s20+$0xFFFFFC30];
	_ =	sdelay $0x1  }
0x5c: {  	v13 =	vmax.f32 v27, v28  }
0x5d: {  	v36 =	vmax.f32 v29, v30;
	v37 =	vmax.f32 v31, v32;
	v38 =	vmax.f32 v33, v34  }
0x5e: {  	v13 =	vmax.f32 v13, v36;
	v39 =	vmax.f32 v37, v38  }
0x5f: {  	v40 =	vmax.f32 v35, v22;
	v13 =	vmax.f32 v13, v39  }
0x60: {  	v13 =	vmax.f32 v13, v40  }
0x61: {  	[tilespmem:s19+$0xFFFFFF90] =	vst v13  }
0x62: {  	v41 =	vld [tilespmem:s20+$0xFFFFFC40]  }
0x63: {  	v42 =	vld [tilespmem:s20+$0xFFFFFC50]  }
0x64: {  	v43 =	vld [tilespmem:s20+$0xFFFFFC60]  }
0x65: {  	v44 =	vld [tilespmem:s20+$0xFFFFFC70]  }
0x66: {  	v45 =	vld [tilespmem:s20+$0xFFFFFC80]  }
0x67: {  	v46 =	vld [tilespmem:s20+$0xFFFFFC90]  }
0x68: {  	v47 =	vld [tilespmem:s20+$0xFFFFFCA0]  }
0x69: {  	v48 =	vld [tilespmem:s20+$0xFFFFFCB0]  }
0x6a: {  	v49 =	vld [tilespmem:s20+$0xFFFFFCC0]  }
0x6b: {  	v23 =	vld [tilespmem:s20+$0xFFFFFCD0];
	_ =	sdelay $0x1  }
0x6c: {  	v14 =	vmax.f32 v41, v42  }
0x6d: {  	v50 =	vmax.f32 v43, v44;
	v51 =	vmax.f32 v45, v46;
	v52 =	vmax.f32 v47, v48  }
0x6e: {  	v14 =	vmax.f32 v14, v50;
	v53 =	vmax.f32 v51, v52  }
0x6f: {  	v54 =	vmax.f32 v49, v23;
	v14 =	vmax.f32 v14, v53  }
0x70: {  	v14 =	vmax.f32 v14, v54  }
0x71: {  	[tilespmem:s19+$0xFFFFFFA0] =	vst v14  }
0x72: {  	v55 =	vld [tilespmem:s20+$0xFFFFFCE0]  }
0x73: {  	v56 =	vld [tilespmem:s20+$0xFFFFFCF0]  }
0x74: {  	v57 =	vld [tilespmem:s20+$0xFFFFFD00]  }
0x75: {  	v58 =	vld [tilespmem:s20+$0xFFFFFD10]  }
0x76: {  	v59 =	vld [tilespmem:s20+$0xFFFFFD20]  }
0x77: {  	s21 =	sadd.s32 $0xFFFFF880, s17;
	v60 =	vld [tilespmem:s20+$0xFFFFFD30]  }
0x78: {  	s21 =	sor.u32 $0x50, s21;
	v61 =	vld [tilespmem:s20+$0xFFFFFD40]  }
0x79: {  	v62 =	vld [tilespmem:s21+$0x0]  }
0x7a: {  	v63 =	vld [tilespmem:s20+$0xFFFFFD60]  }
0x7b: {  	v24 =	vld [tilespmem:s20+$0xFFFFFD70];
	_ =	sdelay $0x1  }
0x7c: {  	v15 =	vmax.f32 v55, v56  }
0x7d: {  	v28 =	vmax.f32 v57, v58;
	v29 =	vmax.f32 v59, v60;
	v30 =	vmax.f32 v61, v62  }
0x7e: {  	v15 =	vmax.f32 v15, v28;
	v31 =	vmax.f32 v29, v30  }
0x7f: {  	v32 =	vmax.f32 v63, v24;
	v15 =	vmax.f32 v15, v31  }
0x80: {  	v15 =	vmax.f32 v15, v32  }
0x81: {  	[tilespmem:s19+$0xFFFFFFB0] =	vst v15  }
0x82: {  	v33 =	vld [tilespmem:s20+$0xFFFFFD80]  }
0x83: {  	v34 =	vld [tilespmem:s20+$0xFFFFFD90]  }
0x84: {  	v35 =	vld [tilespmem:s20+$0xFFFFFDA0]  }
0x85: {  	v36 =	vld [tilespmem:s20+$0xFFFFFDB0]  }
0x86: {  	v37 =	vld [tilespmem:s20+$0xFFFFFDC0]  }
0x87: {  	v38 =	vld [tilespmem:s20+$0xFFFFFDD0]  }
0x88: {  	v39 =	vld [tilespmem:s20+$0xFFFFFDE0]  }
0x89: {  	v40 =	vld [tilespmem:s20+$0xFFFFFDF0]  }
0x8a: {  	v41 =	vld [tilespmem:s20+$0xFFFFFE00]  }
0x8b: {  	v25 =	vld [tilespmem:s20+$0xFFFFFE10];
	_ =	sdelay $0x1  }
0x8c: {  	v16 =	vmax.f32 v33, v34  }
0x8d: {  	v42 =	vmax.f32 v35, v36;
	v43 =	vmax.f32 v37, v38;
	v44 =	vmax.f32 v39, v40  }
0x8e: {  	v16 =	vmax.f32 v16, v42;
	v45 =	vmax.f32 v43, v44  }
0x8f: {  	v46 =	vmax.f32 v41, v25;
	v16 =	vmax.f32 v16, v45  }
0x90: {  	v16 =	vmax.f32 v16, v46  }
0x91: {  	s24 =	sadd.s32 $0xFFFFF960, s17;
	[tilespmem:s19+$0xFFFFFFC0] =	vst v16  }
0x92: {  	s22 =	sor.u32 $0x30, s24;
	v47 =	vld [tilespmem:s20+$0xFFFFFE20]  }
0x93: {  	v48 =	vld [tilespmem:s22+$0x0]  }
0x94: {  	s26 =	sor.u32 $0x60, s24;
	v49 =	vld [tilespmem:s20+$0xFFFFFE40]  }
0x95: {  	s28 =	sor.u32 $0x70, s24;
	v51 =	vld [tilespmem:s26+$0x0]  }
0x96: {  	v52 =	vld [tilespmem:s28+$0x0]  }
0x97: {  	s25 =	sadd.s32 $0xFFFFF980, s17;
	v53 =	vld [tilespmem:s20+$0xFFFFFE80]  }
0x98: {  	s22 =	sor.u32 $0x50, s25;
	v54 =	vld [tilespmem:s20+$0xFFFFFE90]  }
0x99: {  	s29 =	sor.u32 $0xA0, s24;
	v50 =	vld [tilespmem:s22+$0x0]  }
0x9a: {  	s21 =	sor.u32 $0xB0, s24;
	v55 =	vld [tilespmem:s29+$0x0]  }
0x9b: {  	v26 =	vld [tilespmem:s21+$0x0];
	_ =	sdelay $0x1  }
0x9c: {  	v17 =	vmax.f32 v47, v48  }
0x9d: {  	v57 =	vmax.f32 v51, v52;
	v58 =	vmax.f32 v53, v54;
	v56 =	vmax.f32 v49, v50  }
0x9e: {  	v59 =	vmax.f32 v57, v58;
	v17 =	vmax.f32 v17, v56  }
0x9f: {  	v60 =	vmax.f32 v55, v26;
	v17 =	vmax.f32 v17, v59  }
0xa0: {  	v17 =	vmax.f32 v17, v60  }
0xa1: {  	s30 =	sadd.s32 $0xFFFFFA00, s17;
	[tilespmem:s19+$0xFFFFFFD0] =	vst v17  }
0xa2: {  	s31 =	sor.u32 $0x50, s30;
	v61 =	vld [tilespmem:s20+$0xFFFFFEC0]  }
0xa3: {  	s23 =	sor.u32 $0x60, s30;
	v62 =	vld [tilespmem:s31+$0x0]  }
0xa4: {  	s21 =	sor.u32 $0x70, s30;
	v63 =	vld [tilespmem:s23+$0x0]  }
0xa5: {  	v30 =	vld [tilespmem:s21+$0x0]  }
0xa6: {  	v31 =	vld [tilespmem:s20+$0xFFFFFF00]  }
0xa7: {  	v32 =	vld [tilespmem:s20+$0xFFFFFF10]  }
0xa8: {  	v33 =	vld [tilespmem:s20+$0xFFFFFF20]  }
0xa9: {  	v34 =	vld [tilespmem:s20+$0xFFFFFF30]  }
0xaa: {  	v35 =	vld [tilespmem:s20+$0xFFFFFF40]  }
0xab: {  	v27 =	vld [tilespmem:s31+$0x80];
	_ =	sdelay $0x1  }
0xac: {  	v18 =	vmax.f32 v61, v62  }
0xad: {  	v36 =	vmax.f32 v63, v30;
	v37 =	vmax.f32 v31, v32;
	v38 =	vmax.f32 v33, v34  }
0xae: {  	v18 =	vmax.f32 v18, v36;
	v39 =	vmax.f32 v37, v38  }
0xaf: {  	v40 =	vmax.f32 v35, v27;
	v18 =	vmax.f32 v18, v39  }
0xb0: {  	v18 =	vmax.f32 v18, v40  }
0xb1: {  	s24 =	sadd.s32 $0xFFFFFAA0, s17;
	[tilespmem:s19+$0xFFFFFFE0] =	vst v18  }
0xb2: {  	s25 =	sor.u32 $0x70, s24;
	v41 =	vld [tilespmem:s20+$0xFFFFFF60]  }
0xb3: {  	v42 =	vld [tilespmem:s25+$0x0]  }
0xb4: {  	v43 =	vld [tilespmem:s20+$0xFFFFFF80]  }
0xb5: {  	v44 =	vld [tilespmem:s20+$0xFFFFFF90]  }
0xb6: {  	s26 =	sor.u32 $0x30, s24;
	v45 =	vld [tilespmem:s20+$0xFFFFFFA0]  }
0xb7: {  	s28 =	sadd.s32 $0xFFFFFB00, s17;
	v46 =	vld [tilespmem:s26+$0x40]  }
0xb8: {  	s22 =	sor.u32 $0x50, s28;
	v47 =	vld [tilespmem:s20+$0xFFFFFFC0]  }
0xb9: {  	s29 =	sor.u32 $0xE0, s24;
	v48 =	vld [tilespmem:s22+$0x0]  }
0xba: {  	s21 =	sor.u32 $0xF0, s24;
	v49 =	vld [tilespmem:s29+$0x0]  }
0xbb: {  	v28 =	vld [tilespmem:s21+$0x0];
	_ =	sdelay $0x1  }
0xbc: {  	v19 =	vmax.f32 v41, v42  }
0xbd: {  	v50 =	vmax.f32 v43, v44;
	v51 =	vmax.f32 v45, v46;
	v52 =	vmax.f32 v47, v48  }
0xbe: {  	v19 =	vmax.f32 v19, v50;
	v53 =	vmax.f32 v51, v52  }
0xbf: {  	v54 =	vmax.f32 v49, v28;
	v19 =	vmax.f32 v19, v53  }
0xc0: {  	v19 =	vmax.f32 v19, v54  }
0xc1: {  	[tilespmem:s19+$0xFFFFFFF0] =	vst v19  }
0xc2: {  	v55 =	vld [tilespmem:s20+$0x0]  }
0xc3: {  	v56 =	vld [tilespmem:s20+$0x10]  }
0xc4: {  	v57 =	vld [tilespmem:s20+$0x20]  }
0xc5: {  	v58 =	vld [tilespmem:s20+$0x30]  }
0xc6: {  	v59 =	vld [tilespmem:s20+$0x40]  }
0xc7: {  	v60 =	vld [tilespmem:s20+$0x50]  }
0xc8: {  	v61 =	vld [tilespmem:s20+$0x60]  }
0xc9: {  	v62 =	vld [tilespmem:s20+$0x70]  }
0xca: {  	v63 =	vld [tilespmem:s20+$0x80]  }
0xcb: {  	v29 =	vld [tilespmem:s20+$0x90];
	_ =	sdelay $0x1  }
0xcc: {  	v20 =	vmax.f32 v55, v56  }
0xcd: {  	v30 =	vmax.f32 v57, v58;
	v31 =	vmax.f32 v59, v60;
	v32 =	vmax.f32 v61, v62  }
0xce: {  	v20 =	vmax.f32 v20, v30;
	v33 =	vmax.f32 v31, v32  }
0xcf: {  	v34 =	vmax.f32 v63, v29;
	v20 =	vmax.f32 v20, v33  }
0xd0: {  	v20 =	vmax.f32 v20, v34  }
0xd1: {  	s30 =	sadd.s32 $0xFFFFFBE0, s17;
	[tilespmem:s19+$0x0] =	vst v20  }
0xd2: {  	s31 =	sor.u32 $0x30, s30;
	v35 =	vld [tilespmem:s20+$0xA0]  }
0xd3: {  	s24 =	sadd.s32 $0xFFFFFC00, s17;
	v36 =	vld [tilespmem:s31+$0x0]  }
0xd4: {  	s23 =	sor.u32 $0x50, s24;
	v37 =	vld [tilespmem:s20+$0xC0]  }
0xd5: {  	s25 =	sor.u32 $0x60, s30;
	v38 =	vld [tilespmem:s23+$0x0]  }
0xd6: {  	s21 =	sor.u32 $0x70, s30;
	v39 =	vld [tilespmem:s25+$0x0]  }
0xd7: {  	v40 =	vld [tilespmem:s21+$0x0]  }
0xd8: {  	v41 =	vld [tilespmem:s20+$0x100]  }
0xd9: {  	v42 =	vld [tilespmem:s20+$0x110]  }
0xda: {  	v43 =	vld [tilespmem:s20+$0x120]  }
0xdb: {  	v30 =	vld [tilespmem:s31+$0x80];
	_ =	sdelay $0x1  }
0xdc: {  	v21 =	vmax.f32 v35, v36  }
0xdd: {  	v44 =	vmax.f32 v37, v38;
	v45 =	vmax.f32 v39, v40;
	v46 =	vmax.f32 v41, v42  }
0xde: {  	v21 =	vmax.f32 v21, v44;
	v47 =	vmax.f32 v45, v46  }
0xdf: {  	v48 =	vmax.f32 v43, v30;
	v21 =	vmax.f32 v21, v47  }
0xe0: {  	v21 =	vmax.f32 v21, v48  }
0xe1: {  	s26 =	sadd.s32 $0xFFFFFC80, s17;
	[tilespmem:s19+$0x10] =	vst v21  }
0xe2: {  	s28 =	sor.u32 $0x50, s26;
	v49 =	vld [tilespmem:s20+$0x140]  }
0xe3: {  	s29 =	sor.u32 $0x60, s26;
	v50 =	vld [tilespmem:s28+$0x0]  }
0xe4: {  	s30 =	sor.u32 $0x70, s26;
	v51 =	vld [tilespmem:s29+$0x0]  }
0xe5: {  	v52 =	vld [tilespmem:s30+$0x0]  }
0xe6: {  	v53 =	vld [tilespmem:s20+$0x180]  }
0xe7: {  	v54 =	vld [tilespmem:s20+$0x190]  }
0xe8: {  	v55 =	vld [tilespmem:s20+$0x1A0]  }
0xe9: {  	s31 =	sor.u32 $0xC0, s26;
	v56 =	vld [tilespmem:s20+$0x1B0]  }
0xea: {  	s21 =	sor.u32 $0xD0, s26;
	v57 =	vld [tilespmem:s31+$0x0]  }
0xeb: {  	v31 =	vld [tilespmem:s21+$0x0];
	_ =	sdelay $0x1  }
0xec: {  	v22 =	vmax.f32 v49, v50  }
0xed: {  	v58 =	vmax.f32 v51, v52;
	v59 =	vmax.f32 v53, v54;
	v60 =	vmax.f32 v55, v56  }
0xee: {  	v22 =	vmax.f32 v22, v58;
	v61 =	vmax.f32 v59, v60  }
0xef: {  	v62 =	vmax.f32 v57, v31;
	v22 =	vmax.f32 v22, v61  }
0xf0: {  	v22 =	vmax.f32 v22, v62  }
0xf1: {  	s22 =	sadd.s32 $0xFFFFFD20, s17;
	[tilespmem:s19+$0x20] =	vst v22  }
0xf2: {  	s23 =	sor.u32 $0x70, s22;
	v63 =	vld [tilespmem:s20+$0x1E0]  }
0xf3: {  	v36 =	vld [tilespmem:s23+$0x0]  }
0xf4: {  	v37 =	vld [tilespmem:s20+$0x200]  }
0xf5: {  	v38 =	vld [tilespmem:s20+$0x210]  }
0xf6: {  	s21 =	sor.u32 $0x30, s22;
	v39 =	vld [tilespmem:s20+$0x220]  }
0xf7: {  	s24 =	sadd.s32 $0xFFFFFD80, s17;
	v40 =	vld [tilespmem:s21+$0x40]  }
0xf8: {  	v41 =	vld [tilespmem:s20+$0x240];
	s21 =	sor.u32 $0x50, s24  }
0xf9: {  	v42 =	vld [tilespmem:s21+$0x0]  }
0xfa: {  	v43 =	vld [tilespmem:s20+$0x260]  }
0xfb: {  	v32 =	vld [tilespmem:s23+$0x80];
	_ =	sdelay $0x1  }
0xfc: {  	v23 =	vmax.f32 v63, v36  }
0xfd: {  	v44 =	vmax.f32 v37, v38;
	v45 =	vmax.f32 v39, v40;
	v46 =	vmax.f32 v41, v42  }
0xfe: {  	v23 =	vmax.f32 v23, v44;
	v47 =	vmax.f32 v45, v46  }
0xff: {  	v48 =	vmax.f32 v43, v32;
	v23 =	vmax.f32 v23, v47  }
0x100: {  	v23 =	vmax.f32 v23, v48  }
0x101: {  	[tilespmem:s19+$0x30] =	vst v23  }
0x102: {  	v49 =	vld [tilespmem:s20+$0x280]  }
0x103: {  	v50 =	vld [tilespmem:s20+$0x290]  }
0x104: {  	v51 =	vld [tilespmem:s20+$0x2A0]  }
0x105: {  	v52 =	vld [tilespmem:s20+$0x2B0]  }
0x106: {  	v53 =	vld [tilespmem:s20+$0x2C0]  }
0x107: {  	v54 =	vld [tilespmem:s20+$0x2D0]  }
0x108: {  	v55 =	vld [tilespmem:s20+$0x2E0]  }
0x109: {  	v56 =	vld [tilespmem:s20+$0x2F0]  }
0x10a: {  	v57 =	vld [tilespmem:s20+$0x300]  }
0x10b: {  	v33 =	vld [tilespmem:s20+$0x310];
	_ =	sdelay $0x1  }
0x10c: {  	v24 =	vmax.f32 v49, v50  }
0x10d: {  	v58 =	vmax.f32 v51, v52;
	v59 =	vmax.f32 v53, v54;
	v60 =	vmax.f32 v55, v56  }
0x10e: {  	v24 =	vmax.f32 v24, v58;
	v61 =	vmax.f32 v59, v60  }
0x10f: {  	v62 =	vmax.f32 v57, v33;
	v24 =	vmax.f32 v24, v61  }
0x110: {  	v24 =	vmax.f32 v24, v62  }
0x111: {  	s25 =	sadd.s32 $0xFFFFFE60, s17;
	[tilespmem:s19+$0x40] =	vst v24  }
0x112: {  	s26 =	sor.u32 $0x30, s25;
	v63 =	vld [tilespmem:s20+$0x320]  }
0x113: {  	s28 =	sadd.s32 $0xFFFFFE80, s17;
	v36 =	vld [tilespmem:s26+$0x0]  }
0x114: {  	s22 =	sor.u32 $0x50, s28;
	v37 =	vld [tilespmem:s20+$0x340]  }
0x115: {  	s29 =	sor.u32 $0x60, s25;
	v38 =	vld [tilespmem:s22+$0x0]  }
0x116: {  	s30 =	sor.u32 $0x70, s25;
	v39 =	vld [tilespmem:s29+$0x0]  }
0x117: {  	v40 =	vld [tilespmem:s30+$0x0]  }
0x118: {  	v41 =	vld [tilespmem:s20+$0x380]  }
0x119: {  	s31 =	sor.u32 $0xA0, s25;
	v42 =	vld [tilespmem:s20+$0x390]  }
0x11a: {  	s21 =	sor.u32 $0xB0, s25;
	v43 =	vld [tilespmem:s31+$0x0]  }
0x11b: {  	v34 =	vld [tilespmem:s21+$0x0];
	_ =	sdelay $0x1  }
0x11c: {  	v25 =	vmax.f32 v63, v36  }
0x11d: {  	v44 =	vmax.f32 v37, v38;
	v45 =	vmax.f32 v39, v40;
	v46 =	vmax.f32 v41, v42  }
0x11e: {  	v25 =	vmax.f32 v25, v44;
	v47 =	vmax.f32 v45, v46  }
0x11f: {  	v48 =	vmax.f32 v43, v34;
	v25 =	vmax.f32 v25, v47  }
0x120: {  	v25 =	vmax.f32 v25, v48  }
0x121: {  	s22 =	sadd.s32 $0xFFFFFF00, s17;
	[tilespmem:s19+$0x50] =	vst v25  }
0x122: {  	s24 =	sor.u32 $0x50, s22;
	v49 =	vld [tilespmem:s20+$0x3C0]  }
0x123: {  	s25 =	sor.u32 $0x60, s22;
	v50 =	vld [tilespmem:s24+$0x0]  }
0x124: {  	s21 =	sor.u32 $0x70, s22;
	v51 =	vld [tilespmem:s25+$0x0]  }
0x125: {  	v52 =	vld [tilespmem:s21+$0x0]  }
0x126: {  	v53 =	vld [tilespmem:s20+$0x400]  }
0x127: {  	v54 =	vld [tilespmem:s20+$0x410]  }
0x128: {  	v55 =	vld [tilespmem:s20+$0x420]  }
0x129: {  	v56 =	vld [tilespmem:s20+$0x430]  }
0x12a: {  	v57 =	vld [tilespmem:s20+$0x440]  }
0x12b: {  	v35 =	vld [tilespmem:s24+$0x80];
	_ =	sdelay $0x1  }
0x12c: {  	v26 =	vmax.f32 v49, v50  }
0x12d: {  	v58 =	vmax.f32 v51, v52;
	v59 =	vmax.f32 v53, v54;
	v60 =	vmax.f32 v55, v56  }
0x12e: {  	v26 =	vmax.f32 v26, v58;
	v61 =	vmax.f32 v59, v60  }
0x12f: {  	v62 =	vmax.f32 v57, v35;
	v26 =	vmax.f32 v26, v61  }
0x130: {  	v26 =	vmax.f32 v26, v62  }
0x131: {  	s26 =	sadd.s32 $0xFFFFFFA0, s17;
	[tilespmem:s19+$0x60] =	vst v26  }
0x132: {  	s28 =	sor.u32 $0x70, s26;
	v63 =	vld [tilespmem:s20+$0x460]  }
0x133: {  	v40 =	vld [tilespmem:s28+$0x0]  }
0x134: {  	v41 =	vld [tilespmem:s20+$0x480]  }
0x135: {  	v42 =	vld [tilespmem:s20+$0x490]  }
0x136: {  	s29 =	sor.u32 $0x30, s26;
	v43 =	vld [tilespmem:s20+$0x4A0]  }
0x137: {  	v44 =	vld [tilespmem:s29+$0x40]  }
0x138: {  	s30 =	sor.u32 $0x50, s17;
	v45 =	vld [tilespmem:s20+$0x4C0]  }
0x139: {  	s31 =	sor.u32 $0xE0, s26;
	v46 =	vld [tilespmem:s30+$0x0]  }
0x13a: {  	s21 =	sor.u32 $0xF0, s26;
	v47 =	vld [tilespmem:s31+$0x0]  }
0x13b: {  	v36 =	vld [tilespmem:s21+$0x0];
	_ =	sdelay $0x1  }
0x13c: {  	v12 =	vmax.f32 v12, v13;
	v53 =	vmax.f32 v14, v15;
	v27 =	vmax.f32 v63, v40  }
0x13d: {  	v48 =	vmax.f32 v41, v42;
	v49 =	vmax.f32 v43, v44;
	v50 =	vmax.f32 v45, v46  }
0x13e: {  	v54 =	vmax.f32 v16, v17;
	v27 =	vmax.f32 v27, v48;
	v51 =	vmax.f32 v49, v50  }
0x13f: {  	v55 =	vmax.f32 v18, v19;
	v52 =	vmax.f32 v47, v36;
	v27 =	vmax.f32 v27, v51  }
0x140: {  	p0 =	sne.s32 s17, $0x185C0;
	v56 =	vmax.f32 v20, v21;
	v57 =	vmax.f32 v22, v23;
	v27 =	vmax.f32 v27, v52  }
.Ltmp4:
0x141: {  	v58 =	vmax.f32 v24, v25;
	v12 =	vmax.f32 v12, v53;
	v59 =	vmax.f32 v26, v27;
	(pc) =	sbr.rel @p0 .LBB2_3-.Ltmp4, $4  }
0x142: {  	v60 =	vmax.f32 v54, v55;
	v61 =	vmax.f32 v56, v57;
	v62 =	vmax.f32 v58, v59  }
0x143: {  	v12 =	vmax.f32 v12, v60;
	v63 =	vmax.f32 v61, v62  }
0x144: {  	s17 =	sadd.s32 $0xA00, s17;
	s20 =	sadd.s32 $0xA00, s20;
	[tilespmem:s19+$0x70] =	vst v27;
	v12 =	vmax.f32 v12, v63  }
0x145: {  	s21 =	simm.s32 $0x0;
	s19 =	sadd.s32 $0x100, s19;
	[tilespmem:s18+$0x0] =	vst v12;
	s18 =	sadd.s32 $0x10, s18  }
.Ltmp5:
0x146: {  	(pc) =	sbr.rel .LBB2_5-.Ltmp5, $2  }
0x147: {  	_ =	sdelay $0x2  }
0x148: {  	s17 =	simm.s32 $0x0;
	s18 =	simm.s32 $0x0  }
.LBB2_11:
0x149: {  	s18 =	sadd.s32 $0x1, s18  }
0x14a: {  	p0 =	sne.s32 s18, $0x27  }
.Ltmp6:
0x14b: {  	_ = 	snop;
	(pc) =	sbr.rel @!p0 .LBB2_12-.Ltmp6, $2  }
0x14c: {  	_ =	sdelay $0x2  }
0x14d: {  	s17 =	sadd.s32 $0xA00, s17;
	s21 =	sadd.s32 $0xA00, s21  }
.LBB2_5:
0x14e: {  	s19 =	sshll.u32 s18, $0x4  }
0x14f: {  	v12 =	vld [tilespmem:s19+$0x1AE00];
	_ =	sdelay $0x4  }
0x150: {  	v13 =	vperm.xlane v12, v2;
	_ =	sdelay $0x1  }
0x151: {  	v12 =	vmax.f32 v12, v13  }
0x152: {  	v13 =	vperm.xlane v12, v3;
	_ =	sdelay $0x1  }
0x153: {  	v12 =	vmax.f32 v12, v13  }
0x154: {  	v13 =	vperm.xlane v12, v5;
	_ =	sdelay $0x1  }
0x155: {  	v13 =	vmax.f32 v12, v13;
	v12 =	vld [tilespmem:$0x1B180]  }
0x156: {  	v14 =	vperm.xlane v13, v4;
	_ =	sdelay $0x1  }
0x157: {  	v13 =	vmax.f32 v13, v14  }
0x158: {  	(v2sf) =	vpush v13, $0x0  }
0x159: {  	(v2sf) =	vpush v12, $0x0;
	_ =	sdelay $0xd  }
0x15a: {  	s20 =	spop (v2sf)  }
0x15b: {  	s22 =	spop (v2sf)  }
0x15c: {  	p0 =	sgt.f32 s20, s22  }
.Ltmp7:
0x15d: {  	_ = 	snop;
	(pc) =	sbr.rel @!p0 .LBB2_11-.Ltmp7, $4  }
.Ltmp8:
0x15e: {  	_ = 	snop;
	(pc) =	sbr.rel @p0 .LBB2_6-.Ltmp8, $4  }
0x15f: {  	_ = 	snop  }
0x160: {  	_ = 	snop  }
0x161: {  	s23 =	simm.s32 $0x0;
	s20 =	smov.u32 s21;
	s22 =	smov.u32 s17  }
0x162: {  	_ = 	snop  }
.LBB2_10:
0x163: {  	s23 =	sadd.s32 $0x1, s23  }
0x164: {  	p0 =	sne.s32 s23, $0x10  }
.Ltmp9:
0x165: {  	_ = 	snop;
	(pc) =	sbr.rel @!p0 .LBB2_11-.Ltmp9, $2  }
0x166: {  	_ =	sdelay $0x2  }
0x167: {  	s22 =	sadd.s32 $0xA0, s22;
	s20 =	sadd.s32 $0xA0, s20  }
.LBB2_6:
0x168: {  	s24 =	sor.u32 s19, s23  }
0x169: {  	s24 =	sshll.u32 s24, $0x4  }
0x16a: {  	s24 =	sand.u32 $0x3FFFFFF0, s24  }
0x16b: {  	v13 =	vld [tilespmem:s24+$0x18700];
	_ =	sdelay $0x4  }
0x16c: {  	v14 =	vperm.xlane v13, v2;
	_ =	sdelay $0x1  }
0x16d: {  	v13 =	vmax.f32 v13, v14  }
0x16e: {  	v14 =	vperm.xlane v13, v3;
	_ =	sdelay $0x1  }
0x16f: {  	v13 =	vmax.f32 v13, v14  }
0x170: {  	v14 =	vperm.xlane v13, v5;
	_ =	sdelay $0x1  }
0x171: {  	v13 =	vmax.f32 v13, v14  }
0x172: {  	v14 =	vperm.xlane v13, v4;
	_ =	sdelay $0x1  }
0x173: {  	v13 =	vmax.f32 v13, v14  }
0x174: {  	(v2sf) =	vpush v13, $0x0  }
0x175: {  	(v2sf) =	vpush v12, $0x0;
	_ =	sdelay $0xd  }
0x176: {  	s31 =	spop (v2sf)  }
0x177: {  	s25 =	spop (v2sf)  }
0x178: {  	p0 =	sgt.f32 s31, s25  }
.Ltmp10:
0x179: {  	_ = 	snop;
	(pc) =	sbr.rel @!p0 .LBB2_10-.Ltmp10, $4  }
.Ltmp11:
0x17a: {  	_ = 	snop;
	(pc) =	sbr.rel @p0 .LBB2_7-.Ltmp11, $4  }
0x17b: {  	_ = 	snop  }
0x17c: {  	_ = 	snop  }
0x17d: {  	s24 =	simm.s32 $0x0;
	s25 =	smov.u32 s20  }
0x17e: {  	_ = 	snop  }
.LBB2_9:
0x17f: {  	s24 =	sadd.s32 $0x40, s24  }
0x180: {  	p0 =	sne.s32 s24, $0x280  }
.Ltmp12:
0x181: {  	_ = 	snop;
	(pc) =	sbr.rel @!p0 .LBB2_10-.Ltmp12, $2  }
0x182: {  	_ =	sdelay $0x2  }
0x183: {  	s25 =	sadd.s32 $0x10, s25  }
.LBB2_7:
0x184: {  	s26 =	sshra.s32 s24, $0x2  }
0x185: {  	s26 =	sadd.s32 s26, s22  }
0x186: {  	v13 =	vld [tilespmem:s26+$0x0];
	_ =	sdelay $0x4  }
0x187: {  	v14 =	vperm.xlane v13, v2;
	_ =	sdelay $0x1  }
0x188: {  	v14 =	vmax.f32 v13, v14  }
0x189: {  	v15 =	vperm.xlane v14, v3;
	_ =	sdelay $0x1  }
0x18a: {  	v14 =	vmax.f32 v14, v15  }
0x18b: {  	v15 =	vperm.xlane v14, v5;
	_ =	sdelay $0x1  }
0x18c: {  	v14 =	vmax.f32 v14, v15  }
0x18d: {  	v15 =	vperm.xlane v14, v4;
	_ =	sdelay $0x1  }
0x18e: {  	v14 =	vmax.f32 v14, v15  }
0x18f: {  	(v2sf) =	vpush v14, $0x0  }
0x190: {  	(v2sf) =	vpush v12, $0x0;
	_ =	sdelay $0xd  }
0x191: {  	s31 =	spop (v2sf)  }
0x192: {  	s28 =	spop (v2sf)  }
0x193: {  	p0 =	sgt.f32 s31, s28  }
.Ltmp13:
0x194: {  	_ = 	snop;
	(pc) =	sbr.rel @!p0 .LBB2_9-.Ltmp13, $1  }
0x195: {  	_ =	sdelay $0x3  }
0x196: {  	vm10 =	vgt.f32 v13, v12  }
0x197: {  	v12 =	vnsel vm10, $0xFF800000, v13;
	v13 =	vor.u32 s25, v6  }
0x198: {  	v14 =	vperm.xlane v12, v7;
	v15 =	vperm.xlane v13, v7;
	_ =	sdelay $0x1  }
0x199: {  	vm10 =	veq.f32 v12, v14;
	vm11 =	vlt.s32 v13, v15  }
0x19a: {  	vm12 =	vgt.f32 v12, v14;
	vm10 =	vmand vm10, vm11  }
0x19b: {  	vm10 =	vmor vm12, vm10  }
0x19c: {  	vm10 =	vmxor vm10, vm0  }
0x19d: {  	v12 =	vsel vm10, v12, v14;
	v13 =	vsel vm10, v13, v15  }
0x19e: {  	v14 =	vperm.xlane v12, v8;
	v15 =	vperm.xlane v13, v8;
	_ =	sdelay $0x1  }
0x19f: {  	vm10 =	veq.f32 v12, v14;
	vm11 =	vlt.s32 v13, v15  }
0x1a0: {  	vm12 =	vgt.f32 v12, v14;
	vm10 =	vmand vm10, vm11  }
0x1a1: {  	vm10 =	vmor vm12, vm10  }
0x1a2: {  	vm10 =	vmxor vm10, vm1  }
0x1a3: {  	v12 =	vsel vm10, v12, v14;
	v13 =	vsel vm10, v13, v15  }
0x1a4: {  	v14 =	vperm.xlane v12, v7;
	v15 =	vperm.xlane v13, v7;
	_ =	sdelay $0x1  }
0x1a5: {  	vm10 =	veq.f32 v12, v14;
	vm11 =	vlt.s32 v13, v15  }
0x1a6: {  	vm12 =	vgt.f32 v12, v14;
	vm10 =	vmand vm10, vm11  }
0x1a7: {  	vm10 =	vmor vm12, vm10  }
0x1a8: {  	vm10 =	vmxor vm10, vm2  }
0x1a9: {  	v12 =	vsel vm10, v12, v14;
	v13 =	vsel vm10, v13, v15  }
0x1aa: {  	v14 =	vperm.xlane v12, v9;
	v15 =	vperm.xlane v13, v9;
	_ =	sdelay $0x1  }
0x1ab: {  	vm10 =	veq.f32 v12, v14;
	vm11 =	vlt.s32 v13, v15  }
0x1ac: {  	vm12 =	vgt.f32 v12, v14;
	vm10 =	vmand vm10, vm11  }
0x1ad: {  	vm10 =	vmor vm12, vm10  }
0x1ae: {  	vm10 =	vmxor vm10, vm3  }
0x1af: {  	v12 =	vsel vm10, v12, v14;
	v13 =	vsel vm10, v13, v15  }
0x1b0: {  	v14 =	vperm.xlane v12, v8;
	v15 =	vperm.xlane v13, v8;
	_ =	sdelay $0x1  }
0x1b1: {  	vm10 =	veq.f32 v12, v14;
	vm11 =	vlt.s32 v13, v15  }
0x1b2: {  	vm12 =	vgt.f32 v12, v14;
	vm10 =	vmand vm10, vm11  }
0x1b3: {  	vm10 =	vmor vm12, vm10  }
0x1b4: {  	vm10 =	vmxor vm10, vm4  }
0x1b5: {  	v12 =	vsel vm10, v12, v14;
	v13 =	vsel vm10, v13, v15  }
0x1b6: {  	v14 =	vperm.xlane v12, v7;
	v15 =	vperm.xlane v13, v7;
	_ =	sdelay $0x1  }
0x1b7: {  	vm10 =	veq.f32 v12, v14;
	vm11 =	vlt.s32 v13, v15  }
0x1b8: {  	vm12 =	vgt.f32 v12, v14;
	vm10 =	vmand vm10, vm11  }
0x1b9: {  	vm10 =	vmor vm12, vm10  }
0x1ba: {  	vm10 =	vmxor vm10, vm5  }
0x1bb: {  	v12 =	vsel vm10, v12, v14;
	v13 =	vsel vm10, v13, v15  }
0x1bc: {  	v14 =	vperm.xlane v12, v2;
	v15 =	vperm.xlane v13, v2;
	_ =	sdelay $0x1  }
0x1bd: {  	vm10 =	veq.f32 v12, v14;
	vm11 =	vlt.s32 v13, v15  }
0x1be: {  	vm12 =	vgt.f32 v12, v14;
	vm10 =	vmand vm10, vm11  }
0x1bf: {  	vm10 =	vmor vm12, vm10  }
0x1c0: {  	vm10 =	vmxor vm10, vm8  }
0x1c1: {  	v12 =	vsel vm10, v12, v14;
	v13 =	vsel vm10, v13, v15  }
0x1c2: {  	v14 =	vperm.xlane v12, v9;
	v15 =	vperm.xlane v13, v9;
	_ =	sdelay $0x1  }
0x1c3: {  	vm10 =	veq.f32 v12, v14;
	vm11 =	vlt.s32 v13, v15  }
0x1c4: {  	vm12 =	vgt.f32 v12, v14;
	vm10 =	vmand vm10, vm11  }
0x1c5: {  	vm10 =	vmor vm12, vm10  }
0x1c6: {  	vm10 =	vmxor vm10, vm6  }
0x1c7: {  	v12 =	vsel vm10, v12, v14;
	v13 =	vsel vm10, v13, v15  }
0x1c8: {  	v14 =	vperm.xlane v12, v8;
	v15 =	vperm.xlane v13, v8;
	_ =	sdelay $0x1  }
0x1c9: {  	vm10 =	veq.f32 v12, v14;
	vm11 =	vlt.s32 v13, v15  }
0x1ca: {  	vm12 =	vgt.f32 v12, v14;
	vm10 =	vmand vm10, vm11  }
0x1cb: {  	vm10 =	vmor vm12, vm10  }
0x1cc: {  	vm10 =	vmxor vm10, vm7  }
0x1cd: {  	v12 =	vsel vm10, v12, v14;
	v13 =	vsel vm10, v13, v15  }
0x1ce: {  	v16 =	vld [tilespmem:$0x1B080];
	v14 =	vperm.xlane v12, v7;
	v15 =	vperm.xlane v13, v7  }
0x1cf: {  	v17 =	vld [tilespmem:$0x1B100]  }
0x1d0: {  	vm10 =	veq.f32 v12, v14;
	vm11 =	vlt.s32 v13, v15  }
0x1d1: {  	vm10 =	vmand vm10, vm11;
	vm11 =	vgt.f32 v12, v14  }
0x1d2: {  	vm10 =	vmor vm11, vm10  }
0x1d3: {  	v16 =	vperm.xlane v16, v10;
	vm10 =	vmxor vm10, vm9  }
0x1d4: {  	v12 =	vsel vm10, v12, v14;
	v14 =	vperm.xlane v17, v10  }
0x1d5: {  	v13 =	vsel vm10, v13, v15;
	vm10 =	vgt.f32 v12, v16  }
0x1d6: {  	v12 =	vsel vm10, v12, v16;
	v13 =	vsel vm10, v13, v14  }
0x1d7: {  	v14 =	vperm.xlane v12, v2;
	v15 =	vperm.xlane v13, v2;
	_ =	sdelay $0x1  }
0x1d8: {  	vm10 =	veq.f32 v12, v14;
	vm11 =	vlt.s32 v13, v15  }
0x1d9: {  	vm12 =	vgt.f32 v12, v14;
	vm10 =	vmand vm10, vm11  }
0x1da: {  	vm10 =	vmor vm12, vm10  }
0x1db: {  	vm10 =	vmxor vm10, vm8  }
0x1dc: {  	v12 =	vsel vm10, v12, v14;
	v13 =	vsel vm10, v13, v15  }
0x1dd: {  	v14 =	vperm.xlane v12, v9;
	v15 =	vperm.xlane v13, v9;
	_ =	sdelay $0x1  }
0x1de: {  	vm10 =	veq.f32 v12, v14;
	vm11 =	vlt.s32 v13, v15  }
0x1df: {  	vm12 =	vgt.f32 v12, v14;
	vm10 =	vmand vm10, vm11  }
0x1e0: {  	vm10 =	vmor vm12, vm10  }
0x1e1: {  	vm10 =	vmxor vm10, vm6  }
0x1e2: {  	v12 =	vsel vm10, v12, v14;
	v13 =	vsel vm10, v13, v15  }
0x1e3: {  	v14 =	vperm.xlane v12, v8;
	v15 =	vperm.xlane v13, v8;
	_ =	sdelay $0x1  }
0x1e4: {  	vm10 =	veq.f32 v12, v14;
	vm11 =	vlt.s32 v13, v15  }
0x1e5: {  	vm12 =	vgt.f32 v12, v14;
	vm10 =	vmand vm10, vm11  }
0x1e6: {  	vm10 =	vmor vm12, vm10  }
0x1e7: {  	vm10 =	vmxor vm10, vm7  }
0x1e8: {  	v12 =	vsel vm10, v12, v14;
	v13 =	vsel vm10, v13, v15  }
0x1e9: {  	v14 =	vperm.xlane v12, v7;
	v15 =	vperm.xlane v13, v7;
	_ =	sdelay $0x1  }
0x1ea: {  	vm10 =	veq.f32 v12, v14;
	vm11 =	vlt.s32 v13, v15  }
0x1eb: {  	vm12 =	vgt.f32 v12, v14;
	vm10 =	vmand vm10, vm11  }
0x1ec: {  	vm10 =	vmor vm12, vm10  }
.Ltmp14:
0x1ed: {  	vm10 =	vmxor vm10, vm9;
	(pc) =	sbr.rel .LBB2_9-.Ltmp14, $4  }
0x1ee: {  	v12 =	vsel vm10, v12, v14  }
0x1ef: {  	v13 =	vsel vm10, v13, v15;
	[tilespmem:$0x1B080] =	vst v12;
	v12 =	vperm.xlane v12, v11  }
0x1f0: {  	[tilespmem:$0x1B100] =	vst v13  }
0x1f1: {  	[tilespmem:$0x1B180] =	vst v12  }
.LBB2_12:
0x1f2: {  	v13 =	vld [tilespmem:$0x18600]  }
0x1f3: {  	v14 =	vld [tilespmem:$0x18610]  }
0x1f4: {  	v15 =	vld [tilespmem:$0x18620]  }
0x1f5: {  	v16 =	vld [tilespmem:$0x18630]  }
0x1f6: {  	v17 =	vld [tilespmem:$0x18640]  }
0x1f7: {  	v18 =	vld [tilespmem:$0x18650]  }
0x1f8: {  	v13 =	vmax.f32 v13, v14;
	v14 =	vld [tilespmem:$0x18660]  }
0x1f9: {  	v13 =	vmax.f32 v13, v15;
	v15 =	vld [tilespmem:$0x18670]  }
0x1fa: {  	v62 =	vld [tilespmem:$0x18680];
	v13 =	vmax.f32 v13, v16  }
0x1fb: {  	v63 =	vld [tilespmem:$0x18690];
	v13 =	vmax.f32 v13, v17  }
0x1fc: {  	v13 =	vmax.f32 v13, v18  }
0x1fd: {  	v13 =	vmax.f32 v13, v14  }
0x1fe: {  	v13 =	vmax.f32 v13, v15  }
0x1ff: {  	v13 =	vmax.f32 v13, v62  }
0x200: {  	v13 =	vmax.f32 v13, v63  }
0x201: {  	v14 =	vperm.xlane v13, v2;
	_ =	sdelay $0x1  }
0x202: {  	v13 =	vmax.f32 v13, v14  }
0x203: {  	v14 =	vperm.xlane v13, v3;
	_ =	sdelay $0x1  }
0x204: {  	v13 =	vmax.f32 v13, v14  }
0x205: {  	v14 =	vperm.xlane v13, v5;
	_ =	sdelay $0x1  }
0x206: {  	v13 =	vmax.f32 v13, v14  }
0x207: {  	v14 =	vperm.xlane v13, v4;
	_ =	sdelay $0x1  }
0x208: {  	v13 =	vmax.f32 v13, v14  }
0x209: {  	(v2sf) =	vpush v13, $0x0  }
0x20a: {  	(v2sf) =	vpush v12, $0x0;
	_ =	sdelay $0xd  }
0x20b: {  	s17 =	spop (v2sf)  }
0x20c: {  	s18 =	spop (v2sf)  }
0x20d: {  	p0 =	sgt.f32 s17, s18  }
.Ltmp15:
0x20e: {  	_ = 	snop;
	(pc) =	sbr.rel @!p0 .LBB2_16-.Ltmp15, $4  }
.Ltmp16:
0x20f: {  	_ = 	snop;
	(pc) =	sbr.rel @p0 .LBB2_13-.Ltmp16, $4  }
0x210: {  	_ = 	snop  }
0x211: {  	_ = 	snop  }
0x212: {  	s17 =	simm.s32 $0x0  }
0x213: {  	_ = 	snop  }
.LBB2_15:
0x214: {  	s17 =	sadd.s32 $0x10, s17  }
0x215: {  	p0 =	sne.s32 s17, $0xA0  }
.Ltmp17:
0x216: {  	_ = 	snop;
	(pc) =	sbr.rel @!p0 .LBB2_16-.Ltmp17, $1  }
0x217: {  	_ =	sdelay $0x3  }
.LBB2_13:
0x218: {  	s18 =	sadd.s32 $0x18600, s17  }
0x219: {  	s20 =	sand.u32 $0x70, s17;
	s19 =	sand.u32 $0x18680, s18  }
0x21a: {  	s19 =	sor.u32 s20, s19  }
0x21b: {  	v13 =	vld [tilespmem:s19+$0x0];
	_ =	sdelay $0x4  }
0x21c: {  	v14 =	vperm.xlane v13, v2;
	_ =	sdelay $0x1  }
0x21d: {  	v14 =	vmax.f32 v13, v14  }
0x21e: {  	v15 =	vperm.xlane v14, v3;
	_ =	sdelay $0x1  }
0x21f: {  	v14 =	vmax.f32 v14, v15  }
0x220: {  	v15 =	vperm.xlane v14, v5;
	_ =	sdelay $0x1  }
0x221: {  	v14 =	vmax.f32 v14, v15  }
0x222: {  	v15 =	vperm.xlane v14, v4;
	_ =	sdelay $0x1  }
0x223: {  	v14 =	vmax.f32 v14, v15  }
0x224: {  	(v2sf) =	vpush v14, $0x0  }
0x225: {  	(v2sf) =	vpush v12, $0x0;
	_ =	sdelay $0xd  }
0x226: {  	s30 =	spop (v2sf)  }
0x227: {  	s31 =	spop (v2sf)  }
0x228: {  	p0 =	sgt.f32 s30, s31  }
.Ltmp18:
0x229: {  	_ = 	snop;
	(pc) =	sbr.rel @!p0 .LBB2_15-.Ltmp18, $1  }
0x22a: {  	_ =	sdelay $0x3  }
0x22b: {  	vm10 =	vgt.f32 v13, v12  }
0x22c: {  	v12 =	vnsel vm10, $0xFF800000, v13;
	v13 =	vor.u32 s18, v6  }
0x22d: {  	v14 =	vperm.xlane v12, v7;
	v15 =	vperm.xlane v13, v7;
	_ =	sdelay $0x1  }
0x22e: {  	vm10 =	veq.f32 v12, v14;
	vm11 =	vlt.s32 v13, v15  }
0x22f: {  	vm12 =	vgt.f32 v12, v14;
	vm10 =	vmand vm10, vm11  }
0x230: {  	vm10 =	vmor vm12, vm10  }
0x231: {  	vm10 =	vmxor vm10, vm0  }
0x232: {  	v12 =	vsel vm10, v12, v14;
	v13 =	vsel vm10, v13, v15  }
0x233: {  	v14 =	vperm.xlane v12, v8;
	v15 =	vperm.xlane v13, v8;
	_ =	sdelay $0x1  }
0x234: {  	vm10 =	veq.f32 v12, v14;
	vm11 =	vlt.s32 v13, v15  }
0x235: {  	vm12 =	vgt.f32 v12, v14;
	vm10 =	vmand vm10, vm11  }
0x236: {  	vm10 =	vmor vm12, vm10  }
0x237: {  	vm10 =	vmxor vm10, vm1  }
0x238: {  	v12 =	vsel vm10, v12, v14;
	v13 =	vsel vm10, v13, v15  }
0x239: {  	v14 =	vperm.xlane v12, v7;
	v15 =	vperm.xlane v13, v7;
	_ =	sdelay $0x1  }
0x23a: {  	vm10 =	veq.f32 v12, v14;
	vm11 =	vlt.s32 v13, v15  }
0x23b: {  	vm12 =	vgt.f32 v12, v14;
	vm10 =	vmand vm10, vm11  }
0x23c: {  	vm10 =	vmor vm12, vm10  }
0x23d: {  	vm10 =	vmxor vm10, vm2  }
0x23e: {  	v12 =	vsel vm10, v12, v14;
	v13 =	vsel vm10, v13, v15  }
0x23f: {  	v14 =	vperm.xlane v12, v9;
	v15 =	vperm.xlane v13, v9;
	_ =	sdelay $0x1  }
0x240: {  	vm10 =	veq.f32 v12, v14;
	vm11 =	vlt.s32 v13, v15  }
0x241: {  	vm12 =	vgt.f32 v12, v14;
	vm10 =	vmand vm10, vm11  }
0x242: {  	vm10 =	vmor vm12, vm10  }
0x243: {  	vm10 =	vmxor vm10, vm3  }
0x244: {  	v12 =	vsel vm10, v12, v14;
	v13 =	vsel vm10, v13, v15  }
0x245: {  	v14 =	vperm.xlane v12, v8;
	v15 =	vperm.xlane v13, v8;
	_ =	sdelay $0x1  }
0x246: {  	vm10 =	veq.f32 v12, v14;
	vm11 =	vlt.s32 v13, v15  }
0x247: {  	vm12 =	vgt.f32 v12, v14;
	vm10 =	vmand vm10, vm11  }
0x248: {  	vm10 =	vmor vm12, vm10  }
0x249: {  	vm10 =	vmxor vm10, vm4  }
0x24a: {  	v12 =	vsel vm10, v12, v14;
	v13 =	vsel vm10, v13, v15  }
0x24b: {  	v14 =	vperm.xlane v12, v7;
	v15 =	vperm.xlane v13, v7;
	_ =	sdelay $0x1  }
0x24c: {  	vm10 =	veq.f32 v12, v14;
	vm11 =	vlt.s32 v13, v15  }
0x24d: {  	vm12 =	vgt.f32 v12, v14;
	vm10 =	vmand vm10, vm11  }
0x24e: {  	vm10 =	vmor vm12, vm10  }
0x24f: {  	vm10 =	vmxor vm10, vm5  }
0x250: {  	v12 =	vsel vm10, v12, v14;
	v13 =	vsel vm10, v13, v15  }
0x251: {  	v14 =	vperm.xlane v12, v2;
	v15 =	vperm.xlane v13, v2;
	_ =	sdelay $0x1  }
0x252: {  	vm10 =	veq.f32 v12, v14;
	vm11 =	vlt.s32 v13, v15  }
0x253: {  	vm12 =	vgt.f32 v12, v14;
	vm10 =	vmand vm10, vm11  }
0x254: {  	vm10 =	vmor vm12, vm10  }
0x255: {  	vm10 =	vmxor vm10, vm8  }
0x256: {  	v12 =	vsel vm10, v12, v14;
	v13 =	vsel vm10, v13, v15  }
0x257: {  	v14 =	vperm.xlane v12, v9;
	v15 =	vperm.xlane v13, v9;
	_ =	sdelay $0x1  }
0x258: {  	vm10 =	veq.f32 v12, v14;
	vm11 =	vlt.s32 v13, v15  }
0x259: {  	vm12 =	vgt.f32 v12, v14;
	vm10 =	vmand vm10, vm11  }
0x25a: {  	vm10 =	vmor vm12, vm10  }
0x25b: {  	vm10 =	vmxor vm10, vm6  }
0x25c: {  	v12 =	vsel vm10, v12, v14;
	v13 =	vsel vm10, v13, v15  }
0x25d: {  	v14 =	vperm.xlane v12, v8;
	v15 =	vperm.xlane v13, v8;
	_ =	sdelay $0x1  }
0x25e: {  	vm10 =	veq.f32 v12, v14;
	vm11 =	vlt.s32 v13, v15  }
0x25f: {  	vm12 =	vgt.f32 v12, v14;
	vm10 =	vmand vm10, vm11  }
0x260: {  	vm10 =	vmor vm12, vm10  }
0x261: {  	vm10 =	vmxor vm10, vm7  }
0x262: {  	v12 =	vsel vm10, v12, v14;
	v13 =	vsel vm10, v13, v15  }
0x263: {  	v16 =	vld [tilespmem:$0x1B080];
	v14 =	vperm.xlane v12, v7;
	v15 =	vperm.xlane v13, v7  }
0x264: {  	v17 =	vld [tilespmem:$0x1B100]  }
0x265: {  	vm10 =	veq.f32 v12, v14;
	vm11 =	vlt.s32 v13, v15  }
0x266: {  	vm10 =	vmand vm10, vm11;
	vm11 =	vgt.f32 v12, v14  }
0x267: {  	vm10 =	vmor vm11, vm10  }
0x268: {  	v16 =	vperm.xlane v16, v10;
	vm10 =	vmxor vm10, vm9  }
0x269: {  	v12 =	vsel vm10, v12, v14;
	v14 =	vperm.xlane v17, v10  }
0x26a: {  	v13 =	vsel vm10, v13, v15;
	vm10 =	vgt.f32 v12, v16  }
0x26b: {  	v12 =	vsel vm10, v12, v16;
	v13 =	vsel vm10, v13, v14  }
0x26c: {  	v14 =	vperm.xlane v12, v2;
	v15 =	vperm.xlane v13, v2;
	_ =	sdelay $0x1  }
0x26d: {  	vm10 =	veq.f32 v12, v14;
	vm11 =	vlt.s32 v13, v15  }
0x26e: {  	vm12 =	vgt.f32 v12, v14;
	vm10 =	vmand vm10, vm11  }
0x26f: {  	vm10 =	vmor vm12, vm10  }
0x270: {  	vm10 =	vmxor vm10, vm8  }
0x271: {  	v12 =	vsel vm10, v12, v14;
	v13 =	vsel vm10, v13, v15  }
0x272: {  	v14 =	vperm.xlane v12, v9;
	v15 =	vperm.xlane v13, v9;
	_ =	sdelay $0x1  }
0x273: {  	vm10 =	veq.f32 v12, v14;
	vm11 =	vlt.s32 v13, v15  }
0x274: {  	vm12 =	vgt.f32 v12, v14;
	vm10 =	vmand vm10, vm11  }
0x275: {  	vm10 =	vmor vm12, vm10  }
0x276: {  	vm10 =	vmxor vm10, vm6  }
0x277: {  	v12 =	vsel vm10, v12, v14;
	v13 =	vsel vm10, v13, v15  }
0x278: {  	v14 =	vperm.xlane v12, v8;
	v15 =	vperm.xlane v13, v8;
	_ =	sdelay $0x1  }
0x279: {  	vm10 =	veq.f32 v12, v14;
	vm11 =	vlt.s32 v13, v15  }
0x27a: {  	vm12 =	vgt.f32 v12, v14;
	vm10 =	vmand vm10, vm11  }
0x27b: {  	vm10 =	vmor vm12, vm10  }
0x27c: {  	vm10 =	vmxor vm10, vm7  }
0x27d: {  	v12 =	vsel vm10, v12, v14;
	v13 =	vsel vm10, v13, v15  }
0x27e: {  	v14 =	vperm.xlane v12, v7;
	v15 =	vperm.xlane v13, v7;
	_ =	sdelay $0x1  }
0x27f: {  	vm10 =	veq.f32 v12, v14;
	vm11 =	vlt.s32 v13, v15  }
0x280: {  	vm12 =	vgt.f32 v12, v14;
	vm10 =	vmand vm10, vm11  }
0x281: {  	vm10 =	vmor vm12, vm10  }
.Ltmp19:
0x282: {  	vm10 =	vmxor vm10, vm9;
	(pc) =	sbr.rel .LBB2_15-.Ltmp19, $4  }
0x283: {  	v12 =	vsel vm10, v12, v14  }
0x284: {  	v13 =	vsel vm10, v13, v15;
	[tilespmem:$0x1B080] =	vst v12;
	v12 =	vperm.xlane v12, v11  }
0x285: {  	[tilespmem:$0x1B100] =	vst v13  }
0x286: {  	[tilespmem:$0x1B180] =	vst v12  }
.LBB2_18:
0x287: {  	_ =	sfence.sel $0x180000  }
0x288: {  	[bflag:$0x0] =	sbarrier.arrive $0xFFFF  }
0x289: {  	p0 =	sne.s32 s2, $0x0;
	_ =	strace $0x90000047  }
0x28a: {  	s0 =	sadd.s32 @!p0 $0x100000, s0;
	[bflag:$0x2] =	sbarrier.arrive $0xFFFF  }
0x28b: {  	[sflag:s0] =	ssyncadd.tile.s32 @!p0 $0x1;
	_ =	shalt  }
.Lfunc_end2:
_tile_overlayer_lowered:
.L_overlay_start_2:
0x28c: {  	(tag) =	ssettag $0x2  }
0x28d: {  	s0 =	rddreg [dreg:$0x0];
	s2 =	stileid.u32  }
0x28e: {  	s1 =	rddreg [dreg:$0x1];
	p0 =	sne.s32 s2, $0x0  }
0x28f: {  	s3 =	rddreg [dreg:$0x2];
	[bflag:$0x3] =	sbarrier.arrive $0xFFFF;
	s2 =	simm.s32 @!p0 $0x1C01  }
0x290: {  	[timem:s3], [sflag:s2] =	dma.local @!p0 [hbm:s0], s1  }
0x291: {  	s0 =	simm.s32 @!p0 $0x1  }
0x292: {  	_ =	swait.ge @!p0 [sflag:s0], s1  }
0x293: {  	s1 =	ssub.s32 @!p0 $0x0, s1;
	[sflag:s0] =	ssyncset.done @!p0 $0x0  }
0x294: {  	[sflag:s0] =	ssyncadd.s32 @!p0 s1  }
0x295: {  	[bflag:$0x3] =	sbarrier.arrive $0xFFFF  }
0x296: {  	_ =	shalt  }

</sc_bundles>
